<compile_context>
chip_gen: v7x
topology: tpu7x:2x2x1
jax: 0.10.2.dev20260603
libtpu: 0.0.44.dev20260713+nightly
codegen_flags: <defaults>
</compile_context>

<pallas_src>
import functools

import jax
import jax.numpy as jnp
from jax import lax
from jax.experimental import pallas as pl
from jax.experimental.pallas import tpu as pltpu
from jax.experimental.pallas import tpu_sc as plsc

N = 10000
E = 320000
IN_DIM = 128
HID = 64

NC = 2
NS = 16
NW = NC * NS
NPAD = 10240
EPAD = 327680
EPW = EPAD // NW
C = 128
RPS = NPAD // NS

RB = 2000
GRID = N // RB


CHUNKS = EPAD // C
CPS = CHUNKS // NS
CPW0 = 80
CPW1 = CPS - CPW0
CPWMAX = max(CPW0, CPW1, 1)
K = 8


@functools.lru_cache(maxsize=None)
def _make_agg(D, dtype=jnp.float32):

    @functools.partial(
        pl.kernel,
        out_type=jax.ShapeDtypeStruct((NC, NPAD, D), dtype),
        mesh=plsc.VectorSubcoreMesh(core_axis_name="c", subcore_axis_name="s"),
        scratch_types=[
            pltpu.VMEM((CPWMAX, C), jnp.int32),
            pltpu.VMEM((CPWMAX, C), jnp.int32),
            pltpu.VMEM((2, K, C, D), dtype),
            pltpu.VMEM_SHARED((NPAD, D), dtype),
            pltpu.SemaphoreType.DMA,
            pltpu.SemaphoreType.DMA,
        ],
        compiler_params=pltpu.CompilerParams(use_tc_tiling_on_sc=False),
    )
    def agg(table, srcp, dstp, zeros, out, src_v, dst_v, rows_v, acc,
            gsem, ssem):
        cid = lax.axis_index("c")
        sid = lax.axis_index("s")
        r0 = sid * RPS
        pltpu.sync_copy(zeros, acc.at[pl.ds(r0, RPS)])
        plsc.subcore_barrier()

        def fire_gathers(b, buf):
            for j in range(K):
                pltpu.async_copy(
                    table.at[src_v.at[b * K + j]], rows_v.at[buf, j], gsem)

        def drain_gathers(buf):
            for j in range(K):
                pltpu.make_async_copy(
                    table.at[src_v.at[0]], rows_v.at[buf, j], gsem).wait()

        def fire_scatters(b, buf):
            for j in range(K):
                pltpu.async_copy(
                    rows_v.at[buf, j], acc.at[dst_v.at[b * K + j]], ssem,
                    add=True)

        def drain_scatters(buf):
            for j in range(K):
                pltpu.make_async_copy(
                    rows_v.at[buf, j], acc.at[dst_v.at[0]], ssem).wait()

        def run(base_chunk, cpw):
            if cpw == 0:
                return
            nbl = cpw // K
            pltpu.sync_copy(srcp.at[pl.ds(base_chunk, cpw)],
                            src_v.at[pl.ds(0, cpw)])
            pltpu.sync_copy(dstp.at[pl.ds(base_chunk, cpw)],
                            dst_v.at[pl.ds(0, cpw)])
            fire_gathers(0, 0)

            def body(b, carry):
                pb = lax.rem(b, 2)
                nb = lax.rem(b + 1, 2)
                drain_gathers(pb)
                fire_scatters(b, pb)
                pl.when(b >= 1)(lambda: drain_scatters(nb))
                pl.when(b + 1 < nbl)(lambda: fire_gathers(b + 1, nb))
                return carry

            lax.fori_loop(0, nbl, body, 0)
            drain_scatters(lax.rem(nbl - 1, 2))

        pl.when(cid == 0)(lambda: run(sid * CPS, CPW0))
        pl.when(cid == 1)(lambda: run(sid * CPS + CPW0, CPW1))
        plsc.subcore_barrier()
        pltpu.sync_copy(acc.at[pl.ds(r0, RPS)], out.at[cid, pl.ds(r0, RPS)])

    return agg


NCH = NPAD // C
MW = 8
EG = C // 16


def _ident_rows(ident, nrows):

    def body(k, carry):
        for l in range(EG):
            ident[k, pl.ds(l * 16, 16)] = (
                lax.iota(jnp.int32, 16) + k * C + l * 16)
        return carry

    lax.fori_loop(0, nrows, body, 0)


def _mkident(ident):
    _ident_rows(ident, NCH)


def _mkident2(ident):
    _ident_rows(ident, 2 * NCH)


def _merge_rows(accv, ident, spacc, sem, nrows):

    def body(k, carry):
        pltpu.async_copy(accv.at[k], spacc.at[ident.at[k]], sem, add=True)
        pl.when(k >= MW)(
            lambda: pltpu.make_async_copy(
                accv.at[0], spacc.at[ident.at[0]], sem).wait())
        return carry

    lax.fori_loop(0, nrows, body, 0)
    for _ in range(MW):
        pltpu.make_async_copy(accv.at[0], spacc.at[ident.at[0]], sem).wait()


@functools.lru_cache(maxsize=None)
def _make_deg():

    @functools.partial(
        pl.kernel,
        out_type=jax.ShapeDtypeStruct((NC, NPAD), jnp.float32),
        mesh=plsc.VectorSubcoreMesh(core_axis_name="c", subcore_axis_name="s"),
        scratch_types=[
            pltpu.VMEM((CPWMAX, C), jnp.int32),
            pltpu.VMEM((NCH, C), jnp.float32),
            pltpu.VMEM((NCH, C), jnp.int32),
            pltpu.VMEM_SHARED((NPAD,), jnp.float32),
            pltpu.SemaphoreType.DMA,
        ],
        compiler_params=pltpu.CompilerParams(use_tc_tiling_on_sc=False, needs_layout_passes=False),
    )
    def deg(dstp, zacc, zsp, out, dst_v, accv, ident, spacc, sem):
        cid = lax.axis_index("c")
        sid = lax.axis_index("s")
        r0 = sid * RPS
        pltpu.sync_copy(zsp, spacc.at[pl.ds(r0, RPS)])
        pltpu.sync_copy(zacc, accv)
        _mkident(ident)
        plsc.subcore_barrier()
        vone = jnp.ones((16,), jnp.float32)

        def run(base_chunk, cpw):
            if cpw == 0:
                return
            pltpu.sync_copy(dstp.at[pl.ds(base_chunk, cpw)],
                            dst_v.at[pl.ds(0, cpw)])

            def body(k, carry):
                for l in range(EG):
                    dv = dst_v[k, pl.ds(l * 16, 16)]
                    dh = lax.shift_right_logical(dv, 7)
                    dl = lax.bitwise_and(dv, 127)
                    plsc.addupdate_scatter(accv, [dh, dl], vone)
                return carry

            lax.fori_loop(0, cpw, body, 0)

        pl.when(cid == 0)(lambda: run(sid * CPS, CPW0))
        pl.when(cid == 1)(lambda: run(sid * CPS + CPW0, CPW1))
        _merge_rows(accv, ident, spacc, sem, NCH)
        plsc.subcore_barrier()
        pltpu.sync_copy(spacc.at[pl.ds(r0, RPS)], out.at[cid, pl.ds(r0, RPS)])

    return deg


@functools.lru_cache(maxsize=None)
def _make_l2():

    @functools.partial(
        pl.kernel,
        out_type=jax.ShapeDtypeStruct((NC, NPAD * 2), jnp.float32),
        mesh=plsc.VectorSubcoreMesh(core_axis_name="c", subcore_axis_name="s"),
        scratch_types=[
            pltpu.VMEM((CPWMAX, C), jnp.int32),
            pltpu.VMEM((CPWMAX, C), jnp.int32),
            pltpu.VMEM((N * 2,), jnp.float32),
            pltpu.VMEM((2 * NCH, C), jnp.float32),
            pltpu.VMEM((2 * NCH, C), jnp.int32),
            pltpu.VMEM_SHARED((NPAD * 2,), jnp.float32),
            pltpu.SemaphoreType.DMA,
        ],
        compiler_params=pltpu.CompilerParams(use_tc_tiling_on_sc=False, needs_layout_passes=False),
    )
    def l2(z2c, srcp, dstp, zacc, zsp, out, src_v, dst_v, z2v, accv, ident,
           spacc, sem):
        cid = lax.axis_index("c")
        sid = lax.axis_index("s")
        r0 = sid * RPS
        pltpu.sync_copy(zsp, spacc.at[pl.ds(r0 * 2, RPS * 2)])
        pltpu.sync_copy(zacc, accv)
        pltpu.sync_copy(z2c, z2v)
        _mkident2(ident)
        plsc.subcore_barrier()

        def run(base_chunk, cpw):
            if cpw == 0:
                return
            pltpu.sync_copy(srcp.at[pl.ds(base_chunk, cpw)],
                            src_v.at[pl.ds(0, cpw)])
            pltpu.sync_copy(dstp.at[pl.ds(base_chunk, cpw)],
                            dst_v.at[pl.ds(0, cpw)])

            def body(k, carry):
                for l in range(EG):
                    sv = src_v[k, pl.ds(l * 16, 16)]
                    dv = dst_v[k, pl.ds(l * 16, 16)]
                    sa = sv * 2
                    va = plsc.load_gather(z2v, [sa])
                    vb = plsc.load_gather(z2v, [sa + 1])
                    fa = dv * 2
                    fb = fa + 1
                    plsc.addupdate_scatter(
                        accv, [lax.shift_right_logical(fa, 7),
                               lax.bitwise_and(fa, 127)], va)
                    plsc.addupdate_scatter(
                        accv, [lax.shift_right_logical(fb, 7),
                               lax.bitwise_and(fb, 127)], vb)
                return carry

            lax.fori_loop(0, cpw, body, 0)

        pl.when(cid == 0)(lambda: run(sid * CPS, CPW0))
        pl.when(cid == 1)(lambda: run(sid * CPS + CPW0, CPW1))
        _merge_rows(accv, ident, spacc, sem, 2 * NCH)
        plsc.subcore_barrier()
        pltpu.sync_copy(spacc.at[pl.ds(r0 * 2, RPS * 2)],
                        out.at[cid, pl.ds(r0 * 2, RPS * 2)])

    return l2


def _dis(deg_ref):
    deg = deg_ref[0] + deg_ref[1] + 1.0
    return lax.rsqrt(deg)


def _z1_body(x_ref, w_ref, deg_ref, o_ref):
    z = _dis(deg_ref) * jnp.dot(
        x_ref[...], w_ref[...], preferred_element_type=jnp.float32)
    o_ref[...] = z.astype(jnp.bfloat16)


def _z1_call(x, W1, deg2):
    return pl.pallas_call(
        _z1_body,
        grid=(GRID,),
        in_specs=[
            pl.BlockSpec((RB, IN_DIM), lambda i: (i, 0)),
            pl.BlockSpec((IN_DIM, HID), lambda i: (0, 0)),
            pl.BlockSpec((NC, RB, 1), lambda i: (0, i, 0)),
        ],
        out_specs=pl.BlockSpec((RB, HID), lambda i: (i, 0)),
        out_shape=jax.ShapeDtypeStruct((N, HID), jnp.bfloat16),
    )(x, W1, deg2)


def _mid_body(agg_ref, z1_ref, deg_ref, b1_ref, w2_ref, o_ref):
    dis = _dis(deg_ref)
    acc = (agg_ref[0].astype(jnp.float32) + agg_ref[1].astype(jnp.float32)
           + z1_ref[...].astype(jnp.float32))
    h = dis * acc + b1_ref[...]
    h = jnp.maximum(h, 0.0)
    z2 = dis * jnp.dot(h, w2_ref[...], preferred_element_type=jnp.float32)
    o_ref[...] = z2[:, 0:2]


def _mid_call(agg1, z1, deg2, b1r, w2p):
    return pl.pallas_call(
        _mid_body,
        grid=(GRID,),
        in_specs=[
            pl.BlockSpec((NC, RB, HID), lambda i: (0, i, 0)),
            pl.BlockSpec((RB, HID), lambda i: (i, 0)),
            pl.BlockSpec((NC, RB, 1), lambda i: (0, i, 0)),
            pl.BlockSpec((1, HID), lambda i: (0, 0)),
            pl.BlockSpec((HID, 8), lambda i: (0, 0)),
        ],
        out_specs=pl.BlockSpec((RB, 2), lambda i: (i, 0)),
        out_shape=jax.ShapeDtypeStruct((N, 2), jnp.float32),
    )(agg1, z1, deg2, b1r, w2p)


def _out_body(agg_ref, z2_ref, deg_ref, b2_ref, o_ref):
    dis = _dis(deg_ref)
    s = dis * (agg_ref[0] + agg_ref[1] + z2_ref[...]) + b2_ref[...]
    a = s[:, 0:1]
    b = s[:, 1:2]
    m = jnp.maximum(a, b)
    lse = m + jnp.log(jnp.exp(a - m) + jnp.exp(b - m))
    o_ref[...] = jnp.concatenate([a - lse, b - lse], axis=1)


def _out_call(agg2, z2p, deg2, b2p):
    return pl.pallas_call(
        _out_body,
        grid=(GRID,),
        in_specs=[
            pl.BlockSpec((NC, RB, 2), lambda i: (0, i, 0)),
            pl.BlockSpec((RB, 2), lambda i: (i, 0)),
            pl.BlockSpec((NC, RB, 1), lambda i: (0, i, 0)),
            pl.BlockSpec((1, 2), lambda i: (0, 0)),
        ],
        out_specs=pl.BlockSpec((RB, 2), lambda i: (i, 0)),
        out_shape=jax.ShapeDtypeStruct((N, 2), jnp.float32),
    )(agg2, z2p, deg2, b2p)


def kernel(x, edge_index, W1, b1, W2, b2):
    src = edge_index[0]
    dst = edge_index[1]
    pad_e = EPAD - E
    srcp = jnp.concatenate(
        [src, jnp.zeros((pad_e,), src.dtype)]).reshape(EPAD // C, C)
    dstp = jnp.concatenate(
        [dst, jnp.full((pad_e,), N, dst.dtype)]).reshape(EPAD // C, C)
    zeros64 = jnp.zeros((RPS, HID), jnp.bfloat16)
    zacc1 = jnp.zeros((NCH, C), jnp.float32)
    zsp1 = jnp.zeros((RPS,), jnp.float32)
    zacc2 = jnp.zeros((2 * NCH, C), jnp.float32)
    zsp2 = jnp.zeros((RPS * 2,), jnp.float32)

    degf = _make_deg()(dstp, zacc1, zsp1)
    deg2 = degf.reshape(NC, NPAD, 1)
    z1 = _z1_call(x, W1, deg2)
    agg1 = _make_agg(HID, jnp.bfloat16)(z1, srcp, dstp, zeros64)
    b1r = b1.reshape(1, HID)
    w2p = jnp.concatenate(
        [W2, jnp.zeros((HID, 8 - W2.shape[1]), W2.dtype)], axis=1)
    z2c = _mid_call(agg1, z1, deg2, b1r, w2p)
    agg2f = _make_l2()(z2c.reshape(N * 2), srcp, dstp, zacc2, zsp2)
    agg2 = agg2f.reshape(NC, NPAD, 2)
    b2r = b2.reshape(1, 2)
    return _out_call(agg2, z2c, deg2, b2r)

# --- scband reference (transcript-rebuilt; emitter-appended) ---
"""Pipeline reference for scband-gcnmodel-68023692034522 (READ-ONLY COPY).

The authoritative reference and input builder live on the scoring server;
editing this copy changes nothing except your own understanding.
"""

import jax, jax.numpy as jnp
import numpy as np

N_NODES = 10000
N_EDGES = 320000
IN_DIM = 128
HID_DIM = 64
OUT_DIM = 2


def gcn_conv(x, src, dst, W, b, num_nodes):
    # PyG-style GCNConv: add self-loops, symmetric normalization, linear then propagate
    loop = jnp.arange(num_nodes, dtype=src.dtype)
    src_full = jnp.concatenate([src, loop])
    dst_full = jnp.concatenate([dst, loop])
    h = x @ W  # [N, out_dim]
    deg = jnp.zeros((num_nodes,), dtype=h.dtype).at[dst_full].add(1.0)
    deg_inv_sqrt = jnp.where(deg > 0, deg ** -0.5, 0.0)
    norm = deg_inv_sqrt[src_full] * deg_inv_sqrt[dst_full]  # [E+N]
    msgs = h[src_full] * norm[:, None]  # gather + scale
    out = jnp.zeros((num_nodes, W.shape[1]), dtype=h.dtype).at[dst_full].add(msgs)  # scatter-add
    return out + b


def setup_inputs(seed: int = 0) -> dict:
    key = jax.random.key(seed)
    k0, k1, k2, k3, k4, k5 = jax.random.split(key, 6)
    x = jax.random.normal(k0, (N_NODES, IN_DIM), dtype=jnp.float32)
    edge_index = jax.random.randint(k1, (2, N_EDGES), 0, N_NODES, dtype=jnp.int32)
    W1 = jax.random.normal(k2, (IN_DIM, HID_DIM), dtype=jnp.float32) * (1.0 / np.sqrt(IN_DIM))
    b1 = jnp.zeros((HID_DIM,), dtype=jnp.float32)
    W2 = jax.random.normal(k3, (HID_DIM, OUT_DIM), dtype=jnp.float32) * (1.0 / np.sqrt(HID_DIM))
    b2 = jnp.zeros((OUT_DIM,), dtype=jnp.float32)
    return {"x": x, "edge_index": edge_index, "W1": W1, "b1": b1, "W2": W2, "b2": b2}


def reference(x, edge_index, W1, b1, W2, b2):
    src = edge_index[0]
    dst = edge_index[1]
    h = gcn_conv(x, src, dst, W1, b1, N_NODES)
    h = jax.nn.relu(h)
    out = gcn_conv(h, src, dst, W2, b2, N_NODES)
    return jax.nn.log_softmax(out, axis=1)

if __name__ == "__main__":
    import jax
    _d = setup_inputs()
    print(jax.jit(kernel)(*tuple(_d.values())))

</pallas_src>

<mosaic_0001>
#map = affine_map<(d0, d1) -> (0, 0)>
#map1 = affine_map<(d0, d1) -> (0, 0, 0)>
module attributes {stable_mosaic.version = 14 : i64} {
  func.func @agg(%arg0: i32, %arg1: i32, %arg2: memref<10000x64xbf16, #tpu.memory_space<hbm>>, %arg3: memref<2560x128xi32, #tpu.memory_space<hbm>>, %arg4: memref<2560x128xi32, #tpu.memory_space<hbm>>, %arg5: memref<640x64xbf16, #tpu.memory_space<hbm>>, %arg6: memref<2x10240x64xbf16, #tpu.memory_space<hbm>>, %arg7: memref<80x128xi32, #tpu.memory_space<vmem>>, %arg8: memref<80x128xi32, #tpu.memory_space<vmem>>, %arg9: memref<2x8x128x64xbf16, #tpu.memory_space<vmem>>, %arg10: memref<10240x64xbf16, #tpu.memory_space<vmem_shared>>, %arg11: memref<!tpu.dma_semaphore, #tpu.memory_space<semaphore_mem>>, %arg12: memref<!tpu.dma_semaphore, #tpu.memory_space<semaphore_mem>>) attributes {dimension_semantics = [#tpu.dimension_semantics<core_parallel>, #tpu.dimension_semantics<subcore_parallel>], iteration_bounds = array<i64: 2, 16>, scalar_prefetch = 0 : i64, scratch_operands = 6 : i64, tpu.core_type = #tpu.core_type<sc_vector_subcore>, window_params = [{transform_indices = #map}, {transform_indices = #map}, {transform_indices = #map}, {transform_indices = #map}, {transform_indices = #map1}]} {
    %mul3A = arith.constant 640 : i32
    %mul3A_0 = arith.muli %arg1, %mul3A : i32
    "tpu.region"() ({
      %run_scoped3A = tpu.sem_alloc : memref<!tpu.dma_semaphore, #tpu.memory_space<semaphore_mem>>
      %dma_start3A = arith.constant 0 : i32
      %dma_start3A_9 = tpu.memref_slice %arg10[%mul3A_0, %dma_start3A] : memref<10240x64xbf16, #tpu.memory_space<vmem_shared>> -> memref<640x64xbf16, #tpu.memory_space<vmem_shared>>
      tpu.enqueue_dma source(%arg5 : memref<640x64xbf16, #tpu.memory_space<hbm>>) target(%dma_start3A_9 : memref<640x64xbf16, #tpu.memory_space<vmem_shared>>) target_semaphore(%run_scoped3A : memref<!tpu.dma_semaphore, #tpu.memory_space<semaphore_mem>>)
      %dma_wait3A = arith.constant 0 : i32
      %dma_wait3A_10 = tpu.memref_slice %arg10[%mul3A_0, %dma_wait3A] : memref<10240x64xbf16, #tpu.memory_space<vmem_shared>> -> memref<640x64xbf16, #tpu.memory_space<vmem_shared>>
      tpu.wait_dma2 semaphore(%run_scoped3A : memref<!tpu.dma_semaphore, #tpu.memory_space<semaphore_mem>>) src(%arg5 : memref<640x64xbf16, #tpu.memory_space<hbm>>) dst(%dma_wait3A_10 : memref<640x64xbf16, #tpu.memory_space<vmem_shared>>)
      tpu.yield
    }) : () -> ()
    %barrier3A = arith.constant 0 : index
    tpu.barrier barrier_id(%barrier3A)
    %eq3A = arith.constant 0 : i32
    %eq3A_1 = arith.cmpi eq, %arg0, %eq3A : i32
    %convert_element_type3A = arith.extui %eq3A_1 : i1 to i32
    %cond3A = arith.constant 0 : i32
    %cond3A_2 = arith.cmpi ne, %convert_element_type3A, %cond3A : i32
    scf.if %cond3A_2 {
      %mul3A_9 = arith.constant 160 : i32
      %mul3A_10 = arith.muli %arg1, %mul3A_9 : i32
      "tpu.region"() ({
        %run_scoped3A = tpu.sem_alloc : memref<!tpu.dma_semaphore, #tpu.memory_space<semaphore_mem>>
        %dma_start3A_216 = arith.constant 0 : i32
        %dma_start3A_217 = arith.constant 0 : i32
        %dma_start3A_218 = tpu.memref_slice %arg7[%dma_start3A_216, %dma_start3A_217] : memref<80x128xi32, #tpu.memory_space<vmem>> -> memref<80x128xi32, #tpu.memory_space<vmem>>
        %dma_start3A_219 = arith.constant 0 : i32
        %dma_start3A_220 = tpu.memref_slice %arg3[%mul3A_10, %dma_start3A_219] : memref<2560x128xi32, #tpu.memory_space<hbm>> -> memref<80x128xi32, #tpu.memory_space<hbm>>
        %dma_start3A_221 = arith.constant 0 : i32
        %dma_start3A_222 = arith.constant 0 : i32
        %dma_start3A_223 = tpu.memref_slice %arg7[%dma_start3A_221, %dma_start3A_222] : memref<80x128xi32, #tpu.memory_space<vmem>> -> memref<80x128xi32, #tpu.memory_space<vmem>>
        %dma_start3A_224 = arith.constant 0 : i32
        %dma_start3A_225 = tpu.memref_slice %arg3[%mul3A_10, %dma_start3A_224] : memref<2560x128xi32, #tpu.memory_space<hbm>> -> memref<80x128xi32, #tpu.memory_space<hbm>>
        tpu.enqueue_dma source(%dma_start3A_225 : memref<80x128xi32, #tpu.memory_space<hbm>>) target(%dma_start3A_223 : memref<80x128xi32, #tpu.memory_space<vmem>>) target_semaphore(%run_scoped3A : memref<!tpu.dma_semaphore, #tpu.memory_space<semaphore_mem>>)
        %dma_wait3A_226 = arith.constant 0 : i32
        %dma_wait3A_227 = arith.constant 0 : i32
        %dma_wait3A_228 = tpu.memref_slice %arg7[%dma_wait3A_226, %dma_wait3A_227] : memref<80x128xi32, #tpu.memory_space<vmem>> -> memref<80x128xi32, #tpu.memory_space<vmem>>
        %dma_wait3A_229 = arith.constant 0 : i32
        %dma_wait3A_230 = tpu.memref_slice %arg3[%mul3A_10, %dma_wait3A_229] : memref<2560x128xi32, #tpu.memory_space<hbm>> -> memref<80x128xi32, #tpu.memory_space<hbm>>
        %dma_wait3A_231 = arith.constant 0 : i32
        %dma_wait3A_232 = arith.constant 0 : i32
        %dma_wait3A_233 = tpu.memref_slice %arg7[%dma_wait3A_231, %dma_wait3A_232] : memref<80x128xi32, #tpu.memory_space<vmem>> -> memref<80x128xi32, #tpu.memory_space<vmem>>
        %dma_wait3A_234 = arith.constant 0 : i32
        %dma_wait3A_235 = tpu.memref_slice %arg3[%mul3A_10, %dma_wait3A_234] : memref<2560x128xi32, #tpu.memory_space<hbm>> -> memref<80x128xi32, #tpu.memory_space<hbm>>
        tpu.wait_dma2 semaphore(%run_scoped3A : memref<!tpu.dma_semaphore, #tpu.memory_space<semaphore_mem>>) src(%dma_wait3A_235 : memref<80x128xi32, #tpu.memory_space<hbm>>) dst(%dma_wait3A_233 : memref<80x128xi32, #tpu.memory_space<vmem>>)
        tpu.yield
      }) : () -> ()
      "tpu.region"() ({
        %run_scoped3A = tpu.sem_alloc : memref<!tpu.dma_semaphore, #tpu.memory_space<semaphore_mem>>
        %dma_start3A_216 = arith.constant 0 : i32
        %dma_start3A_217 = arith.constant 0 : i32
        %dma_start3A_218 = tpu.memref_slice %arg8[%dma_start3A_216, %dma_start3A_217] : memref<80x128xi32, #tpu.memory_space<vmem>> -> memref<80x128xi32, #tpu.memory_space<vmem>>
        %dma_start3A_219 = arith.constant 0 : i32
        %dma_start3A_220 = tpu.memref_slice %arg4[%mul3A_10, %dma_start3A_219] : memref<2560x128xi32, #tpu.memory_space<hbm>> -> memref<80x128xi32, #tpu.memory_space<hbm>>
        %dma_start3A_221 = arith.constant 0 : i32
        %dma_start3A_222 = arith.constant 0 : i32
        %dma_start3A_223 = tpu.memref_slice %arg8[%dma_start3A_221, %dma_start3A_222] : memref<80x128xi32, #tpu.memory_space<vmem>> -> memref<80x128xi32, #tpu.memory_space<vmem>>
        %dma_start3A_224 = arith.constant 0 : i32
        %dma_start3A_225 = tpu.memref_slice %arg4[%mul3A_10, %dma_start3A_224] : memref<2560x128xi32, #tpu.memory_space<hbm>> -> memref<80x128xi32, #tpu.memory_space<hbm>>
        tpu.enqueue_dma source(%dma_start3A_225 : memref<80x128xi32, #tpu.memory_space<hbm>>) target(%dma_start3A_223 : memref<80x128xi32, #tpu.memory_space<vmem>>) target_semaphore(%run_scoped3A : memref<!tpu.dma_semaphore, #tpu.memory_space<semaphore_mem>>)
        %dma_wait3A_226 = arith.constant 0 : i32
        %dma_wait3A_227 = arith.constant 0 : i32
        %dma_wait3A_228 = tpu.memref_slice %arg8[%dma_wait3A_226, %dma_wait3A_227] : memref<80x128xi32, #tpu.memory_space<vmem>> -> memref<80x128xi32, #tpu.memory_space<vmem>>
        %dma_wait3A_229 = arith.constant 0 : i32
        %dma_wait3A_230 = tpu.memref_slice %arg4[%mul3A_10, %dma_wait3A_229] : memref<2560x128xi32, #tpu.memory_space<hbm>> -> memref<80x128xi32, #tpu.memory_space<hbm>>
        %dma_wait3A_231 = arith.constant 0 : i32
        %dma_wait3A_232 = arith.constant 0 : i32
        %dma_wait3A_233 = tpu.memref_slice %arg8[%dma_wait3A_231, %dma_wait3A_232] : memref<80x128xi32, #tpu.memory_space<vmem>> -> memref<80x128xi32, #tpu.memory_space<vmem>>
        %dma_wait3A_234 = arith.constant 0 : i32
        %dma_wait3A_235 = tpu.memref_slice %arg4[%mul3A_10, %dma_wait3A_234] : memref<2560x128xi32, #tpu.memory_space<hbm>> -> memref<80x128xi32, #tpu.memory_space<hbm>>
        tpu.wait_dma2 semaphore(%run_scoped3A : memref<!tpu.dma_semaphore, #tpu.memory_space<semaphore_mem>>) src(%dma_wait3A_235 : memref<80x128xi32, #tpu.memory_space<hbm>>) dst(%dma_wait3A_233 : memref<80x128xi32, #tpu.memory_space<vmem>>)
        tpu.yield
      }) : () -> ()
      %dma_start3A = arith.constant 0 : i32
      %dma_start3A_11 = arith.constant 0 : i32
      %dma_start3A_12 = arith.constant 0 : i32
      %dma_start3A_13 = arith.constant 0 : i32
      %dma_start3A_14 = arith.constant 0 : i32
      %dma_start3A_15 = tpu.memref_slice %arg9[%dma_start3A_11, %dma_start3A_12, %dma_start3A_13, %dma_start3A_14] : memref<2x8x128x64xbf16, #tpu.memory_space<vmem>> -> memref<1x1x128x64xbf16, #tpu.memory_space<vmem>>
      %dma_start3A_16 = tpu.memref_squeeze %dma_start3A_15 : memref<1x1x128x64xbf16, #tpu.memory_space<vmem>> -> memref<128x64xbf16, #tpu.memory_space<vmem>>
      %dma_start3A_17 = arith.constant 0 : i32
      %dma_start3A_18 = tpu.memref_slice %arg7[%dma_start3A, %dma_start3A_17] : memref<80x128xi32, #tpu.memory_space<vmem>> -> memref<1x128xi32, #tpu.memory_space<vmem>>
      %dma_start3A_19 = tpu.memref_squeeze %dma_start3A_18 : memref<1x128xi32, #tpu.memory_space<vmem>> -> memref<128xi32, #tpu.memory_space<vmem>>
      %dma_start3A_20 = arith.constant 0 : i32
      %dma_start3A_21 = arith.constant 0 : i32
      %dma_start3A_22 = tpu.memref_slice %arg2[%dma_start3A_20, %dma_start3A_21] : memref<10000x64xbf16, #tpu.memory_space<hbm>> -> memref<10000x64xbf16, #tpu.memory_space<hbm>>
      tpu.enqueue_indirect_dma source(%dma_start3A_22 : memref<10000x64xbf16, #tpu.memory_space<hbm>>) target(%dma_start3A_16 : memref<128x64xbf16, #tpu.memory_space<vmem>>) offsets(%dma_start3A_19 : memref<128xi32, #tpu.memory_space<vmem>>) semaphore(%arg11 : memref<!tpu.dma_semaphore, #tpu.memory_space<semaphore_mem>>)
      %dma_start3A_23 = arith.constant 1 : i32
      %dma_start3A_24 = arith.constant 0 : i32
      %dma_start3A_25 = arith.constant 1 : i32
      %dma_start3A_26 = arith.constant 0 : i32
      %dma_start3A_27 = arith.constant 0 : i32
      %dma_start3A_28 = tpu.memref_slice %arg9[%dma_start3A_24, %dma_start3A_25, %dma_start3A_26, %dma_start3A_27] : memref<2x8x128x64xbf16, #tpu.memory_space<vmem>> -> memref<1x1x128x64xbf16, #tpu.memory_space<vmem>>
      %dma_start3A_29 = tpu.memref_squeeze %dma_start3A_28 : memref<1x1x128x64xbf16, #tpu.memory_space<vmem>> -> memref<128x64xbf16, #tpu.memory_space<vmem>>
      %dma_start3A_30 = arith.constant 0 : i32
      %dma_start3A_31 = tpu.memref_slice %arg7[%dma_start3A_23, %dma_start3A_30] : memref<80x128xi32, #tpu.memory_space<vmem>> -> memref<1x128xi32, #tpu.memory_space<vmem>>
      %dma_start3A_32 = tpu.memref_squeeze %dma_start3A_31 : memref<1x128xi32, #tpu.memory_space<vmem>> -> memref<128xi32, #tpu.memory_space<vmem>>
      %dma_start3A_33 = arith.constant 0 : i32
      %dma_start3A_34 = arith.constant 0 : i32
      %dma_start3A_35 = tpu.memref_slice %arg2[%dma_start3A_33, %dma_start3A_34] : memref<10000x64xbf16, #tpu.memory_space<hbm>> -> memref<10000x64xbf16, #tpu.memory_space<hbm>>
      tpu.enqueue_indirect_dma source(%dma_start3A_35 : memref<10000x64xbf16, #tpu.memory_space<hbm>>) target(%dma_start3A_29 : memref<128x64xbf16, #tpu.memory_space<vmem>>) offsets(%dma_start3A_32 : memref<128xi32, #tpu.memory_space<vmem>>) semaphore(%arg11 : memref<!tpu.dma_semaphore, #tpu.memory_space<semaphore_mem>>)
      %dma_start3A_36 = arith.constant 2 : i32
      %dma_start3A_37 = arith.constant 0 : i32
      %dma_start3A_38 = arith.constant 2 : i32
      %dma_start3A_39 = arith.constant 0 : i32
      %dma_start3A_40 = arith.constant 0 : i32
      %dma_start3A_41 = tpu.memref_slice %arg9[%dma_start3A_37, %dma_start3A_38, %dma_start3A_39, %dma_start3A_40] : memref<2x8x128x64xbf16, #tpu.memory_space<vmem>> -> memref<1x1x128x64xbf16, #tpu.memory_space<vmem>>
      %dma_start3A_42 = tpu.memref_squeeze %dma_start3A_41 : memref<1x1x128x64xbf16, #tpu.memory_space<vmem>> -> memref<128x64xbf16, #tpu.memory_space<vmem>>
      %dma_start3A_43 = arith.constant 0 : i32
      %dma_start3A_44 = tpu.memref_slice %arg7[%dma_start3A_36, %dma_start3A_43] : memref<80x128xi32, #tpu.memory_space<vmem>> -> memref<1x128xi32, #tpu.memory_space<vmem>>
      %dma_start3A_45 = tpu.memref_squeeze %dma_start3A_44 : memref<1x128xi32, #tpu.memory_space<vmem>> -> memref<128xi32, #tpu.memory_space<vmem>>
      %dma_start3A_46 = arith.constant 0 : i32
      %dma_start3A_47 = arith.constant 0 : i32
      %dma_start3A_48 = tpu.memref_slice %arg2[%dma_start3A_46, %dma_start3A_47] : memref<10000x64xbf16, #tpu.memory_space<hbm>> -> memref<10000x64xbf16, #tpu.memory_space<hbm>>
      tpu.enqueue_indirect_dma source(%dma_start3A_48 : memref<10000x64xbf16, #tpu.memory_space<hbm>>) target(%dma_start3A_42 : memref<128x64xbf16, #tpu.memory_space<vmem>>) offsets(%dma_start3A_45 : memref<128xi32, #tpu.memory_space<vmem>>) semaphore(%arg11 : memref<!tpu.dma_semaphore, #tpu.memory_space<semaphore_mem>>)
      %dma_start3A_49 = arith.constant 3 : i32
      %dma_start3A_50 = arith.constant 0 : i32
      %dma_start3A_51 = arith.constant 3 : i32
      %dma_start3A_52 = arith.constant 0 : i32
      %dma_start3A_53 = arith.constant 0 : i32
      %dma_start3A_54 = tpu.memref_slice %arg9[%dma_start3A_50, %dma_start3A_51, %dma_start3A_52, %dma_start3A_53] : memref<2x8x128x64xbf16, #tpu.memory_space<vmem>> -> memref<1x1x128x64xbf16, #tpu.memory_space<vmem>>
      %dma_start3A_55 = tpu.memref_squeeze %dma_start3A_54 : memref<1x1x128x64xbf16, #tpu.memory_space<vmem>> -> memref<128x64xbf16, #tpu.memory_space<vmem>>
      %dma_start3A_56 = arith.constant 0 : i32
      %dma_start3A_57 = tpu.memref_slice %arg7[%dma_start3A_49, %dma_start3A_56] : memref<80x128xi32, #tpu.memory_space<vmem>> -> memref<1x128xi32, #tpu.memory_space<vmem>>
      %dma_start3A_58 = tpu.memref_squeeze %dma_start3A_57 : memref<1x128xi32, #tpu.memory_space<vmem>> -> memref<128xi32, #tpu.memory_space<vmem>>
      %dma_start3A_59 = arith.constant 0 : i32
      %dma_start3A_60 = arith.constant 0 : i32
      %dma_start3A_61 = tpu.memref_slice %arg2[%dma_start3A_59, %dma_start3A_60] : memref<10000x64xbf16, #tpu.memory_space<hbm>> -> memref<10000x64xbf16, #tpu.memory_space<hbm>>
      tpu.enqueue_indirect_dma source(%dma_start3A_61 : memref<10000x64xbf16, #tpu.memory_space<hbm>>) target(%dma_start3A_55 : memref<128x64xbf16, #tpu.memory_space<vmem>>) offsets(%dma_start3A_58 : memref<128xi32, #tpu.memory_space<vmem>>) semaphore(%arg11 : memref<!tpu.dma_semaphore, #tpu.memory_space<semaphore_mem>>)
      %dma_start3A_62 = arith.constant 4 : i32
      %dma_start3A_63 = arith.constant 0 : i32
      %dma_start3A_64 = arith.constant 4 : i32
      %dma_start3A_65 = arith.constant 0 : i32
      %dma_start3A_66 = arith.constant 0 : i32
      %dma_start3A_67 = tpu.memref_slice %arg9[%dma_start3A_63, %dma_start3A_64, %dma_start3A_65, %dma_start3A_66] : memref<2x8x128x64xbf16, #tpu.memory_space<vmem>> -> memref<1x1x128x64xbf16, #tpu.memory_space<vmem>>
      %dma_start3A_68 = tpu.memref_squeeze %dma_start3A_67 : memref<1x1x128x64xbf16, #tpu.memory_space<vmem>> -> memref<128x64xbf16, #tpu.memory_space<vmem>>
      %dma_start3A_69 = arith.constant 0 : i32
      %dma_start3A_70 = tpu.memref_slice %arg7[%dma_start3A_62, %dma_start3A_69] : memref<80x128xi32, #tpu.memory_space<vmem>> -> memref<1x128xi32, #tpu.memory_space<vmem>>
      %dma_start3A_71 = tpu.memref_squeeze %dma_start3A_70 : memref<1x128xi32, #tpu.memory_space<vmem>> -> memref<128xi32, #tpu.memory_space<vmem>>
      %dma_start3A_72 = arith.constant 0 : i32
      %dma_start3A_73 = arith.constant 0 : i32
      %dma_start3A_74 = tpu.memref_slice %arg2[%dma_start3A_72, %dma_start3A_73] : memref<10000x64xbf16, #tpu.memory_space<hbm>> -> memref<10000x64xbf16, #tpu.memory_space<hbm>>
      tpu.enqueue_indirect_dma source(%dma_start3A_74 : memref<10000x64xbf16, #tpu.memory_space<hbm>>) target(%dma_start3A_68 : memref<128x64xbf16, #tpu.memory_space<vmem>>) offsets(%dma_start3A_71 : memref<128xi32, #tpu.memory_space<vmem>>) semaphore(%arg11 : memref<!tpu.dma_semaphore, #tpu.memory_space<semaphore_mem>>)
      %dma_start3A_75 = arith.constant 5 : i32
      %dma_start3A_76 = arith.constant 0 : i32
      %dma_start3A_77 = arith.constant 5 : i32
      %dma_start3A_78 = arith.constant 0 : i32
      %dma_start3A_79 = arith.constant 0 : i32
      %dma_start3A_80 = tpu.memref_slice %arg9[%dma_start3A_76, %dma_start3A_77, %dma_start3A_78, %dma_start3A_79] : memref<2x8x128x64xbf16, #tpu.memory_space<vmem>> -> memref<1x1x128x64xbf16, #tpu.memory_space<vmem>>
      %dma_start3A_81 = tpu.memref_squeeze %dma_start3A_80 : memref<1x1x128x64xbf16, #tpu.memory_space<vmem>> -> memref<128x64xbf16, #tpu.memory_space<vmem>>
      %dma_start3A_82 = arith.constant 0 : i32
      %dma_start3A_83 = tpu.memref_slice %arg7[%dma_start3A_75, %dma_start3A_82] : memref<80x128xi32, #tpu.memory_space<vmem>> -> memref<1x128xi32, #tpu.memory_space<vmem>>
      %dma_start3A_84 = tpu.memref_squeeze %dma_start3A_83 : memref<1x128xi32, #tpu.memory_space<vmem>> -> memref<128xi32, #tpu.memory_space<vmem>>
      %dma_start3A_85 = arith.constant 0 : i32
      %dma_start3A_86 = arith.constant 0 : i32
      %dma_start3A_87 = tpu.memref_slice %arg2[%dma_start3A_85, %dma_start3A_86] : memref<10000x64xbf16, #tpu.memory_space<hbm>> -> memref<10000x64xbf16, #tpu.memory_space<hbm>>
      tpu.enqueue_indirect_dma source(%dma_start3A_87 : memref<10000x64xbf16, #tpu.memory_space<hbm>>) target(%dma_start3A_81 : memref<128x64xbf16, #tpu.memory_space<vmem>>) offsets(%dma_start3A_84 : memref<128xi32, #tpu.memory_space<vmem>>) semaphore(%arg11 : memref<!tpu.dma_semaphore, #tpu.memory_space<semaphore_mem>>)
      %dma_start3A_88 = arith.constant 6 : i32
      %dma_start3A_89 = arith.constant 0 : i32
      %dma_start3A_90 = arith.constant 6 : i32
      %dma_start3A_91 = arith.constant 0 : i32
      %dma_start3A_92 = arith.constant 0 : i32
      %dma_start3A_93 = tpu.memref_slice %arg9[%dma_start3A_89, %dma_start3A_90, %dma_start3A_91, %dma_start3A_92] : memref<2x8x128x64xbf16, #tpu.memory_space<vmem>> -> memref<1x1x128x64xbf16, #tpu.memory_space<vmem>>
      %dma_start3A_94 = tpu.memref_squeeze %dma_start3A_93 : memref<1x1x128x64xbf16, #tpu.memory_space<vmem>> -> memref<128x64xbf16, #tpu.memory_space<vmem>>
      %dma_start3A_95 = arith.constant 0 : i32
      %dma_start3A_96 = tpu.memref_slice %arg7[%dma_start3A_88, %dma_start3A_95] : memref<80x128xi32, #tpu.memory_space<vmem>> -> memref<1x128xi32, #tpu.memory_space<vmem>>
      %dma_start3A_97 = tpu.memref_squeeze %dma_start3A_96 : memref<1x128xi32, #tpu.memory_space<vmem>> -> memref<128xi32, #tpu.memory_space<vmem>>
      %dma_start3A_98 = arith.constant 0 : i32
      %dma_start3A_99 = arith.constant 0 : i32
      %dma_start3A_100 = tpu.memref_slice %arg2[%dma_start3A_98, %dma_start3A_99] : memref<10000x64xbf16, #tpu.memory_space<hbm>> -> memref<10000x64xbf16, #tpu.memory_space<hbm>>
      tpu.enqueue_indirect_dma source(%dma_start3A_100 : memref<10000x64xbf16, #tpu.memory_space<hbm>>) target(%dma_start3A_94 : memref<128x64xbf16, #tpu.memory_space<vmem>>) offsets(%dma_start3A_97 : memref<128xi32, #tpu.memory_space<vmem>>) semaphore(%arg11 : memref<!tpu.dma_semaphore, #tpu.memory_space<semaphore_mem>>)
      %dma_start3A_101 = arith.constant 7 : i32
      %dma_start3A_102 = arith.constant 0 : i32
      %dma_start3A_103 = arith.constant 7 : i32
      %dma_start3A_104 = arith.constant 0 : i32
      %dma_start3A_105 = arith.constant 0 : i32
      %dma_start3A_106 = tpu.memref_slice %arg9[%dma_start3A_102, %dma_start3A_103, %dma_start3A_104, %dma_start3A_105] : memref<2x8x128x64xbf16, #tpu.memory_space<vmem>> -> memref<1x1x128x64xbf16, #tpu.memory_space<vmem>>
      %dma_start3A_107 = tpu.memref_squeeze %dma_start3A_106 : memref<1x1x128x64xbf16, #tpu.memory_space<vmem>> -> memref<128x64xbf16, #tpu.memory_space<vmem>>
      %dma_start3A_108 = arith.constant 0 : i32
      %dma_start3A_109 = tpu.memref_slice %arg7[%dma_start3A_101, %dma_start3A_108] : memref<80x128xi32, #tpu.memory_space<vmem>> -> memref<1x128xi32, #tpu.memory_space<vmem>>
      %dma_start3A_110 = tpu.memref_squeeze %dma_start3A_109 : memref<1x128xi32, #tpu.memory_space<vmem>> -> memref<128xi32, #tpu.memory_space<vmem>>
      %dma_start3A_111 = arith.constant 0 : i32
      %dma_start3A_112 = arith.constant 0 : i32
      %dma_start3A_113 = tpu.memref_slice %arg2[%dma_start3A_111, %dma_start3A_112] : memref<10000x64xbf16, #tpu.memory_space<hbm>> -> memref<10000x64xbf16, #tpu.memory_space<hbm>>
      tpu.enqueue_indirect_dma source(%dma_start3A_113 : memref<10000x64xbf16, #tpu.memory_space<hbm>>) target(%dma_start3A_107 : memref<128x64xbf16, #tpu.memory_space<vmem>>) offsets(%dma_start3A_110 : memref<128xi32, #tpu.memory_space<vmem>>) semaphore(%arg11 : memref<!tpu.dma_semaphore, #tpu.memory_space<semaphore_mem>>)
      %scan3A = arith.constant 0 : i32
      %scan3A_114 = arith.constant 0 : i32
      %scan3A_115 = arith.constant 10 : i32
      %scan3A_116 = arith.addi %scan3A_114, %scan3A_115 : i32
      %scan3A_117 = arith.constant 1 : i32
      scf.for %scan3A_216 = %scan3A_114 to %scan3A_116 step %scan3A_117  : i32 {
        %rem3A_217 = arith.constant 2 : i32
        %rem3A_218 = arith.remsi %scan3A_216, %rem3A_217 : i32
        %add3A = arith.constant 1 : i32
        %add3A_219 = arith.addi %scan3A_216, %add3A : i32
        %rem3A_220 = arith.constant 2 : i32
        %rem3A_221 = arith.remsi %add3A_219, %rem3A_220 : i32
        %dma_wait3A_222 = arith.constant 0 : i32
        %dma_wait3A_223 = arith.constant 0 : i32
        %dma_wait3A_224 = arith.constant 0 : i32
        %dma_wait3A_225 = arith.constant 0 : i32
        %dma_wait3A_226 = tpu.memref_slice %arg9[%rem3A_218, %dma_wait3A_223, %dma_wait3A_224, %dma_wait3A_225] : memref<2x8x128x64xbf16, #tpu.memory_space<vmem>> -> memref<1x1x128x64xbf16, #tpu.memory_space<vmem>>
        %dma_wait3A_227 = tpu.memref_squeeze %dma_wait3A_226 : memref<1x1x128x64xbf16, #tpu.memory_space<vmem>> -> memref<128x64xbf16, #tpu.memory_space<vmem>>
        %dma_wait3A_228 = arith.constant 0 : i32
        %dma_wait3A_229 = tpu.memref_slice %arg7[%dma_wait3A_222, %dma_wait3A_228] : memref<80x128xi32, #tpu.memory_space<vmem>> -> memref<1x128xi32, #tpu.memory_space<vmem>>
        %dma_wait3A_230 = tpu.memref_squeeze %dma_wait3A_229 : memref<1x128xi32, #tpu.memory_space<vmem>> -> memref<128xi32, #tpu.memory_space<vmem>>
        %dma_wait3A_231 = arith.constant 0 : i32
        %dma_wait3A_232 = arith.constant 0 : i32
        %dma_wait3A_233 = tpu.memref_slice %arg2[%dma_wait3A_231, %dma_wait3A_232] : memref<10000x64xbf16, #tpu.memory_space<hbm>> -> memref<10000x64xbf16, #tpu.memory_space<hbm>>
        tpu.wait_indirect_dma semaphore(%arg11 : memref<!tpu.dma_semaphore, #tpu.memory_space<semaphore_mem>>) src(%dma_wait3A_233 : memref<10000x64xbf16, #tpu.memory_space<hbm>>) dst(%dma_wait3A_227 : memref<128x64xbf16, #tpu.memory_space<vmem>>)
        %dma_wait3A_234 = arith.constant 0 : i32
        %dma_wait3A_235 = arith.constant 1 : i32
        %dma_wait3A_236 = arith.constant 0 : i32
        %dma_wait3A_237 = arith.constant 0 : i32
        %dma_wait3A_238 = tpu.memref_slice %arg9[%rem3A_218, %dma_wait3A_235, %dma_wait3A_236, %dma_wait3A_237] : memref<2x8x128x64xbf16, #tpu.memory_space<vmem>> -> memref<1x1x128x64xbf16, #tpu.memory_space<vmem>>
        %dma_wait3A_239 = tpu.memref_squeeze %dma_wait3A_238 : memref<1x1x128x64xbf16, #tpu.memory_space<vmem>> -> memref<128x64xbf16, #tpu.memory_space<vmem>>
        %dma_wait3A_240 = arith.constant 0 : i32
        %dma_wait3A_241 = tpu.memref_slice %arg7[%dma_wait3A_234, %dma_wait3A_240] : memref<80x128xi32, #tpu.memory_space<vmem>> -> memref<1x128xi32, #tpu.memory_space<vmem>>
        %dma_wait3A_242 = tpu.memref_squeeze %dma_wait3A_241 : memref<1x128xi32, #tpu.memory_space<vmem>> -> memref<128xi32, #tpu.memory_space<vmem>>
        %dma_wait3A_243 = arith.constant 0 : i32
        %dma_wait3A_244 = arith.constant 0 : i32
        %dma_wait3A_245 = tpu.memref_slice %arg2[%dma_wait3A_243, %dma_wait3A_244] : memref<10000x64xbf16, #tpu.memory_space<hbm>> -> memref<10000x64xbf16, #tpu.memory_space<hbm>>
        tpu.wait_indirect_dma semaphore(%arg11 : memref<!tpu.dma_semaphore, #tpu.memory_space<semaphore_mem>>) src(%dma_wait3A_245 : memref<10000x64xbf16, #tpu.memory_space<hbm>>) dst(%dma_wait3A_239 : memref<128x64xbf16, #tpu.memory_space<vmem>>)
        %dma_wait3A_246 = arith.constant 0 : i32
        %dma_wait3A_247 = arith.constant 2 : i32
        %dma_wait3A_248 = arith.constant 0 : i32
        %dma_wait3A_249 = arith.constant 0 : i32
        %dma_wait3A_250 = tpu.memref_slice %arg9[%rem3A_218, %dma_wait3A_247, %dma_wait3A_248, %dma_wait3A_249] : memref<2x8x128x64xbf16, #tpu.memory_space<vmem>> -> memref<1x1x128x64xbf16, #tpu.memory_space<vmem>>
        %dma_wait3A_251 = tpu.memref_squeeze %dma_wait3A_250 : memref<1x1x128x64xbf16, #tpu.memory_space<vmem>> -> memref<128x64xbf16, #tpu.memory_space<vmem>>
        %dma_wait3A_252 = arith.constant 0 : i32
        %dma_wait3A_253 = tpu.memref_slice %arg7[%dma_wait3A_246, %dma_wait3A_252] : memref<80x128xi32, #tpu.memory_space<vmem>> -> memref<1x128xi32, #tpu.memory_space<vmem>>
        %dma_wait3A_254 = tpu.memref_squeeze %dma_wait3A_253 : memref<1x128xi32, #tpu.memory_space<vmem>> -> memref<128xi32, #tpu.memory_space<vmem>>
        %dma_wait3A_255 = arith.constant 0 : i32
        %dma_wait3A_256 = arith.constant 0 : i32
        %dma_wait3A_257 = tpu.memref_slice %arg2[%dma_wait3A_255, %dma_wait3A_256] : memref<10000x64xbf16, #tpu.memory_space<hbm>> -> memref<10000x64xbf16, #tpu.memory_space<hbm>>
        tpu.wait_indirect_dma semaphore(%arg11 : memref<!tpu.dma_semaphore, #tpu.memory_space<semaphore_mem>>) src(%dma_wait3A_257 : memref<10000x64xbf16, #tpu.memory_space<hbm>>) dst(%dma_wait3A_251 : memref<128x64xbf16, #tpu.memory_space<vmem>>)
        %dma_wait3A_258 = arith.constant 0 : i32
        %dma_wait3A_259 = arith.constant 3 : i32
        %dma_wait3A_260 = arith.constant 0 : i32
        %dma_wait3A_261 = arith.constant 0 : i32
        %dma_wait3A_262 = tpu.memref_slice %arg9[%rem3A_218, %dma_wait3A_259, %dma_wait3A_260, %dma_wait3A_261] : memref<2x8x128x64xbf16, #tpu.memory_space<vmem>> -> memref<1x1x128x64xbf16, #tpu.memory_space<vmem>>
        %dma_wait3A_263 = tpu.memref_squeeze %dma_wait3A_262 : memref<1x1x128x64xbf16, #tpu.memory_space<vmem>> -> memref<128x64xbf16, #tpu.memory_space<vmem>>
        %dma_wait3A_264 = arith.constant 0 : i32
        %dma_wait3A_265 = tpu.memref_slice %arg7[%dma_wait3A_258, %dma_wait3A_264] : memref<80x128xi32, #tpu.memory_space<vmem>> -> memref<1x128xi32, #tpu.memory_space<vmem>>
        %dma_wait3A_266 = tpu.memref_squeeze %dma_wait3A_265 : memref<1x128xi32, #tpu.memory_space<vmem>> -> memref<128xi32, #tpu.memory_space<vmem>>
        %dma_wait3A_267 = arith.constant 0 : i32
        %dma_wait3A_268 = arith.constant 0 : i32
        %dma_wait3A_269 = tpu.memref_slice %arg2[%dma_wait3A_267, %dma_wait3A_268] : memref<10000x64xbf16, #tpu.memory_space<hbm>> -> memref<10000x64xbf16, #tpu.memory_space<hbm>>
        tpu.wait_indirect_dma semaphore(%arg11 : memref<!tpu.dma_semaphore, #tpu.memory_space<semaphore_mem>>) src(%dma_wait3A_269 : memref<10000x64xbf16, #tpu.memory_space<hbm>>) dst(%dma_wait3A_263 : memref<128x64xbf16, #tpu.memory_space<vmem>>)
        %dma_wait3A_270 = arith.constant 0 : i32
        %dma_wait3A_271 = arith.constant 4 : i32
        %dma_wait3A_272 = arith.constant 0 : i32
        %dma_wait3A_273 = arith.constant 0 : i32
        %dma_wait3A_274 = tpu.memref_slice %arg9[%rem3A_218, %dma_wait3A_271, %dma_wait3A_272, %dma_wait3A_273] : memref<2x8x128x64xbf16, #tpu.memory_space<vmem>> -> memref<1x1x128x64xbf16, #tpu.memory_space<vmem>>
        %dma_wait3A_275 = tpu.memref_squeeze %dma_wait3A_274 : memref<1x1x128x64xbf16, #tpu.memory_space<vmem>> -> memref<128x64xbf16, #tpu.memory_space<vmem>>
        %dma_wait3A_276 = arith.constant 0 : i32
        %dma_wait3A_277 = tpu.memref_slice %arg7[%dma_wait3A_270, %dma_wait3A_276] : memref<80x128xi32, #tpu.memory_space<vmem>> -> memref<1x128xi32, #tpu.memory_space<vmem>>
        %dma_wait3A_278 = tpu.memref_squeeze %dma_wait3A_277 : memref<1x128xi32, #tpu.memory_space<vmem>> -> memref<128xi32, #tpu.memory_space<vmem>>
        %dma_wait3A_279 = arith.constant 0 : i32
        %dma_wait3A_280 = arith.constant 0 : i32
        %dma_wait3A_281 = tpu.memref_slice %arg2[%dma_wait3A_279, %dma_wait3A_280] : memref<10000x64xbf16, #tpu.memory_space<hbm>> -> memref<10000x64xbf16, #tpu.memory_space<hbm>>
        tpu.wait_indirect_dma semaphore(%arg11 : memref<!tpu.dma_semaphore, #tpu.memory_space<semaphore_mem>>) src(%dma_wait3A_281 : memref<10000x64xbf16, #tpu.memory_space<hbm>>) dst(%dma_wait3A_275 : memref<128x64xbf16, #tpu.memory_space<vmem>>)
        %dma_wait3A_282 = arith.constant 0 : i32
        %dma_wait3A_283 = arith.constant 5 : i32
        %dma_wait3A_284 = arith.constant 0 : i32
        %dma_wait3A_285 = arith.constant 0 : i32
        %dma_wait3A_286 = tpu.memref_slice %arg9[%rem3A_218, %dma_wait3A_283, %dma_wait3A_284, %dma_wait3A_285] : memref<2x8x128x64xbf16, #tpu.memory_space<vmem>> -> memref<1x1x128x64xbf16, #tpu.memory_space<vmem>>
        %dma_wait3A_287 = tpu.memref_squeeze %dma_wait3A_286 : memref<1x1x128x64xbf16, #tpu.memory_space<vmem>> -> memref<128x64xbf16, #tpu.memory_space<vmem>>
        %dma_wait3A_288 = arith.constant 0 : i32
        %dma_wait3A_289 = tpu.memref_slice %arg7[%dma_wait3A_282, %dma_wait3A_288] : memref<80x128xi32, #tpu.memory_space<vmem>> -> memref<1x128xi32, #tpu.memory_space<vmem>>
        %dma_wait3A_290 = tpu.memref_squeeze %dma_wait3A_289 : memref<1x128xi32, #tpu.memory_space<vmem>> -> memref<128xi32, #tpu.memory_space<vmem>>
        %dma_wait3A_291 = arith.constant 0 : i32
        %dma_wait3A_292 = arith.constant 0 : i32
        %dma_wait3A_293 = tpu.memref_slice %arg2[%dma_wait3A_291, %dma_wait3A_292] : memref<10000x64xbf16, #tpu.memory_space<hbm>> -> memref<10000x64xbf16, #tpu.memory_space<hbm>>
        tpu.wait_indirect_dma semaphore(%arg11 : memref<!tpu.dma_semaphore, #tpu.memory_space<semaphore_mem>>) src(%dma_wait3A_293 : memref<10000x64xbf16, #tpu.memory_space<hbm>>) dst(%dma_wait3A_287 : memref<128x64xbf16, #tpu.memory_space<vmem>>)
        %dma_wait3A_294 = arith.constant 0 : i32
        %dma_wait3A_295 = arith.constant 6 : i32
        %dma_wait3A_296 = arith.constant 0 : i32
        %dma_wait3A_297 = arith.constant 0 : i32
        %dma_wait3A_298 = tpu.memref_slice %arg9[%rem3A_218, %dma_wait3A_295, %dma_wait3A_296, %dma_wait3A_297] : memref<2x8x128x64xbf16, #tpu.memory_space<vmem>> -> memref<1x1x128x64xbf16, #tpu.memory_space<vmem>>
        %dma_wait3A_299 = tpu.memref_squeeze %dma_wait3A_298 : memref<1x1x128x64xbf16, #tpu.memory_space<vmem>> -> memref<128x64xbf16, #tpu.memory_space<vmem>>
        %dma_wait3A_300 = arith.constant 0 : i32
        %dma_wait3A_301 = tpu.memref_slice %arg7[%dma_wait3A_294, %dma_wait3A_300] : memref<80x128xi32, #tpu.memory_space<vmem>> -> memref<1x128xi32, #tpu.memory_space<vmem>>
        %dma_wait3A_302 = tpu.memref_squeeze %dma_wait3A_301 : memref<1x128xi32, #tpu.memory_space<vmem>> -> memref<128xi32, #tpu.memory_space<vmem>>
        %dma_wait3A_303 = arith.constant 0 : i32
        %dma_wait3A_304 = arith.constant 0 : i32
        %dma_wait3A_305 = tpu.memref_slice %arg2[%dma_wait3A_303, %dma_wait3A_304] : memref<10000x64xbf16, #tpu.memory_space<hbm>> -> memref<10000x64xbf16, #tpu.memory_space<hbm>>
        tpu.wait_indirect_dma semaphore(%arg11 : memref<!tpu.dma_semaphore, #tpu.memory_space<semaphore_mem>>) src(%dma_wait3A_305 : memref<10000x64xbf16, #tpu.memory_space<hbm>>) dst(%dma_wait3A_299 : memref<128x64xbf16, #tpu.memory_space<vmem>>)
        %dma_wait3A_306 = arith.constant 0 : i32
        %dma_wait3A_307 = arith.constant 7 : i32
        %dma_wait3A_308 = arith.constant 0 : i32
        %dma_wait3A_309 = arith.constant 0 : i32
        %dma_wait3A_310 = tpu.memref_slice %arg9[%rem3A_218, %dma_wait3A_307, %dma_wait3A_308, %dma_wait3A_309] : memref<2x8x128x64xbf16, #tpu.memory_space<vmem>> -> memref<1x1x128x64xbf16, #tpu.memory_space<vmem>>
        %dma_wait3A_311 = tpu.memref_squeeze %dma_wait3A_310 : memref<1x1x128x64xbf16, #tpu.memory_space<vmem>> -> memref<128x64xbf16, #tpu.memory_space<vmem>>
        %dma_wait3A_312 = arith.constant 0 : i32
        %dma_wait3A_313 = tpu.memref_slice %arg7[%dma_wait3A_306, %dma_wait3A_312] : memref<80x128xi32, #tpu.memory_space<vmem>> -> memref<1x128xi32, #tpu.memory_space<vmem>>
        %dma_wait3A_314 = tpu.memref_squeeze %dma_wait3A_313 : memref<1x128xi32, #tpu.memory_space<vmem>> -> memref<128xi32, #tpu.memory_space<vmem>>
        %dma_wait3A_315 = arith.constant 0 : i32
        %dma_wait3A_316 = arith.constant 0 : i32
        %dma_wait3A_317 = tpu.memref_slice %arg2[%dma_wait3A_315, %dma_wait3A_316] : memref<10000x64xbf16, #tpu.memory_space<hbm>> -> memref<10000x64xbf16, #tpu.memory_space<hbm>>
        tpu.wait_indirect_dma semaphore(%arg11 : memref<!tpu.dma_semaphore, #tpu.memory_space<semaphore_mem>>) src(%dma_wait3A_317 : memref<10000x64xbf16, #tpu.memory_space<hbm>>) dst(%dma_wait3A_311 : memref<128x64xbf16, #tpu.memory_space<vmem>>)
        %mul3A_318 = arith.constant 8 : i32
        %mul3A_319 = arith.muli %scan3A_216, %mul3A_318 : i32
        %add3A_320 = arith.constant 0 : i32
        %add3A_321 = arith.addi %mul3A_319, %add3A_320 : i32
        %dma_start3A_322 = arith.constant 0 : i32
        %dma_start3A_323 = arith.constant 0 : i32
        %dma_start3A_324 = arith.constant 0 : i32
        %dma_start3A_325 = tpu.memref_slice %arg9[%rem3A_218, %dma_start3A_322, %dma_start3A_323, %dma_start3A_324] : memref<2x8x128x64xbf16, #tpu.memory_space<vmem>> -> memref<1x1x128x64xbf16, #tpu.memory_space<vmem>>
        %dma_start3A_326 = tpu.memref_squeeze %dma_start3A_325 : memref<1x1x128x64xbf16, #tpu.memory_space<vmem>> -> memref<128x64xbf16, #tpu.memory_space<vmem>>
        %dma_start3A_327 = arith.constant 0 : i32
        %dma_start3A_328 = tpu.memref_slice %arg8[%add3A_321, %dma_start3A_327] : memref<80x128xi32, #tpu.memory_space<vmem>> -> memref<1x128xi32, #tpu.memory_space<vmem>>
        %dma_start3A_329 = tpu.memref_squeeze %dma_start3A_328 : memref<1x128xi32, #tpu.memory_space<vmem>> -> memref<128xi32, #tpu.memory_space<vmem>>
        %dma_start3A_330 = arith.constant 0 : i32
        %dma_start3A_331 = arith.constant 0 : i32
        %dma_start3A_332 = tpu.memref_slice %arg10[%dma_start3A_330, %dma_start3A_331] : memref<10240x64xbf16, #tpu.memory_space<vmem_shared>> -> memref<10240x64xbf16, #tpu.memory_space<vmem_shared>>
        tpu.enqueue_indirect_dma source(%dma_start3A_326 : memref<128x64xbf16, #tpu.memory_space<vmem>>) target(%dma_start3A_332 : memref<10240x64xbf16, #tpu.memory_space<vmem_shared>>) offsets(%dma_start3A_329 : memref<128xi32, #tpu.memory_space<vmem>>) semaphore(%arg12 : memref<!tpu.dma_semaphore, #tpu.memory_space<semaphore_mem>>) {add = true}
        %mul3A_333 = arith.constant 8 : i32
        %mul3A_334 = arith.muli %scan3A_216, %mul3A_333 : i32
        %add3A_335 = arith.constant 1 : i32
        %add3A_336 = arith.addi %mul3A_334, %add3A_335 : i32
        %dma_start3A_337 = arith.constant 1 : i32
        %dma_start3A_338 = arith.constant 0 : i32
        %dma_start3A_339 = arith.constant 0 : i32
        %dma_start3A_340 = tpu.memref_slice %arg9[%rem3A_218, %dma_start3A_337, %dma_start3A_338, %dma_start3A_339] : memref<2x8x128x64xbf16, #tpu.memory_space<vmem>> -> memref<1x1x128x64xbf16, #tpu.memory_space<vmem>>
        %dma_start3A_341 = tpu.memref_squeeze %dma_start3A_340 : memref<1x1x128x64xbf16, #tpu.memory_space<vmem>> -> memref<128x64xbf16, #tpu.memory_space<vmem>>
        %dma_start3A_342 = arith.constant 0 : i32
        %dma_start3A_343 = tpu.memref_slice %arg8[%add3A_336, %dma_start3A_342] : memref<80x128xi32, #tpu.memory_space<vmem>> -> memref<1x128xi32, #tpu.memory_space<vmem>>
        %dma_start3A_344 = tpu.memref_squeeze %dma_start3A_343 : memref<1x128xi32, #tpu.memory_space<vmem>> -> memref<128xi32, #tpu.memory_space<vmem>>
        %dma_start3A_345 = arith.constant 0 : i32
        %dma_start3A_346 = arith.constant 0 : i32
        %dma_start3A_347 = tpu.memref_slice %arg10[%dma_start3A_345, %dma_start3A_346] : memref<10240x64xbf16, #tpu.memory_space<vmem_shared>> -> memref<10240x64xbf16, #tpu.memory_space<vmem_shared>>
        tpu.enqueue_indirect_dma source(%dma_start3A_341 : memref<128x64xbf16, #tpu.memory_space<vmem>>) target(%dma_start3A_347 : memref<10240x64xbf16, #tpu.memory_space<vmem_shared>>) offsets(%dma_start3A_344 : memref<128xi32, #tpu.memory_space<vmem>>) semaphore(%arg12 : memref<!tpu.dma_semaphore, #tpu.memory_space<semaphore_mem>>) {add = true}
        %mul3A_348 = arith.constant 8 : i32
        %mul3A_349 = arith.muli %scan3A_216, %mul3A_348 : i32
        %add3A_350 = arith.constant 2 : i32
        %add3A_351 = arith.addi %mul3A_349, %add3A_350 : i32
        %dma_start3A_352 = arith.constant 2 : i32
        %dma_start3A_353 = arith.constant 0 : i32
        %dma_start3A_354 = arith.constant 0 : i32
        %dma_start3A_355 = tpu.memref_slice %arg9[%rem3A_218, %dma_start3A_352, %dma_start3A_353, %dma_start3A_354] : memref<2x8x128x64xbf16, #tpu.memory_space<vmem>> -> memref<1x1x128x64xbf16, #tpu.memory_space<vmem>>
        %dma_start3A_356 = tpu.memref_squeeze %dma_start3A_355 : memref<1x1x128x64xbf16, #tpu.memory_space<vmem>> -> memref<128x64xbf16, #tpu.memory_space<vmem>>
        %dma_start3A_357 = arith.constant 0 : i32
        %dma_start3A_358 = tpu.memref_slice %arg8[%add3A_351, %dma_start3A_357] : memref<80x128xi32, #tpu.memory_space<vmem>> -> memref<1x128xi32, #tpu.memory_space<vmem>>
        %dma_start3A_359 = tpu.memref_squeeze %dma_start3A_358 : memref<1x128xi32, #tpu.memory_space<vmem>> -> memref<128xi32, #tpu.memory_space<vmem>>
        %dma_start3A_360 = arith.constant 0 : i32
        %dma_start3A_361 = arith.constant 0 : i32
        %dma_start3A_362 = tpu.memref_slice %arg10[%dma_start3A_360, %dma_start3A_361] : memref<10240x64xbf16, #tpu.memory_space<vmem_shared>> -> memref<10240x64xbf16, #tpu.memory_space<vmem_shared>>
        tpu.enqueue_indirect_dma source(%dma_start3A_356 : memref<128x64xbf16, #tpu.memory_space<vmem>>) target(%dma_start3A_362 : memref<10240x64xbf16, #tpu.memory_space<vmem_shared>>) offsets(%dma_start3A_359 : memref<128xi32, #tpu.memory_space<vmem>>) semaphore(%arg12 : memref<!tpu.dma_semaphore, #tpu.memory_space<semaphore_mem>>) {add = true}
        %mul3A_363 = arith.constant 8 : i32
        %mul3A_364 = arith.muli %scan3A_216, %mul3A_363 : i32
        %add3A_365 = arith.constant 3 : i32
        %add3A_366 = arith.addi %mul3A_364, %add3A_365 : i32
        %dma_start3A_367 = arith.constant 3 : i32
        %dma_start3A_368 = arith.constant 0 : i32
        %dma_start3A_369 = arith.constant 0 : i32
        %dma_start3A_370 = tpu.memref_slice %arg9[%rem3A_218, %dma_start3A_367, %dma_start3A_368, %dma_start3A_369] : memref<2x8x128x64xbf16, #tpu.memory_space<vmem>> -> memref<1x1x128x64xbf16, #tpu.memory_space<vmem>>
        %dma_start3A_371 = tpu.memref_squeeze %dma_start3A_370 : memref<1x1x128x64xbf16, #tpu.memory_space<vmem>> -> memref<128x64xbf16, #tpu.memory_space<vmem>>
        %dma_start3A_372 = arith.constant 0 : i32
        %dma_start3A_373 = tpu.memref_slice %arg8[%add3A_366, %dma_start3A_372] : memref<80x128xi32, #tpu.memory_space<vmem>> -> memref<1x128xi32, #tpu.memory_space<vmem>>
        %dma_start3A_374 = tpu.memref_squeeze %dma_start3A_373 : memref<1x128xi32, #tpu.memory_space<vmem>> -> memref<128xi32, #tpu.memory_space<vmem>>
        %dma_start3A_375 = arith.constant 0 : i32
        %dma_start3A_376 = arith.constant 0 : i32
        %dma_start3A_377 = tpu.memref_slice %arg10[%dma_start3A_375, %dma_start3A_376] : memref<10240x64xbf16, #tpu.memory_space<vmem_shared>> -> memref<10240x64xbf16, #tpu.memory_space<vmem_shared>>
        tpu.enqueue_indirect_dma source(%dma_start3A_371 : memref<128x64xbf16, #tpu.memory_space<vmem>>) target(%dma_start3A_377 : memref<10240x64xbf16, #tpu.memory_space<vmem_shared>>) offsets(%dma_start3A_374 : memref<128xi32, #tpu.memory_space<vmem>>) semaphore(%arg12 : memref<!tpu.dma_semaphore, #tpu.memory_space<semaphore_mem>>) {add = true}
        %mul3A_378 = arith.constant 8 : i32
        %mul3A_379 = arith.muli %scan3A_216, %mul3A_378 : i32
        %add3A_380 = arith.constant 4 : i32
        %add3A_381 = arith.addi %mul3A_379, %add3A_380 : i32
        %dma_start3A_382 = arith.constant 4 : i32
        %dma_start3A_383 = arith.constant 0 : i32
        %dma_start3A_384 = arith.constant 0 : i32
        %dma_start3A_385 = tpu.memref_slice %arg9[%rem3A_218, %dma_start3A_382, %dma_start3A_383, %dma_start3A_384] : memref<2x8x128x64xbf16, #tpu.memory_space<vmem>> -> memref<1x1x128x64xbf16, #tpu.memory_space<vmem>>
        %dma_start3A_386 = tpu.memref_squeeze %dma_start3A_385 : memref<1x1x128x64xbf16, #tpu.memory_space<vmem>> -> memref<128x64xbf16, #tpu.memory_space<vmem>>
        %dma_start3A_387 = arith.constant 0 : i32
        %dma_start3A_388 = tpu.memref_slice %arg8[%add3A_381, %dma_start3A_387] : memref<80x128xi32, #tpu.memory_space<vmem>> -> memref<1x128xi32, #tpu.memory_space<vmem>>
        %dma_start3A_389 = tpu.memref_squeeze %dma_start3A_388 : memref<1x128xi32, #tpu.memory_space<vmem>> -> memref<128xi32, #tpu.memory_space<vmem>>
        %dma_start3A_390 = arith.constant 0 : i32
        %dma_start3A_391 = arith.constant 0 : i32
        %dma_start3A_392 = tpu.memref_slice %arg10[%dma_start3A_390, %dma_start3A_391] : memref<10240x64xbf16, #tpu.memory_space<vmem_shared>> -> memref<10240x64xbf16, #tpu.memory_space<vmem_shared>>
        tpu.enqueue_indirect_dma source(%dma_start3A_386 : memref<128x64xbf16, #tpu.memory_space<vmem>>) target(%dma_start3A_392 : memref<10240x64xbf16, #tpu.memory_space<vmem_shared>>) offsets(%dma_start3A_389 : memref<128xi32, #tpu.memory_space<vmem>>) semaphore(%arg12 : memref<!tpu.dma_semaphore, #tpu.memory_space<semaphore_mem>>) {add = true}
        %mul3A_393 = arith.constant 8 : i32
        %mul3A_394 = arith.muli %scan3A_216, %mul3A_393 : i32
        %add3A_395 = arith.constant 5 : i32
        %add3A_396 = arith.addi %mul3A_394, %add3A_395 : i32
        %dma_start3A_397 = arith.constant 5 : i32
        %dma_start3A_398 = arith.constant 0 : i32
        %dma_start3A_399 = arith.constant 0 : i32
        %dma_start3A_400 = tpu.memref_slice %arg9[%rem3A_218, %dma_start3A_397, %dma_start3A_398, %dma_start3A_399] : memref<2x8x128x64xbf16, #tpu.memory_space<vmem>> -> memref<1x1x128x64xbf16, #tpu.memory_space<vmem>>
        %dma_start3A_401 = tpu.memref_squeeze %dma_start3A_400 : memref<1x1x128x64xbf16, #tpu.memory_space<vmem>> -> memref<128x64xbf16, #tpu.memory_space<vmem>>
        %dma_start3A_402 = arith.constant 0 : i32
        %dma_start3A_403 = tpu.memref_slice %arg8[%add3A_396, %dma_start3A_402] : memref<80x128xi32, #tpu.memory_space<vmem>> -> memref<1x128xi32, #tpu.memory_space<vmem>>
        %dma_start3A_404 = tpu.memref_squeeze %dma_start3A_403 : memref<1x128xi32, #tpu.memory_space<vmem>> -> memref<128xi32, #tpu.memory_space<vmem>>
        %dma_start3A_405 = arith.constant 0 : i32
        %dma_start3A_406 = arith.constant 0 : i32
        %dma_start3A_407 = tpu.memref_slice %arg10[%dma_start3A_405, %dma_start3A_406] : memref<10240x64xbf16, #tpu.memory_space<vmem_shared>> -> memref<10240x64xbf16, #tpu.memory_space<vmem_shared>>
        tpu.enqueue_indirect_dma source(%dma_start3A_401 : memref<128x64xbf16, #tpu.memory_space<vmem>>) target(%dma_start3A_407 : memref<10240x64xbf16, #tpu.memory_space<vmem_shared>>) offsets(%dma_start3A_404 : memref<128xi32, #tpu.memory_space<vmem>>) semaphore(%arg12 : memref<!tpu.dma_semaphore, #tpu.memory_space<semaphore_mem>>) {add = true}
        %mul3A_408 = arith.constant 8 : i32
        %mul3A_409 = arith.muli %scan3A_216, %mul3A_408 : i32
        %add3A_410 = arith.constant 6 : i32
        %add3A_411 = arith.addi %mul3A_409, %add3A_410 : i32
        %dma_start3A_412 = arith.constant 6 : i32
        %dma_start3A_413 = arith.constant 0 : i32
        %dma_start3A_414 = arith.constant 0 : i32
        %dma_start3A_415 = tpu.memref_slice %arg9[%rem3A_218, %dma_start3A_412, %dma_start3A_413, %dma_start3A_414] : memref<2x8x128x64xbf16, #tpu.memory_space<vmem>> -> memref<1x1x128x64xbf16, #tpu.memory_space<vmem>>
        %dma_start3A_416 = tpu.memref_squeeze %dma_start3A_415 : memref<1x1x128x64xbf16, #tpu.memory_space<vmem>> -> memref<128x64xbf16, #tpu.memory_space<vmem>>
        %dma_start3A_417 = arith.constant 0 : i32
        %dma_start3A_418 = tpu.memref_slice %arg8[%add3A_411, %dma_start3A_417] : memref<80x128xi32, #tpu.memory_space<vmem>> -> memref<1x128xi32, #tpu.memory_space<vmem>>
        %dma_start3A_419 = tpu.memref_squeeze %dma_start3A_418 : memref<1x128xi32, #tpu.memory_space<vmem>> -> memref<128xi32, #tpu.memory_space<vmem>>
        %dma_start3A_420 = arith.constant 0 : i32
        %dma_start3A_421 = arith.constant 0 : i32
        %dma_start3A_422 = tpu.memref_slice %arg10[%dma_start3A_420, %dma_start3A_421] : memref<10240x64xbf16, #tpu.memory_space<vmem_shared>> -> memref<10240x64xbf16, #tpu.memory_space<vmem_shared>>
        tpu.enqueue_indirect_dma source(%dma_start3A_416 : memref<128x64xbf16, #tpu.memory_space<vmem>>) target(%dma_start3A_422 : memref<10240x64xbf16, #tpu.memory_space<vmem_shared>>) offsets(%dma_start3A_419 : memref<128xi32, #tpu.memory_space<vmem>>) semaphore(%arg12 : memref<!tpu.dma_semaphore, #tpu.memory_space<semaphore_mem>>) {add = true}
        %mul3A_423 = arith.constant 8 : i32
        %mul3A_424 = arith.muli %scan3A_216, %mul3A_423 : i32
        %add3A_425 = arith.constant 7 : i32
        %add3A_426 = arith.addi %mul3A_424, %add3A_425 : i32
        %dma_start3A_427 = arith.constant 7 : i32
        %dma_start3A_428 = arith.constant 0 : i32
        %dma_start3A_429 = arith.constant 0 : i32
        %dma_start3A_430 = tpu.memref_slice %arg9[%rem3A_218, %dma_start3A_427, %dma_start3A_428, %dma_start3A_429] : memref<2x8x128x64xbf16, #tpu.memory_space<vmem>> -> memref<1x1x128x64xbf16, #tpu.memory_space<vmem>>
        %dma_start3A_431 = tpu.memref_squeeze %dma_start3A_430 : memref<1x1x128x64xbf16, #tpu.memory_space<vmem>> -> memref<128x64xbf16, #tpu.memory_space<vmem>>
        %dma_start3A_432 = arith.constant 0 : i32
        %dma_start3A_433 = tpu.memref_slice %arg8[%add3A_426, %dma_start3A_432] : memref<80x128xi32, #tpu.memory_space<vmem>> -> memref<1x128xi32, #tpu.memory_space<vmem>>
        %dma_start3A_434 = tpu.memref_squeeze %dma_start3A_433 : memref<1x128xi32, #tpu.memory_space<vmem>> -> memref<128xi32, #tpu.memory_space<vmem>>
        %dma_start3A_435 = arith.constant 0 : i32
        %dma_start3A_436 = arith.constant 0 : i32
        %dma_start3A_437 = tpu.memref_slice %arg10[%dma_start3A_435, %dma_start3A_436] : memref<10240x64xbf16, #tpu.memory_space<vmem_shared>> -> memref<10240x64xbf16, #tpu.memory_space<vmem_shared>>
        tpu.enqueue_indirect_dma source(%dma_start3A_431 : memref<128x64xbf16, #tpu.memory_space<vmem>>) target(%dma_start3A_437 : memref<10240x64xbf16, #tpu.memory_space<vmem_shared>>) offsets(%dma_start3A_434 : memref<128xi32, #tpu.memory_space<vmem>>) semaphore(%arg12 : memref<!tpu.dma_semaphore, #tpu.memory_space<semaphore_mem>>) {add = true}
        %ge3A = arith.constant 1 : i32
        %ge3A_438 = arith.cmpi sge, %scan3A_216, %ge3A : i32
        %convert_element_type3A_439 = arith.extui %ge3A_438 : i1 to i32
        %cond3A_440 = arith.constant 0 : i32
        %cond3A_441 = arith.cmpi ne, %convert_element_type3A_439, %cond3A_440 : i32
        scf.if %cond3A_441 {
          %dma_wait3A_448 = arith.constant 0 : i32
          %dma_wait3A_449 = arith.constant 0 : i32
          %dma_wait3A_450 = arith.constant 0 : i32
          %dma_wait3A_451 = arith.constant 0 : i32
          %dma_wait3A_452 = tpu.memref_slice %arg9[%rem3A_221, %dma_wait3A_448, %dma_wait3A_450, %dma_wait3A_451] : memref<2x8x128x64xbf16, #tpu.memory_space<vmem>> -> memref<1x1x128x64xbf16, #tpu.memory_space<vmem>>
          %dma_wait3A_453 = tpu.memref_squeeze %dma_wait3A_452 : memref<1x1x128x64xbf16, #tpu.memory_space<vmem>> -> memref<128x64xbf16, #tpu.memory_space<vmem>>
          %dma_wait3A_454 = arith.constant 0 : i32
          %dma_wait3A_455 = tpu.memref_slice %arg8[%dma_wait3A_449, %dma_wait3A_454] : memref<80x128xi32, #tpu.memory_space<vmem>> -> memref<1x128xi32, #tpu.memory_space<vmem>>
          %dma_wait3A_456 = tpu.memref_squeeze %dma_wait3A_455 : memref<1x128xi32, #tpu.memory_space<vmem>> -> memref<128xi32, #tpu.memory_space<vmem>>
          %dma_wait3A_457 = arith.constant 0 : i32
          %dma_wait3A_458 = arith.constant 0 : i32
          %dma_wait3A_459 = tpu.memref_slice %arg10[%dma_wait3A_457, %dma_wait3A_458] : memref<10240x64xbf16, #tpu.memory_space<vmem_shared>> -> memref<10240x64xbf16, #tpu.memory_space<vmem_shared>>
          tpu.wait_indirect_dma semaphore(%arg12 : memref<!tpu.dma_semaphore, #tpu.memory_space<semaphore_mem>>) src(%dma_wait3A_453 : memref<128x64xbf16, #tpu.memory_space<vmem>>) dst(%dma_wait3A_459 : memref<10240x64xbf16, #tpu.memory_space<vmem_shared>>)
          %dma_wait3A_460 = arith.constant 1 : i32
          %dma_wait3A_461 = arith.constant 0 : i32
          %dma_wait3A_462 = arith.constant 0 : i32
          %dma_wait3A_463 = arith.constant 0 : i32
          %dma_wait3A_464 = tpu.memref_slice %arg9[%rem3A_221, %dma_wait3A_460, %dma_wait3A_462, %dma_wait3A_463] : memref<2x8x128x64xbf16, #tpu.memory_space<vmem>> -> memref<1x1x128x64xbf16, #tpu.memory_space<vmem>>
          %dma_wait3A_465 = tpu.memref_squeeze %dma_wait3A_464 : memref<1x1x128x64xbf16, #tpu.memory_space<vmem>> -> memref<128x64xbf16, #tpu.memory_space<vmem>>
          %dma_wait3A_466 = arith.constant 0 : i32
          %dma_wait3A_467 = tpu.memref_slice %arg8[%dma_wait3A_461, %dma_wait3A_466] : memref<80x128xi32, #tpu.memory_space<vmem>> -> memref<1x128xi32, #tpu.memory_space<vmem>>
          %dma_wait3A_468 = tpu.memref_squeeze %dma_wait3A_467 : memref<1x128xi32, #tpu.memory_space<vmem>> -> memref<128xi32, #tpu.memory_space<vmem>>
          %dma_wait3A_469 = arith.constant 0 : i32
          %dma_wait3A_470 = arith.constant 0 : i32
          %dma_wait3A_471 = tpu.memref_slice %arg10[%dma_wait3A_469, %dma_wait3A_470] : memref<10240x64xbf16, #tpu.memory_space<vmem_shared>> -> memref<10240x64xbf16, #tpu.memory_space<vmem_shared>>
          tpu.wait_indirect_dma semaphore(%arg12 : memref<!tpu.dma_semaphore, #tpu.memory_space<semaphore_mem>>) src(%dma_wait3A_465 : memref<128x64xbf16, #tpu.memory_space<vmem>>) dst(%dma_wait3A_471 : memref<10240x64xbf16, #tpu.memory_space<vmem_shared>>)
          %dma_wait3A_472 = arith.constant 2 : i32
          %dma_wait3A_473 = arith.constant 0 : i32
          %dma_wait3A_474 = arith.constant 0 : i32
          %dma_wait3A_475 = arith.constant 0 : i32
          %dma_wait3A_476 = tpu.memref_slice %arg9[%rem3A_221, %dma_wait3A_472, %dma_wait3A_474, %dma_wait3A_475] : memref<2x8x128x64xbf16, #tpu.memory_space<vmem>> -> memref<1x1x128x64xbf16, #tpu.memory_space<vmem>>
          %dma_wait3A_477 = tpu.memref_squeeze %dma_wait3A_476 : memref<1x1x128x64xbf16, #tpu.memory_space<vmem>> -> memref<128x64xbf16, #tpu.memory_space<vmem>>
          %dma_wait3A_478 = arith.constant 0 : i32
          %dma_wait3A_479 = tpu.memref_slice %arg8[%dma_wait3A_473, %dma_wait3A_478] : memref<80x128xi32, #tpu.memory_space<vmem>> -> memref<1x128xi32, #tpu.memory_space<vmem>>
          %dma_wait3A_480 = tpu.memref_squeeze %dma_wait3A_479 : memref<1x128xi32, #tpu.memory_space<vmem>> -> memref<128xi32, #tpu.memory_space<vmem>>
          %dma_wait3A_481 = arith.constant 0 : i32
          %dma_wait3A_482 = arith.constant 0 : i32
          %dma_wait3A_483 = tpu.memref_slice %arg10[%dma_wait3A_481, %dma_wait3A_482] : memref<10240x64xbf16, #tpu.memory_space<vmem_shared>> -> memref<10240x64xbf16, #tpu.memory_space<vmem_shared>>
          tpu.wait_indirect_dma semaphore(%arg12 : memref<!tpu.dma_semaphore, #tpu.memory_space<semaphore_mem>>) src(%dma_wait3A_477 : memref<128x64xbf16, #tpu.memory_space<vmem>>) dst(%dma_wait3A_483 : memref<10240x64xbf16, #tpu.memory_space<vmem_shared>>)
          %dma_wait3A_484 = arith.constant 3 : i32
          %dma_wait3A_485 = arith.constant 0 : i32
          %dma_wait3A_486 = arith.constant 0 : i32
          %dma_wait3A_487 = arith.constant 0 : i32
          %dma_wait3A_488 = tpu.memref_slice %arg9[%rem3A_221, %dma_wait3A_484, %dma_wait3A_486, %dma_wait3A_487] : memref<2x8x128x64xbf16, #tpu.memory_space<vmem>> -> memref<1x1x128x64xbf16, #tpu.memory_space<vmem>>
          %dma_wait3A_489 = tpu.memref_squeeze %dma_wait3A_488 : memref<1x1x128x64xbf16, #tpu.memory_space<vmem>> -> memref<128x64xbf16, #tpu.memory_space<vmem>>
          %dma_wait3A_490 = arith.constant 0 : i32
          %dma_wait3A_491 = tpu.memref_slice %arg8[%dma_wait3A_485, %dma_wait3A_490] : memref<80x128xi32, #tpu.memory_space<vmem>> -> memref<1x128xi32, #tpu.memory_space<vmem>>
          %dma_wait3A_492 = tpu.memref_squeeze %dma_wait3A_491 : memref<1x128xi32, #tpu.memory_space<vmem>> -> memref<128xi32, #tpu.memory_space<vmem>>
          %dma_wait3A_493 = arith.constant 0 : i32
          %dma_wait3A_494 = arith.constant 0 : i32
          %dma_wait3A_495 = tpu.memref_slice %arg10[%dma_wait3A_493, %dma_wait3A_494] : memref<10240x64xbf16, #tpu.memory_space<vmem_shared>> -> memref<10240x64xbf16, #tpu.memory_space<vmem_shared>>
          tpu.wait_indirect_dma semaphore(%arg12 : memref<!tpu.dma_semaphore, #tpu.memory_space<semaphore_mem>>) src(%dma_wait3A_489 : memref<128x64xbf16, #tpu.memory_space<vmem>>) dst(%dma_wait3A_495 : memref<10240x64xbf16, #tpu.memory_space<vmem_shared>>)
          %dma_wait3A_496 = arith.constant 4 : i32
          %dma_wait3A_497 = arith.constant 0 : i32
          %dma_wait3A_498 = arith.constant 0 : i32
          %dma_wait3A_499 = arith.constant 0 : i32
          %dma_wait3A_500 = tpu.memref_slice %arg9[%rem3A_221, %dma_wait3A_496, %dma_wait3A_498, %dma_wait3A_499] : memref<2x8x128x64xbf16, #tpu.memory_space<vmem>> -> memref<1x1x128x64xbf16, #tpu.memory_space<vmem>>
          %dma_wait3A_501 = tpu.memref_squeeze %dma_wait3A_500 : memref<1x1x128x64xbf16, #tpu.memory_space<vmem>> -> memref<128x64xbf16, #tpu.memory_space<vmem>>
          %dma_wait3A_502 = arith.constant 0 : i32
          %dma_wait3A_503 = tpu.memref_slice %arg8[%dma_wait3A_497, %dma_wait3A_502] : memref<80x128xi32, #tpu.memory_space<vmem>> -> memref<1x128xi32, #tpu.memory_space<vmem>>
          %dma_wait3A_504 = tpu.memref_squeeze %dma_wait3A_503 : memref<1x128xi32, #tpu.memory_space<vmem>> -> memref<128xi32, #tpu.memory_space<vmem>>
          %dma_wait3A_505 = arith.constant 0 : i32
          %dma_wait3A_506 = arith.constant 0 : i32
          %dma_wait3A_507 = tpu.memref_slice %arg10[%dma_wait3A_505, %dma_wait3A_506] : memref<10240x64xbf16, #tpu.memory_space<vmem_shared>> -> memref<10240x64xbf16, #tpu.memory_space<vmem_shared>>
          tpu.wait_indirect_dma semaphore(%arg12 : memref<!tpu.dma_semaphore, #tpu.memory_space<semaphore_mem>>) src(%dma_wait3A_501 : memref<128x64xbf16, #tpu.memory_space<vmem>>) dst(%dma_wait3A_507 : memref<10240x64xbf16, #tpu.memory_space<vmem_shared>>)
          %dma_wait3A_508 = arith.constant 5 : i32
          %dma_wait3A_509 = arith.constant 0 : i32
          %dma_wait3A_510 = arith.constant 0 : i32
          %dma_wait3A_511 = arith.constant 0 : i32
          %dma_wait3A_512 = tpu.memref_slice %arg9[%rem3A_221, %dma_wait3A_508, %dma_wait3A_510, %dma_wait3A_511] : memref<2x8x128x64xbf16, #tpu.memory_space<vmem>> -> memref<1x1x128x64xbf16, #tpu.memory_space<vmem>>
          %dma_wait3A_513 = tpu.memref_squeeze %dma_wait3A_512 : memref<1x1x128x64xbf16, #tpu.memory_space<vmem>> -> memref<128x64xbf16, #tpu.memory_space<vmem>>
          %dma_wait3A_514 = arith.constant 0 : i32
          %dma_wait3A_515 = tpu.memref_slice %arg8[%dma_wait3A_509, %dma_wait3A_514] : memref<80x128xi32, #tpu.memory_space<vmem>> -> memref<1x128xi32, #tpu.memory_space<vmem>>
          %dma_wait3A_516 = tpu.memref_squeeze %dma_wait3A_515 : memref<1x128xi32, #tpu.memory_space<vmem>> -> memref<128xi32, #tpu.memory_space<vmem>>
          %dma_wait3A_517 = arith.constant 0 : i32
          %dma_wait3A_518 = arith.constant 0 : i32
          %dma_wait3A_519 = tpu.memref_slice %arg10[%dma_wait3A_517, %dma_wait3A_518] : memref<10240x64xbf16, #tpu.memory_space<vmem_shared>> -> memref<10240x64xbf16, #tpu.memory_space<vmem_shared>>
          tpu.wait_indirect_dma semaphore(%arg12 : memref<!tpu.dma_semaphore, #tpu.memory_space<semaphore_mem>>) src(%dma_wait3A_513 : memref<128x64xbf16, #tpu.memory_space<vmem>>) dst(%dma_wait3A_519 : memref<10240x64xbf16, #tpu.memory_space<vmem_shared>>)
          %dma_wait3A_520 = arith.constant 6 : i32
          %dma_wait3A_521 = arith.constant 0 : i32
          %dma_wait3A_522 = arith.constant 0 : i32
          %dma_wait3A_523 = arith.constant 0 : i32
          %dma_wait3A_524 = tpu.memref_slice %arg9[%rem3A_221, %dma_wait3A_520, %dma_wait3A_522, %dma_wait3A_523] : memref<2x8x128x64xbf16, #tpu.memory_space<vmem>> -> memref<1x1x128x64xbf16, #tpu.memory_space<vmem>>
          %dma_wait3A_525 = tpu.memref_squeeze %dma_wait3A_524 : memref<1x1x128x64xbf16, #tpu.memory_space<vmem>> -> memref<128x64xbf16, #tpu.memory_space<vmem>>
          %dma_wait3A_526 = arith.constant 0 : i32
          %dma_wait3A_527 = tpu.memref_slice %arg8[%dma_wait3A_521, %dma_wait3A_526] : memref<80x128xi32, #tpu.memory_space<vmem>> -> memref<1x128xi32, #tpu.memory_space<vmem>>
          %dma_wait3A_528 = tpu.memref_squeeze %dma_wait3A_527 : memref<1x128xi32, #tpu.memory_space<vmem>> -> memref<128xi32, #tpu.memory_space<vmem>>
          %dma_wait3A_529 = arith.constant 0 : i32
          %dma_wait3A_530 = arith.constant 0 : i32
          %dma_wait3A_531 = tpu.memref_slice %arg10[%dma_wait3A_529, %dma_wait3A_530] : memref<10240x64xbf16, #tpu.memory_space<vmem_shared>> -> memref<10240x64xbf16, #tpu.memory_space<vmem_shared>>
          tpu.wait_indirect_dma semaphore(%arg12 : memref<!tpu.dma_semaphore, #tpu.memory_space<semaphore_mem>>) src(%dma_wait3A_525 : memref<128x64xbf16, #tpu.memory_space<vmem>>) dst(%dma_wait3A_531 : memref<10240x64xbf16, #tpu.memory_space<vmem_shared>>)
          %dma_wait3A_532 = arith.constant 7 : i32
          %dma_wait3A_533 = arith.constant 0 : i32
          %dma_wait3A_534 = arith.constant 0 : i32
          %dma_wait3A_535 = arith.constant 0 : i32
          %dma_wait3A_536 = tpu.memref_slice %arg9[%rem3A_221, %dma_wait3A_532, %dma_wait3A_534, %dma_wait3A_535] : memref<2x8x128x64xbf16, #tpu.memory_space<vmem>> -> memref<1x1x128x64xbf16, #tpu.memory_space<vmem>>
          %dma_wait3A_537 = tpu.memref_squeeze %dma_wait3A_536 : memref<1x1x128x64xbf16, #tpu.memory_space<vmem>> -> memref<128x64xbf16, #tpu.memory_space<vmem>>
          %dma_wait3A_538 = arith.constant 0 : i32
          %dma_wait3A_539 = tpu.memref_slice %arg8[%dma_wait3A_533, %dma_wait3A_538] : memref<80x128xi32, #tpu.memory_space<vmem>> -> memref<1x128xi32, #tpu.memory_space<vmem>>
          %dma_wait3A_540 = tpu.memref_squeeze %dma_wait3A_539 : memref<1x128xi32, #tpu.memory_space<vmem>> -> memref<128xi32, #tpu.memory_space<vmem>>
          %dma_wait3A_541 = arith.constant 0 : i32
          %dma_wait3A_542 = arith.constant 0 : i32
          %dma_wait3A_543 = tpu.memref_slice %arg10[%dma_wait3A_541, %dma_wait3A_542] : memref<10240x64xbf16, #tpu.memory_space<vmem_shared>> -> memref<10240x64xbf16, #tpu.memory_space<vmem_shared>>
          tpu.wait_indirect_dma semaphore(%arg12 : memref<!tpu.dma_semaphore, #tpu.memory_space<semaphore_mem>>) src(%dma_wait3A_537 : memref<128x64xbf16, #tpu.memory_space<vmem>>) dst(%dma_wait3A_543 : memref<10240x64xbf16, #tpu.memory_space<vmem_shared>>)
        } else {
        }
        %add3A_442 = arith.constant 1 : i32
        %add3A_443 = arith.addi %scan3A_216, %add3A_442 : i32
        %lt3A = arith.constant 10 : i32
        %lt3A_444 = arith.cmpi slt, %add3A_443, %lt3A : i32
        %convert_element_type3A_445 = arith.extui %lt3A_444 : i1 to i32
        %cond3A_446 = arith.constant 0 : i32
        %cond3A_447 = arith.cmpi ne, %convert_element_type3A_445, %cond3A_446 : i32
        scf.if %cond3A_447 {
          %add3A_448 = arith.constant 1 : i32
          %add3A_449 = arith.addi %scan3A_216, %add3A_448 : i32
          %mul3A_450 = arith.constant 8 : i32
          %mul3A_451 = arith.muli %add3A_449, %mul3A_450 : i32
          %add3A_452 = arith.constant 0 : i32
          %add3A_453 = arith.addi %mul3A_451, %add3A_452 : i32
          %dma_start3A_454 = arith.constant 0 : i32
          %dma_start3A_455 = arith.constant 0 : i32
          %dma_start3A_456 = arith.constant 0 : i32
          %dma_start3A_457 = tpu.memref_slice %arg9[%rem3A_221, %dma_start3A_454, %dma_start3A_455, %dma_start3A_456] : memref<2x8x128x64xbf16, #tpu.memory_space<vmem>> -> memref<1x1x128x64xbf16, #tpu.memory_space<vmem>>
          %dma_start3A_458 = tpu.memref_squeeze %dma_start3A_457 : memref<1x1x128x64xbf16, #tpu.memory_space<vmem>> -> memref<128x64xbf16, #tpu.memory_space<vmem>>
          %dma_start3A_459 = arith.constant 0 : i32
          %dma_start3A_460 = tpu.memref_slice %arg7[%add3A_453, %dma_start3A_459] : memref<80x128xi32, #tpu.memory_space<vmem>> -> memref<1x128xi32, #tpu.memory_space<vmem>>
          %dma_start3A_461 = tpu.memref_squeeze %dma_start3A_460 : memref<1x128xi32, #tpu.memory_space<vmem>> -> memref<128xi32, #tpu.memory_space<vmem>>
          %dma_start3A_462 = arith.constant 0 : i32
          %dma_start3A_463 = arith.constant 0 : i32
          %dma_start3A_464 = tpu.memref_slice %arg2[%dma_start3A_462, %dma_start3A_463] : memref<10000x64xbf16, #tpu.memory_space<hbm>> -> memref<10000x64xbf16, #tpu.memory_space<hbm>>
          tpu.enqueue_indirect_dma source(%dma_start3A_464 : memref<10000x64xbf16, #tpu.memory_space<hbm>>) target(%dma_start3A_458 : memref<128x64xbf16, #tpu.memory_space<vmem>>) offsets(%dma_start3A_461 : memref<128xi32, #tpu.memory_space<vmem>>) semaphore(%arg11 : memref<!tpu.dma_semaphore, #tpu.memory_space<semaphore_mem>>)
          %mul3A_465 = arith.constant 8 : i32
          %mul3A_466 = arith.muli %add3A_449, %mul3A_465 : i32
          %add3A_467 = arith.constant 1 : i32
          %add3A_468 = arith.addi %mul3A_466, %add3A_467 : i32
          %dma_start3A_469 = arith.constant 1 : i32
          %dma_start3A_470 = arith.constant 0 : i32
          %dma_start3A_471 = arith.constant 0 : i32
          %dma_start3A_472 = tpu.memref_slice %arg9[%rem3A_221, %dma_start3A_469, %dma_start3A_470, %dma_start3A_471] : memref<2x8x128x64xbf16, #tpu.memory_space<vmem>> -> memref<1x1x128x64xbf16, #tpu.memory_space<vmem>>
          %dma_start3A_473 = tpu.memref_squeeze %dma_start3A_472 : memref<1x1x128x64xbf16, #tpu.memory_space<vmem>> -> memref<128x64xbf16, #tpu.memory_space<vmem>>
          %dma_start3A_474 = arith.constant 0 : i32
          %dma_start3A_475 = tpu.memref_slice %arg7[%add3A_468, %dma_start3A_474] : memref<80x128xi32, #tpu.memory_space<vmem>> -> memref<1x128xi32, #tpu.memory_space<vmem>>
          %dma_start3A_476 = tpu.memref_squeeze %dma_start3A_475 : memref<1x128xi32, #tpu.memory_space<vmem>> -> memref<128xi32, #tpu.memory_space<vmem>>
          %dma_start3A_477 = arith.constant 0 : i32
          %dma_start3A_478 = arith.constant 0 : i32
          %dma_start3A_479 = tpu.memref_slice %arg2[%dma_start3A_477, %dma_start3A_478] : memref<10000x64xbf16, #tpu.memory_space<hbm>> -> memref<10000x64xbf16, #tpu.memory_space<hbm>>
          tpu.enqueue_indirect_dma source(%dma_start3A_479 : memref<10000x64xbf16, #tpu.memory_space<hbm>>) target(%dma_start3A_473 : memref<128x64xbf16, #tpu.memory_space<vmem>>) offsets(%dma_start3A_476 : memref<128xi32, #tpu.memory_space<vmem>>) semaphore(%arg11 : memref<!tpu.dma_semaphore, #tpu.memory_space<semaphore_mem>>)
          %mul3A_480 = arith.constant 8 : i32
          %mul3A_481 = arith.muli %add3A_449, %mul3A_480 : i32
          %add3A_482 = arith.constant 2 : i32
          %add3A_483 = arith.addi %mul3A_481, %add3A_482 : i32
          %dma_start3A_484 = arith.constant 2 : i32
          %dma_start3A_485 = arith.constant 0 : i32
          %dma_start3A_486 = arith.constant 0 : i32
          %dma_start3A_487 = tpu.memref_slice %arg9[%rem3A_221, %dma_start3A_484, %dma_start3A_485, %dma_start3A_486] : memref<2x8x128x64xbf16, #tpu.memory_space<vmem>> -> memref<1x1x128x64xbf16, #tpu.memory_space<vmem>>
          %dma_start3A_488 = tpu.memref_squeeze %dma_start3A_487 : memref<1x1x128x64xbf16, #tpu.memory_space<vmem>> -> memref<128x64xbf16, #tpu.memory_space<vmem>>
          %dma_start3A_489 = arith.constant 0 : i32
          %dma_start3A_490 = tpu.memref_slice %arg7[%add3A_483, %dma_start3A_489] : memref<80x128xi32, #tpu.memory_space<vmem>> -> memref<1x128xi32, #tpu.memory_space<vmem>>
          %dma_start3A_491 = tpu.memref_squeeze %dma_start3A_490 : memref<1x128xi32, #tpu.memory_space<vmem>> -> memref<128xi32, #tpu.memory_space<vmem>>
          %dma_start3A_492 = arith.constant 0 : i32
          %dma_start3A_493 = arith.constant 0 : i32
          %dma_start3A_494 = tpu.memref_slice %arg2[%dma_start3A_492, %dma_start3A_493] : memref<10000x64xbf16, #tpu.memory_space<hbm>> -> memref<10000x64xbf16, #tpu.memory_space<hbm>>
          tpu.enqueue_indirect_dma source(%dma_start3A_494 : memref<10000x64xbf16, #tpu.memory_space<hbm>>) target(%dma_start3A_488 : memref<128x64xbf16, #tpu.memory_space<vmem>>) offsets(%dma_start3A_491 : memref<128xi32, #tpu.memory_space<vmem>>) semaphore(%arg11 : memref<!tpu.dma_semaphore, #tpu.memory_space<semaphore_mem>>)
          %mul3A_495 = arith.constant 8 : i32
          %mul3A_496 = arith.muli %add3A_449, %mul3A_495 : i32
          %add3A_497 = arith.constant 3 : i32
          %add3A_498 = arith.addi %mul3A_496, %add3A_497 : i32
          %dma_start3A_499 = arith.constant 3 : i32
          %dma_start3A_500 = arith.constant 0 : i32
          %dma_start3A_501 = arith.constant 0 : i32
          %dma_start3A_502 = tpu.memref_slice %arg9[%rem3A_221, %dma_start3A_499, %dma_start3A_500, %dma_start3A_501] : memref<2x8x128x64xbf16, #tpu.memory_space<vmem>> -> memref<1x1x128x64xbf16, #tpu.memory_space<vmem>>
          %dma_start3A_503 = tpu.memref_squeeze %dma_start3A_502 : memref<1x1x128x64xbf16, #tpu.memory_space<vmem>> -> memref<128x64xbf16, #tpu.memory_space<vmem>>
          %dma_start3A_504 = arith.constant 0 : i32
          %dma_start3A_505 = tpu.memref_slice %arg7[%add3A_498, %dma_start3A_504] : memref<80x128xi32, #tpu.memory_space<vmem>> -> memref<1x128xi32, #tpu.memory_space<vmem>>
          %dma_start3A_506 = tpu.memref_squeeze %dma_start3A_505 : memref<1x128xi32, #tpu.memory_space<vmem>> -> memref<128xi32, #tpu.memory_space<vmem>>
          %dma_start3A_507 = arith.constant 0 : i32
          %dma_start3A_508 = arith.constant 0 : i32
          %dma_start3A_509 = tpu.memref_slice %arg2[%dma_start3A_507, %dma_start3A_508] : memref<10000x64xbf16, #tpu.memory_space<hbm>> -> memref<10000x64xbf16, #tpu.memory_space<hbm>>
          tpu.enqueue_indirect_dma source(%dma_start3A_509 : memref<10000x64xbf16, #tpu.memory_space<hbm>>) target(%dma_start3A_503 : memref<128x64xbf16, #tpu.memory_space<vmem>>) offsets(%dma_start3A_506 : memref<128xi32, #tpu.memory_space<vmem>>) semaphore(%arg11 : memref<!tpu.dma_semaphore, #tpu.memory_space<semaphore_mem>>)
          %mul3A_510 = arith.constant 8 : i32
          %mul3A_511 = arith.muli %add3A_449, %mul3A_510 : i32
          %add3A_512 = arith.constant 4 : i32
          %add3A_513 = arith.addi %mul3A_511, %add3A_512 : i32
          %dma_start3A_514 = arith.constant 4 : i32
          %dma_start3A_515 = arith.constant 0 : i32
          %dma_start3A_516 = arith.constant 0 : i32
          %dma_start3A_517 = tpu.memref_slice %arg9[%rem3A_221, %dma_start3A_514, %dma_start3A_515, %dma_start3A_516] : memref<2x8x128x64xbf16, #tpu.memory_space<vmem>> -> memref<1x1x128x64xbf16, #tpu.memory_space<vmem>>
          %dma_start3A_518 = tpu.memref_squeeze %dma_start3A_517 : memref<1x1x128x64xbf16, #tpu.memory_space<vmem>> -> memref<128x64xbf16, #tpu.memory_space<vmem>>
          %dma_start3A_519 = arith.constant 0 : i32
          %dma_start3A_520 = tpu.memref_slice %arg7[%add3A_513, %dma_start3A_519] : memref<80x128xi32, #tpu.memory_space<vmem>> -> memref<1x128xi32, #tpu.memory_space<vmem>>
          %dma_start3A_521 = tpu.memref_squeeze %dma_start3A_520 : memref<1x128xi32, #tpu.memory_space<vmem>> -> memref<128xi32, #tpu.memory_space<vmem>>
          %dma_start3A_522 = arith.constant 0 : i32
          %dma_start3A_523 = arith.constant 0 : i32
          %dma_start3A_524 = tpu.memref_slice %arg2[%dma_start3A_522, %dma_start3A_523] : memref<10000x64xbf16, #tpu.memory_space<hbm>> -> memref<10000x64xbf16, #tpu.memory_space<hbm>>
          tpu.enqueue_indirect_dma source(%dma_start3A_524 : memref<10000x64xbf16, #tpu.memory_space<hbm>>) target(%dma_start3A_518 : memref<128x64xbf16, #tpu.memory_space<vmem>>) offsets(%dma_start3A_521 : memref<128xi32, #tpu.memory_space<vmem>>) semaphore(%arg11 : memref<!tpu.dma_semaphore, #tpu.memory_space<semaphore_mem>>)
          %mul3A_525 = arith.constant 8 : i32
          %mul3A_526 = arith.muli %add3A_449, %mul3A_525 : i32
          %add3A_527 = arith.constant 5 : i32
          %add3A_528 = arith.addi %mul3A_526, %add3A_527 : i32
          %dma_start3A_529 = arith.constant 5 : i32
          %dma_start3A_530 = arith.constant 0 : i32
          %dma_start3A_531 = arith.constant 0 : i32
          %dma_start3A_532 = tpu.memref_slice %arg9[%rem3A_221, %dma_start3A_529, %dma_start3A_530, %dma_start3A_531] : memref<2x8x128x64xbf16, #tpu.memory_space<vmem>> -> memref<1x1x128x64xbf16, #tpu.memory_space<vmem>>
          %dma_start3A_533 = tpu.memref_squeeze %dma_start3A_532 : memref<1x1x128x64xbf16, #tpu.memory_space<vmem>> -> memref<128x64xbf16, #tpu.memory_space<vmem>>
          %dma_start3A_534 = arith.constant 0 : i32
          %dma_start3A_535 = tpu.memref_slice %arg7[%add3A_528, %dma_start3A_534] : memref<80x128xi32, #tpu.memory_space<vmem>> -> memref<1x128xi32, #tpu.memory_space<vmem>>
          %dma_start3A_536 = tpu.memref_squeeze %dma_start3A_535 : memref<1x128xi32, #tpu.memory_space<vmem>> -> memref<128xi32, #tpu.memory_space<vmem>>
          %dma_start3A_537 = arith.constant 0 : i32
          %dma_start3A_538 = arith.constant 0 : i32
          %dma_start3A_539 = tpu.memref_slice %arg2[%dma_start3A_537, %dma_start3A_538] : memref<10000x64xbf16, #tpu.memory_space<hbm>> -> memref<10000x64xbf16, #tpu.memory_space<hbm>>
          tpu.enqueue_indirect_dma source(%dma_start3A_539 : memref<10000x64xbf16, #tpu.memory_space<hbm>>) target(%dma_start3A_533 : memref<128x64xbf16, #tpu.memory_space<vmem>>) offsets(%dma_start3A_536 : memref<128xi32, #tpu.memory_space<vmem>>) semaphore(%arg11 : memref<!tpu.dma_semaphore, #tpu.memory_space<semaphore_mem>>)
          %mul3A_540 = arith.constant 8 : i32
          %mul3A_541 = arith.muli %add3A_449, %mul3A_540 : i32
          %add3A_542 = arith.constant 6 : i32
          %add3A_543 = arith.addi %mul3A_541, %add3A_542 : i32
          %dma_start3A_544 = arith.constant 6 : i32
          %dma_start3A_545 = arith.constant 0 : i32
          %dma_start3A_546 = arith.constant 0 : i32
          %dma_start3A_547 = tpu.memref_slice %arg9[%rem3A_221, %dma_start3A_544, %dma_start3A_545, %dma_start3A_546] : memref<2x8x128x64xbf16, #tpu.memory_space<vmem>> -> memref<1x1x128x64xbf16, #tpu.memory_space<vmem>>
          %dma_start3A_548 = tpu.memref_squeeze %dma_start3A_547 : memref<1x1x128x64xbf16, #tpu.memory_space<vmem>> -> memref<128x64xbf16, #tpu.memory_space<vmem>>
          %dma_start3A_549 = arith.constant 0 : i32
          %dma_start3A_550 = tpu.memref_slice %arg7[%add3A_543, %dma_start3A_549] : memref<80x128xi32, #tpu.memory_space<vmem>> -> memref<1x128xi32, #tpu.memory_space<vmem>>
          %dma_start3A_551 = tpu.memref_squeeze %dma_start3A_550 : memref<1x128xi32, #tpu.memory_space<vmem>> -> memref<128xi32, #tpu.memory_space<vmem>>
          %dma_start3A_552 = arith.constant 0 : i32
          %dma_start3A_553 = arith.constant 0 : i32
          %dma_start3A_554 = tpu.memref_slice %arg2[%dma_start3A_552, %dma_start3A_553] : memref<10000x64xbf16, #tpu.memory_space<hbm>> -> memref<10000x64xbf16, #tpu.memory_space<hbm>>
          tpu.enqueue_indirect_dma source(%dma_start3A_554 : memref<10000x64xbf16, #tpu.memory_space<hbm>>) target(%dma_start3A_548 : memref<128x64xbf16, #tpu.memory_space<vmem>>) offsets(%dma_start3A_551 : memref<128xi32, #tpu.memory_space<vmem>>) semaphore(%arg11 : memref<!tpu.dma_semaphore, #tpu.memory_space<semaphore_mem>>)
          %mul3A_555 = arith.constant 8 : i32
          %mul3A_556 = arith.muli %add3A_449, %mul3A_555 : i32
          %add3A_557 = arith.constant 7 : i32
          %add3A_558 = arith.addi %mul3A_556, %add3A_557 : i32
          %dma_start3A_559 = arith.constant 7 : i32
          %dma_start3A_560 = arith.constant 0 : i32
          %dma_start3A_561 = arith.constant 0 : i32
          %dma_start3A_562 = tpu.memref_slice %arg9[%rem3A_221, %dma_start3A_559, %dma_start3A_560, %dma_start3A_561] : memref<2x8x128x64xbf16, #tpu.memory_space<vmem>> -> memref<1x1x128x64xbf16, #tpu.memory_space<vmem>>
          %dma_start3A_563 = tpu.memref_squeeze %dma_start3A_562 : memref<1x1x128x64xbf16, #tpu.memory_space<vmem>> -> memref<128x64xbf16, #tpu.memory_space<vmem>>
          %dma_start3A_564 = arith.constant 0 : i32
          %dma_start3A_565 = tpu.memref_slice %arg7[%add3A_558, %dma_start3A_564] : memref<80x128xi32, #tpu.memory_space<vmem>> -> memref<1x128xi32, #tpu.memory_space<vmem>>
          %dma_start3A_566 = tpu.memref_squeeze %dma_start3A_565 : memref<1x128xi32, #tpu.memory_space<vmem>> -> memref<128xi32, #tpu.memory_space<vmem>>
          %dma_start3A_567 = arith.constant 0 : i32
          %dma_start3A_568 = arith.constant 0 : i32
          %dma_start3A_569 = tpu.memref_slice %arg2[%dma_start3A_567, %dma_start3A_568] : memref<10000x64xbf16, #tpu.memory_space<hbm>> -> memref<10000x64xbf16, #tpu.memory_space<hbm>>
          tpu.enqueue_indirect_dma source(%dma_start3A_569 : memref<10000x64xbf16, #tpu.memory_space<hbm>>) target(%dma_start3A_563 : memref<128x64xbf16, #tpu.memory_space<vmem>>) offsets(%dma_start3A_566 : memref<128xi32, #tpu.memory_space<vmem>>) semaphore(%arg11 : memref<!tpu.dma_semaphore, #tpu.memory_space<semaphore_mem>>)
        } else {
        }
      }
      %scan3A_118 = arith.constant 10 : i32
      %rem3A = arith.constant 9 : i32
      %rem3A_119 = arith.constant 2 : i32
      %rem3A_120 = arith.remsi %rem3A, %rem3A_119 : i32
      %dma_wait3A = arith.constant 0 : i32
      %dma_wait3A_121 = arith.constant 0 : i32
      %dma_wait3A_122 = arith.constant 0 : i32
      %dma_wait3A_123 = arith.constant 0 : i32
      %dma_wait3A_124 = tpu.memref_slice %arg9[%rem3A_120, %dma_wait3A, %dma_wait3A_122, %dma_wait3A_123] : memref<2x8x128x64xbf16, #tpu.memory_space<vmem>> -> memref<1x1x128x64xbf16, #tpu.memory_space<vmem>>
      %dma_wait3A_125 = tpu.memref_squeeze %dma_wait3A_124 : memref<1x1x128x64xbf16, #tpu.memory_space<vmem>> -> memref<128x64xbf16, #tpu.memory_space<vmem>>
      %dma_wait3A_126 = arith.constant 0 : i32
      %dma_wait3A_127 = tpu.memref_slice %arg8[%dma_wait3A_121, %dma_wait3A_126] : memref<80x128xi32, #tpu.memory_space<vmem>> -> memref<1x128xi32, #tpu.memory_space<vmem>>
      %dma_wait3A_128 = tpu.memref_squeeze %dma_wait3A_127 : memref<1x128xi32, #tpu.memory_space<vmem>> -> memref<128xi32, #tpu.memory_space<vmem>>
      %dma_wait3A_129 = arith.constant 0 : i32
      %dma_wait3A_130 = arith.constant 0 : i32
      %dma_wait3A_131 = tpu.memref_slice %arg10[%dma_wait3A_129, %dma_wait3A_130] : memref<10240x64xbf16, #tpu.memory_space<vmem_shared>> -> memref<10240x64xbf16, #tpu.memory_space<vmem_shared>>
      tpu.wait_indirect_dma semaphore(%arg12 : memref<!tpu.dma_semaphore, #tpu.memory_space<semaphore_mem>>) src(%dma_wait3A_125 : memref<128x64xbf16, #tpu.memory_space<vmem>>) dst(%dma_wait3A_131 : memref<10240x64xbf16, #tpu.memory_space<vmem_shared>>)
      %dma_wait3A_132 = arith.constant 1 : i32
      %dma_wait3A_133 = arith.constant 0 : i32
      %dma_wait3A_134 = arith.constant 0 : i32
      %dma_wait3A_135 = arith.constant 0 : i32
      %dma_wait3A_136 = tpu.memref_slice %arg9[%rem3A_120, %dma_wait3A_132, %dma_wait3A_134, %dma_wait3A_135] : memref<2x8x128x64xbf16, #tpu.memory_space<vmem>> -> memref<1x1x128x64xbf16, #tpu.memory_space<vmem>>
      %dma_wait3A_137 = tpu.memref_squeeze %dma_wait3A_136 : memref<1x1x128x64xbf16, #tpu.memory_space<vmem>> -> memref<128x64xbf16, #tpu.memory_space<vmem>>
      %dma_wait3A_138 = arith.constant 0 : i32
      %dma_wait3A_139 = tpu.memref_slice %arg8[%dma_wait3A_133, %dma_wait3A_138] : memref<80x128xi32, #tpu.memory_space<vmem>> -> memref<1x128xi32, #tpu.memory_space<vmem>>
      %dma_wait3A_140 = tpu.memref_squeeze %dma_wait3A_139 : memref<1x128xi32, #tpu.memory_space<vmem>> -> memref<128xi32, #tpu.memory_space<vmem>>
      %dma_wait3A_141 = arith.constant 0 : i32
      %dma_wait3A_142 = arith.constant 0 : i32
      %dma_wait3A_143 = tpu.memref_slice %arg10[%dma_wait3A_141, %dma_wait3A_142] : memref<10240x64xbf16, #tpu.memory_space<vmem_shared>> -> memref<10240x64xbf16, #tpu.memory_space<vmem_shared>>
      tpu.wait_indirect_dma semaphore(%arg12 : memref<!tpu.dma_semaphore, #tpu.memory_space<semaphore_mem>>) src(%dma_wait3A_137 : memref<128x64xbf16, #tpu.memory_space<vmem>>) dst(%dma_wait3A_143 : memref<10240x64xbf16, #tpu.memory_space<vmem_shared>>)
      %dma_wait3A_144 = arith.constant 2 : i32
      %dma_wait3A_145 = arith.constant 0 : i32
      %dma_wait3A_146 = arith.constant 0 : i32
      %dma_wait3A_147 = arith.constant 0 : i32
      %dma_wait3A_148 = tpu.memref_slice %arg9[%rem3A_120, %dma_wait3A_144, %dma_wait3A_146, %dma_wait3A_147] : memref<2x8x128x64xbf16, #tpu.memory_space<vmem>> -> memref<1x1x128x64xbf16, #tpu.memory_space<vmem>>
      %dma_wait3A_149 = tpu.memref_squeeze %dma_wait3A_148 : memref<1x1x128x64xbf16, #tpu.memory_space<vmem>> -> memref<128x64xbf16, #tpu.memory_space<vmem>>
      %dma_wait3A_150 = arith.constant 0 : i32
      %dma_wait3A_151 = tpu.memref_slice %arg8[%dma_wait3A_145, %dma_wait3A_150] : memref<80x128xi32, #tpu.memory_space<vmem>> -> memref<1x128xi32, #tpu.memory_space<vmem>>
      %dma_wait3A_152 = tpu.memref_squeeze %dma_wait3A_151 : memref<1x128xi32, #tpu.memory_space<vmem>> -> memref<128xi32, #tpu.memory_space<vmem>>
      %dma_wait3A_153 = arith.constant 0 : i32
      %dma_wait3A_154 = arith.constant 0 : i32
      %dma_wait3A_155 = tpu.memref_slice %arg10[%dma_wait3A_153, %dma_wait3A_154] : memref<10240x64xbf16, #tpu.memory_space<vmem_shared>> -> memref<10240x64xbf16, #tpu.memory_space<vmem_shared>>
      tpu.wait_indirect_dma semaphore(%arg12 : memref<!tpu.dma_semaphore, #tpu.memory_space<semaphore_mem>>) src(%dma_wait3A_149 : memref<128x64xbf16, #tpu.memory_space<vmem>>) dst(%dma_wait3A_155 : memref<10240x64xbf16, #tpu.memory_space<vmem_shared>>)
      %dma_wait3A_156 = arith.constant 3 : i32
      %dma_wait3A_157 = arith.constant 0 : i32
      %dma_wait3A_158 = arith.constant 0 : i32
      %dma_wait3A_159 = arith.constant 0 : i32
      %dma_wait3A_160 = tpu.memref_slice %arg9[%rem3A_120, %dma_wait3A_156, %dma_wait3A_158, %dma_wait3A_159] : memref<2x8x128x64xbf16, #tpu.memory_space<vmem>> -> memref<1x1x128x64xbf16, #tpu.memory_space<vmem>>
      %dma_wait3A_161 = tpu.memref_squeeze %dma_wait3A_160 : memref<1x1x128x64xbf16, #tpu.memory_space<vmem>> -> memref<128x64xbf16, #tpu.memory_space<vmem>>
      %dma_wait3A_162 = arith.constant 0 : i32
      %dma_wait3A_163 = tpu.memref_slice %arg8[%dma_wait3A_157, %dma_wait3A_162] : memref<80x128xi32, #tpu.memory_space<vmem>> -> memref<1x128xi32, #tpu.memory_space<vmem>>
      %dma_wait3A_164 = tpu.memref_squeeze %dma_wait3A_163 : memref<1x128xi32, #tpu.memory_space<vmem>> -> memref<128xi32, #tpu.memory_space<vmem>>
      %dma_wait3A_165 = arith.constant 0 : i32
      %dma_wait3A_166 = arith.constant 0 : i32
      %dma_wait3A_167 = tpu.memref_slice %arg10[%dma_wait3A_165, %dma_wait3A_166] : memref<10240x64xbf16, #tpu.memory_space<vmem_shared>> -> memref<10240x64xbf16, #tpu.memory_space<vmem_shared>>
      tpu.wait_indirect_dma semaphore(%arg12 : memref<!tpu.dma_semaphore, #tpu.memory_space<semaphore_mem>>) src(%dma_wait3A_161 : memref<128x64xbf16, #tpu.memory_space<vmem>>) dst(%dma_wait3A_167 : memref<10240x64xbf16, #tpu.memory_space<vmem_shared>>)
      %dma_wait3A_168 = arith.constant 4 : i32
      %dma_wait3A_169 = arith.constant 0 : i32
      %dma_wait3A_170 = arith.constant 0 : i32
      %dma_wait3A_171 = arith.constant 0 : i32
      %dma_wait3A_172 = tpu.memref_slice %arg9[%rem3A_120, %dma_wait3A_168, %dma_wait3A_170, %dma_wait3A_171] : memref<2x8x128x64xbf16, #tpu.memory_space<vmem>> -> memref<1x1x128x64xbf16, #tpu.memory_space<vmem>>
      %dma_wait3A_173 = tpu.memref_squeeze %dma_wait3A_172 : memref<1x1x128x64xbf16, #tpu.memory_space<vmem>> -> memref<128x64xbf16, #tpu.memory_space<vmem>>
      %dma_wait3A_174 = arith.constant 0 : i32
      %dma_wait3A_175 = tpu.memref_slice %arg8[%dma_wait3A_169, %dma_wait3A_174] : memref<80x128xi32, #tpu.memory_space<vmem>> -> memref<1x128xi32, #tpu.memory_space<vmem>>
      %dma_wait3A_176 = tpu.memref_squeeze %dma_wait3A_175 : memref<1x128xi32, #tpu.memory_space<vmem>> -> memref<128xi32, #tpu.memory_space<vmem>>
      %dma_wait3A_177 = arith.constant 0 : i32
      %dma_wait3A_178 = arith.constant 0 : i32
      %dma_wait3A_179 = tpu.memref_slice %arg10[%dma_wait3A_177, %dma_wait3A_178] : memref<10240x64xbf16, #tpu.memory_space<vmem_shared>> -> memref<10240x64xbf16, #tpu.memory_space<vmem_shared>>
      tpu.wait_indirect_dma semaphore(%arg12 : memref<!tpu.dma_semaphore, #tpu.memory_space<semaphore_mem>>) src(%dma_wait3A_173 : memref<128x64xbf16, #tpu.memory_space<vmem>>) dst(%dma_wait3A_179 : memref<10240x64xbf16, #tpu.memory_space<vmem_shared>>)
      %dma_wait3A_180 = arith.constant 5 : i32
      %dma_wait3A_181 = arith.constant 0 : i32
      %dma_wait3A_182 = arith.constant 0 : i32
      %dma_wait3A_183 = arith.constant 0 : i32
      %dma_wait3A_184 = tpu.memref_slice %arg9[%rem3A_120, %dma_wait3A_180, %dma_wait3A_182, %dma_wait3A_183] : memref<2x8x128x64xbf16, #tpu.memory_space<vmem>> -> memref<1x1x128x64xbf16, #tpu.memory_space<vmem>>
      %dma_wait3A_185 = tpu.memref_squeeze %dma_wait3A_184 : memref<1x1x128x64xbf16, #tpu.memory_space<vmem>> -> memref<128x64xbf16, #tpu.memory_space<vmem>>
      %dma_wait3A_186 = arith.constant 0 : i32
      %dma_wait3A_187 = tpu.memref_slice %arg8[%dma_wait3A_181, %dma_wait3A_186] : memref<80x128xi32, #tpu.memory_space<vmem>> -> memref<1x128xi32, #tpu.memory_space<vmem>>
      %dma_wait3A_188 = tpu.memref_squeeze %dma_wait3A_187 : memref<1x128xi32, #tpu.memory_space<vmem>> -> memref<128xi32, #tpu.memory_space<vmem>>
      %dma_wait3A_189 = arith.constant 0 : i32
      %dma_wait3A_190 = arith.constant 0 : i32
      %dma_wait3A_191 = tpu.memref_slice %arg10[%dma_wait3A_189, %dma_wait3A_190] : memref<10240x64xbf16, #tpu.memory_space<vmem_shared>> -> memref<10240x64xbf16, #tpu.memory_space<vmem_shared>>
      tpu.wait_indirect_dma semaphore(%arg12 : memref<!tpu.dma_semaphore, #tpu.memory_space<semaphore_mem>>) src(%dma_wait3A_185 : memref<128x64xbf16, #tpu.memory_space<vmem>>) dst(%dma_wait3A_191 : memref<10240x64xbf16, #tpu.memory_space<vmem_shared>>)
      %dma_wait3A_192 = arith.constant 6 : i32
      %dma_wait3A_193 = arith.constant 0 : i32
      %dma_wait3A_194 = arith.constant 0 : i32
      %dma_wait3A_195 = arith.constant 0 : i32
      %dma_wait3A_196 = tpu.memref_slice %arg9[%rem3A_120, %dma_wait3A_192, %dma_wait3A_194, %dma_wait3A_195] : memref<2x8x128x64xbf16, #tpu.memory_space<vmem>> -> memref<1x1x128x64xbf16, #tpu.memory_space<vmem>>
      %dma_wait3A_197 = tpu.memref_squeeze %dma_wait3A_196 : memref<1x1x128x64xbf16, #tpu.memory_space<vmem>> -> memref<128x64xbf16, #tpu.memory_space<vmem>>
      %dma_wait3A_198 = arith.constant 0 : i32
      %dma_wait3A_199 = tpu.memref_slice %arg8[%dma_wait3A_193, %dma_wait3A_198] : memref<80x128xi32, #tpu.memory_space<vmem>> -> memref<1x128xi32, #tpu.memory_space<vmem>>
      %dma_wait3A_200 = tpu.memref_squeeze %dma_wait3A_199 : memref<1x128xi32, #tpu.memory_space<vmem>> -> memref<128xi32, #tpu.memory_space<vmem>>
      %dma_wait3A_201 = arith.constant 0 : i32
      %dma_wait3A_202 = arith.constant 0 : i32
      %dma_wait3A_203 = tpu.memref_slice %arg10[%dma_wait3A_201, %dma_wait3A_202] : memref<10240x64xbf16, #tpu.memory_space<vmem_shared>> -> memref<10240x64xbf16, #tpu.memory_space<vmem_shared>>
      tpu.wait_indirect_dma semaphore(%arg12 : memref<!tpu.dma_semaphore, #tpu.memory_space<semaphore_mem>>) src(%dma_wait3A_197 : memref<128x64xbf16, #tpu.memory_space<vmem>>) dst(%dma_wait3A_203 : memref<10240x64xbf16, #tpu.memory_space<vmem_shared>>)
      %dma_wait3A_204 = arith.constant 7 : i32
      %dma_wait3A_205 = arith.constant 0 : i32
      %dma_wait3A_206 = arith.constant 0 : i32
      %dma_wait3A_207 = arith.constant 0 : i32
      %dma_wait3A_208 = tpu.memref_slice %arg9[%rem3A_120, %dma_wait3A_204, %dma_wait3A_206, %dma_wait3A_207] : memref<2x8x128x64xbf16, #tpu.memory_space<vmem>> -> memref<1x1x128x64xbf16, #tpu.memory_space<vmem>>
      %dma_wait3A_209 = tpu.memref_squeeze %dma_wait3A_208 : memref<1x1x128x64xbf16, #tpu.memory_space<vmem>> -> memref<128x64xbf16, #tpu.memory_space<vmem>>
      %dma_wait3A_210 = arith.constant 0 : i32
      %dma_wait3A_211 = tpu.memref_slice %arg8[%dma_wait3A_205, %dma_wait3A_210] : memref<80x128xi32, #tpu.memory_space<vmem>> -> memref<1x128xi32, #tpu.memory_space<vmem>>
      %dma_wait3A_212 = tpu.memref_squeeze %dma_wait3A_211 : memref<1x128xi32, #tpu.memory_space<vmem>> -> memref<128xi32, #tpu.memory_space<vmem>>
      %dma_wait3A_213 = arith.constant 0 : i32
      %dma_wait3A_214 = arith.constant 0 : i32
      %dma_wait3A_215 = tpu.memref_slice %arg10[%dma_wait3A_213, %dma_wait3A_214] : memref<10240x64xbf16, #tpu.memory_space<vmem_shared>> -> memref<10240x64xbf16, #tpu.memory_space<vmem_shared>>
      tpu.wait_indirect_dma semaphore(%arg12 : memref<!tpu.dma_semaphore, #tpu.memory_space<semaphore_mem>>) src(%dma_wait3A_209 : memref<128x64xbf16, #tpu.memory_space<vmem>>) dst(%dma_wait3A_215 : memref<10240x64xbf16, #tpu.memory_space<vmem_shared>>)
    } else {
    }
    %eq3A_3 = arith.constant 1 : i32
    %eq3A_4 = arith.cmpi eq, %arg0, %eq3A_3 : i32
    %convert_element_type3A_5 = arith.extui %eq3A_4 : i1 to i32
    %cond3A_6 = arith.constant 0 : i32
    %cond3A_7 = arith.cmpi ne, %convert_element_type3A_5, %cond3A_6 : i32
    scf.if %cond3A_7 {
      %mul3A_9 = arith.constant 160 : i32
      %mul3A_10 = arith.muli %arg1, %mul3A_9 : i32
      %add3A = arith.constant 80 : i32
      %add3A_11 = arith.addi %mul3A_10, %add3A : i32
      "tpu.region"() ({
        %run_scoped3A = tpu.sem_alloc : memref<!tpu.dma_semaphore, #tpu.memory_space<semaphore_mem>>
        %dma_start3A_217 = arith.constant 0 : i32
        %dma_start3A_218 = arith.constant 0 : i32
        %dma_start3A_219 = tpu.memref_slice %arg7[%dma_start3A_217, %dma_start3A_218] : memref<80x128xi32, #tpu.memory_space<vmem>> -> memref<80x128xi32, #tpu.memory_space<vmem>>
        %dma_start3A_220 = arith.constant 0 : i32
        %dma_start3A_221 = tpu.memref_slice %arg3[%add3A_11, %dma_start3A_220] : memref<2560x128xi32, #tpu.memory_space<hbm>> -> memref<80x128xi32, #tpu.memory_space<hbm>>
        %dma_start3A_222 = arith.constant 0 : i32
        %dma_start3A_223 = arith.constant 0 : i32
        %dma_start3A_224 = tpu.memref_slice %arg7[%dma_start3A_222, %dma_start3A_223] : memref<80x128xi32, #tpu.memory_space<vmem>> -> memref<80x128xi32, #tpu.memory_space<vmem>>
        %dma_start3A_225 = arith.constant 0 : i32
        %dma_start3A_226 = tpu.memref_slice %arg3[%add3A_11, %dma_start3A_225] : memref<2560x128xi32, #tpu.memory_space<hbm>> -> memref<80x128xi32, #tpu.memory_space<hbm>>
        tpu.enqueue_dma source(%dma_start3A_226 : memref<80x128xi32, #tpu.memory_space<hbm>>) target(%dma_start3A_224 : memref<80x128xi32, #tpu.memory_space<vmem>>) target_semaphore(%run_scoped3A : memref<!tpu.dma_semaphore, #tpu.memory_space<semaphore_mem>>)
        %dma_wait3A_227 = arith.constant 0 : i32
        %dma_wait3A_228 = arith.constant 0 : i32
        %dma_wait3A_229 = tpu.memref_slice %arg7[%dma_wait3A_227, %dma_wait3A_228] : memref<80x128xi32, #tpu.memory_space<vmem>> -> memref<80x128xi32, #tpu.memory_space<vmem>>
        %dma_wait3A_230 = arith.constant 0 : i32
        %dma_wait3A_231 = tpu.memref_slice %arg3[%add3A_11, %dma_wait3A_230] : memref<2560x128xi32, #tpu.memory_space<hbm>> -> memref<80x128xi32, #tpu.memory_space<hbm>>
        %dma_wait3A_232 = arith.constant 0 : i32
        %dma_wait3A_233 = arith.constant 0 : i32
        %dma_wait3A_234 = tpu.memref_slice %arg7[%dma_wait3A_232, %dma_wait3A_233] : memref<80x128xi32, #tpu.memory_space<vmem>> -> memref<80x128xi32, #tpu.memory_space<vmem>>
        %dma_wait3A_235 = arith.constant 0 : i32
        %dma_wait3A_236 = tpu.memref_slice %arg3[%add3A_11, %dma_wait3A_235] : memref<2560x128xi32, #tpu.memory_space<hbm>> -> memref<80x128xi32, #tpu.memory_space<hbm>>
        tpu.wait_dma2 semaphore(%run_scoped3A : memref<!tpu.dma_semaphore, #tpu.memory_space<semaphore_mem>>) src(%dma_wait3A_236 : memref<80x128xi32, #tpu.memory_space<hbm>>) dst(%dma_wait3A_234 : memref<80x128xi32, #tpu.memory_space<vmem>>)
        tpu.yield
      }) : () -> ()
      "tpu.region"() ({
        %run_scoped3A = tpu.sem_alloc : memref<!tpu.dma_semaphore, #tpu.memory_space<semaphore_mem>>
        %dma_start3A_217 = arith.constant 0 : i32
        %dma_start3A_218 = arith.constant 0 : i32
        %dma_start3A_219 = tpu.memref_slice %arg8[%dma_start3A_217, %dma_start3A_218] : memref<80x128xi32, #tpu.memory_space<vmem>> -> memref<80x128xi32, #tpu.memory_space<vmem>>
        %dma_start3A_220 = arith.constant 0 : i32
        %dma_start3A_221 = tpu.memref_slice %arg4[%add3A_11, %dma_start3A_220] : memref<2560x128xi32, #tpu.memory_space<hbm>> -> memref<80x128xi32, #tpu.memory_space<hbm>>
        %dma_start3A_222 = arith.constant 0 : i32
        %dma_start3A_223 = arith.constant 0 : i32
        %dma_start3A_224 = tpu.memref_slice %arg8[%dma_start3A_222, %dma_start3A_223] : memref<80x128xi32, #tpu.memory_space<vmem>> -> memref<80x128xi32, #tpu.memory_space<vmem>>
        %dma_start3A_225 = arith.constant 0 : i32
        %dma_start3A_226 = tpu.memref_slice %arg4[%add3A_11, %dma_start3A_225] : memref<2560x128xi32, #tpu.memory_space<hbm>> -> memref<80x128xi32, #tpu.memory_space<hbm>>
        tpu.enqueue_dma source(%dma_start3A_226 : memref<80x128xi32, #tpu.memory_space<hbm>>) target(%dma_start3A_224 : memref<80x128xi32, #tpu.memory_space<vmem>>) target_semaphore(%run_scoped3A : memref<!tpu.dma_semaphore, #tpu.memory_space<semaphore_mem>>)
        %dma_wait3A_227 = arith.constant 0 : i32
        %dma_wait3A_228 = arith.constant 0 : i32
        %dma_wait3A_229 = tpu.memref_slice %arg8[%dma_wait3A_227, %dma_wait3A_228] : memref<80x128xi32, #tpu.memory_space<vmem>> -> memref<80x128xi32, #tpu.memory_space<vmem>>
        %dma_wait3A_230 = arith.constant 0 : i32
        %dma_wait3A_231 = tpu.memref_slice %arg4[%add3A_11, %dma_wait3A_230] : memref<2560x128xi32, #tpu.memory_space<hbm>> -> memref<80x128xi32, #tpu.memory_space<hbm>>
        %dma_wait3A_232 = arith.constant 0 : i32
        %dma_wait3A_233 = arith.constant 0 : i32
        %dma_wait3A_234 = tpu.memref_slice %arg8[%dma_wait3A_232, %dma_wait3A_233] : memref<80x128xi32, #tpu.memory_space<vmem>> -> memref<80x128xi32, #tpu.memory_space<vmem>>
        %dma_wait3A_235 = arith.constant 0 : i32
        %dma_wait3A_236 = tpu.memref_slice %arg4[%add3A_11, %dma_wait3A_235] : memref<2560x128xi32, #tpu.memory_space<hbm>> -> memref<80x128xi32, #tpu.memory_space<hbm>>
        tpu.wait_dma2 semaphore(%run_scoped3A : memref<!tpu.dma_semaphore, #tpu.memory_space<semaphore_mem>>) src(%dma_wait3A_236 : memref<80x128xi32, #tpu.memory_space<hbm>>) dst(%dma_wait3A_234 : memref<80x128xi32, #tpu.memory_space<vmem>>)
        tpu.yield
      }) : () -> ()
      %dma_start3A = arith.constant 0 : i32
      %dma_start3A_12 = arith.constant 0 : i32
      %dma_start3A_13 = arith.constant 0 : i32
      %dma_start3A_14 = arith.constant 0 : i32
      %dma_start3A_15 = arith.constant 0 : i32
      %dma_start3A_16 = tpu.memref_slice %arg9[%dma_start3A_12, %dma_start3A_13, %dma_start3A_14, %dma_start3A_15] : memref<2x8x128x64xbf16, #tpu.memory_space<vmem>> -> memref<1x1x128x64xbf16, #tpu.memory_space<vmem>>
      %dma_start3A_17 = tpu.memref_squeeze %dma_start3A_16 : memref<1x1x128x64xbf16, #tpu.memory_space<vmem>> -> memref<128x64xbf16, #tpu.memory_space<vmem>>
      %dma_start3A_18 = arith.constant 0 : i32
      %dma_start3A_19 = tpu.memref_slice %arg7[%dma_start3A, %dma_start3A_18] : memref<80x128xi32, #tpu.memory_space<vmem>> -> memref<1x128xi32, #tpu.memory_space<vmem>>
      %dma_start3A_20 = tpu.memref_squeeze %dma_start3A_19 : memref<1x128xi32, #tpu.memory_space<vmem>> -> memref<128xi32, #tpu.memory_space<vmem>>
      %dma_start3A_21 = arith.constant 0 : i32
      %dma_start3A_22 = arith.constant 0 : i32
      %dma_start3A_23 = tpu.memref_slice %arg2[%dma_start3A_21, %dma_start3A_22] : memref<10000x64xbf16, #tpu.memory_space<hbm>> -> memref<10000x64xbf16, #tpu.memory_space<hbm>>
      tpu.enqueue_indirect_dma source(%dma_start3A_23 : memref<10000x64xbf16, #tpu.memory_space<hbm>>) target(%dma_start3A_17 : memref<128x64xbf16, #tpu.memory_space<vmem>>) offsets(%dma_start3A_20 : memref<128xi32, #tpu.memory_space<vmem>>) semaphore(%arg11 : memref<!tpu.dma_semaphore, #tpu.memory_space<semaphore_mem>>)
      %dma_start3A_24 = arith.constant 1 : i32
      %dma_start3A_25 = arith.constant 0 : i32
      %dma_start3A_26 = arith.constant 1 : i32
      %dma_start3A_27 = arith.constant 0 : i32
      %dma_start3A_28 = arith.constant 0 : i32
      %dma_start3A_29 = tpu.memref_slice %arg9[%dma_start3A_25, %dma_start3A_26, %dma_start3A_27, %dma_start3A_28] : memref<2x8x128x64xbf16, #tpu.memory_space<vmem>> -> memref<1x1x128x64xbf16, #tpu.memory_space<vmem>>
      %dma_start3A_30 = tpu.memref_squeeze %dma_start3A_29 : memref<1x1x128x64xbf16, #tpu.memory_space<vmem>> -> memref<128x64xbf16, #tpu.memory_space<vmem>>
      %dma_start3A_31 = arith.constant 0 : i32
      %dma_start3A_32 = tpu.memref_slice %arg7[%dma_start3A_24, %dma_start3A_31] : memref<80x128xi32, #tpu.memory_space<vmem>> -> memref<1x128xi32, #tpu.memory_space<vmem>>
      %dma_start3A_33 = tpu.memref_squeeze %dma_start3A_32 : memref<1x128xi32, #tpu.memory_space<vmem>> -> memref<128xi32, #tpu.memory_space<vmem>>
      %dma_start3A_34 = arith.constant 0 : i32
      %dma_start3A_35 = arith.constant 0 : i32
      %dma_start3A_36 = tpu.memref_slice %arg2[%dma_start3A_34, %dma_start3A_35] : memref<10000x64xbf16, #tpu.memory_space<hbm>> -> memref<10000x64xbf16, #tpu.memory_space<hbm>>
      tpu.enqueue_indirect_dma source(%dma_start3A_36 : memref<10000x64xbf16, #tpu.memory_space<hbm>>) target(%dma_start3A_30 : memref<128x64xbf16, #tpu.memory_space<vmem>>) offsets(%dma_start3A_33 : memref<128xi32, #tpu.memory_space<vmem>>) semaphore(%arg11 : memref<!tpu.dma_semaphore, #tpu.memory_space<semaphore_mem>>)
      %dma_start3A_37 = arith.constant 2 : i32
      %dma_start3A_38 = arith.constant 0 : i32
      %dma_start3A_39 = arith.constant 2 : i32
      %dma_start3A_40 = arith.constant 0 : i32
      %dma_start3A_41 = arith.constant 0 : i32
      %dma_start3A_42 = tpu.memref_slice %arg9[%dma_start3A_38, %dma_start3A_39, %dma_start3A_40, %dma_start3A_41] : memref<2x8x128x64xbf16, #tpu.memory_space<vmem>> -> memref<1x1x128x64xbf16, #tpu.memory_space<vmem>>
      %dma_start3A_43 = tpu.memref_squeeze %dma_start3A_42 : memref<1x1x128x64xbf16, #tpu.memory_space<vmem>> -> memref<128x64xbf16, #tpu.memory_space<vmem>>
      %dma_start3A_44 = arith.constant 0 : i32
      %dma_start3A_45 = tpu.memref_slice %arg7[%dma_start3A_37, %dma_start3A_44] : memref<80x128xi32, #tpu.memory_space<vmem>> -> memref<1x128xi32, #tpu.memory_space<vmem>>
      %dma_start3A_46 = tpu.memref_squeeze %dma_start3A_45 : memref<1x128xi32, #tpu.memory_space<vmem>> -> memref<128xi32, #tpu.memory_space<vmem>>
      %dma_start3A_47 = arith.constant 0 : i32
      %dma_start3A_48 = arith.constant 0 : i32
      %dma_start3A_49 = tpu.memref_slice %arg2[%dma_start3A_47, %dma_start3A_48] : memref<10000x64xbf16, #tpu.memory_space<hbm>> -> memref<10000x64xbf16, #tpu.memory_space<hbm>>
      tpu.enqueue_indirect_dma source(%dma_start3A_49 : memref<10000x64xbf16, #tpu.memory_space<hbm>>) target(%dma_start3A_43 : memref<128x64xbf16, #tpu.memory_space<vmem>>) offsets(%dma_start3A_46 : memref<128xi32, #tpu.memory_space<vmem>>) semaphore(%arg11 : memref<!tpu.dma_semaphore, #tpu.memory_space<semaphore_mem>>)
      %dma_start3A_50 = arith.constant 3 : i32
      %dma_start3A_51 = arith.constant 0 : i32
      %dma_start3A_52 = arith.constant 3 : i32
      %dma_start3A_53 = arith.constant 0 : i32
      %dma_start3A_54 = arith.constant 0 : i32
      %dma_start3A_55 = tpu.memref_slice %arg9[%dma_start3A_51, %dma_start3A_52, %dma_start3A_53, %dma_start3A_54] : memref<2x8x128x64xbf16, #tpu.memory_space<vmem>> -> memref<1x1x128x64xbf16, #tpu.memory_space<vmem>>
      %dma_start3A_56 = tpu.memref_squeeze %dma_start3A_55 : memref<1x1x128x64xbf16, #tpu.memory_space<vmem>> -> memref<128x64xbf16, #tpu.memory_space<vmem>>
      %dma_start3A_57 = arith.constant 0 : i32
      %dma_start3A_58 = tpu.memref_slice %arg7[%dma_start3A_50, %dma_start3A_57] : memref<80x128xi32, #tpu.memory_space<vmem>> -> memref<1x128xi32, #tpu.memory_space<vmem>>
      %dma_start3A_59 = tpu.memref_squeeze %dma_start3A_58 : memref<1x128xi32, #tpu.memory_space<vmem>> -> memref<128xi32, #tpu.memory_space<vmem>>
      %dma_start3A_60 = arith.constant 0 : i32
      %dma_start3A_61 = arith.constant 0 : i32
      %dma_start3A_62 = tpu.memref_slice %arg2[%dma_start3A_60, %dma_start3A_61] : memref<10000x64xbf16, #tpu.memory_space<hbm>> -> memref<10000x64xbf16, #tpu.memory_space<hbm>>
      tpu.enqueue_indirect_dma source(%dma_start3A_62 : memref<10000x64xbf16, #tpu.memory_space<hbm>>) target(%dma_start3A_56 : memref<128x64xbf16, #tpu.memory_space<vmem>>) offsets(%dma_start3A_59 : memref<128xi32, #tpu.memory_space<vmem>>) semaphore(%arg11 : memref<!tpu.dma_semaphore, #tpu.memory_space<semaphore_mem>>)
      %dma_start3A_63 = arith.constant 4 : i32
      %dma_start3A_64 = arith.constant 0 : i32
      %dma_start3A_65 = arith.constant 4 : i32
      %dma_start3A_66 = arith.constant 0 : i32
      %dma_start3A_67 = arith.constant 0 : i32
      %dma_start3A_68 = tpu.memref_slice %arg9[%dma_start3A_64, %dma_start3A_65, %dma_start3A_66, %dma_start3A_67] : memref<2x8x128x64xbf16, #tpu.memory_space<vmem>> -> memref<1x1x128x64xbf16, #tpu.memory_space<vmem>>
      %dma_start3A_69 = tpu.memref_squeeze %dma_start3A_68 : memref<1x1x128x64xbf16, #tpu.memory_space<vmem>> -> memref<128x64xbf16, #tpu.memory_space<vmem>>
      %dma_start3A_70 = arith.constant 0 : i32
      %dma_start3A_71 = tpu.memref_slice %arg7[%dma_start3A_63, %dma_start3A_70] : memref<80x128xi32, #tpu.memory_space<vmem>> -> memref<1x128xi32, #tpu.memory_space<vmem>>
      %dma_start3A_72 = tpu.memref_squeeze %dma_start3A_71 : memref<1x128xi32, #tpu.memory_space<vmem>> -> memref<128xi32, #tpu.memory_space<vmem>>
      %dma_start3A_73 = arith.constant 0 : i32
      %dma_start3A_74 = arith.constant 0 : i32
      %dma_start3A_75 = tpu.memref_slice %arg2[%dma_start3A_73, %dma_start3A_74] : memref<10000x64xbf16, #tpu.memory_space<hbm>> -> memref<10000x64xbf16, #tpu.memory_space<hbm>>
      tpu.enqueue_indirect_dma source(%dma_start3A_75 : memref<10000x64xbf16, #tpu.memory_space<hbm>>) target(%dma_start3A_69 : memref<128x64xbf16, #tpu.memory_space<vmem>>) offsets(%dma_start3A_72 : memref<128xi32, #tpu.memory_space<vmem>>) semaphore(%arg11 : memref<!tpu.dma_semaphore, #tpu.memory_space<semaphore_mem>>)
      %dma_start3A_76 = arith.constant 5 : i32
      %dma_start3A_77 = arith.constant 0 : i32
      %dma_start3A_78 = arith.constant 5 : i32
      %dma_start3A_79 = arith.constant 0 : i32
      %dma_start3A_80 = arith.constant 0 : i32
      %dma_start3A_81 = tpu.memref_slice %arg9[%dma_start3A_77, %dma_start3A_78, %dma_start3A_79, %dma_start3A_80] : memref<2x8x128x64xbf16, #tpu.memory_space<vmem>> -> memref<1x1x128x64xbf16, #tpu.memory_space<vmem>>
      %dma_start3A_82 = tpu.memref_squeeze %dma_start3A_81 : memref<1x1x128x64xbf16, #tpu.memory_space<vmem>> -> memref<128x64xbf16, #tpu.memory_space<vmem>>
      %dma_start3A_83 = arith.constant 0 : i32
      %dma_start3A_84 = tpu.memref_slice %arg7[%dma_start3A_76, %dma_start3A_83] : memref<80x128xi32, #tpu.memory_space<vmem>> -> memref<1x128xi32, #tpu.memory_space<vmem>>
      %dma_start3A_85 = tpu.memref_squeeze %dma_start3A_84 : memref<1x128xi32, #tpu.memory_space<vmem>> -> memref<128xi32, #tpu.memory_space<vmem>>
      %dma_start3A_86 = arith.constant 0 : i32
      %dma_start3A_87 = arith.constant 0 : i32
      %dma_start3A_88 = tpu.memref_slice %arg2[%dma_start3A_86, %dma_start3A_87] : memref<10000x64xbf16, #tpu.memory_space<hbm>> -> memref<10000x64xbf16, #tpu.memory_space<hbm>>
      tpu.enqueue_indirect_dma source(%dma_start3A_88 : memref<10000x64xbf16, #tpu.memory_space<hbm>>) target(%dma_start3A_82 : memref<128x64xbf16, #tpu.memory_space<vmem>>) offsets(%dma_start3A_85 : memref<128xi32, #tpu.memory_space<vmem>>) semaphore(%arg11 : memref<!tpu.dma_semaphore, #tpu.memory_space<semaphore_mem>>)
      %dma_start3A_89 = arith.constant 6 : i32
      %dma_start3A_90 = arith.constant 0 : i32
      %dma_start3A_91 = arith.constant 6 : i32
      %dma_start3A_92 = arith.constant 0 : i32
      %dma_start3A_93 = arith.constant 0 : i32
      %dma_start3A_94 = tpu.memref_slice %arg9[%dma_start3A_90, %dma_start3A_91, %dma_start3A_92, %dma_start3A_93] : memref<2x8x128x64xbf16, #tpu.memory_space<vmem>> -> memref<1x1x128x64xbf16, #tpu.memory_space<vmem>>
      %dma_start3A_95 = tpu.memref_squeeze %dma_start3A_94 : memref<1x1x128x64xbf16, #tpu.memory_space<vmem>> -> memref<128x64xbf16, #tpu.memory_space<vmem>>
      %dma_start3A_96 = arith.constant 0 : i32
      %dma_start3A_97 = tpu.memref_slice %arg7[%dma_start3A_89, %dma_start3A_96] : memref<80x128xi32, #tpu.memory_space<vmem>> -> memref<1x128xi32, #tpu.memory_space<vmem>>
      %dma_start3A_98 = tpu.memref_squeeze %dma_start3A_97 : memref<1x128xi32, #tpu.memory_space<vmem>> -> memref<128xi32, #tpu.memory_space<vmem>>
      %dma_start3A_99 = arith.constant 0 : i32
      %dma_start3A_100 = arith.constant 0 : i32
      %dma_start3A_101 = tpu.memref_slice %arg2[%dma_start3A_99, %dma_start3A_100] : memref<10000x64xbf16, #tpu.memory_space<hbm>> -> memref<10000x64xbf16, #tpu.memory_space<hbm>>
      tpu.enqueue_indirect_dma source(%dma_start3A_101 : memref<10000x64xbf16, #tpu.memory_space<hbm>>) target(%dma_start3A_95 : memref<128x64xbf16, #tpu.memory_space<vmem>>) offsets(%dma_start3A_98 : memref<128xi32, #tpu.memory_space<vmem>>) semaphore(%arg11 : memref<!tpu.dma_semaphore, #tpu.memory_space<semaphore_mem>>)
      %dma_start3A_102 = arith.constant 7 : i32
      %dma_start3A_103 = arith.constant 0 : i32
      %dma_start3A_104 = arith.constant 7 : i32
      %dma_start3A_105 = arith.constant 0 : i32
      %dma_start3A_106 = arith.constant 0 : i32
      %dma_start3A_107 = tpu.memref_slice %arg9[%dma_start3A_103, %dma_start3A_104, %dma_start3A_105, %dma_start3A_106] : memref<2x8x128x64xbf16, #tpu.memory_space<vmem>> -> memref<1x1x128x64xbf16, #tpu.memory_space<vmem>>
      %dma_start3A_108 = tpu.memref_squeeze %dma_start3A_107 : memref<1x1x128x64xbf16, #tpu.memory_space<vmem>> -> memref<128x64xbf16, #tpu.memory_space<vmem>>
      %dma_start3A_109 = arith.constant 0 : i32
      %dma_start3A_110 = tpu.memref_slice %arg7[%dma_start3A_102, %dma_start3A_109] : memref<80x128xi32, #tpu.memory_space<vmem>> -> memref<1x128xi32, #tpu.memory_space<vmem>>
      %dma_start3A_111 = tpu.memref_squeeze %dma_start3A_110 : memref<1x128xi32, #tpu.memory_space<vmem>> -> memref<128xi32, #tpu.memory_space<vmem>>
      %dma_start3A_112 = arith.constant 0 : i32
      %dma_start3A_113 = arith.constant 0 : i32
      %dma_start3A_114 = tpu.memref_slice %arg2[%dma_start3A_112, %dma_start3A_113] : memref<10000x64xbf16, #tpu.memory_space<hbm>> -> memref<10000x64xbf16, #tpu.memory_space<hbm>>
      tpu.enqueue_indirect_dma source(%dma_start3A_114 : memref<10000x64xbf16, #tpu.memory_space<hbm>>) target(%dma_start3A_108 : memref<128x64xbf16, #tpu.memory_space<vmem>>) offsets(%dma_start3A_111 : memref<128xi32, #tpu.memory_space<vmem>>) semaphore(%arg11 : memref<!tpu.dma_semaphore, #tpu.memory_space<semaphore_mem>>)
      %scan3A = arith.constant 0 : i32
      %scan3A_115 = arith.constant 0 : i32
      %scan3A_116 = arith.constant 10 : i32
      %scan3A_117 = arith.addi %scan3A_115, %scan3A_116 : i32
      %scan3A_118 = arith.constant 1 : i32
      scf.for %scan3A_217 = %scan3A_115 to %scan3A_117 step %scan3A_118  : i32 {
        %rem3A_218 = arith.constant 2 : i32
        %rem3A_219 = arith.remsi %scan3A_217, %rem3A_218 : i32
        %add3A_220 = arith.constant 1 : i32
        %add3A_221 = arith.addi %scan3A_217, %add3A_220 : i32
        %rem3A_222 = arith.constant 2 : i32
        %rem3A_223 = arith.remsi %add3A_221, %rem3A_222 : i32
        %dma_wait3A_224 = arith.constant 0 : i32
        %dma_wait3A_225 = arith.constant 0 : i32
        %dma_wait3A_226 = arith.constant 0 : i32
        %dma_wait3A_227 = arith.constant 0 : i32
        %dma_wait3A_228 = tpu.memref_slice %arg9[%rem3A_219, %dma_wait3A_225, %dma_wait3A_226, %dma_wait3A_227] : memref<2x8x128x64xbf16, #tpu.memory_space<vmem>> -> memref<1x1x128x64xbf16, #tpu.memory_space<vmem>>
        %dma_wait3A_229 = tpu.memref_squeeze %dma_wait3A_228 : memref<1x1x128x64xbf16, #tpu.memory_space<vmem>> -> memref<128x64xbf16, #tpu.memory_space<vmem>>
        %dma_wait3A_230 = arith.constant 0 : i32
        %dma_wait3A_231 = tpu.memref_slice %arg7[%dma_wait3A_224, %dma_wait3A_230] : memref<80x128xi32, #tpu.memory_space<vmem>> -> memref<1x128xi32, #tpu.memory_space<vmem>>
        %dma_wait3A_232 = tpu.memref_squeeze %dma_wait3A_231 : memref<1x128xi32, #tpu.memory_space<vmem>> -> memref<128xi32, #tpu.memory_space<vmem>>
        %dma_wait3A_233 = arith.constant 0 : i32
        %dma_wait3A_234 = arith.constant 0 : i32
        %dma_wait3A_235 = tpu.memref_slice %arg2[%dma_wait3A_233, %dma_wait3A_234] : memref<10000x64xbf16, #tpu.memory_space<hbm>> -> memref<10000x64xbf16, #tpu.memory_space<hbm>>
        tpu.wait_indirect_dma semaphore(%arg11 : memref<!tpu.dma_semaphore, #tpu.memory_space<semaphore_mem>>) src(%dma_wait3A_235 : memref<10000x64xbf16, #tpu.memory_space<hbm>>) dst(%dma_wait3A_229 : memref<128x64xbf16, #tpu.memory_space<vmem>>)
        %dma_wait3A_236 = arith.constant 0 : i32
        %dma_wait3A_237 = arith.constant 1 : i32
        %dma_wait3A_238 = arith.constant 0 : i32
        %dma_wait3A_239 = arith.constant 0 : i32
        %dma_wait3A_240 = tpu.memref_slice %arg9[%rem3A_219, %dma_wait3A_237, %dma_wait3A_238, %dma_wait3A_239] : memref<2x8x128x64xbf16, #tpu.memory_space<vmem>> -> memref<1x1x128x64xbf16, #tpu.memory_space<vmem>>
        %dma_wait3A_241 = tpu.memref_squeeze %dma_wait3A_240 : memref<1x1x128x64xbf16, #tpu.memory_space<vmem>> -> memref<128x64xbf16, #tpu.memory_space<vmem>>
        %dma_wait3A_242 = arith.constant 0 : i32
        %dma_wait3A_243 = tpu.memref_slice %arg7[%dma_wait3A_236, %dma_wait3A_242] : memref<80x128xi32, #tpu.memory_space<vmem>> -> memref<1x128xi32, #tpu.memory_space<vmem>>
        %dma_wait3A_244 = tpu.memref_squeeze %dma_wait3A_243 : memref<1x128xi32, #tpu.memory_space<vmem>> -> memref<128xi32, #tpu.memory_space<vmem>>
        %dma_wait3A_245 = arith.constant 0 : i32
        %dma_wait3A_246 = arith.constant 0 : i32
        %dma_wait3A_247 = tpu.memref_slice %arg2[%dma_wait3A_245, %dma_wait3A_246] : memref<10000x64xbf16, #tpu.memory_space<hbm>> -> memref<10000x64xbf16, #tpu.memory_space<hbm>>
        tpu.wait_indirect_dma semaphore(%arg11 : memref<!tpu.dma_semaphore, #tpu.memory_space<semaphore_mem>>) src(%dma_wait3A_247 : memref<10000x64xbf16, #tpu.memory_space<hbm>>) dst(%dma_wait3A_241 : memref<128x64xbf16, #tpu.memory_space<vmem>>)
        %dma_wait3A_248 = arith.constant 0 : i32
        %dma_wait3A_249 = arith.constant 2 : i32
        %dma_wait3A_250 = arith.constant 0 : i32
        %dma_wait3A_251 = arith.constant 0 : i32
        %dma_wait3A_252 = tpu.memref_slice %arg9[%rem3A_219, %dma_wait3A_249, %dma_wait3A_250, %dma_wait3A_251] : memref<2x8x128x64xbf16, #tpu.memory_space<vmem>> -> memref<1x1x128x64xbf16, #tpu.memory_space<vmem>>
        %dma_wait3A_253 = tpu.memref_squeeze %dma_wait3A_252 : memref<1x1x128x64xbf16, #tpu.memory_space<vmem>> -> memref<128x64xbf16, #tpu.memory_space<vmem>>
        %dma_wait3A_254 = arith.constant 0 : i32
        %dma_wait3A_255 = tpu.memref_slice %arg7[%dma_wait3A_248, %dma_wait3A_254] : memref<80x128xi32, #tpu.memory_space<vmem>> -> memref<1x128xi32, #tpu.memory_space<vmem>>
        %dma_wait3A_256 = tpu.memref_squeeze %dma_wait3A_255 : memref<1x128xi32, #tpu.memory_space<vmem>> -> memref<128xi32, #tpu.memory_space<vmem>>
        %dma_wait3A_257 = arith.constant 0 : i32
        %dma_wait3A_258 = arith.constant 0 : i32
        %dma_wait3A_259 = tpu.memref_slice %arg2[%dma_wait3A_257, %dma_wait3A_258] : memref<10000x64xbf16, #tpu.memory_space<hbm>> -> memref<10000x64xbf16, #tpu.memory_space<hbm>>
        tpu.wait_indirect_dma semaphore(%arg11 : memref<!tpu.dma_semaphore, #tpu.memory_space<semaphore_mem>>) src(%dma_wait3A_259 : memref<10000x64xbf16, #tpu.memory_space<hbm>>) dst(%dma_wait3A_253 : memref<128x64xbf16, #tpu.memory_space<vmem>>)
        %dma_wait3A_260 = arith.constant 0 : i32
        %dma_wait3A_261 = arith.constant 3 : i32
        %dma_wait3A_262 = arith.constant 0 : i32
        %dma_wait3A_263 = arith.constant 0 : i32
        %dma_wait3A_264 = tpu.memref_slice %arg9[%rem3A_219, %dma_wait3A_261, %dma_wait3A_262, %dma_wait3A_263] : memref<2x8x128x64xbf16, #tpu.memory_space<vmem>> -> memref<1x1x128x64xbf16, #tpu.memory_space<vmem>>
        %dma_wait3A_265 = tpu.memref_squeeze %dma_wait3A_264 : memref<1x1x128x64xbf16, #tpu.memory_space<vmem>> -> memref<128x64xbf16, #tpu.memory_space<vmem>>
        %dma_wait3A_266 = arith.constant 0 : i32
        %dma_wait3A_267 = tpu.memref_slice %arg7[%dma_wait3A_260, %dma_wait3A_266] : memref<80x128xi32, #tpu.memory_space<vmem>> -> memref<1x128xi32, #tpu.memory_space<vmem>>
        %dma_wait3A_268 = tpu.memref_squeeze %dma_wait3A_267 : memref<1x128xi32, #tpu.memory_space<vmem>> -> memref<128xi32, #tpu.memory_space<vmem>>
        %dma_wait3A_269 = arith.constant 0 : i32
        %dma_wait3A_270 = arith.constant 0 : i32
        %dma_wait3A_271 = tpu.memref_slice %arg2[%dma_wait3A_269, %dma_wait3A_270] : memref<10000x64xbf16, #tpu.memory_space<hbm>> -> memref<10000x64xbf16, #tpu.memory_space<hbm>>
        tpu.wait_indirect_dma semaphore(%arg11 : memref<!tpu.dma_semaphore, #tpu.memory_space<semaphore_mem>>) src(%dma_wait3A_271 : memref<10000x64xbf16, #tpu.memory_space<hbm>>) dst(%dma_wait3A_265 : memref<128x64xbf16, #tpu.memory_space<vmem>>)
        %dma_wait3A_272 = arith.constant 0 : i32
        %dma_wait3A_273 = arith.constant 4 : i32
        %dma_wait3A_274 = arith.constant 0 : i32
        %dma_wait3A_275 = arith.constant 0 : i32
        %dma_wait3A_276 = tpu.memref_slice %arg9[%rem3A_219, %dma_wait3A_273, %dma_wait3A_274, %dma_wait3A_275] : memref<2x8x128x64xbf16, #tpu.memory_space<vmem>> -> memref<1x1x128x64xbf16, #tpu.memory_space<vmem>>
        %dma_wait3A_277 = tpu.memref_squeeze %dma_wait3A_276 : memref<1x1x128x64xbf16, #tpu.memory_space<vmem>> -> memref<128x64xbf16, #tpu.memory_space<vmem>>
        %dma_wait3A_278 = arith.constant 0 : i32
        %dma_wait3A_279 = tpu.memref_slice %arg7[%dma_wait3A_272, %dma_wait3A_278] : memref<80x128xi32, #tpu.memory_space<vmem>> -> memref<1x128xi32, #tpu.memory_space<vmem>>
        %dma_wait3A_280 = tpu.memref_squeeze %dma_wait3A_279 : memref<1x128xi32, #tpu.memory_space<vmem>> -> memref<128xi32, #tpu.memory_space<vmem>>
        %dma_wait3A_281 = arith.constant 0 : i32
        %dma_wait3A_282 = arith.constant 0 : i32
        %dma_wait3A_283 = tpu.memref_slice %arg2[%dma_wait3A_281, %dma_wait3A_282] : memref<10000x64xbf16, #tpu.memory_space<hbm>> -> memref<10000x64xbf16, #tpu.memory_space<hbm>>
        tpu.wait_indirect_dma semaphore(%arg11 : memref<!tpu.dma_semaphore, #tpu.memory_space<semaphore_mem>>) src(%dma_wait3A_283 : memref<10000x64xbf16, #tpu.memory_space<hbm>>) dst(%dma_wait3A_277 : memref<128x64xbf16, #tpu.memory_space<vmem>>)
        %dma_wait3A_284 = arith.constant 0 : i32
        %dma_wait3A_285 = arith.constant 5 : i32
        %dma_wait3A_286 = arith.constant 0 : i32
        %dma_wait3A_287 = arith.constant 0 : i32
        %dma_wait3A_288 = tpu.memref_slice %arg9[%rem3A_219, %dma_wait3A_285, %dma_wait3A_286, %dma_wait3A_287] : memref<2x8x128x64xbf16, #tpu.memory_space<vmem>> -> memref<1x1x128x64xbf16, #tpu.memory_space<vmem>>
        %dma_wait3A_289 = tpu.memref_squeeze %dma_wait3A_288 : memref<1x1x128x64xbf16, #tpu.memory_space<vmem>> -> memref<128x64xbf16, #tpu.memory_space<vmem>>
        %dma_wait3A_290 = arith.constant 0 : i32
        %dma_wait3A_291 = tpu.memref_slice %arg7[%dma_wait3A_284, %dma_wait3A_290] : memref<80x128xi32, #tpu.memory_space<vmem>> -> memref<1x128xi32, #tpu.memory_space<vmem>>
        %dma_wait3A_292 = tpu.memref_squeeze %dma_wait3A_291 : memref<1x128xi32, #tpu.memory_space<vmem>> -> memref<128xi32, #tpu.memory_space<vmem>>
        %dma_wait3A_293 = arith.constant 0 : i32
        %dma_wait3A_294 = arith.constant 0 : i32
        %dma_wait3A_295 = tpu.memref_slice %arg2[%dma_wait3A_293, %dma_wait3A_294] : memref<10000x64xbf16, #tpu.memory_space<hbm>> -> memref<10000x64xbf16, #tpu.memory_space<hbm>>
        tpu.wait_indirect_dma semaphore(%arg11 : memref<!tpu.dma_semaphore, #tpu.memory_space<semaphore_mem>>) src(%dma_wait3A_295 : memref<10000x64xbf16, #tpu.memory_space<hbm>>) dst(%dma_wait3A_289 : memref<128x64xbf16, #tpu.memory_space<vmem>>)
        %dma_wait3A_296 = arith.constant 0 : i32
        %dma_wait3A_297 = arith.constant 6 : i32
        %dma_wait3A_298 = arith.constant 0 : i32
        %dma_wait3A_299 = arith.constant 0 : i32
        %dma_wait3A_300 = tpu.memref_slice %arg9[%rem3A_219, %dma_wait3A_297, %dma_wait3A_298, %dma_wait3A_299] : memref<2x8x128x64xbf16, #tpu.memory_space<vmem>> -> memref<1x1x128x64xbf16, #tpu.memory_space<vmem>>
        %dma_wait3A_301 = tpu.memref_squeeze %dma_wait3A_300 : memref<1x1x128x64xbf16, #tpu.memory_space<vmem>> -> memref<128x64xbf16, #tpu.memory_space<vmem>>
        %dma_wait3A_302 = arith.constant 0 : i32
        %dma_wait3A_303 = tpu.memref_slice %arg7[%dma_wait3A_296, %dma_wait3A_302] : memref<80x128xi32, #tpu.memory_space<vmem>> -> memref<1x128xi32, #tpu.memory_space<vmem>>
        %dma_wait3A_304 = tpu.memref_squeeze %dma_wait3A_303 : memref<1x128xi32, #tpu.memory_space<vmem>> -> memref<128xi32, #tpu.memory_space<vmem>>
        %dma_wait3A_305 = arith.constant 0 : i32
        %dma_wait3A_306 = arith.constant 0 : i32
        %dma_wait3A_307 = tpu.memref_slice %arg2[%dma_wait3A_305, %dma_wait3A_306] : memref<10000x64xbf16, #tpu.memory_space<hbm>> -> memref<10000x64xbf16, #tpu.memory_space<hbm>>
        tpu.wait_indirect_dma semaphore(%arg11 : memref<!tpu.dma_semaphore, #tpu.memory_space<semaphore_mem>>) src(%dma_wait3A_307 : memref<10000x64xbf16, #tpu.memory_space<hbm>>) dst(%dma_wait3A_301 : memref<128x64xbf16, #tpu.memory_space<vmem>>)
        %dma_wait3A_308 = arith.constant 0 : i32
        %dma_wait3A_309 = arith.constant 7 : i32
        %dma_wait3A_310 = arith.constant 0 : i32
        %dma_wait3A_311 = arith.constant 0 : i32
        %dma_wait3A_312 = tpu.memref_slice %arg9[%rem3A_219, %dma_wait3A_309, %dma_wait3A_310, %dma_wait3A_311] : memref<2x8x128x64xbf16, #tpu.memory_space<vmem>> -> memref<1x1x128x64xbf16, #tpu.memory_space<vmem>>
        %dma_wait3A_313 = tpu.memref_squeeze %dma_wait3A_312 : memref<1x1x128x64xbf16, #tpu.memory_space<vmem>> -> memref<128x64xbf16, #tpu.memory_space<vmem>>
        %dma_wait3A_314 = arith.constant 0 : i32
        %dma_wait3A_315 = tpu.memref_slice %arg7[%dma_wait3A_308, %dma_wait3A_314] : memref<80x128xi32, #tpu.memory_space<vmem>> -> memref<1x128xi32, #tpu.memory_space<vmem>>
        %dma_wait3A_316 = tpu.memref_squeeze %dma_wait3A_315 : memref<1x128xi32, #tpu.memory_space<vmem>> -> memref<128xi32, #tpu.memory_space<vmem>>
        %dma_wait3A_317 = arith.constant 0 : i32
        %dma_wait3A_318 = arith.constant 0 : i32
        %dma_wait3A_319 = tpu.memref_slice %arg2[%dma_wait3A_317, %dma_wait3A_318] : memref<10000x64xbf16, #tpu.memory_space<hbm>> -> memref<10000x64xbf16, #tpu.memory_space<hbm>>
        tpu.wait_indirect_dma semaphore(%arg11 : memref<!tpu.dma_semaphore, #tpu.memory_space<semaphore_mem>>) src(%dma_wait3A_319 : memref<10000x64xbf16, #tpu.memory_space<hbm>>) dst(%dma_wait3A_313 : memref<128x64xbf16, #tpu.memory_space<vmem>>)
        %mul3A_320 = arith.constant 8 : i32
        %mul3A_321 = arith.muli %scan3A_217, %mul3A_320 : i32
        %add3A_322 = arith.constant 0 : i32
        %add3A_323 = arith.addi %mul3A_321, %add3A_322 : i32
        %dma_start3A_324 = arith.constant 0 : i32
        %dma_start3A_325 = arith.constant 0 : i32
        %dma_start3A_326 = arith.constant 0 : i32
        %dma_start3A_327 = tpu.memref_slice %arg9[%rem3A_219, %dma_start3A_324, %dma_start3A_325, %dma_start3A_326] : memref<2x8x128x64xbf16, #tpu.memory_space<vmem>> -> memref<1x1x128x64xbf16, #tpu.memory_space<vmem>>
        %dma_start3A_328 = tpu.memref_squeeze %dma_start3A_327 : memref<1x1x128x64xbf16, #tpu.memory_space<vmem>> -> memref<128x64xbf16, #tpu.memory_space<vmem>>
        %dma_start3A_329 = arith.constant 0 : i32
        %dma_start3A_330 = tpu.memref_slice %arg8[%add3A_323, %dma_start3A_329] : memref<80x128xi32, #tpu.memory_space<vmem>> -> memref<1x128xi32, #tpu.memory_space<vmem>>
        %dma_start3A_331 = tpu.memref_squeeze %dma_start3A_330 : memref<1x128xi32, #tpu.memory_space<vmem>> -> memref<128xi32, #tpu.memory_space<vmem>>
        %dma_start3A_332 = arith.constant 0 : i32
        %dma_start3A_333 = arith.constant 0 : i32
        %dma_start3A_334 = tpu.memref_slice %arg10[%dma_start3A_332, %dma_start3A_333] : memref<10240x64xbf16, #tpu.memory_space<vmem_shared>> -> memref<10240x64xbf16, #tpu.memory_space<vmem_shared>>
        tpu.enqueue_indirect_dma source(%dma_start3A_328 : memref<128x64xbf16, #tpu.memory_space<vmem>>) target(%dma_start3A_334 : memref<10240x64xbf16, #tpu.memory_space<vmem_shared>>) offsets(%dma_start3A_331 : memref<128xi32, #tpu.memory_space<vmem>>) semaphore(%arg12 : memref<!tpu.dma_semaphore, #tpu.memory_space<semaphore_mem>>) {add = true}
        %mul3A_335 = arith.constant 8 : i32
        %mul3A_336 = arith.muli %scan3A_217, %mul3A_335 : i32
        %add3A_337 = arith.constant 1 : i32
        %add3A_338 = arith.addi %mul3A_336, %add3A_337 : i32
        %dma_start3A_339 = arith.constant 1 : i32
        %dma_start3A_340 = arith.constant 0 : i32
        %dma_start3A_341 = arith.constant 0 : i32
        %dma_start3A_342 = tpu.memref_slice %arg9[%rem3A_219, %dma_start3A_339, %dma_start3A_340, %dma_start3A_341] : memref<2x8x128x64xbf16, #tpu.memory_space<vmem>> -> memref<1x1x128x64xbf16, #tpu.memory_space<vmem>>
        %dma_start3A_343 = tpu.memref_squeeze %dma_start3A_342 : memref<1x1x128x64xbf16, #tpu.memory_space<vmem>> -> memref<128x64xbf16, #tpu.memory_space<vmem>>
        %dma_start3A_344 = arith.constant 0 : i32
        %dma_start3A_345 = tpu.memref_slice %arg8[%add3A_338, %dma_start3A_344] : memref<80x128xi32, #tpu.memory_space<vmem>> -> memref<1x128xi32, #tpu.memory_space<vmem>>
        %dma_start3A_346 = tpu.memref_squeeze %dma_start3A_345 : memref<1x128xi32, #tpu.memory_space<vmem>> -> memref<128xi32, #tpu.memory_space<vmem>>
        %dma_start3A_347 = arith.constant 0 : i32
        %dma_start3A_348 = arith.constant 0 : i32
        %dma_start3A_349 = tpu.memref_slice %arg10[%dma_start3A_347, %dma_start3A_348] : memref<10240x64xbf16, #tpu.memory_space<vmem_shared>> -> memref<10240x64xbf16, #tpu.memory_space<vmem_shared>>
        tpu.enqueue_indirect_dma source(%dma_start3A_343 : memref<128x64xbf16, #tpu.memory_space<vmem>>) target(%dma_start3A_349 : memref<10240x64xbf16, #tpu.memory_space<vmem_shared>>) offsets(%dma_start3A_346 : memref<128xi32, #tpu.memory_space<vmem>>) semaphore(%arg12 : memref<!tpu.dma_semaphore, #tpu.memory_space<semaphore_mem>>) {add = true}
        %mul3A_350 = arith.constant 8 : i32
        %mul3A_351 = arith.muli %scan3A_217, %mul3A_350 : i32
        %add3A_352 = arith.constant 2 : i32
        %add3A_353 = arith.addi %mul3A_351, %add3A_352 : i32
        %dma_start3A_354 = arith.constant 2 : i32
        %dma_start3A_355 = arith.constant 0 : i32
        %dma_start3A_356 = arith.constant 0 : i32
        %dma_start3A_357 = tpu.memref_slice %arg9[%rem3A_219, %dma_start3A_354, %dma_start3A_355, %dma_start3A_356] : memref<2x8x128x64xbf16, #tpu.memory_space<vmem>> -> memref<1x1x128x64xbf16, #tpu.memory_space<vmem>>
        %dma_start3A_358 = tpu.memref_squeeze %dma_start3A_357 : memref<1x1x128x64xbf16, #tpu.memory_space<vmem>> -> memref<128x64xbf16, #tpu.memory_space<vmem>>
        %dma_start3A_359 = arith.constant 0 : i32
        %dma_start3A_360 = tpu.memref_slice %arg8[%add3A_353, %dma_start3A_359] : memref<80x128xi32, #tpu.memory_space<vmem>> -> memref<1x128xi32, #tpu.memory_space<vmem>>
        %dma_start3A_361 = tpu.memref_squeeze %dma_start3A_360 : memref<1x128xi32, #tpu.memory_space<vmem>> -> memref<128xi32, #tpu.memory_space<vmem>>
        %dma_start3A_362 = arith.constant 0 : i32
        %dma_start3A_363 = arith.constant 0 : i32
        %dma_start3A_364 = tpu.memref_slice %arg10[%dma_start3A_362, %dma_start3A_363] : memref<10240x64xbf16, #tpu.memory_space<vmem_shared>> -> memref<10240x64xbf16, #tpu.memory_space<vmem_shared>>
        tpu.enqueue_indirect_dma source(%dma_start3A_358 : memref<128x64xbf16, #tpu.memory_space<vmem>>) target(%dma_start3A_364 : memref<10240x64xbf16, #tpu.memory_space<vmem_shared>>) offsets(%dma_start3A_361 : memref<128xi32, #tpu.memory_space<vmem>>) semaphore(%arg12 : memref<!tpu.dma_semaphore, #tpu.memory_space<semaphore_mem>>) {add = true}
        %mul3A_365 = arith.constant 8 : i32
        %mul3A_366 = arith.muli %scan3A_217, %mul3A_365 : i32
        %add3A_367 = arith.constant 3 : i32
        %add3A_368 = arith.addi %mul3A_366, %add3A_367 : i32
        %dma_start3A_369 = arith.constant 3 : i32
        %dma_start3A_370 = arith.constant 0 : i32
        %dma_start3A_371 = arith.constant 0 : i32
        %dma_start3A_372 = tpu.memref_slice %arg9[%rem3A_219, %dma_start3A_369, %dma_start3A_370, %dma_start3A_371] : memref<2x8x128x64xbf16, #tpu.memory_space<vmem>> -> memref<1x1x128x64xbf16, #tpu.memory_space<vmem>>
        %dma_start3A_373 = tpu.memref_squeeze %dma_start3A_372 : memref<1x1x128x64xbf16, #tpu.memory_space<vmem>> -> memref<128x64xbf16, #tpu.memory_space<vmem>>
        %dma_start3A_374 = arith.constant 0 : i32
        %dma_start3A_375 = tpu.memref_slice %arg8[%add3A_368, %dma_start3A_374] : memref<80x128xi32, #tpu.memory_space<vmem>> -> memref<1x128xi32, #tpu.memory_space<vmem>>
        %dma_start3A_376 = tpu.memref_squeeze %dma_start3A_375 : memref<1x128xi32, #tpu.memory_space<vmem>> -> memref<128xi32, #tpu.memory_space<vmem>>
        %dma_start3A_377 = arith.constant 0 : i32
        %dma_start3A_378 = arith.constant 0 : i32
        %dma_start3A_379 = tpu.memref_slice %arg10[%dma_start3A_377, %dma_start3A_378] : memref<10240x64xbf16, #tpu.memory_space<vmem_shared>> -> memref<10240x64xbf16, #tpu.memory_space<vmem_shared>>
        tpu.enqueue_indirect_dma source(%dma_start3A_373 : memref<128x64xbf16, #tpu.memory_space<vmem>>) target(%dma_start3A_379 : memref<10240x64xbf16, #tpu.memory_space<vmem_shared>>) offsets(%dma_start3A_376 : memref<128xi32, #tpu.memory_space<vmem>>) semaphore(%arg12 : memref<!tpu.dma_semaphore, #tpu.memory_space<semaphore_mem>>) {add = true}
        %mul3A_380 = arith.constant 8 : i32
        %mul3A_381 = arith.muli %scan3A_217, %mul3A_380 : i32
        %add3A_382 = arith.constant 4 : i32
        %add3A_383 = arith.addi %mul3A_381, %add3A_382 : i32
        %dma_start3A_384 = arith.constant 4 : i32
        %dma_start3A_385 = arith.constant 0 : i32
        %dma_start3A_386 = arith.constant 0 : i32
        %dma_start3A_387 = tpu.memref_slice %arg9[%rem3A_219, %dma_start3A_384, %dma_start3A_385, %dma_start3A_386] : memref<2x8x128x64xbf16, #tpu.memory_space<vmem>> -> memref<1x1x128x64xbf16, #tpu.memory_space<vmem>>
        %dma_start3A_388 = tpu.memref_squeeze %dma_start3A_387 : memref<1x1x128x64xbf16, #tpu.memory_space<vmem>> -> memref<128x64xbf16, #tpu.memory_space<vmem>>
        %dma_start3A_389 = arith.constant 0 : i32
        %dma_start3A_390 = tpu.memref_slice %arg8[%add3A_383, %dma_start3A_389] : memref<80x128xi32, #tpu.memory_space<vmem>> -> memref<1x128xi32, #tpu.memory_space<vmem>>
        %dma_start3A_391 = tpu.memref_squeeze %dma_start3A_390 : memref<1x128xi32, #tpu.memory_space<vmem>> -> memref<128xi32, #tpu.memory_space<vmem>>
        %dma_start3A_392 = arith.constant 0 : i32
        %dma_start3A_393 = arith.constant 0 : i32
        %dma_start3A_394 = tpu.memref_slice %arg10[%dma_start3A_392, %dma_start3A_393] : memref<10240x64xbf16, #tpu.memory_space<vmem_shared>> -> memref<10240x64xbf16, #tpu.memory_space<vmem_shared>>
        tpu.enqueue_indirect_dma source(%dma_start3A_388 : memref<128x64xbf16, #tpu.memory_space<vmem>>) target(%dma_start3A_394 : memref<10240x64xbf16, #tpu.memory_space<vmem_shared>>) offsets(%dma_start3A_391 : memref<128xi32, #tpu.memory_space<vmem>>) semaphore(%arg12 : memref<!tpu.dma_semaphore, #tpu.memory_space<semaphore_mem>>) {add = true}
        %mul3A_395 = arith.constant 8 : i32
        %mul3A_396 = arith.muli %scan3A_217, %mul3A_395 : i32
        %add3A_397 = arith.constant 5 : i32
        %add3A_398 = arith.addi %mul3A_396, %add3A_397 : i32
        %dma_start3A_399 = arith.constant 5 : i32
        %dma_start3A_400 = arith.constant 0 : i32
        %dma_start3A_401 = arith.constant 0 : i32
        %dma_start3A_402 = tpu.memref_slice %arg9[%rem3A_219, %dma_start3A_399, %dma_start3A_400, %dma_start3A_401] : memref<2x8x128x64xbf16, #tpu.memory_space<vmem>> -> memref<1x1x128x64xbf16, #tpu.memory_space<vmem>>
        %dma_start3A_403 = tpu.memref_squeeze %dma_start3A_402 : memref<1x1x128x64xbf16, #tpu.memory_space<vmem>> -> memref<128x64xbf16, #tpu.memory_space<vmem>>
        %dma_start3A_404 = arith.constant 0 : i32
        %dma_start3A_405 = tpu.memref_slice %arg8[%add3A_398, %dma_start3A_404] : memref<80x128xi32, #tpu.memory_space<vmem>> -> memref<1x128xi32, #tpu.memory_space<vmem>>
        %dma_start3A_406 = tpu.memref_squeeze %dma_start3A_405 : memref<1x128xi32, #tpu.memory_space<vmem>> -> memref<128xi32, #tpu.memory_space<vmem>>
        %dma_start3A_407 = arith.constant 0 : i32
        %dma_start3A_408 = arith.constant 0 : i32
        %dma_start3A_409 = tpu.memref_slice %arg10[%dma_start3A_407, %dma_start3A_408] : memref<10240x64xbf16, #tpu.memory_space<vmem_shared>> -> memref<10240x64xbf16, #tpu.memory_space<vmem_shared>>
        tpu.enqueue_indirect_dma source(%dma_start3A_403 : memref<128x64xbf16, #tpu.memory_space<vmem>>) target(%dma_start3A_409 : memref<10240x64xbf16, #tpu.memory_space<vmem_shared>>) offsets(%dma_start3A_406 : memref<128xi32, #tpu.memory_space<vmem>>) semaphore(%arg12 : memref<!tpu.dma_semaphore, #tpu.memory_space<semaphore_mem>>) {add = true}
        %mul3A_410 = arith.constant 8 : i32
        %mul3A_411 = arith.muli %scan3A_217, %mul3A_410 : i32
        %add3A_412 = arith.constant 6 : i32
        %add3A_413 = arith.addi %mul3A_411, %add3A_412 : i32
        %dma_start3A_414 = arith.constant 6 : i32
        %dma_start3A_415 = arith.constant 0 : i32
        %dma_start3A_416 = arith.constant 0 : i32
        %dma_start3A_417 = tpu.memref_slice %arg9[%rem3A_219, %dma_start3A_414, %dma_start3A_415, %dma_start3A_416] : memref<2x8x128x64xbf16, #tpu.memory_space<vmem>> -> memref<1x1x128x64xbf16, #tpu.memory_space<vmem>>
        %dma_start3A_418 = tpu.memref_squeeze %dma_start3A_417 : memref<1x1x128x64xbf16, #tpu.memory_space<vmem>> -> memref<128x64xbf16, #tpu.memory_space<vmem>>
        %dma_start3A_419 = arith.constant 0 : i32
        %dma_start3A_420 = tpu.memref_slice %arg8[%add3A_413, %dma_start3A_419] : memref<80x128xi32, #tpu.memory_space<vmem>> -> memref<1x128xi32, #tpu.memory_space<vmem>>
        %dma_start3A_421 = tpu.memref_squeeze %dma_start3A_420 : memref<1x128xi32, #tpu.memory_space<vmem>> -> memref<128xi32, #tpu.memory_space<vmem>>
        %dma_start3A_422 = arith.constant 0 : i32
        %dma_start3A_423 = arith.constant 0 : i32
        %dma_start3A_424 = tpu.memref_slice %arg10[%dma_start3A_422, %dma_start3A_423] : memref<10240x64xbf16, #tpu.memory_space<vmem_shared>> -> memref<10240x64xbf16, #tpu.memory_space<vmem_shared>>
        tpu.enqueue_indirect_dma source(%dma_start3A_418 : memref<128x64xbf16, #tpu.memory_space<vmem>>) target(%dma_start3A_424 : memref<10240x64xbf16, #tpu.memory_space<vmem_shared>>) offsets(%dma_start3A_421 : memref<128xi32, #tpu.memory_space<vmem>>) semaphore(%arg12 : memref<!tpu.dma_semaphore, #tpu.memory_space<semaphore_mem>>) {add = true}
        %mul3A_425 = arith.constant 8 : i32
        %mul3A_426 = arith.muli %scan3A_217, %mul3A_425 : i32
        %add3A_427 = arith.constant 7 : i32
        %add3A_428 = arith.addi %mul3A_426, %add3A_427 : i32
        %dma_start3A_429 = arith.constant 7 : i32
        %dma_start3A_430 = arith.constant 0 : i32
        %dma_start3A_431 = arith.constant 0 : i32
        %dma_start3A_432 = tpu.memref_slice %arg9[%rem3A_219, %dma_start3A_429, %dma_start3A_430, %dma_start3A_431] : memref<2x8x128x64xbf16, #tpu.memory_space<vmem>> -> memref<1x1x128x64xbf16, #tpu.memory_space<vmem>>
        %dma_start3A_433 = tpu.memref_squeeze %dma_start3A_432 : memref<1x1x128x64xbf16, #tpu.memory_space<vmem>> -> memref<128x64xbf16, #tpu.memory_space<vmem>>
        %dma_start3A_434 = arith.constant 0 : i32
        %dma_start3A_435 = tpu.memref_slice %arg8[%add3A_428, %dma_start3A_434] : memref<80x128xi32, #tpu.memory_space<vmem>> -> memref<1x128xi32, #tpu.memory_space<vmem>>
        %dma_start3A_436 = tpu.memref_squeeze %dma_start3A_435 : memref<1x128xi32, #tpu.memory_space<vmem>> -> memref<128xi32, #tpu.memory_space<vmem>>
        %dma_start3A_437 = arith.constant 0 : i32
        %dma_start3A_438 = arith.constant 0 : i32
        %dma_start3A_439 = tpu.memref_slice %arg10[%dma_start3A_437, %dma_start3A_438] : memref<10240x64xbf16, #tpu.memory_space<vmem_shared>> -> memref<10240x64xbf16, #tpu.memory_space<vmem_shared>>
        tpu.enqueue_indirect_dma source(%dma_start3A_433 : memref<128x64xbf16, #tpu.memory_space<vmem>>) target(%dma_start3A_439 : memref<10240x64xbf16, #tpu.memory_space<vmem_shared>>) offsets(%dma_start3A_436 : memref<128xi32, #tpu.memory_space<vmem>>) semaphore(%arg12 : memref<!tpu.dma_semaphore, #tpu.memory_space<semaphore_mem>>) {add = true}
        %ge3A = arith.constant 1 : i32
        %ge3A_440 = arith.cmpi sge, %scan3A_217, %ge3A : i32
        %convert_element_type3A_441 = arith.extui %ge3A_440 : i1 to i32
        %cond3A_442 = arith.constant 0 : i32
        %cond3A_443 = arith.cmpi ne, %convert_element_type3A_441, %cond3A_442 : i32
        scf.if %cond3A_443 {
          %dma_wait3A_450 = arith.constant 0 : i32
          %dma_wait3A_451 = arith.constant 0 : i32
          %dma_wait3A_452 = arith.constant 0 : i32
          %dma_wait3A_453 = arith.constant 0 : i32
          %dma_wait3A_454 = tpu.memref_slice %arg9[%rem3A_223, %dma_wait3A_450, %dma_wait3A_452, %dma_wait3A_453] : memref<2x8x128x64xbf16, #tpu.memory_space<vmem>> -> memref<1x1x128x64xbf16, #tpu.memory_space<vmem>>
          %dma_wait3A_455 = tpu.memref_squeeze %dma_wait3A_454 : memref<1x1x128x64xbf16, #tpu.memory_space<vmem>> -> memref<128x64xbf16, #tpu.memory_space<vmem>>
          %dma_wait3A_456 = arith.constant 0 : i32
          %dma_wait3A_457 = tpu.memref_slice %arg8[%dma_wait3A_451, %dma_wait3A_456] : memref<80x128xi32, #tpu.memory_space<vmem>> -> memref<1x128xi32, #tpu.memory_space<vmem>>
          %dma_wait3A_458 = tpu.memref_squeeze %dma_wait3A_457 : memref<1x128xi32, #tpu.memory_space<vmem>> -> memref<128xi32, #tpu.memory_space<vmem>>
          %dma_wait3A_459 = arith.constant 0 : i32
          %dma_wait3A_460 = arith.constant 0 : i32
          %dma_wait3A_461 = tpu.memref_slice %arg10[%dma_wait3A_459, %dma_wait3A_460] : memref<10240x64xbf16, #tpu.memory_space<vmem_shared>> -> memref<10240x64xbf16, #tpu.memory_space<vmem_shared>>
          tpu.wait_indirect_dma semaphore(%arg12 : memref<!tpu.dma_semaphore, #tpu.memory_space<semaphore_mem>>) src(%dma_wait3A_455 : memref<128x64xbf16, #tpu.memory_space<vmem>>) dst(%dma_wait3A_461 : memref<10240x64xbf16, #tpu.memory_space<vmem_shared>>)
          %dma_wait3A_462 = arith.constant 1 : i32
          %dma_wait3A_463 = arith.constant 0 : i32
          %dma_wait3A_464 = arith.constant 0 : i32
          %dma_wait3A_465 = arith.constant 0 : i32
          %dma_wait3A_466 = tpu.memref_slice %arg9[%rem3A_223, %dma_wait3A_462, %dma_wait3A_464, %dma_wait3A_465] : memref<2x8x128x64xbf16, #tpu.memory_space<vmem>> -> memref<1x1x128x64xbf16, #tpu.memory_space<vmem>>
          %dma_wait3A_467 = tpu.memref_squeeze %dma_wait3A_466 : memref<1x1x128x64xbf16, #tpu.memory_space<vmem>> -> memref<128x64xbf16, #tpu.memory_space<vmem>>
          %dma_wait3A_468 = arith.constant 0 : i32
          %dma_wait3A_469 = tpu.memref_slice %arg8[%dma_wait3A_463, %dma_wait3A_468] : memref<80x128xi32, #tpu.memory_space<vmem>> -> memref<1x128xi32, #tpu.memory_space<vmem>>
          %dma_wait3A_470 = tpu.memref_squeeze %dma_wait3A_469 : memref<1x128xi32, #tpu.memory_space<vmem>> -> memref<128xi32, #tpu.memory_space<vmem>>
          %dma_wait3A_471 = arith.constant 0 : i32
          %dma_wait3A_472 = arith.constant 0 : i32
          %dma_wait3A_473 = tpu.memref_slice %arg10[%dma_wait3A_471, %dma_wait3A_472] : memref<10240x64xbf16, #tpu.memory_space<vmem_shared>> -> memref<10240x64xbf16, #tpu.memory_space<vmem_shared>>
          tpu.wait_indirect_dma semaphore(%arg12 : memref<!tpu.dma_semaphore, #tpu.memory_space<semaphore_mem>>) src(%dma_wait3A_467 : memref<128x64xbf16, #tpu.memory_space<vmem>>) dst(%dma_wait3A_473 : memref<10240x64xbf16, #tpu.memory_space<vmem_shared>>)
          %dma_wait3A_474 = arith.constant 2 : i32
          %dma_wait3A_475 = arith.constant 0 : i32
          %dma_wait3A_476 = arith.constant 0 : i32
          %dma_wait3A_477 = arith.constant 0 : i32
          %dma_wait3A_478 = tpu.memref_slice %arg9[%rem3A_223, %dma_wait3A_474, %dma_wait3A_476, %dma_wait3A_477] : memref<2x8x128x64xbf16, #tpu.memory_space<vmem>> -> memref<1x1x128x64xbf16, #tpu.memory_space<vmem>>
          %dma_wait3A_479 = tpu.memref_squeeze %dma_wait3A_478 : memref<1x1x128x64xbf16, #tpu.memory_space<vmem>> -> memref<128x64xbf16, #tpu.memory_space<vmem>>
          %dma_wait3A_480 = arith.constant 0 : i32
          %dma_wait3A_481 = tpu.memref_slice %arg8[%dma_wait3A_475, %dma_wait3A_480] : memref<80x128xi32, #tpu.memory_space<vmem>> -> memref<1x128xi32, #tpu.memory_space<vmem>>
          %dma_wait3A_482 = tpu.memref_squeeze %dma_wait3A_481 : memref<1x128xi32, #tpu.memory_space<vmem>> -> memref<128xi32, #tpu.memory_space<vmem>>
          %dma_wait3A_483 = arith.constant 0 : i32
          %dma_wait3A_484 = arith.constant 0 : i32
          %dma_wait3A_485 = tpu.memref_slice %arg10[%dma_wait3A_483, %dma_wait3A_484] : memref<10240x64xbf16, #tpu.memory_space<vmem_shared>> -> memref<10240x64xbf16, #tpu.memory_space<vmem_shared>>
          tpu.wait_indirect_dma semaphore(%arg12 : memref<!tpu.dma_semaphore, #tpu.memory_space<semaphore_mem>>) src(%dma_wait3A_479 : memref<128x64xbf16, #tpu.memory_space<vmem>>) dst(%dma_wait3A_485 : memref<10240x64xbf16, #tpu.memory_space<vmem_shared>>)
          %dma_wait3A_486 = arith.constant 3 : i32
          %dma_wait3A_487 = arith.constant 0 : i32
          %dma_wait3A_488 = arith.constant 0 : i32
          %dma_wait3A_489 = arith.constant 0 : i32
          %dma_wait3A_490 = tpu.memref_slice %arg9[%rem3A_223, %dma_wait3A_486, %dma_wait3A_488, %dma_wait3A_489] : memref<2x8x128x64xbf16, #tpu.memory_space<vmem>> -> memref<1x1x128x64xbf16, #tpu.memory_space<vmem>>
          %dma_wait3A_491 = tpu.memref_squeeze %dma_wait3A_490 : memref<1x1x128x64xbf16, #tpu.memory_space<vmem>> -> memref<128x64xbf16, #tpu.memory_space<vmem>>
          %dma_wait3A_492 = arith.constant 0 : i32
          %dma_wait3A_493 = tpu.memref_slice %arg8[%dma_wait3A_487, %dma_wait3A_492] : memref<80x128xi32, #tpu.memory_space<vmem>> -> memref<1x128xi32, #tpu.memory_space<vmem>>
          %dma_wait3A_494 = tpu.memref_squeeze %dma_wait3A_493 : memref<1x128xi32, #tpu.memory_space<vmem>> -> memref<128xi32, #tpu.memory_space<vmem>>
          %dma_wait3A_495 = arith.constant 0 : i32
          %dma_wait3A_496 = arith.constant 0 : i32
          %dma_wait3A_497 = tpu.memref_slice %arg10[%dma_wait3A_495, %dma_wait3A_496] : memref<10240x64xbf16, #tpu.memory_space<vmem_shared>> -> memref<10240x64xbf16, #tpu.memory_space<vmem_shared>>
          tpu.wait_indirect_dma semaphore(%arg12 : memref<!tpu.dma_semaphore, #tpu.memory_space<semaphore_mem>>) src(%dma_wait3A_491 : memref<128x64xbf16, #tpu.memory_space<vmem>>) dst(%dma_wait3A_497 : memref<10240x64xbf16, #tpu.memory_space<vmem_shared>>)
          %dma_wait3A_498 = arith.constant 4 : i32
          %dma_wait3A_499 = arith.constant 0 : i32
          %dma_wait3A_500 = arith.constant 0 : i32
          %dma_wait3A_501 = arith.constant 0 : i32
          %dma_wait3A_502 = tpu.memref_slice %arg9[%rem3A_223, %dma_wait3A_498, %dma_wait3A_500, %dma_wait3A_501] : memref<2x8x128x64xbf16, #tpu.memory_space<vmem>> -> memref<1x1x128x64xbf16, #tpu.memory_space<vmem>>
          %dma_wait3A_503 = tpu.memref_squeeze %dma_wait3A_502 : memref<1x1x128x64xbf16, #tpu.memory_space<vmem>> -> memref<128x64xbf16, #tpu.memory_space<vmem>>
          %dma_wait3A_504 = arith.constant 0 : i32
          %dma_wait3A_505 = tpu.memref_slice %arg8[%dma_wait3A_499, %dma_wait3A_504] : memref<80x128xi32, #tpu.memory_space<vmem>> -> memref<1x128xi32, #tpu.memory_space<vmem>>
          %dma_wait3A_506 = tpu.memref_squeeze %dma_wait3A_505 : memref<1x128xi32, #tpu.memory_space<vmem>> -> memref<128xi32, #tpu.memory_space<vmem>>
          %dma_wait3A_507 = arith.constant 0 : i32
          %dma_wait3A_508 = arith.constant 0 : i32
          %dma_wait3A_509 = tpu.memref_slice %arg10[%dma_wait3A_507, %dma_wait3A_508] : memref<10240x64xbf16, #tpu.memory_space<vmem_shared>> -> memref<10240x64xbf16, #tpu.memory_space<vmem_shared>>
          tpu.wait_indirect_dma semaphore(%arg12 : memref<!tpu.dma_semaphore, #tpu.memory_space<semaphore_mem>>) src(%dma_wait3A_503 : memref<128x64xbf16, #tpu.memory_space<vmem>>) dst(%dma_wait3A_509 : memref<10240x64xbf16, #tpu.memory_space<vmem_shared>>)
          %dma_wait3A_510 = arith.constant 5 : i32
          %dma_wait3A_511 = arith.constant 0 : i32
          %dma_wait3A_512 = arith.constant 0 : i32
          %dma_wait3A_513 = arith.constant 0 : i32
          %dma_wait3A_514 = tpu.memref_slice %arg9[%rem3A_223, %dma_wait3A_510, %dma_wait3A_512, %dma_wait3A_513] : memref<2x8x128x64xbf16, #tpu.memory_space<vmem>> -> memref<1x1x128x64xbf16, #tpu.memory_space<vmem>>
          %dma_wait3A_515 = tpu.memref_squeeze %dma_wait3A_514 : memref<1x1x128x64xbf16, #tpu.memory_space<vmem>> -> memref<128x64xbf16, #tpu.memory_space<vmem>>
          %dma_wait3A_516 = arith.constant 0 : i32
          %dma_wait3A_517 = tpu.memref_slice %arg8[%dma_wait3A_511, %dma_wait3A_516] : memref<80x128xi32, #tpu.memory_space<vmem>> -> memref<1x128xi32, #tpu.memory_space<vmem>>
          %dma_wait3A_518 = tpu.memref_squeeze %dma_wait3A_517 : memref<1x128xi32, #tpu.memory_space<vmem>> -> memref<128xi32, #tpu.memory_space<vmem>>
          %dma_wait3A_519 = arith.constant 0 : i32
          %dma_wait3A_520 = arith.constant 0 : i32
          %dma_wait3A_521 = tpu.memref_slice %arg10[%dma_wait3A_519, %dma_wait3A_520] : memref<10240x64xbf16, #tpu.memory_space<vmem_shared>> -> memref<10240x64xbf16, #tpu.memory_space<vmem_shared>>
          tpu.wait_indirect_dma semaphore(%arg12 : memref<!tpu.dma_semaphore, #tpu.memory_space<semaphore_mem>>) src(%dma_wait3A_515 : memref<128x64xbf16, #tpu.memory_space<vmem>>) dst(%dma_wait3A_521 : memref<10240x64xbf16, #tpu.memory_space<vmem_shared>>)
          %dma_wait3A_522 = arith.constant 6 : i32
          %dma_wait3A_523 = arith.constant 0 : i32
          %dma_wait3A_524 = arith.constant 0 : i32
          %dma_wait3A_525 = arith.constant 0 : i32
          %dma_wait3A_526 = tpu.memref_slice %arg9[%rem3A_223, %dma_wait3A_522, %dma_wait3A_524, %dma_wait3A_525] : memref<2x8x128x64xbf16, #tpu.memory_space<vmem>> -> memref<1x1x128x64xbf16, #tpu.memory_space<vmem>>
          %dma_wait3A_527 = tpu.memref_squeeze %dma_wait3A_526 : memref<1x1x128x64xbf16, #tpu.memory_space<vmem>> -> memref<128x64xbf16, #tpu.memory_space<vmem>>
          %dma_wait3A_528 = arith.constant 0 : i32
          %dma_wait3A_529 = tpu.memref_slice %arg8[%dma_wait3A_523, %dma_wait3A_528] : memref<80x128xi32, #tpu.memory_space<vmem>> -> memref<1x128xi32, #tpu.memory_space<vmem>>
          %dma_wait3A_530 = tpu.memref_squeeze %dma_wait3A_529 : memref<1x128xi32, #tpu.memory_space<vmem>> -> memref<128xi32, #tpu.memory_space<vmem>>
          %dma_wait3A_531 = arith.constant 0 : i32
          %dma_wait3A_532 = arith.constant 0 : i32
          %dma_wait3A_533 = tpu.memref_slice %arg10[%dma_wait3A_531, %dma_wait3A_532] : memref<10240x64xbf16, #tpu.memory_space<vmem_shared>> -> memref<10240x64xbf16, #tpu.memory_space<vmem_shared>>
          tpu.wait_indirect_dma semaphore(%arg12 : memref<!tpu.dma_semaphore, #tpu.memory_space<semaphore_mem>>) src(%dma_wait3A_527 : memref<128x64xbf16, #tpu.memory_space<vmem>>) dst(%dma_wait3A_533 : memref<10240x64xbf16, #tpu.memory_space<vmem_shared>>)
          %dma_wait3A_534 = arith.constant 7 : i32
          %dma_wait3A_535 = arith.constant 0 : i32
          %dma_wait3A_536 = arith.constant 0 : i32
          %dma_wait3A_537 = arith.constant 0 : i32
          %dma_wait3A_538 = tpu.memref_slice %arg9[%rem3A_223, %dma_wait3A_534, %dma_wait3A_536, %dma_wait3A_537] : memref<2x8x128x64xbf16, #tpu.memory_space<vmem>> -> memref<1x1x128x64xbf16, #tpu.memory_space<vmem>>
          %dma_wait3A_539 = tpu.memref_squeeze %dma_wait3A_538 : memref<1x1x128x64xbf16, #tpu.memory_space<vmem>> -> memref<128x64xbf16, #tpu.memory_space<vmem>>
          %dma_wait3A_540 = arith.constant 0 : i32
          %dma_wait3A_541 = tpu.memref_slice %arg8[%dma_wait3A_535, %dma_wait3A_540] : memref<80x128xi32, #tpu.memory_space<vmem>> -> memref<1x128xi32, #tpu.memory_space<vmem>>
          %dma_wait3A_542 = tpu.memref_squeeze %dma_wait3A_541 : memref<1x128xi32, #tpu.memory_space<vmem>> -> memref<128xi32, #tpu.memory_space<vmem>>
          %dma_wait3A_543 = arith.constant 0 : i32
          %dma_wait3A_544 = arith.constant 0 : i32
          %dma_wait3A_545 = tpu.memref_slice %arg10[%dma_wait3A_543, %dma_wait3A_544] : memref<10240x64xbf16, #tpu.memory_space<vmem_shared>> -> memref<10240x64xbf16, #tpu.memory_space<vmem_shared>>
          tpu.wait_indirect_dma semaphore(%arg12 : memref<!tpu.dma_semaphore, #tpu.memory_space<semaphore_mem>>) src(%dma_wait3A_539 : memref<128x64xbf16, #tpu.memory_space<vmem>>) dst(%dma_wait3A_545 : memref<10240x64xbf16, #tpu.memory_space<vmem_shared>>)
        } else {
        }
        %add3A_444 = arith.constant 1 : i32
        %add3A_445 = arith.addi %scan3A_217, %add3A_444 : i32
        %lt3A = arith.constant 10 : i32
        %lt3A_446 = arith.cmpi slt, %add3A_445, %lt3A : i32
        %convert_element_type3A_447 = arith.extui %lt3A_446 : i1 to i32
        %cond3A_448 = arith.constant 0 : i32
        %cond3A_449 = arith.cmpi ne, %convert_element_type3A_447, %cond3A_448 : i32
        scf.if %cond3A_449 {
          %add3A_450 = arith.constant 1 : i32
          %add3A_451 = arith.addi %scan3A_217, %add3A_450 : i32
          %mul3A_452 = arith.constant 8 : i32
          %mul3A_453 = arith.muli %add3A_451, %mul3A_452 : i32
          %add3A_454 = arith.constant 0 : i32
          %add3A_455 = arith.addi %mul3A_453, %add3A_454 : i32
          %dma_start3A_456 = arith.constant 0 : i32
          %dma_start3A_457 = arith.constant 0 : i32
          %dma_start3A_458 = arith.constant 0 : i32
          %dma_start3A_459 = tpu.memref_slice %arg9[%rem3A_223, %dma_start3A_456, %dma_start3A_457, %dma_start3A_458] : memref<2x8x128x64xbf16, #tpu.memory_space<vmem>> -> memref<1x1x128x64xbf16, #tpu.memory_space<vmem>>
          %dma_start3A_460 = tpu.memref_squeeze %dma_start3A_459 : memref<1x1x128x64xbf16, #tpu.memory_space<vmem>> -> memref<128x64xbf16, #tpu.memory_space<vmem>>
          %dma_start3A_461 = arith.constant 0 : i32
          %dma_start3A_462 = tpu.memref_slice %arg7[%add3A_455, %dma_start3A_461] : memref<80x128xi32, #tpu.memory_space<vmem>> -> memref<1x128xi32, #tpu.memory_space<vmem>>
          %dma_start3A_463 = tpu.memref_squeeze %dma_start3A_462 : memref<1x128xi32, #tpu.memory_space<vmem>> -> memref<128xi32, #tpu.memory_space<vmem>>
          %dma_start3A_464 = arith.constant 0 : i32
          %dma_start3A_465 = arith.constant 0 : i32
          %dma_start3A_466 = tpu.memref_slice %arg2[%dma_start3A_464, %dma_start3A_465] : memref<10000x64xbf16, #tpu.memory_space<hbm>> -> memref<10000x64xbf16, #tpu.memory_space<hbm>>
          tpu.enqueue_indirect_dma source(%dma_start3A_466 : memref<10000x64xbf16, #tpu.memory_space<hbm>>) target(%dma_start3A_460 : memref<128x64xbf16, #tpu.memory_space<vmem>>) offsets(%dma_start3A_463 : memref<128xi32, #tpu.memory_space<vmem>>) semaphore(%arg11 : memref<!tpu.dma_semaphore, #tpu.memory_space<semaphore_mem>>)
          %mul3A_467 = arith.constant 8 : i32
          %mul3A_468 = arith.muli %add3A_451, %mul3A_467 : i32
          %add3A_469 = arith.constant 1 : i32
          %add3A_470 = arith.addi %mul3A_468, %add3A_469 : i32
          %dma_start3A_471 = arith.constant 1 : i32
          %dma_start3A_472 = arith.constant 0 : i32
          %dma_start3A_473 = arith.constant 0 : i32
          %dma_start3A_474 = tpu.memref_slice %arg9[%rem3A_223, %dma_start3A_471, %dma_start3A_472, %dma_start3A_473] : memref<2x8x128x64xbf16, #tpu.memory_space<vmem>> -> memref<1x1x128x64xbf16, #tpu.memory_space<vmem>>
          %dma_start3A_475 = tpu.memref_squeeze %dma_start3A_474 : memref<1x1x128x64xbf16, #tpu.memory_space<vmem>> -> memref<128x64xbf16, #tpu.memory_space<vmem>>
          %dma_start3A_476 = arith.constant 0 : i32
          %dma_start3A_477 = tpu.memref_slice %arg7[%add3A_470, %dma_start3A_476] : memref<80x128xi32, #tpu.memory_space<vmem>> -> memref<1x128xi32, #tpu.memory_space<vmem>>
          %dma_start3A_478 = tpu.memref_squeeze %dma_start3A_477 : memref<1x128xi32, #tpu.memory_space<vmem>> -> memref<128xi32, #tpu.memory_space<vmem>>
          %dma_start3A_479 = arith.constant 0 : i32
          %dma_start3A_480 = arith.constant 0 : i32
          %dma_start3A_481 = tpu.memref_slice %arg2[%dma_start3A_479, %dma_start3A_480] : memref<10000x64xbf16, #tpu.memory_space<hbm>> -> memref<10000x64xbf16, #tpu.memory_space<hbm>>
          tpu.enqueue_indirect_dma source(%dma_start3A_481 : memref<10000x64xbf16, #tpu.memory_space<hbm>>) target(%dma_start3A_475 : memref<128x64xbf16, #tpu.memory_space<vmem>>) offsets(%dma_start3A_478 : memref<128xi32, #tpu.memory_space<vmem>>) semaphore(%arg11 : memref<!tpu.dma_semaphore, #tpu.memory_space<semaphore_mem>>)
          %mul3A_482 = arith.constant 8 : i32
          %mul3A_483 = arith.muli %add3A_451, %mul3A_482 : i32
          %add3A_484 = arith.constant 2 : i32
          %add3A_485 = arith.addi %mul3A_483, %add3A_484 : i32
          %dma_start3A_486 = arith.constant 2 : i32
          %dma_start3A_487 = arith.constant 0 : i32
          %dma_start3A_488 = arith.constant 0 : i32
          %dma_start3A_489 = tpu.memref_slice %arg9[%rem3A_223, %dma_start3A_486, %dma_start3A_487, %dma_start3A_488] : memref<2x8x128x64xbf16, #tpu.memory_space<vmem>> -> memref<1x1x128x64xbf16, #tpu.memory_space<vmem>>
          %dma_start3A_490 = tpu.memref_squeeze %dma_start3A_489 : memref<1x1x128x64xbf16, #tpu.memory_space<vmem>> -> memref<128x64xbf16, #tpu.memory_space<vmem>>
          %dma_start3A_491 = arith.constant 0 : i32
          %dma_start3A_492 = tpu.memref_slice %arg7[%add3A_485, %dma_start3A_491] : memref<80x128xi32, #tpu.memory_space<vmem>> -> memref<1x128xi32, #tpu.memory_space<vmem>>
          %dma_start3A_493 = tpu.memref_squeeze %dma_start3A_492 : memref<1x128xi32, #tpu.memory_space<vmem>> -> memref<128xi32, #tpu.memory_space<vmem>>
          %dma_start3A_494 = arith.constant 0 : i32
          %dma_start3A_495 = arith.constant 0 : i32
          %dma_start3A_496 = tpu.memref_slice %arg2[%dma_start3A_494, %dma_start3A_495] : memref<10000x64xbf16, #tpu.memory_space<hbm>> -> memref<10000x64xbf16, #tpu.memory_space<hbm>>
          tpu.enqueue_indirect_dma source(%dma_start3A_496 : memref<10000x64xbf16, #tpu.memory_space<hbm>>) target(%dma_start3A_490 : memref<128x64xbf16, #tpu.memory_space<vmem>>) offsets(%dma_start3A_493 : memref<128xi32, #tpu.memory_space<vmem>>) semaphore(%arg11 : memref<!tpu.dma_semaphore, #tpu.memory_space<semaphore_mem>>)
          %mul3A_497 = arith.constant 8 : i32
          %mul3A_498 = arith.muli %add3A_451, %mul3A_497 : i32
          %add3A_499 = arith.constant 3 : i32
          %add3A_500 = arith.addi %mul3A_498, %add3A_499 : i32
          %dma_start3A_501 = arith.constant 3 : i32
          %dma_start3A_502 = arith.constant 0 : i32
          %dma_start3A_503 = arith.constant 0 : i32
          %dma_start3A_504 = tpu.memref_slice %arg9[%rem3A_223, %dma_start3A_501, %dma_start3A_502, %dma_start3A_503] : memref<2x8x128x64xbf16, #tpu.memory_space<vmem>> -> memref<1x1x128x64xbf16, #tpu.memory_space<vmem>>
          %dma_start3A_505 = tpu.memref_squeeze %dma_start3A_504 : memref<1x1x128x64xbf16, #tpu.memory_space<vmem>> -> memref<128x64xbf16, #tpu.memory_space<vmem>>
          %dma_start3A_506 = arith.constant 0 : i32
          %dma_start3A_507 = tpu.memref_slice %arg7[%add3A_500, %dma_start3A_506] : memref<80x128xi32, #tpu.memory_space<vmem>> -> memref<1x128xi32, #tpu.memory_space<vmem>>
          %dma_start3A_508 = tpu.memref_squeeze %dma_start3A_507 : memref<1x128xi32, #tpu.memory_space<vmem>> -> memref<128xi32, #tpu.memory_space<vmem>>
          %dma_start3A_509 = arith.constant 0 : i32
          %dma_start3A_510 = arith.constant 0 : i32
          %dma_start3A_511 = tpu.memref_slice %arg2[%dma_start3A_509, %dma_start3A_510] : memref<10000x64xbf16, #tpu.memory_space<hbm>> -> memref<10000x64xbf16, #tpu.memory_space<hbm>>
          tpu.enqueue_indirect_dma source(%dma_start3A_511 : memref<10000x64xbf16, #tpu.memory_space<hbm>>) target(%dma_start3A_505 : memref<128x64xbf16, #tpu.memory_space<vmem>>) offsets(%dma_start3A_508 : memref<128xi32, #tpu.memory_space<vmem>>) semaphore(%arg11 : memref<!tpu.dma_semaphore, #tpu.memory_space<semaphore_mem>>)
          %mul3A_512 = arith.constant 8 : i32
          %mul3A_513 = arith.muli %add3A_451, %mul3A_512 : i32
          %add3A_514 = arith.constant 4 : i32
          %add3A_515 = arith.addi %mul3A_513, %add3A_514 : i32
          %dma_start3A_516 = arith.constant 4 : i32
          %dma_start3A_517 = arith.constant 0 : i32
          %dma_start3A_518 = arith.constant 0 : i32
          %dma_start3A_519 = tpu.memref_slice %arg9[%rem3A_223, %dma_start3A_516, %dma_start3A_517, %dma_start3A_518] : memref<2x8x128x64xbf16, #tpu.memory_space<vmem>> -> memref<1x1x128x64xbf16, #tpu.memory_space<vmem>>
          %dma_start3A_520 = tpu.memref_squeeze %dma_start3A_519 : memref<1x1x128x64xbf16, #tpu.memory_space<vmem>> -> memref<128x64xbf16, #tpu.memory_space<vmem>>
          %dma_start3A_521 = arith.constant 0 : i32
          %dma_start3A_522 = tpu.memref_slice %arg7[%add3A_515, %dma_start3A_521] : memref<80x128xi32, #tpu.memory_space<vmem>> -> memref<1x128xi32, #tpu.memory_space<vmem>>
          %dma_start3A_523 = tpu.memref_squeeze %dma_start3A_522 : memref<1x128xi32, #tpu.memory_space<vmem>> -> memref<128xi32, #tpu.memory_space<vmem>>
          %dma_start3A_524 = arith.constant 0 : i32
          %dma_start3A_525 = arith.constant 0 : i32
          %dma_start3A_526 = tpu.memref_slice %arg2[%dma_start3A_524, %dma_start3A_525] : memref<10000x64xbf16, #tpu.memory_space<hbm>> -> memref<10000x64xbf16, #tpu.memory_space<hbm>>
          tpu.enqueue_indirect_dma source(%dma_start3A_526 : memref<10000x64xbf16, #tpu.memory_space<hbm>>) target(%dma_start3A_520 : memref<128x64xbf16, #tpu.memory_space<vmem>>) offsets(%dma_start3A_523 : memref<128xi32, #tpu.memory_space<vmem>>) semaphore(%arg11 : memref<!tpu.dma_semaphore, #tpu.memory_space<semaphore_mem>>)
          %mul3A_527 = arith.constant 8 : i32
          %mul3A_528 = arith.muli %add3A_451, %mul3A_527 : i32
          %add3A_529 = arith.constant 5 : i32
          %add3A_530 = arith.addi %mul3A_528, %add3A_529 : i32
          %dma_start3A_531 = arith.constant 5 : i32
          %dma_start3A_532 = arith.constant 0 : i32
          %dma_start3A_533 = arith.constant 0 : i32
          %dma_start3A_534 = tpu.memref_slice %arg9[%rem3A_223, %dma_start3A_531, %dma_start3A_532, %dma_start3A_533] : memref<2x8x128x64xbf16, #tpu.memory_space<vmem>> -> memref<1x1x128x64xbf16, #tpu.memory_space<vmem>>
          %dma_start3A_535 = tpu.memref_squeeze %dma_start3A_534 : memref<1x1x128x64xbf16, #tpu.memory_space<vmem>> -> memref<128x64xbf16, #tpu.memory_space<vmem>>
          %dma_start3A_536 = arith.constant 0 : i32
          %dma_start3A_537 = tpu.memref_slice %arg7[%add3A_530, %dma_start3A_536] : memref<80x128xi32, #tpu.memory_space<vmem>> -> memref<1x128xi32, #tpu.memory_space<vmem>>
          %dma_start3A_538 = tpu.memref_squeeze %dma_start3A_537 : memref<1x128xi32, #tpu.memory_space<vmem>> -> memref<128xi32, #tpu.memory_space<vmem>>
          %dma_start3A_539 = arith.constant 0 : i32
          %dma_start3A_540 = arith.constant 0 : i32
          %dma_start3A_541 = tpu.memref_slice %arg2[%dma_start3A_539, %dma_start3A_540] : memref<10000x64xbf16, #tpu.memory_space<hbm>> -> memref<10000x64xbf16, #tpu.memory_space<hbm>>
          tpu.enqueue_indirect_dma source(%dma_start3A_541 : memref<10000x64xbf16, #tpu.memory_space<hbm>>) target(%dma_start3A_535 : memref<128x64xbf16, #tpu.memory_space<vmem>>) offsets(%dma_start3A_538 : memref<128xi32, #tpu.memory_space<vmem>>) semaphore(%arg11 : memref<!tpu.dma_semaphore, #tpu.memory_space<semaphore_mem>>)
          %mul3A_542 = arith.constant 8 : i32
          %mul3A_543 = arith.muli %add3A_451, %mul3A_542 : i32
          %add3A_544 = arith.constant 6 : i32
          %add3A_545 = arith.addi %mul3A_543, %add3A_544 : i32
          %dma_start3A_546 = arith.constant 6 : i32
          %dma_start3A_547 = arith.constant 0 : i32
          %dma_start3A_548 = arith.constant 0 : i32
          %dma_start3A_549 = tpu.memref_slice %arg9[%rem3A_223, %dma_start3A_546, %dma_start3A_547, %dma_start3A_548] : memref<2x8x128x64xbf16, #tpu.memory_space<vmem>> -> memref<1x1x128x64xbf16, #tpu.memory_space<vmem>>
          %dma_start3A_550 = tpu.memref_squeeze %dma_start3A_549 : memref<1x1x128x64xbf16, #tpu.memory_space<vmem>> -> memref<128x64xbf16, #tpu.memory_space<vmem>>
          %dma_start3A_551 = arith.constant 0 : i32
          %dma_start3A_552 = tpu.memref_slice %arg7[%add3A_545, %dma_start3A_551] : memref<80x128xi32, #tpu.memory_space<vmem>> -> memref<1x128xi32, #tpu.memory_space<vmem>>
          %dma_start3A_553 = tpu.memref_squeeze %dma_start3A_552 : memref<1x128xi32, #tpu.memory_space<vmem>> -> memref<128xi32, #tpu.memory_space<vmem>>
          %dma_start3A_554 = arith.constant 0 : i32
          %dma_start3A_555 = arith.constant 0 : i32
          %dma_start3A_556 = tpu.memref_slice %arg2[%dma_start3A_554, %dma_start3A_555] : memref<10000x64xbf16, #tpu.memory_space<hbm>> -> memref<10000x64xbf16, #tpu.memory_space<hbm>>
          tpu.enqueue_indirect_dma source(%dma_start3A_556 : memref<10000x64xbf16, #tpu.memory_space<hbm>>) target(%dma_start3A_550 : memref<128x64xbf16, #tpu.memory_space<vmem>>) offsets(%dma_start3A_553 : memref<128xi32, #tpu.memory_space<vmem>>) semaphore(%arg11 : memref<!tpu.dma_semaphore, #tpu.memory_space<semaphore_mem>>)
          %mul3A_557 = arith.constant 8 : i32
          %mul3A_558 = arith.muli %add3A_451, %mul3A_557 : i32
          %add3A_559 = arith.constant 7 : i32
          %add3A_560 = arith.addi %mul3A_558, %add3A_559 : i32
          %dma_start3A_561 = arith.constant 7 : i32
          %dma_start3A_562 = arith.constant 0 : i32
          %dma_start3A_563 = arith.constant 0 : i32
          %dma_start3A_564 = tpu.memref_slice %arg9[%rem3A_223, %dma_start3A_561, %dma_start3A_562, %dma_start3A_563] : memref<2x8x128x64xbf16, #tpu.memory_space<vmem>> -> memref<1x1x128x64xbf16, #tpu.memory_space<vmem>>
          %dma_start3A_565 = tpu.memref_squeeze %dma_start3A_564 : memref<1x1x128x64xbf16, #tpu.memory_space<vmem>> -> memref<128x64xbf16, #tpu.memory_space<vmem>>
          %dma_start3A_566 = arith.constant 0 : i32
          %dma_start3A_567 = tpu.memref_slice %arg7[%add3A_560, %dma_start3A_566] : memref<80x128xi32, #tpu.memory_space<vmem>> -> memref<1x128xi32, #tpu.memory_space<vmem>>
          %dma_start3A_568 = tpu.memref_squeeze %dma_start3A_567 : memref<1x128xi32, #tpu.memory_space<vmem>> -> memref<128xi32, #tpu.memory_space<vmem>>
          %dma_start3A_569 = arith.constant 0 : i32
          %dma_start3A_570 = arith.constant 0 : i32
          %dma_start3A_571 = tpu.memref_slice %arg2[%dma_start3A_569, %dma_start3A_570] : memref<10000x64xbf16, #tpu.memory_space<hbm>> -> memref<10000x64xbf16, #tpu.memory_space<hbm>>
          tpu.enqueue_indirect_dma source(%dma_start3A_571 : memref<10000x64xbf16, #tpu.memory_space<hbm>>) target(%dma_start3A_565 : memref<128x64xbf16, #tpu.memory_space<vmem>>) offsets(%dma_start3A_568 : memref<128xi32, #tpu.memory_space<vmem>>) semaphore(%arg11 : memref<!tpu.dma_semaphore, #tpu.memory_space<semaphore_mem>>)
        } else {
        }
      }
      %scan3A_119 = arith.constant 10 : i32
      %rem3A = arith.constant 9 : i32
      %rem3A_120 = arith.constant 2 : i32
      %rem3A_121 = arith.remsi %rem3A, %rem3A_120 : i32
      %dma_wait3A = arith.constant 0 : i32
      %dma_wait3A_122 = arith.constant 0 : i32
      %dma_wait3A_123 = arith.constant 0 : i32
      %dma_wait3A_124 = arith.constant 0 : i32
      %dma_wait3A_125 = tpu.memref_slice %arg9[%rem3A_121, %dma_wait3A, %dma_wait3A_123, %dma_wait3A_124] : memref<2x8x128x64xbf16, #tpu.memory_space<vmem>> -> memref<1x1x128x64xbf16, #tpu.memory_space<vmem>>
      %dma_wait3A_126 = tpu.memref_squeeze %dma_wait3A_125 : memref<1x1x128x64xbf16, #tpu.memory_space<vmem>> -> memref<128x64xbf16, #tpu.memory_space<vmem>>
      %dma_wait3A_127 = arith.constant 0 : i32
      %dma_wait3A_128 = tpu.memref_slice %arg8[%dma_wait3A_122, %dma_wait3A_127] : memref<80x128xi32, #tpu.memory_space<vmem>> -> memref<1x128xi32, #tpu.memory_space<vmem>>
      %dma_wait3A_129 = tpu.memref_squeeze %dma_wait3A_128 : memref<1x128xi32, #tpu.memory_space<vmem>> -> memref<128xi32, #tpu.memory_space<vmem>>
      %dma_wait3A_130 = arith.constant 0 : i32
      %dma_wait3A_131 = arith.constant 0 : i32
      %dma_wait3A_132 = tpu.memref_slice %arg10[%dma_wait3A_130, %dma_wait3A_131] : memref<10240x64xbf16, #tpu.memory_space<vmem_shared>> -> memref<10240x64xbf16, #tpu.memory_space<vmem_shared>>
      tpu.wait_indirect_dma semaphore(%arg12 : memref<!tpu.dma_semaphore, #tpu.memory_space<semaphore_mem>>) src(%dma_wait3A_126 : memref<128x64xbf16, #tpu.memory_space<vmem>>) dst(%dma_wait3A_132 : memref<10240x64xbf16, #tpu.memory_space<vmem_shared>>)
      %dma_wait3A_133 = arith.constant 1 : i32
      %dma_wait3A_134 = arith.constant 0 : i32
      %dma_wait3A_135 = arith.constant 0 : i32
      %dma_wait3A_136 = arith.constant 0 : i32
      %dma_wait3A_137 = tpu.memref_slice %arg9[%rem3A_121, %dma_wait3A_133, %dma_wait3A_135, %dma_wait3A_136] : memref<2x8x128x64xbf16, #tpu.memory_space<vmem>> -> memref<1x1x128x64xbf16, #tpu.memory_space<vmem>>
      %dma_wait3A_138 = tpu.memref_squeeze %dma_wait3A_137 : memref<1x1x128x64xbf16, #tpu.memory_space<vmem>> -> memref<128x64xbf16, #tpu.memory_space<vmem>>
      %dma_wait3A_139 = arith.constant 0 : i32
      %dma_wait3A_140 = tpu.memref_slice %arg8[%dma_wait3A_134, %dma_wait3A_139] : memref<80x128xi32, #tpu.memory_space<vmem>> -> memref<1x128xi32, #tpu.memory_space<vmem>>
      %dma_wait3A_141 = tpu.memref_squeeze %dma_wait3A_140 : memref<1x128xi32, #tpu.memory_space<vmem>> -> memref<128xi32, #tpu.memory_space<vmem>>
      %dma_wait3A_142 = arith.constant 0 : i32
      %dma_wait3A_143 = arith.constant 0 : i32
      %dma_wait3A_144 = tpu.memref_slice %arg10[%dma_wait3A_142, %dma_wait3A_143] : memref<10240x64xbf16, #tpu.memory_space<vmem_shared>> -> memref<10240x64xbf16, #tpu.memory_space<vmem_shared>>
      tpu.wait_indirect_dma semaphore(%arg12 : memref<!tpu.dma_semaphore, #tpu.memory_space<semaphore_mem>>) src(%dma_wait3A_138 : memref<128x64xbf16, #tpu.memory_space<vmem>>) dst(%dma_wait3A_144 : memref<10240x64xbf16, #tpu.memory_space<vmem_shared>>)
      %dma_wait3A_145 = arith.constant 2 : i32
      %dma_wait3A_146 = arith.constant 0 : i32
      %dma_wait3A_147 = arith.constant 0 : i32
      %dma_wait3A_148 = arith.constant 0 : i32
      %dma_wait3A_149 = tpu.memref_slice %arg9[%rem3A_121, %dma_wait3A_145, %dma_wait3A_147, %dma_wait3A_148] : memref<2x8x128x64xbf16, #tpu.memory_space<vmem>> -> memref<1x1x128x64xbf16, #tpu.memory_space<vmem>>
      %dma_wait3A_150 = tpu.memref_squeeze %dma_wait3A_149 : memref<1x1x128x64xbf16, #tpu.memory_space<vmem>> -> memref<128x64xbf16, #tpu.memory_space<vmem>>
      %dma_wait3A_151 = arith.constant 0 : i32
      %dma_wait3A_152 = tpu.memref_slice %arg8[%dma_wait3A_146, %dma_wait3A_151] : memref<80x128xi32, #tpu.memory_space<vmem>> -> memref<1x128xi32, #tpu.memory_space<vmem>>
      %dma_wait3A_153 = tpu.memref_squeeze %dma_wait3A_152 : memref<1x128xi32, #tpu.memory_space<vmem>> -> memref<128xi32, #tpu.memory_space<vmem>>
      %dma_wait3A_154 = arith.constant 0 : i32
      %dma_wait3A_155 = arith.constant 0 : i32
      %dma_wait3A_156 = tpu.memref_slice %arg10[%dma_wait3A_154, %dma_wait3A_155] : memref<10240x64xbf16, #tpu.memory_space<vmem_shared>> -> memref<10240x64xbf16, #tpu.memory_space<vmem_shared>>
      tpu.wait_indirect_dma semaphore(%arg12 : memref<!tpu.dma_semaphore, #tpu.memory_space<semaphore_mem>>) src(%dma_wait3A_150 : memref<128x64xbf16, #tpu.memory_space<vmem>>) dst(%dma_wait3A_156 : memref<10240x64xbf16, #tpu.memory_space<vmem_shared>>)
      %dma_wait3A_157 = arith.constant 3 : i32
      %dma_wait3A_158 = arith.constant 0 : i32
      %dma_wait3A_159 = arith.constant 0 : i32
      %dma_wait3A_160 = arith.constant 0 : i32
      %dma_wait3A_161 = tpu.memref_slice %arg9[%rem3A_121, %dma_wait3A_157, %dma_wait3A_159, %dma_wait3A_160] : memref<2x8x128x64xbf16, #tpu.memory_space<vmem>> -> memref<1x1x128x64xbf16, #tpu.memory_space<vmem>>
      %dma_wait3A_162 = tpu.memref_squeeze %dma_wait3A_161 : memref<1x1x128x64xbf16, #tpu.memory_space<vmem>> -> memref<128x64xbf16, #tpu.memory_space<vmem>>
      %dma_wait3A_163 = arith.constant 0 : i32
      %dma_wait3A_164 = tpu.memref_slice %arg8[%dma_wait3A_158, %dma_wait3A_163] : memref<80x128xi32, #tpu.memory_space<vmem>> -> memref<1x128xi32, #tpu.memory_space<vmem>>
      %dma_wait3A_165 = tpu.memref_squeeze %dma_wait3A_164 : memref<1x128xi32, #tpu.memory_space<vmem>> -> memref<128xi32, #tpu.memory_space<vmem>>
      %dma_wait3A_166 = arith.constant 0 : i32
      %dma_wait3A_167 = arith.constant 0 : i32
      %dma_wait3A_168 = tpu.memref_slice %arg10[%dma_wait3A_166, %dma_wait3A_167] : memref<10240x64xbf16, #tpu.memory_space<vmem_shared>> -> memref<10240x64xbf16, #tpu.memory_space<vmem_shared>>
      tpu.wait_indirect_dma semaphore(%arg12 : memref<!tpu.dma_semaphore, #tpu.memory_space<semaphore_mem>>) src(%dma_wait3A_162 : memref<128x64xbf16, #tpu.memory_space<vmem>>) dst(%dma_wait3A_168 : memref<10240x64xbf16, #tpu.memory_space<vmem_shared>>)
      %dma_wait3A_169 = arith.constant 4 : i32
      %dma_wait3A_170 = arith.constant 0 : i32
      %dma_wait3A_171 = arith.constant 0 : i32
      %dma_wait3A_172 = arith.constant 0 : i32
      %dma_wait3A_173 = tpu.memref_slice %arg9[%rem3A_121, %dma_wait3A_169, %dma_wait3A_171, %dma_wait3A_172] : memref<2x8x128x64xbf16, #tpu.memory_space<vmem>> -> memref<1x1x128x64xbf16, #tpu.memory_space<vmem>>
      %dma_wait3A_174 = tpu.memref_squeeze %dma_wait3A_173 : memref<1x1x128x64xbf16, #tpu.memory_space<vmem>> -> memref<128x64xbf16, #tpu.memory_space<vmem>>
      %dma_wait3A_175 = arith.constant 0 : i32
      %dma_wait3A_176 = tpu.memref_slice %arg8[%dma_wait3A_170, %dma_wait3A_175] : memref<80x128xi32, #tpu.memory_space<vmem>> -> memref<1x128xi32, #tpu.memory_space<vmem>>
      %dma_wait3A_177 = tpu.memref_squeeze %dma_wait3A_176 : memref<1x128xi32, #tpu.memory_space<vmem>> -> memref<128xi32, #tpu.memory_space<vmem>>
      %dma_wait3A_178 = arith.constant 0 : i32
      %dma_wait3A_179 = arith.constant 0 : i32
      %dma_wait3A_180 = tpu.memref_slice %arg10[%dma_wait3A_178, %dma_wait3A_179] : memref<10240x64xbf16, #tpu.memory_space<vmem_shared>> -> memref<10240x64xbf16, #tpu.memory_space<vmem_shared>>
      tpu.wait_indirect_dma semaphore(%arg12 : memref<!tpu.dma_semaphore, #tpu.memory_space<semaphore_mem>>) src(%dma_wait3A_174 : memref<128x64xbf16, #tpu.memory_space<vmem>>) dst(%dma_wait3A_180 : memref<10240x64xbf16, #tpu.memory_space<vmem_shared>>)
      %dma_wait3A_181 = arith.constant 5 : i32
      %dma_wait3A_182 = arith.constant 0 : i32
      %dma_wait3A_183 = arith.constant 0 : i32
      %dma_wait3A_184 = arith.constant 0 : i32
      %dma_wait3A_185 = tpu.memref_slice %arg9[%rem3A_121, %dma_wait3A_181, %dma_wait3A_183, %dma_wait3A_184] : memref<2x8x128x64xbf16, #tpu.memory_space<vmem>> -> memref<1x1x128x64xbf16, #tpu.memory_space<vmem>>
      %dma_wait3A_186 = tpu.memref_squeeze %dma_wait3A_185 : memref<1x1x128x64xbf16, #tpu.memory_space<vmem>> -> memref<128x64xbf16, #tpu.memory_space<vmem>>
      %dma_wait3A_187 = arith.constant 0 : i32
      %dma_wait3A_188 = tpu.memref_slice %arg8[%dma_wait3A_182, %dma_wait3A_187] : memref<80x128xi32, #tpu.memory_space<vmem>> -> memref<1x128xi32, #tpu.memory_space<vmem>>
      %dma_wait3A_189 = tpu.memref_squeeze %dma_wait3A_188 : memref<1x128xi32, #tpu.memory_space<vmem>> -> memref<128xi32, #tpu.memory_space<vmem>>
      %dma_wait3A_190 = arith.constant 0 : i32
      %dma_wait3A_191 = arith.constant 0 : i32
      %dma_wait3A_192 = tpu.memref_slice %arg10[%dma_wait3A_190, %dma_wait3A_191] : memref<10240x64xbf16, #tpu.memory_space<vmem_shared>> -> memref<10240x64xbf16, #tpu.memory_space<vmem_shared>>
      tpu.wait_indirect_dma semaphore(%arg12 : memref<!tpu.dma_semaphore, #tpu.memory_space<semaphore_mem>>) src(%dma_wait3A_186 : memref<128x64xbf16, #tpu.memory_space<vmem>>) dst(%dma_wait3A_192 : memref<10240x64xbf16, #tpu.memory_space<vmem_shared>>)
      %dma_wait3A_193 = arith.constant 6 : i32
      %dma_wait3A_194 = arith.constant 0 : i32
      %dma_wait3A_195 = arith.constant 0 : i32
      %dma_wait3A_196 = arith.constant 0 : i32
      %dma_wait3A_197 = tpu.memref_slice %arg9[%rem3A_121, %dma_wait3A_193, %dma_wait3A_195, %dma_wait3A_196] : memref<2x8x128x64xbf16, #tpu.memory_space<vmem>> -> memref<1x1x128x64xbf16, #tpu.memory_space<vmem>>
      %dma_wait3A_198 = tpu.memref_squeeze %dma_wait3A_197 : memref<1x1x128x64xbf16, #tpu.memory_space<vmem>> -> memref<128x64xbf16, #tpu.memory_space<vmem>>
      %dma_wait3A_199 = arith.constant 0 : i32
      %dma_wait3A_200 = tpu.memref_slice %arg8[%dma_wait3A_194, %dma_wait3A_199] : memref<80x128xi32, #tpu.memory_space<vmem>> -> memref<1x128xi32, #tpu.memory_space<vmem>>
      %dma_wait3A_201 = tpu.memref_squeeze %dma_wait3A_200 : memref<1x128xi32, #tpu.memory_space<vmem>> -> memref<128xi32, #tpu.memory_space<vmem>>
      %dma_wait3A_202 = arith.constant 0 : i32
      %dma_wait3A_203 = arith.constant 0 : i32
      %dma_wait3A_204 = tpu.memref_slice %arg10[%dma_wait3A_202, %dma_wait3A_203] : memref<10240x64xbf16, #tpu.memory_space<vmem_shared>> -> memref<10240x64xbf16, #tpu.memory_space<vmem_shared>>
      tpu.wait_indirect_dma semaphore(%arg12 : memref<!tpu.dma_semaphore, #tpu.memory_space<semaphore_mem>>) src(%dma_wait3A_198 : memref<128x64xbf16, #tpu.memory_space<vmem>>) dst(%dma_wait3A_204 : memref<10240x64xbf16, #tpu.memory_space<vmem_shared>>)
      %dma_wait3A_205 = arith.constant 7 : i32
      %dma_wait3A_206 = arith.constant 0 : i32
      %dma_wait3A_207 = arith.constant 0 : i32
      %dma_wait3A_208 = arith.constant 0 : i32
      %dma_wait3A_209 = tpu.memref_slice %arg9[%rem3A_121, %dma_wait3A_205, %dma_wait3A_207, %dma_wait3A_208] : memref<2x8x128x64xbf16, #tpu.memory_space<vmem>> -> memref<1x1x128x64xbf16, #tpu.memory_space<vmem>>
      %dma_wait3A_210 = tpu.memref_squeeze %dma_wait3A_209 : memref<1x1x128x64xbf16, #tpu.memory_space<vmem>> -> memref<128x64xbf16, #tpu.memory_space<vmem>>
      %dma_wait3A_211 = arith.constant 0 : i32
      %dma_wait3A_212 = tpu.memref_slice %arg8[%dma_wait3A_206, %dma_wait3A_211] : memref<80x128xi32, #tpu.memory_space<vmem>> -> memref<1x128xi32, #tpu.memory_space<vmem>>
      %dma_wait3A_213 = tpu.memref_squeeze %dma_wait3A_212 : memref<1x128xi32, #tpu.memory_space<vmem>> -> memref<128xi32, #tpu.memory_space<vmem>>
      %dma_wait3A_214 = arith.constant 0 : i32
      %dma_wait3A_215 = arith.constant 0 : i32
      %dma_wait3A_216 = tpu.memref_slice %arg10[%dma_wait3A_214, %dma_wait3A_215] : memref<10240x64xbf16, #tpu.memory_space<vmem_shared>> -> memref<10240x64xbf16, #tpu.memory_space<vmem_shared>>
      tpu.wait_indirect_dma semaphore(%arg12 : memref<!tpu.dma_semaphore, #tpu.memory_space<semaphore_mem>>) src(%dma_wait3A_210 : memref<128x64xbf16, #tpu.memory_space<vmem>>) dst(%dma_wait3A_216 : memref<10240x64xbf16, #tpu.memory_space<vmem_shared>>)
    } else {
    }
    %barrier3A_8 = arith.constant 0 : index
    tpu.barrier barrier_id(%barrier3A_8)
    "tpu.region"() ({
      %run_scoped3A = tpu.sem_alloc : memref<!tpu.dma_semaphore, #tpu.memory_space<semaphore_mem>>
      %dma_start3A = arith.constant 0 : i32
      %dma_start3A_9 = tpu.memref_slice %arg6[%arg0, %mul3A_0, %dma_start3A] : memref<2x10240x64xbf16, #tpu.memory_space<hbm>> -> memref<1x640x64xbf16, #tpu.memory_space<hbm>>
      %dma_start3A_10 = tpu.memref_squeeze %dma_start3A_9 : memref<1x640x64xbf16, #tpu.memory_space<hbm>> -> memref<640x64xbf16, #tpu.memory_space<hbm>>
      %dma_start3A_11 = arith.constant 0 : i32
      %dma_start3A_12 = tpu.memref_slice %arg10[%mul3A_0, %dma_start3A_11] : memref<10240x64xbf16, #tpu.memory_space<vmem_shared>> -> memref<640x64xbf16, #tpu.memory_space<vmem_shared>>
      tpu.enqueue_dma source(%dma_start3A_12 : memref<640x64xbf16, #tpu.memory_space<vmem_shared>>) target(%dma_start3A_10 : memref<640x64xbf16, #tpu.memory_space<hbm>>) target_semaphore(%run_scoped3A : memref<!tpu.dma_semaphore, #tpu.memory_space<semaphore_mem>>)
      %dma_wait3A = arith.constant 0 : i32
      %dma_wait3A_13 = tpu.memref_slice %arg6[%arg0, %mul3A_0, %dma_wait3A] : memref<2x10240x64xbf16, #tpu.memory_space<hbm>> -> memref<1x640x64xbf16, #tpu.memory_space<hbm>>
      %dma_wait3A_14 = tpu.memref_squeeze %dma_wait3A_13 : memref<1x640x64xbf16, #tpu.memory_space<hbm>> -> memref<640x64xbf16, #tpu.memory_space<hbm>>
      %dma_wait3A_15 = arith.constant 0 : i32
      %dma_wait3A_16 = tpu.memref_slice %arg10[%mul3A_0, %dma_wait3A_15] : memref<10240x64xbf16, #tpu.memory_space<vmem_shared>> -> memref<640x64xbf16, #tpu.memory_space<vmem_shared>>
      tpu.wait_dma2 semaphore(%run_scoped3A : memref<!tpu.dma_semaphore, #tpu.memory_space<semaphore_mem>>) src(%dma_wait3A_16 : memref<640x64xbf16, #tpu.memory_space<vmem_shared>>) dst(%dma_wait3A_14 : memref<640x64xbf16, #tpu.memory_space<hbm>>)
      tpu.yield
    }) : () -> ()
    return
  }
}

#map = affine_map<(d0, d1) -> (0)>
#map1 = affine_map<(d0, d1) -> (0, 0)>
module attributes {stable_mosaic.version = 14 : i64} {
  func.func @l2(%arg0: i32, %arg1: i32, %arg2: memref<20000xf32, #tpu.memory_space<hbm>>, %arg3: memref<2560x128xi32, #tpu.memory_space<hbm>>, %arg4: memref<2560x128xi32, #tpu.memory_space<hbm>>, %arg5: memref<160x128xf32, #tpu.memory_space<hbm>>, %arg6: memref<1280xf32, #tpu.memory_space<hbm>>, %arg7: memref<2x20480xf32, #tpu.memory_space<hbm>>, %arg8: memref<80x128xi32, #tpu.memory_space<vmem>>, %arg9: memref<80x128xi32, #tpu.memory_space<vmem>>, %arg10: memref<20000xf32, #tpu.memory_space<vmem>>, %arg11: memref<160x128xf32, #tpu.memory_space<vmem>>, %arg12: memref<160x128xi32, #tpu.memory_space<vmem>>, %arg13: memref<20480xf32, #tpu.memory_space<vmem_shared>>, %arg14: memref<!tpu.dma_semaphore, #tpu.memory_space<semaphore_mem>>) attributes {dimension_semantics = [#tpu.dimension_semantics<core_parallel>, #tpu.dimension_semantics<subcore_parallel>], iteration_bounds = array<i64: 2, 16>, scalar_prefetch = 0 : i64, scratch_operands = 7 : i64, tpu.core_type = #tpu.core_type<sc_vector_subcore>, window_params = [{transform_indices = #map}, {transform_indices = #map1}, {transform_indices = #map1}, {transform_indices = #map1}, {transform_indices = #map}, {transform_indices = #map1}]} {
    %mul3A = arith.constant 640 : i32
    %mul3A_0 = arith.muli %arg1, %mul3A : i32
    %mul3A_1 = arith.constant 2 : i32
    %mul3A_2 = arith.muli %mul3A_0, %mul3A_1 : i32
    "tpu.region"() ({
      %run_scoped3A = tpu.sem_alloc : memref<!tpu.dma_semaphore, #tpu.memory_space<semaphore_mem>>
      %dma_start3A = tpu.memref_slice %arg13[%mul3A_2] : memref<20480xf32, #tpu.memory_space<vmem_shared>> -> memref<1280xf32, #tpu.memory_space<vmem_shared>>
      tpu.enqueue_dma source(%arg6 : memref<1280xf32, #tpu.memory_space<hbm>>) target(%dma_start3A : memref<1280xf32, #tpu.memory_space<vmem_shared>>) target_semaphore(%run_scoped3A : memref<!tpu.dma_semaphore, #tpu.memory_space<semaphore_mem>>)
      %dma_wait3A_105 = tpu.memref_slice %arg13[%mul3A_2] : memref<20480xf32, #tpu.memory_space<vmem_shared>> -> memref<1280xf32, #tpu.memory_space<vmem_shared>>
      tpu.wait_dma2 semaphore(%run_scoped3A : memref<!tpu.dma_semaphore, #tpu.memory_space<semaphore_mem>>) src(%arg6 : memref<1280xf32, #tpu.memory_space<hbm>>) dst(%dma_wait3A_105 : memref<1280xf32, #tpu.memory_space<vmem_shared>>)
      tpu.yield
    }) : () -> ()
    "tpu.region"() ({
      %run_scoped3A = tpu.sem_alloc : memref<!tpu.dma_semaphore, #tpu.memory_space<semaphore_mem>>
      tpu.enqueue_dma source(%arg5 : memref<160x128xf32, #tpu.memory_space<hbm>>) target(%arg11 : memref<160x128xf32, #tpu.memory_space<vmem>>) target_semaphore(%run_scoped3A : memref<!tpu.dma_semaphore, #tpu.memory_space<semaphore_mem>>)
      tpu.wait_dma2 semaphore(%run_scoped3A : memref<!tpu.dma_semaphore, #tpu.memory_space<semaphore_mem>>) src(%arg5 : memref<160x128xf32, #tpu.memory_space<hbm>>) dst(%arg11 : memref<160x128xf32, #tpu.memory_space<vmem>>)
      tpu.yield
    }) : () -> ()
    "tpu.region"() ({
      %run_scoped3A = tpu.sem_alloc : memref<!tpu.dma_semaphore, #tpu.memory_space<semaphore_mem>>
      tpu.enqueue_dma source(%arg2 : memref<20000xf32, #tpu.memory_space<hbm>>) target(%arg10 : memref<20000xf32, #tpu.memory_space<vmem>>) target_semaphore(%run_scoped3A : memref<!tpu.dma_semaphore, #tpu.memory_space<semaphore_mem>>)
      tpu.wait_dma2 semaphore(%run_scoped3A : memref<!tpu.dma_semaphore, #tpu.memory_space<semaphore_mem>>) src(%arg2 : memref<20000xf32, #tpu.memory_space<hbm>>) dst(%arg10 : memref<20000xf32, #tpu.memory_space<vmem>>)
      tpu.yield
    }) : () -> ()
    %scan3A = arith.constant 0 : i32
    %scan3A_3 = arith.constant 0 : i32
    %scan3A_4 = arith.constant 160 : i32
    %scan3A_5 = arith.addi %scan3A_3, %scan3A_4 : i32
    %scan3A_6 = arith.constant 1 : i32
    scf.for %scan3A_105 = %scan3A_3 to %scan3A_5 step %scan3A_6  : i32 {
      %iota3A = tpu.iota {dimensions = array<i32: 0>} : vector<16xi32>
      %mul3A_106 = arith.constant 128 : i32
      %mul3A_107 = arith.muli %scan3A_105, %mul3A_106 : i32
      %add3A = vector.broadcast %mul3A_107 : i32 to vector<16xi32>
      %add3A_108 = arith.addi %iota3A, %add3A : vector<16xi32>
      %add3A_109 = arith.constant 0 : i32
      %add3A_110 = vector.broadcast %add3A_109 : i32 to vector<16xi32>
      %add3A_111 = arith.addi %add3A_108, %add3A_110 : vector<16xi32>
      %swap3A = arith.index_cast %scan3A_105 : i32 to index
      %swap3A_112 = arith.constant 0 : index
      %swap3A_113 = tpu.vector_load %arg12[%swap3A, %swap3A_112] {strides = array<i32>} : memref<160x128xi32, #tpu.memory_space<vmem>>, vector<16xi32>,
      tpu.vector_store %arg12[%swap3A, %swap3A_112], %add3A_111 {strides = array<i32>} : memref<160x128xi32, #tpu.memory_space<vmem>>, vector<16xi32>,
      %iota3A_114 = tpu.iota {dimensions = array<i32: 0>} : vector<16xi32>
      %mul3A_115 = arith.constant 128 : i32
      %mul3A_116 = arith.muli %scan3A_105, %mul3A_115 : i32
      %add3A_117 = vector.broadcast %mul3A_116 : i32 to vector<16xi32>
      %add3A_118 = arith.addi %iota3A_114, %add3A_117 : vector<16xi32>
      %add3A_119 = arith.constant 16 : i32
      %add3A_120 = vector.broadcast %add3A_119 : i32 to vector<16xi32>
      %add3A_121 = arith.addi %add3A_118, %add3A_120 : vector<16xi32>
      %swap3A_122 = arith.index_cast %scan3A_105 : i32 to index
      %swap3A_123 = arith.constant 16 : index
      %swap3A_124 = tpu.vector_load %arg12[%swap3A_122, %swap3A_123] {strides = array<i32>} : memref<160x128xi32, #tpu.memory_space<vmem>>, vector<16xi32>,
      tpu.vector_store %arg12[%swap3A_122, %swap3A_123], %add3A_121 {strides = array<i32>} : memref<160x128xi32, #tpu.memory_space<vmem>>, vector<16xi32>,
      %iota3A_125 = tpu.iota {dimensions = array<i32: 0>} : vector<16xi32>
      %mul3A_126 = arith.constant 128 : i32
      %mul3A_127 = arith.muli %scan3A_105, %mul3A_126 : i32
      %add3A_128 = vector.broadcast %mul3A_127 : i32 to vector<16xi32>
      %add3A_129 = arith.addi %iota3A_125, %add3A_128 : vector<16xi32>
      %add3A_130 = arith.constant 32 : i32
      %add3A_131 = vector.broadcast %add3A_130 : i32 to vector<16xi32>
      %add3A_132 = arith.addi %add3A_129, %add3A_131 : vector<16xi32>
      %swap3A_133 = arith.index_cast %scan3A_105 : i32 to index
      %swap3A_134 = arith.constant 32 : index
      %swap3A_135 = tpu.vector_load %arg12[%swap3A_133, %swap3A_134] {strides = array<i32>} : memref<160x128xi32, #tpu.memory_space<vmem>>, vector<16xi32>,
      tpu.vector_store %arg12[%swap3A_133, %swap3A_134], %add3A_132 {strides = array<i32>} : memref<160x128xi32, #tpu.memory_space<vmem>>, vector<16xi32>,
      %iota3A_136 = tpu.iota {dimensions = array<i32: 0>} : vector<16xi32>
      %mul3A_137 = arith.constant 128 : i32
      %mul3A_138 = arith.muli %scan3A_105, %mul3A_137 : i32
      %add3A_139 = vector.broadcast %mul3A_138 : i32 to vector<16xi32>
      %add3A_140 = arith.addi %iota3A_136, %add3A_139 : vector<16xi32>
      %add3A_141 = arith.constant 48 : i32
      %add3A_142 = vector.broadcast %add3A_141 : i32 to vector<16xi32>
      %add3A_143 = arith.addi %add3A_140, %add3A_142 : vector<16xi32>
      %swap3A_144 = arith.index_cast %scan3A_105 : i32 to index
      %swap3A_145 = arith.constant 48 : index
      %swap3A_146 = tpu.vector_load %arg12[%swap3A_144, %swap3A_145] {strides = array<i32>} : memref<160x128xi32, #tpu.memory_space<vmem>>, vector<16xi32>,
      tpu.vector_store %arg12[%swap3A_144, %swap3A_145], %add3A_143 {strides = array<i32>} : memref<160x128xi32, #tpu.memory_space<vmem>>, vector<16xi32>,
      %iota3A_147 = tpu.iota {dimensions = array<i32: 0>} : vector<16xi32>
      %mul3A_148 = arith.constant 128 : i32
      %mul3A_149 = arith.muli %scan3A_105, %mul3A_148 : i32
      %add3A_150 = vector.broadcast %mul3A_149 : i32 to vector<16xi32>
      %add3A_151 = arith.addi %iota3A_147, %add3A_150 : vector<16xi32>
      %add3A_152 = arith.constant 64 : i32
      %add3A_153 = vector.broadcast %add3A_152 : i32 to vector<16xi32>
      %add3A_154 = arith.addi %add3A_151, %add3A_153 : vector<16xi32>
      %swap3A_155 = arith.index_cast %scan3A_105 : i32 to index
      %swap3A_156 = arith.constant 64 : index
      %swap3A_157 = tpu.vector_load %arg12[%swap3A_155, %swap3A_156] {strides = array<i32>} : memref<160x128xi32, #tpu.memory_space<vmem>>, vector<16xi32>,
      tpu.vector_store %arg12[%swap3A_155, %swap3A_156], %add3A_154 {strides = array<i32>} : memref<160x128xi32, #tpu.memory_space<vmem>>, vector<16xi32>,
      %iota3A_158 = tpu.iota {dimensions = array<i32: 0>} : vector<16xi32>
      %mul3A_159 = arith.constant 128 : i32
      %mul3A_160 = arith.muli %scan3A_105, %mul3A_159 : i32
      %add3A_161 = vector.broadcast %mul3A_160 : i32 to vector<16xi32>
      %add3A_162 = arith.addi %iota3A_158, %add3A_161 : vector<16xi32>
      %add3A_163 = arith.constant 80 : i32
      %add3A_164 = vector.broadcast %add3A_163 : i32 to vector<16xi32>
      %add3A_165 = arith.addi %add3A_162, %add3A_164 : vector<16xi32>
      %swap3A_166 = arith.index_cast %scan3A_105 : i32 to index
      %swap3A_167 = arith.constant 80 : index
      %swap3A_168 = tpu.vector_load %arg12[%swap3A_166, %swap3A_167] {strides = array<i32>} : memref<160x128xi32, #tpu.memory_space<vmem>>, vector<16xi32>,
      tpu.vector_store %arg12[%swap3A_166, %swap3A_167], %add3A_165 {strides = array<i32>} : memref<160x128xi32, #tpu.memory_space<vmem>>, vector<16xi32>,
      %iota3A_169 = tpu.iota {dimensions = array<i32: 0>} : vector<16xi32>
      %mul3A_170 = arith.constant 128 : i32
      %mul3A_171 = arith.muli %scan3A_105, %mul3A_170 : i32
      %add3A_172 = vector.broadcast %mul3A_171 : i32 to vector<16xi32>
      %add3A_173 = arith.addi %iota3A_169, %add3A_172 : vector<16xi32>
      %add3A_174 = arith.constant 96 : i32
      %add3A_175 = vector.broadcast %add3A_174 : i32 to vector<16xi32>
      %add3A_176 = arith.addi %add3A_173, %add3A_175 : vector<16xi32>
      %swap3A_177 = arith.index_cast %scan3A_105 : i32 to index
      %swap3A_178 = arith.constant 96 : index
      %swap3A_179 = tpu.vector_load %arg12[%swap3A_177, %swap3A_178] {strides = array<i32>} : memref<160x128xi32, #tpu.memory_space<vmem>>, vector<16xi32>,
      tpu.vector_store %arg12[%swap3A_177, %swap3A_178], %add3A_176 {strides = array<i32>} : memref<160x128xi32, #tpu.memory_space<vmem>>, vector<16xi32>,
      %iota3A_180 = tpu.iota {dimensions = array<i32: 0>} : vector<16xi32>
      %mul3A_181 = arith.constant 128 : i32
      %mul3A_182 = arith.muli %scan3A_105, %mul3A_181 : i32
      %add3A_183 = vector.broadcast %mul3A_182 : i32 to vector<16xi32>
      %add3A_184 = arith.addi %iota3A_180, %add3A_183 : vector<16xi32>
      %add3A_185 = arith.constant 112 : i32
      %add3A_186 = vector.broadcast %add3A_185 : i32 to vector<16xi32>
      %add3A_187 = arith.addi %add3A_184, %add3A_186 : vector<16xi32>
      %swap3A_188 = arith.index_cast %scan3A_105 : i32 to index
      %swap3A_189 = arith.constant 112 : index
      %swap3A_190 = tpu.vector_load %arg12[%swap3A_188, %swap3A_189] {strides = array<i32>} : memref<160x128xi32, #tpu.memory_space<vmem>>, vector<16xi32>,
      tpu.vector_store %arg12[%swap3A_188, %swap3A_189], %add3A_187 {strides = array<i32>} : memref<160x128xi32, #tpu.memory_space<vmem>>, vector<16xi32>,
    }
    %scan3A_7 = arith.constant 160 : i32
    %barrier3A = arith.constant 0 : index
    tpu.barrier barrier_id(%barrier3A)
    %eq3A = arith.constant 0 : i32
    %eq3A_8 = arith.cmpi eq, %arg0, %eq3A : i32
    %convert_element_type3A = arith.extui %eq3A_8 : i1 to i32
    %cond3A = arith.constant 0 : i32
    %cond3A_9 = arith.cmpi ne, %convert_element_type3A, %cond3A : i32
    scf.if %cond3A_9 {
      %mul3A_105 = arith.constant 160 : i32
      %mul3A_106 = arith.muli %arg1, %mul3A_105 : i32
      "tpu.region"() ({
        %run_scoped3A = tpu.sem_alloc : memref<!tpu.dma_semaphore, #tpu.memory_space<semaphore_mem>>
        %dma_start3A = arith.constant 0 : i32
        %dma_start3A_113 = arith.constant 0 : i32
        %dma_start3A_114 = tpu.memref_slice %arg8[%dma_start3A, %dma_start3A_113] : memref<80x128xi32, #tpu.memory_space<vmem>> -> memref<80x128xi32, #tpu.memory_space<vmem>>
        %dma_start3A_115 = arith.constant 0 : i32
        %dma_start3A_116 = tpu.memref_slice %arg3[%mul3A_106, %dma_start3A_115] : memref<2560x128xi32, #tpu.memory_space<hbm>> -> memref<80x128xi32, #tpu.memory_space<hbm>>
        %dma_start3A_117 = arith.constant 0 : i32
        %dma_start3A_118 = arith.constant 0 : i32
        %dma_start3A_119 = tpu.memref_slice %arg8[%dma_start3A_117, %dma_start3A_118] : memref<80x128xi32, #tpu.memory_space<vmem>> -> memref<80x128xi32, #tpu.memory_space<vmem>>
        %dma_start3A_120 = arith.constant 0 : i32
        %dma_start3A_121 = tpu.memref_slice %arg3[%mul3A_106, %dma_start3A_120] : memref<2560x128xi32, #tpu.memory_space<hbm>> -> memref<80x128xi32, #tpu.memory_space<hbm>>
        tpu.enqueue_dma source(%dma_start3A_121 : memref<80x128xi32, #tpu.memory_space<hbm>>) target(%dma_start3A_119 : memref<80x128xi32, #tpu.memory_space<vmem>>) target_semaphore(%run_scoped3A : memref<!tpu.dma_semaphore, #tpu.memory_space<semaphore_mem>>)
        %dma_wait3A_122 = arith.constant 0 : i32
        %dma_wait3A_123 = arith.constant 0 : i32
        %dma_wait3A_124 = tpu.memref_slice %arg8[%dma_wait3A_122, %dma_wait3A_123] : memref<80x128xi32, #tpu.memory_space<vmem>> -> memref<80x128xi32, #tpu.memory_space<vmem>>
        %dma_wait3A_125 = arith.constant 0 : i32
        %dma_wait3A_126 = tpu.memref_slice %arg3[%mul3A_106, %dma_wait3A_125] : memref<2560x128xi32, #tpu.memory_space<hbm>> -> memref<80x128xi32, #tpu.memory_space<hbm>>
        %dma_wait3A_127 = arith.constant 0 : i32
        %dma_wait3A_128 = arith.constant 0 : i32
        %dma_wait3A_129 = tpu.memref_slice %arg8[%dma_wait3A_127, %dma_wait3A_128] : memref<80x128xi32, #tpu.memory_space<vmem>> -> memref<80x128xi32, #tpu.memory_space<vmem>>
        %dma_wait3A_130 = arith.constant 0 : i32
        %dma_wait3A_131 = tpu.memref_slice %arg3[%mul3A_106, %dma_wait3A_130] : memref<2560x128xi32, #tpu.memory_space<hbm>> -> memref<80x128xi32, #tpu.memory_space<hbm>>
        tpu.wait_dma2 semaphore(%run_scoped3A : memref<!tpu.dma_semaphore, #tpu.memory_space<semaphore_mem>>) src(%dma_wait3A_131 : memref<80x128xi32, #tpu.memory_space<hbm>>) dst(%dma_wait3A_129 : memref<80x128xi32, #tpu.memory_space<vmem>>)
        tpu.yield
      }) : () -> ()
      "tpu.region"() ({
        %run_scoped3A = tpu.sem_alloc : memref<!tpu.dma_semaphore, #tpu.memory_space<semaphore_mem>>
        %dma_start3A = arith.constant 0 : i32
        %dma_start3A_113 = arith.constant 0 : i32
        %dma_start3A_114 = tpu.memref_slice %arg9[%dma_start3A, %dma_start3A_113] : memref<80x128xi32, #tpu.memory_space<vmem>> -> memref<80x128xi32, #tpu.memory_space<vmem>>
        %dma_start3A_115 = arith.constant 0 : i32
        %dma_start3A_116 = tpu.memref_slice %arg4[%mul3A_106, %dma_start3A_115] : memref<2560x128xi32, #tpu.memory_space<hbm>> -> memref<80x128xi32, #tpu.memory_space<hbm>>
        %dma_start3A_117 = arith.constant 0 : i32
        %dma_start3A_118 = arith.constant 0 : i32
        %dma_start3A_119 = tpu.memref_slice %arg9[%dma_start3A_117, %dma_start3A_118] : memref<80x128xi32, #tpu.memory_space<vmem>> -> memref<80x128xi32, #tpu.memory_space<vmem>>
        %dma_start3A_120 = arith.constant 0 : i32
        %dma_start3A_121 = tpu.memref_slice %arg4[%mul3A_106, %dma_start3A_120] : memref<2560x128xi32, #tpu.memory_space<hbm>> -> memref<80x128xi32, #tpu.memory_space<hbm>>
        tpu.enqueue_dma source(%dma_start3A_121 : memref<80x128xi32, #tpu.memory_space<hbm>>) target(%dma_start3A_119 : memref<80x128xi32, #tpu.memory_space<vmem>>) target_semaphore(%run_scoped3A : memref<!tpu.dma_semaphore, #tpu.memory_space<semaphore_mem>>)
        %dma_wait3A_122 = arith.constant 0 : i32
        %dma_wait3A_123 = arith.constant 0 : i32
        %dma_wait3A_124 = tpu.memref_slice %arg9[%dma_wait3A_122, %dma_wait3A_123] : memref<80x128xi32, #tpu.memory_space<vmem>> -> memref<80x128xi32, #tpu.memory_space<vmem>>
        %dma_wait3A_125 = arith.constant 0 : i32
        %dma_wait3A_126 = tpu.memref_slice %arg4[%mul3A_106, %dma_wait3A_125] : memref<2560x128xi32, #tpu.memory_space<hbm>> -> memref<80x128xi32, #tpu.memory_space<hbm>>
        %dma_wait3A_127 = arith.constant 0 : i32
        %dma_wait3A_128 = arith.constant 0 : i32
        %dma_wait3A_129 = tpu.memref_slice %arg9[%dma_wait3A_127, %dma_wait3A_128] : memref<80x128xi32, #tpu.memory_space<vmem>> -> memref<80x128xi32, #tpu.memory_space<vmem>>
        %dma_wait3A_130 = arith.constant 0 : i32
        %dma_wait3A_131 = tpu.memref_slice %arg4[%mul3A_106, %dma_wait3A_130] : memref<2560x128xi32, #tpu.memory_space<hbm>> -> memref<80x128xi32, #tpu.memory_space<hbm>>
        tpu.wait_dma2 semaphore(%run_scoped3A : memref<!tpu.dma_semaphore, #tpu.memory_space<semaphore_mem>>) src(%dma_wait3A_131 : memref<80x128xi32, #tpu.memory_space<hbm>>) dst(%dma_wait3A_129 : memref<80x128xi32, #tpu.memory_space<vmem>>)
        tpu.yield
      }) : () -> ()
      %scan3A_107 = arith.constant 0 : i32
      %scan3A_108 = arith.constant 0 : i32
      %scan3A_109 = arith.constant 80 : i32
      %scan3A_110 = arith.addi %scan3A_108, %scan3A_109 : i32
      %scan3A_111 = arith.constant 1 : i32
      scf.for %scan3A_113 = %scan3A_108 to %scan3A_110 step %scan3A_111  : i32 {
        %get3A = arith.index_cast %scan3A_113 : i32 to index
        %get3A_114 = arith.constant 0 : index
        %get3A_115 = tpu.vector_load %arg8[%get3A, %get3A_114] {strides = array<i32>} : memref<80x128xi32, #tpu.memory_space<vmem>>, vector<16xi32>,
        %get3A_116 = arith.index_cast %scan3A_113 : i32 to index
        %get3A_117 = arith.constant 0 : index
        %get3A_118 = tpu.vector_load %arg9[%get3A_116, %get3A_117] {strides = array<i32>} : memref<80x128xi32, #tpu.memory_space<vmem>>, vector<16xi32>,
        %mul3A_119 = arith.constant 2 : i32
        %mul3A_120 = vector.broadcast %mul3A_119 : i32 to vector<16xi32>
        %mul3A_121 = arith.muli %get3A_115, %mul3A_120 : vector<16xi32>
        %gather3A = tpu.vector_load_idx %arg10[%mul3A_121] : memref<20000xf32, #tpu.memory_space<vmem>>[vector<16xi32>], vector<16xf32>,
        %add3A = arith.constant 1 : i32
        %add3A_122 = vector.broadcast %add3A : i32 to vector<16xi32>
        %add3A_123 = arith.addi %mul3A_121, %add3A_122 : vector<16xi32>
        %gather3A_124 = tpu.vector_load_idx %arg10[%add3A_123] : memref<20000xf32, #tpu.memory_space<vmem>>[vector<16xi32>], vector<16xf32>,
        %mul3A_125 = arith.constant 2 : i32
        %mul3A_126 = vector.broadcast %mul3A_125 : i32 to vector<16xi32>
        %mul3A_127 = arith.muli %get3A_118, %mul3A_126 : vector<16xi32>
        %add3A_128 = arith.constant 1 : i32
        %add3A_129 = vector.broadcast %add3A_128 : i32 to vector<16xi32>
        %add3A_130 = arith.addi %mul3A_127, %add3A_129 : vector<16xi32>
        %shift_right_logical3A = arith.constant 7 : i32
        %shift_right_logical3A_131 = vector.broadcast %shift_right_logical3A : i32 to vector<16xi32>
        %shift_right_logical3A_132 = arith.shrui %mul3A_127, %shift_right_logical3A_131 : vector<16xi32>
        %and3A = arith.constant 127 : i32
        %and3A_133 = vector.broadcast %and3A : i32 to vector<16xi32>
        %and3A_134 = arith.andi %mul3A_127, %and3A_133 : vector<16xi32>
        tpu.vector_store_idx %arg11[%shift_right_logical3A_132, %and3A_134], %gather3A {add = true} : memref<160x128xf32, #tpu.memory_space<vmem>>[vector<16xi32>, vector<16xi32>], vector<16xf32>,
        %shift_right_logical3A_135 = arith.constant 7 : i32
        %shift_right_logical3A_136 = vector.broadcast %shift_right_logical3A_135 : i32 to vector<16xi32>
        %shift_right_logical3A_137 = arith.shrui %add3A_130, %shift_right_logical3A_136 : vector<16xi32>
        %and3A_138 = arith.constant 127 : i32
        %and3A_139 = vector.broadcast %and3A_138 : i32 to vector<16xi32>
        %and3A_140 = arith.andi %add3A_130, %and3A_139 : vector<16xi32>
        tpu.vector_store_idx %arg11[%shift_right_logical3A_137, %and3A_140], %gather3A_124 {add = true} : memref<160x128xf32, #tpu.memory_space<vmem>>[vector<16xi32>, vector<16xi32>], vector<16xf32>,
        %get3A_141 = arith.index_cast %scan3A_113 : i32 to index
        %get3A_142 = arith.constant 16 : index
        %get3A_143 = tpu.vector_load %arg8[%get3A_141, %get3A_142] {strides = array<i32>} : memref<80x128xi32, #tpu.memory_space<vmem>>, vector<16xi32>,
        %get3A_144 = arith.index_cast %scan3A_113 : i32 to index
        %get3A_145 = arith.constant 16 : index
        %get3A_146 = tpu.vector_load %arg9[%get3A_144, %get3A_145] {strides = array<i32>} : memref<80x128xi32, #tpu.memory_space<vmem>>, vector<16xi32>,
        %mul3A_147 = arith.constant 2 : i32
        %mul3A_148 = vector.broadcast %mul3A_147 : i32 to vector<16xi32>
        %mul3A_149 = arith.muli %get3A_143, %mul3A_148 : vector<16xi32>
        %gather3A_150 = tpu.vector_load_idx %arg10[%mul3A_149] : memref<20000xf32, #tpu.memory_space<vmem>>[vector<16xi32>], vector<16xf32>,
        %add3A_151 = arith.constant 1 : i32
        %add3A_152 = vector.broadcast %add3A_151 : i32 to vector<16xi32>
        %add3A_153 = arith.addi %mul3A_149, %add3A_152 : vector<16xi32>
        %gather3A_154 = tpu.vector_load_idx %arg10[%add3A_153] : memref<20000xf32, #tpu.memory_space<vmem>>[vector<16xi32>], vector<16xf32>,
        %mul3A_155 = arith.constant 2 : i32
        %mul3A_156 = vector.broadcast %mul3A_155 : i32 to vector<16xi32>
        %mul3A_157 = arith.muli %get3A_146, %mul3A_156 : vector<16xi32>
        %add3A_158 = arith.constant 1 : i32
        %add3A_159 = vector.broadcast %add3A_158 : i32 to vector<16xi32>
        %add3A_160 = arith.addi %mul3A_157, %add3A_159 : vector<16xi32>
        %shift_right_logical3A_161 = arith.constant 7 : i32
        %shift_right_logical3A_162 = vector.broadcast %shift_right_logical3A_161 : i32 to vector<16xi32>
        %shift_right_logical3A_163 = arith.shrui %mul3A_157, %shift_right_logical3A_162 : vector<16xi32>
        %and3A_164 = arith.constant 127 : i32
        %and3A_165 = vector.broadcast %and3A_164 : i32 to vector<16xi32>
        %and3A_166 = arith.andi %mul3A_157, %and3A_165 : vector<16xi32>
        tpu.vector_store_idx %arg11[%shift_right_logical3A_163, %and3A_166], %gather3A_150 {add = true} : memref<160x128xf32, #tpu.memory_space<vmem>>[vector<16xi32>, vector<16xi32>], vector<16xf32>,
        %shift_right_logical3A_167 = arith.constant 7 : i32
        %shift_right_logical3A_168 = vector.broadcast %shift_right_logical3A_167 : i32 to vector<16xi32>
        %shift_right_logical3A_169 = arith.shrui %add3A_160, %shift_right_logical3A_168 : vector<16xi32>
        %and3A_170 = arith.constant 127 : i32
        %and3A_171 = vector.broadcast %and3A_170 : i32 to vector<16xi32>
        %and3A_172 = arith.andi %add3A_160, %and3A_171 : vector<16xi32>
        tpu.vector_store_idx %arg11[%shift_right_logical3A_169, %and3A_172], %gather3A_154 {add = true} : memref<160x128xf32, #tpu.memory_space<vmem>>[vector<16xi32>, vector<16xi32>], vector<16xf32>,
        %get3A_173 = arith.index_cast %scan3A_113 : i32 to index
        %get3A_174 = arith.constant 32 : index
        %get3A_175 = tpu.vector_load %arg8[%get3A_173, %get3A_174] {strides = array<i32>} : memref<80x128xi32, #tpu.memory_space<vmem>>, vector<16xi32>,
        %get3A_176 = arith.index_cast %scan3A_113 : i32 to index
        %get3A_177 = arith.constant 32 : index
        %get3A_178 = tpu.vector_load %arg9[%get3A_176, %get3A_177] {strides = array<i32>} : memref<80x128xi32, #tpu.memory_space<vmem>>, vector<16xi32>,
        %mul3A_179 = arith.constant 2 : i32
        %mul3A_180 = vector.broadcast %mul3A_179 : i32 to vector<16xi32>
        %mul3A_181 = arith.muli %get3A_175, %mul3A_180 : vector<16xi32>
        %gather3A_182 = tpu.vector_load_idx %arg10[%mul3A_181] : memref<20000xf32, #tpu.memory_space<vmem>>[vector<16xi32>], vector<16xf32>,
        %add3A_183 = arith.constant 1 : i32
        %add3A_184 = vector.broadcast %add3A_183 : i32 to vector<16xi32>
        %add3A_185 = arith.addi %mul3A_181, %add3A_184 : vector<16xi32>
        %gather3A_186 = tpu.vector_load_idx %arg10[%add3A_185] : memref<20000xf32, #tpu.memory_space<vmem>>[vector<16xi32>], vector<16xf32>,
        %mul3A_187 = arith.constant 2 : i32
        %mul3A_188 = vector.broadcast %mul3A_187 : i32 to vector<16xi32>
        %mul3A_189 = arith.muli %get3A_178, %mul3A_188 : vector<16xi32>
        %add3A_190 = arith.constant 1 : i32
        %add3A_191 = vector.broadcast %add3A_190 : i32 to vector<16xi32>
        %add3A_192 = arith.addi %mul3A_189, %add3A_191 : vector<16xi32>
        %shift_right_logical3A_193 = arith.constant 7 : i32
        %shift_right_logical3A_194 = vector.broadcast %shift_right_logical3A_193 : i32 to vector<16xi32>
        %shift_right_logical3A_195 = arith.shrui %mul3A_189, %shift_right_logical3A_194 : vector<16xi32>
        %and3A_196 = arith.constant 127 : i32
        %and3A_197 = vector.broadcast %and3A_196 : i32 to vector<16xi32>
        %and3A_198 = arith.andi %mul3A_189, %and3A_197 : vector<16xi32>
        tpu.vector_store_idx %arg11[%shift_right_logical3A_195, %and3A_198], %gather3A_182 {add = true} : memref<160x128xf32, #tpu.memory_space<vmem>>[vector<16xi32>, vector<16xi32>], vector<16xf32>,
        %shift_right_logical3A_199 = arith.constant 7 : i32
        %shift_right_logical3A_200 = vector.broadcast %shift_right_logical3A_199 : i32 to vector<16xi32>
        %shift_right_logical3A_201 = arith.shrui %add3A_192, %shift_right_logical3A_200 : vector<16xi32>
        %and3A_202 = arith.constant 127 : i32
        %and3A_203 = vector.broadcast %and3A_202 : i32 to vector<16xi32>
        %and3A_204 = arith.andi %add3A_192, %and3A_203 : vector<16xi32>
        tpu.vector_store_idx %arg11[%shift_right_logical3A_201, %and3A_204], %gather3A_186 {add = true} : memref<160x128xf32, #tpu.memory_space<vmem>>[vector<16xi32>, vector<16xi32>], vector<16xf32>,
        %get3A_205 = arith.index_cast %scan3A_113 : i32 to index
        %get3A_206 = arith.constant 48 : index
        %get3A_207 = tpu.vector_load %arg8[%get3A_205, %get3A_206] {strides = array<i32>} : memref<80x128xi32, #tpu.memory_space<vmem>>, vector<16xi32>,
        %get3A_208 = arith.index_cast %scan3A_113 : i32 to index
        %get3A_209 = arith.constant 48 : index
        %get3A_210 = tpu.vector_load %arg9[%get3A_208, %get3A_209] {strides = array<i32>} : memref<80x128xi32, #tpu.memory_space<vmem>>, vector<16xi32>,
        %mul3A_211 = arith.constant 2 : i32
        %mul3A_212 = vector.broadcast %mul3A_211 : i32 to vector<16xi32>
        %mul3A_213 = arith.muli %get3A_207, %mul3A_212 : vector<16xi32>
        %gather3A_214 = tpu.vector_load_idx %arg10[%mul3A_213] : memref<20000xf32, #tpu.memory_space<vmem>>[vector<16xi32>], vector<16xf32>,
        %add3A_215 = arith.constant 1 : i32
        %add3A_216 = vector.broadcast %add3A_215 : i32 to vector<16xi32>
        %add3A_217 = arith.addi %mul3A_213, %add3A_216 : vector<16xi32>
        %gather3A_218 = tpu.vector_load_idx %arg10[%add3A_217] : memref<20000xf32, #tpu.memory_space<vmem>>[vector<16xi32>], vector<16xf32>,
        %mul3A_219 = arith.constant 2 : i32
        %mul3A_220 = vector.broadcast %mul3A_219 : i32 to vector<16xi32>
        %mul3A_221 = arith.muli %get3A_210, %mul3A_220 : vector<16xi32>
        %add3A_222 = arith.constant 1 : i32
        %add3A_223 = vector.broadcast %add3A_222 : i32 to vector<16xi32>
        %add3A_224 = arith.addi %mul3A_221, %add3A_223 : vector<16xi32>
        %shift_right_logical3A_225 = arith.constant 7 : i32
        %shift_right_logical3A_226 = vector.broadcast %shift_right_logical3A_225 : i32 to vector<16xi32>
        %shift_right_logical3A_227 = arith.shrui %mul3A_221, %shift_right_logical3A_226 : vector<16xi32>
        %and3A_228 = arith.constant 127 : i32
        %and3A_229 = vector.broadcast %and3A_228 : i32 to vector<16xi32>
        %and3A_230 = arith.andi %mul3A_221, %and3A_229 : vector<16xi32>
        tpu.vector_store_idx %arg11[%shift_right_logical3A_227, %and3A_230], %gather3A_214 {add = true} : memref<160x128xf32, #tpu.memory_space<vmem>>[vector<16xi32>, vector<16xi32>], vector<16xf32>,
        %shift_right_logical3A_231 = arith.constant 7 : i32
        %shift_right_logical3A_232 = vector.broadcast %shift_right_logical3A_231 : i32 to vector<16xi32>
        %shift_right_logical3A_233 = arith.shrui %add3A_224, %shift_right_logical3A_232 : vector<16xi32>
        %and3A_234 = arith.constant 127 : i32
        %and3A_235 = vector.broadcast %and3A_234 : i32 to vector<16xi32>
        %and3A_236 = arith.andi %add3A_224, %and3A_235 : vector<16xi32>
        tpu.vector_store_idx %arg11[%shift_right_logical3A_233, %and3A_236], %gather3A_218 {add = true} : memref<160x128xf32, #tpu.memory_space<vmem>>[vector<16xi32>, vector<16xi32>], vector<16xf32>,
        %get3A_237 = arith.index_cast %scan3A_113 : i32 to index
        %get3A_238 = arith.constant 64 : index
        %get3A_239 = tpu.vector_load %arg8[%get3A_237, %get3A_238] {strides = array<i32>} : memref<80x128xi32, #tpu.memory_space<vmem>>, vector<16xi32>,
        %get3A_240 = arith.index_cast %scan3A_113 : i32 to index
        %get3A_241 = arith.constant 64 : index
        %get3A_242 = tpu.vector_load %arg9[%get3A_240, %get3A_241] {strides = array<i32>} : memref<80x128xi32, #tpu.memory_space<vmem>>, vector<16xi32>,
        %mul3A_243 = arith.constant 2 : i32
        %mul3A_244 = vector.broadcast %mul3A_243 : i32 to vector<16xi32>
        %mul3A_245 = arith.muli %get3A_239, %mul3A_244 : vector<16xi32>
        %gather3A_246 = tpu.vector_load_idx %arg10[%mul3A_245] : memref<20000xf32, #tpu.memory_space<vmem>>[vector<16xi32>], vector<16xf32>,
        %add3A_247 = arith.constant 1 : i32
        %add3A_248 = vector.broadcast %add3A_247 : i32 to vector<16xi32>
        %add3A_249 = arith.addi %mul3A_245, %add3A_248 : vector<16xi32>
        %gather3A_250 = tpu.vector_load_idx %arg10[%add3A_249] : memref<20000xf32, #tpu.memory_space<vmem>>[vector<16xi32>], vector<16xf32>,
        %mul3A_251 = arith.constant 2 : i32
        %mul3A_252 = vector.broadcast %mul3A_251 : i32 to vector<16xi32>
        %mul3A_253 = arith.muli %get3A_242, %mul3A_252 : vector<16xi32>
        %add3A_254 = arith.constant 1 : i32
        %add3A_255 = vector.broadcast %add3A_254 : i32 to vector<16xi32>
        %add3A_256 = arith.addi %mul3A_253, %add3A_255 : vector<16xi32>
        %shift_right_logical3A_257 = arith.constant 7 : i32
        %shift_right_logical3A_258 = vector.broadcast %shift_right_logical3A_257 : i32 to vector<16xi32>
        %shift_right_logical3A_259 = arith.shrui %mul3A_253, %shift_right_logical3A_258 : vector<16xi32>
        %and3A_260 = arith.constant 127 : i32
        %and3A_261 = vector.broadcast %and3A_260 : i32 to vector<16xi32>
        %and3A_262 = arith.andi %mul3A_253, %and3A_261 : vector<16xi32>
        tpu.vector_store_idx %arg11[%shift_right_logical3A_259, %and3A_262], %gather3A_246 {add = true} : memref<160x128xf32, #tpu.memory_space<vmem>>[vector<16xi32>, vector<16xi32>], vector<16xf32>,
        %shift_right_logical3A_263 = arith.constant 7 : i32
        %shift_right_logical3A_264 = vector.broadcast %shift_right_logical3A_263 : i32 to vector<16xi32>
        %shift_right_logical3A_265 = arith.shrui %add3A_256, %shift_right_logical3A_264 : vector<16xi32>
        %and3A_266 = arith.constant 127 : i32
        %and3A_267 = vector.broadcast %and3A_266 : i32 to vector<16xi32>
        %and3A_268 = arith.andi %add3A_256, %and3A_267 : vector<16xi32>
        tpu.vector_store_idx %arg11[%shift_right_logical3A_265, %and3A_268], %gather3A_250 {add = true} : memref<160x128xf32, #tpu.memory_space<vmem>>[vector<16xi32>, vector<16xi32>], vector<16xf32>,
        %get3A_269 = arith.index_cast %scan3A_113 : i32 to index
        %get3A_270 = arith.constant 80 : index
        %get3A_271 = tpu.vector_load %arg8[%get3A_269, %get3A_270] {strides = array<i32>} : memref<80x128xi32, #tpu.memory_space<vmem>>, vector<16xi32>,
        %get3A_272 = arith.index_cast %scan3A_113 : i32 to index
        %get3A_273 = arith.constant 80 : index
        %get3A_274 = tpu.vector_load %arg9[%get3A_272, %get3A_273] {strides = array<i32>} : memref<80x128xi32, #tpu.memory_space<vmem>>, vector<16xi32>,
        %mul3A_275 = arith.constant 2 : i32
        %mul3A_276 = vector.broadcast %mul3A_275 : i32 to vector<16xi32>
        %mul3A_277 = arith.muli %get3A_271, %mul3A_276 : vector<16xi32>
        %gather3A_278 = tpu.vector_load_idx %arg10[%mul3A_277] : memref<20000xf32, #tpu.memory_space<vmem>>[vector<16xi32>], vector<16xf32>,
        %add3A_279 = arith.constant 1 : i32
        %add3A_280 = vector.broadcast %add3A_279 : i32 to vector<16xi32>
        %add3A_281 = arith.addi %mul3A_277, %add3A_280 : vector<16xi32>
        %gather3A_282 = tpu.vector_load_idx %arg10[%add3A_281] : memref<20000xf32, #tpu.memory_space<vmem>>[vector<16xi32>], vector<16xf32>,
        %mul3A_283 = arith.constant 2 : i32
        %mul3A_284 = vector.broadcast %mul3A_283 : i32 to vector<16xi32>
        %mul3A_285 = arith.muli %get3A_274, %mul3A_284 : vector<16xi32>
        %add3A_286 = arith.constant 1 : i32
        %add3A_287 = vector.broadcast %add3A_286 : i32 to vector<16xi32>
        %add3A_288 = arith.addi %mul3A_285, %add3A_287 : vector<16xi32>
        %shift_right_logical3A_289 = arith.constant 7 : i32
        %shift_right_logical3A_290 = vector.broadcast %shift_right_logical3A_289 : i32 to vector<16xi32>
        %shift_right_logical3A_291 = arith.shrui %mul3A_285, %shift_right_logical3A_290 : vector<16xi32>
        %and3A_292 = arith.constant 127 : i32
        %and3A_293 = vector.broadcast %and3A_292 : i32 to vector<16xi32>
        %and3A_294 = arith.andi %mul3A_285, %and3A_293 : vector<16xi32>
        tpu.vector_store_idx %arg11[%shift_right_logical3A_291, %and3A_294], %gather3A_278 {add = true} : memref<160x128xf32, #tpu.memory_space<vmem>>[vector<16xi32>, vector<16xi32>], vector<16xf32>,
        %shift_right_logical3A_295 = arith.constant 7 : i32
        %shift_right_logical3A_296 = vector.broadcast %shift_right_logical3A_295 : i32 to vector<16xi32>
        %shift_right_logical3A_297 = arith.shrui %add3A_288, %shift_right_logical3A_296 : vector<16xi32>
        %and3A_298 = arith.constant 127 : i32
        %and3A_299 = vector.broadcast %and3A_298 : i32 to vector<16xi32>
        %and3A_300 = arith.andi %add3A_288, %and3A_299 : vector<16xi32>
        tpu.vector_store_idx %arg11[%shift_right_logical3A_297, %and3A_300], %gather3A_282 {add = true} : memref<160x128xf32, #tpu.memory_space<vmem>>[vector<16xi32>, vector<16xi32>], vector<16xf32>,
        %get3A_301 = arith.index_cast %scan3A_113 : i32 to index
        %get3A_302 = arith.constant 96 : index
        %get3A_303 = tpu.vector_load %arg8[%get3A_301, %get3A_302] {strides = array<i32>} : memref<80x128xi32, #tpu.memory_space<vmem>>, vector<16xi32>,
        %get3A_304 = arith.index_cast %scan3A_113 : i32 to index
        %get3A_305 = arith.constant 96 : index
        %get3A_306 = tpu.vector_load %arg9[%get3A_304, %get3A_305] {strides = array<i32>} : memref<80x128xi32, #tpu.memory_space<vmem>>, vector<16xi32>,
        %mul3A_307 = arith.constant 2 : i32
        %mul3A_308 = vector.broadcast %mul3A_307 : i32 to vector<16xi32>
        %mul3A_309 = arith.muli %get3A_303, %mul3A_308 : vector<16xi32>
        %gather3A_310 = tpu.vector_load_idx %arg10[%mul3A_309] : memref<20000xf32, #tpu.memory_space<vmem>>[vector<16xi32>], vector<16xf32>,
        %add3A_311 = arith.constant 1 : i32
        %add3A_312 = vector.broadcast %add3A_311 : i32 to vector<16xi32>
        %add3A_313 = arith.addi %mul3A_309, %add3A_312 : vector<16xi32>
        %gather3A_314 = tpu.vector_load_idx %arg10[%add3A_313] : memref<20000xf32, #tpu.memory_space<vmem>>[vector<16xi32>], vector<16xf32>,
        %mul3A_315 = arith.constant 2 : i32
        %mul3A_316 = vector.broadcast %mul3A_315 : i32 to vector<16xi32>
        %mul3A_317 = arith.muli %get3A_306, %mul3A_316 : vector<16xi32>
        %add3A_318 = arith.constant 1 : i32
        %add3A_319 = vector.broadcast %add3A_318 : i32 to vector<16xi32>
        %add3A_320 = arith.addi %mul3A_317, %add3A_319 : vector<16xi32>
        %shift_right_logical3A_321 = arith.constant 7 : i32
        %shift_right_logical3A_322 = vector.broadcast %shift_right_logical3A_321 : i32 to vector<16xi32>
        %shift_right_logical3A_323 = arith.shrui %mul3A_317, %shift_right_logical3A_322 : vector<16xi32>
        %and3A_324 = arith.constant 127 : i32
        %and3A_325 = vector.broadcast %and3A_324 : i32 to vector<16xi32>
        %and3A_326 = arith.andi %mul3A_317, %and3A_325 : vector<16xi32>
        tpu.vector_store_idx %arg11[%shift_right_logical3A_323, %and3A_326], %gather3A_310 {add = true} : memref<160x128xf32, #tpu.memory_space<vmem>>[vector<16xi32>, vector<16xi32>], vector<16xf32>,
        %shift_right_logical3A_327 = arith.constant 7 : i32
        %shift_right_logical3A_328 = vector.broadcast %shift_right_logical3A_327 : i32 to vector<16xi32>
        %shift_right_logical3A_329 = arith.shrui %add3A_320, %shift_right_logical3A_328 : vector<16xi32>
        %and3A_330 = arith.constant 127 : i32
        %and3A_331 = vector.broadcast %and3A_330 : i32 to vector<16xi32>
        %and3A_332 = arith.andi %add3A_320, %and3A_331 : vector<16xi32>
        tpu.vector_store_idx %arg11[%shift_right_logical3A_329, %and3A_332], %gather3A_314 {add = true} : memref<160x128xf32, #tpu.memory_space<vmem>>[vector<16xi32>, vector<16xi32>], vector<16xf32>,
        %get3A_333 = arith.index_cast %scan3A_113 : i32 to index
        %get3A_334 = arith.constant 112 : index
        %get3A_335 = tpu.vector_load %arg8[%get3A_333, %get3A_334] {strides = array<i32>} : memref<80x128xi32, #tpu.memory_space<vmem>>, vector<16xi32>,
        %get3A_336 = arith.index_cast %scan3A_113 : i32 to index
        %get3A_337 = arith.constant 112 : index
        %get3A_338 = tpu.vector_load %arg9[%get3A_336, %get3A_337] {strides = array<i32>} : memref<80x128xi32, #tpu.memory_space<vmem>>, vector<16xi32>,
        %mul3A_339 = arith.constant 2 : i32
        %mul3A_340 = vector.broadcast %mul3A_339 : i32 to vector<16xi32>
        %mul3A_341 = arith.muli %get3A_335, %mul3A_340 : vector<16xi32>
        %gather3A_342 = tpu.vector_load_idx %arg10[%mul3A_341] : memref<20000xf32, #tpu.memory_space<vmem>>[vector<16xi32>], vector<16xf32>,
        %add3A_343 = arith.constant 1 : i32
        %add3A_344 = vector.broadcast %add3A_343 : i32 to vector<16xi32>
        %add3A_345 = arith.addi %mul3A_341, %add3A_344 : vector<16xi32>
        %gather3A_346 = tpu.vector_load_idx %arg10[%add3A_345] : memref<20000xf32, #tpu.memory_space<vmem>>[vector<16xi32>], vector<16xf32>,
        %mul3A_347 = arith.constant 2 : i32
        %mul3A_348 = vector.broadcast %mul3A_347 : i32 to vector<16xi32>
        %mul3A_349 = arith.muli %get3A_338, %mul3A_348 : vector<16xi32>
        %add3A_350 = arith.constant 1 : i32
        %add3A_351 = vector.broadcast %add3A_350 : i32 to vector<16xi32>
        %add3A_352 = arith.addi %mul3A_349, %add3A_351 : vector<16xi32>
        %shift_right_logical3A_353 = arith.constant 7 : i32
        %shift_right_logical3A_354 = vector.broadcast %shift_right_logical3A_353 : i32 to vector<16xi32>
        %shift_right_logical3A_355 = arith.shrui %mul3A_349, %shift_right_logical3A_354 : vector<16xi32>
        %and3A_356 = arith.constant 127 : i32
        %and3A_357 = vector.broadcast %and3A_356 : i32 to vector<16xi32>
        %and3A_358 = arith.andi %mul3A_349, %and3A_357 : vector<16xi32>
        tpu.vector_store_idx %arg11[%shift_right_logical3A_355, %and3A_358], %gather3A_342 {add = true} : memref<160x128xf32, #tpu.memory_space<vmem>>[vector<16xi32>, vector<16xi32>], vector<16xf32>,
        %shift_right_logical3A_359 = arith.constant 7 : i32
        %shift_right_logical3A_360 = vector.broadcast %shift_right_logical3A_359 : i32 to vector<16xi32>
        %shift_right_logical3A_361 = arith.shrui %add3A_352, %shift_right_logical3A_360 : vector<16xi32>
        %and3A_362 = arith.constant 127 : i32
        %and3A_363 = vector.broadcast %and3A_362 : i32 to vector<16xi32>
        %and3A_364 = arith.andi %add3A_352, %and3A_363 : vector<16xi32>
        tpu.vector_store_idx %arg11[%shift_right_logical3A_361, %and3A_364], %gather3A_346 {add = true} : memref<160x128xf32, #tpu.memory_space<vmem>>[vector<16xi32>, vector<16xi32>], vector<16xf32>,
      }
      %scan3A_112 = arith.constant 80 : i32
    } else {
    }
    %eq3A_10 = arith.constant 1 : i32
    %eq3A_11 = arith.cmpi eq, %arg0, %eq3A_10 : i32
    %convert_element_type3A_12 = arith.extui %eq3A_11 : i1 to i32
    %cond3A_13 = arith.constant 0 : i32
    %cond3A_14 = arith.cmpi ne, %convert_element_type3A_12, %cond3A_13 : i32
    scf.if %cond3A_14 {
      %mul3A_105 = arith.constant 160 : i32
      %mul3A_106 = arith.muli %arg1, %mul3A_105 : i32
      %add3A = arith.constant 80 : i32
      %add3A_107 = arith.addi %mul3A_106, %add3A : i32
      "tpu.region"() ({
        %run_scoped3A = tpu.sem_alloc : memref<!tpu.dma_semaphore, #tpu.memory_space<semaphore_mem>>
        %dma_start3A = arith.constant 0 : i32
        %dma_start3A_114 = arith.constant 0 : i32
        %dma_start3A_115 = tpu.memref_slice %arg8[%dma_start3A, %dma_start3A_114] : memref<80x128xi32, #tpu.memory_space<vmem>> -> memref<80x128xi32, #tpu.memory_space<vmem>>
        %dma_start3A_116 = arith.constant 0 : i32
        %dma_start3A_117 = tpu.memref_slice %arg3[%add3A_107, %dma_start3A_116] : memref<2560x128xi32, #tpu.memory_space<hbm>> -> memref<80x128xi32, #tpu.memory_space<hbm>>
        %dma_start3A_118 = arith.constant 0 : i32
        %dma_start3A_119 = arith.constant 0 : i32
        %dma_start3A_120 = tpu.memref_slice %arg8[%dma_start3A_118, %dma_start3A_119] : memref<80x128xi32, #tpu.memory_space<vmem>> -> memref<80x128xi32, #tpu.memory_space<vmem>>
        %dma_start3A_121 = arith.constant 0 : i32
        %dma_start3A_122 = tpu.memref_slice %arg3[%add3A_107, %dma_start3A_121] : memref<2560x128xi32, #tpu.memory_space<hbm>> -> memref<80x128xi32, #tpu.memory_space<hbm>>
        tpu.enqueue_dma source(%dma_start3A_122 : memref<80x128xi32, #tpu.memory_space<hbm>>) target(%dma_start3A_120 : memref<80x128xi32, #tpu.memory_space<vmem>>) target_semaphore(%run_scoped3A : memref<!tpu.dma_semaphore, #tpu.memory_space<semaphore_mem>>)
        %dma_wait3A_123 = arith.constant 0 : i32
        %dma_wait3A_124 = arith.constant 0 : i32
        %dma_wait3A_125 = tpu.memref_slice %arg8[%dma_wait3A_123, %dma_wait3A_124] : memref<80x128xi32, #tpu.memory_space<vmem>> -> memref<80x128xi32, #tpu.memory_space<vmem>>
        %dma_wait3A_126 = arith.constant 0 : i32
        %dma_wait3A_127 = tpu.memref_slice %arg3[%add3A_107, %dma_wait3A_126] : memref<2560x128xi32, #tpu.memory_space<hbm>> -> memref<80x128xi32, #tpu.memory_space<hbm>>
        %dma_wait3A_128 = arith.constant 0 : i32
        %dma_wait3A_129 = arith.constant 0 : i32
        %dma_wait3A_130 = tpu.memref_slice %arg8[%dma_wait3A_128, %dma_wait3A_129] : memref<80x128xi32, #tpu.memory_space<vmem>> -> memref<80x128xi32, #tpu.memory_space<vmem>>
        %dma_wait3A_131 = arith.constant 0 : i32
        %dma_wait3A_132 = tpu.memref_slice %arg3[%add3A_107, %dma_wait3A_131] : memref<2560x128xi32, #tpu.memory_space<hbm>> -> memref<80x128xi32, #tpu.memory_space<hbm>>
        tpu.wait_dma2 semaphore(%run_scoped3A : memref<!tpu.dma_semaphore, #tpu.memory_space<semaphore_mem>>) src(%dma_wait3A_132 : memref<80x128xi32, #tpu.memory_space<hbm>>) dst(%dma_wait3A_130 : memref<80x128xi32, #tpu.memory_space<vmem>>)
        tpu.yield
      }) : () -> ()
      "tpu.region"() ({
        %run_scoped3A = tpu.sem_alloc : memref<!tpu.dma_semaphore, #tpu.memory_space<semaphore_mem>>
        %dma_start3A = arith.constant 0 : i32
        %dma_start3A_114 = arith.constant 0 : i32
        %dma_start3A_115 = tpu.memref_slice %arg9[%dma_start3A, %dma_start3A_114] : memref<80x128xi32, #tpu.memory_space<vmem>> -> memref<80x128xi32, #tpu.memory_space<vmem>>
        %dma_start3A_116 = arith.constant 0 : i32
        %dma_start3A_117 = tpu.memref_slice %arg4[%add3A_107, %dma_start3A_116] : memref<2560x128xi32, #tpu.memory_space<hbm>> -> memref<80x128xi32, #tpu.memory_space<hbm>>
        %dma_start3A_118 = arith.constant 0 : i32
        %dma_start3A_119 = arith.constant 0 : i32
        %dma_start3A_120 = tpu.memref_slice %arg9[%dma_start3A_118, %dma_start3A_119] : memref<80x128xi32, #tpu.memory_space<vmem>> -> memref<80x128xi32, #tpu.memory_space<vmem>>
        %dma_start3A_121 = arith.constant 0 : i32
        %dma_start3A_122 = tpu.memref_slice %arg4[%add3A_107, %dma_start3A_121] : memref<2560x128xi32, #tpu.memory_space<hbm>> -> memref<80x128xi32, #tpu.memory_space<hbm>>
        tpu.enqueue_dma source(%dma_start3A_122 : memref<80x128xi32, #tpu.memory_space<hbm>>) target(%dma_start3A_120 : memref<80x128xi32, #tpu.memory_space<vmem>>) target_semaphore(%run_scoped3A : memref<!tpu.dma_semaphore, #tpu.memory_space<semaphore_mem>>)
        %dma_wait3A_123 = arith.constant 0 : i32
        %dma_wait3A_124 = arith.constant 0 : i32
        %dma_wait3A_125 = tpu.memref_slice %arg9[%dma_wait3A_123, %dma_wait3A_124] : memref<80x128xi32, #tpu.memory_space<vmem>> -> memref<80x128xi32, #tpu.memory_space<vmem>>
        %dma_wait3A_126 = arith.constant 0 : i32
        %dma_wait3A_127 = tpu.memref_slice %arg4[%add3A_107, %dma_wait3A_126] : memref<2560x128xi32, #tpu.memory_space<hbm>> -> memref<80x128xi32, #tpu.memory_space<hbm>>
        %dma_wait3A_128 = arith.constant 0 : i32
        %dma_wait3A_129 = arith.constant 0 : i32
        %dma_wait3A_130 = tpu.memref_slice %arg9[%dma_wait3A_128, %dma_wait3A_129] : memref<80x128xi32, #tpu.memory_space<vmem>> -> memref<80x128xi32, #tpu.memory_space<vmem>>
        %dma_wait3A_131 = arith.constant 0 : i32
        %dma_wait3A_132 = tpu.memref_slice %arg4[%add3A_107, %dma_wait3A_131] : memref<2560x128xi32, #tpu.memory_space<hbm>> -> memref<80x128xi32, #tpu.memory_space<hbm>>
        tpu.wait_dma2 semaphore(%run_scoped3A : memref<!tpu.dma_semaphore, #tpu.memory_space<semaphore_mem>>) src(%dma_wait3A_132 : memref<80x128xi32, #tpu.memory_space<hbm>>) dst(%dma_wait3A_130 : memref<80x128xi32, #tpu.memory_space<vmem>>)
        tpu.yield
      }) : () -> ()
      %scan3A_108 = arith.constant 0 : i32
      %scan3A_109 = arith.constant 0 : i32
      %scan3A_110 = arith.constant 80 : i32
      %scan3A_111 = arith.addi %scan3A_109, %scan3A_110 : i32
      %scan3A_112 = arith.constant 1 : i32
      scf.for %scan3A_114 = %scan3A_109 to %scan3A_111 step %scan3A_112  : i32 {
        %get3A = arith.index_cast %scan3A_114 : i32 to index
        %get3A_115 = arith.constant 0 : index
        %get3A_116 = tpu.vector_load %arg8[%get3A, %get3A_115] {strides = array<i32>} : memref<80x128xi32, #tpu.memory_space<vmem>>, vector<16xi32>,
        %get3A_117 = arith.index_cast %scan3A_114 : i32 to index
        %get3A_118 = arith.constant 0 : index
        %get3A_119 = tpu.vector_load %arg9[%get3A_117, %get3A_118] {strides = array<i32>} : memref<80x128xi32, #tpu.memory_space<vmem>>, vector<16xi32>,
        %mul3A_120 = arith.constant 2 : i32
        %mul3A_121 = vector.broadcast %mul3A_120 : i32 to vector<16xi32>
        %mul3A_122 = arith.muli %get3A_116, %mul3A_121 : vector<16xi32>
        %gather3A = tpu.vector_load_idx %arg10[%mul3A_122] : memref<20000xf32, #tpu.memory_space<vmem>>[vector<16xi32>], vector<16xf32>,
        %add3A_123 = arith.constant 1 : i32
        %add3A_124 = vector.broadcast %add3A_123 : i32 to vector<16xi32>
        %add3A_125 = arith.addi %mul3A_122, %add3A_124 : vector<16xi32>
        %gather3A_126 = tpu.vector_load_idx %arg10[%add3A_125] : memref<20000xf32, #tpu.memory_space<vmem>>[vector<16xi32>], vector<16xf32>,
        %mul3A_127 = arith.constant 2 : i32
        %mul3A_128 = vector.broadcast %mul3A_127 : i32 to vector<16xi32>
        %mul3A_129 = arith.muli %get3A_119, %mul3A_128 : vector<16xi32>
        %add3A_130 = arith.constant 1 : i32
        %add3A_131 = vector.broadcast %add3A_130 : i32 to vector<16xi32>
        %add3A_132 = arith.addi %mul3A_129, %add3A_131 : vector<16xi32>
        %shift_right_logical3A = arith.constant 7 : i32
        %shift_right_logical3A_133 = vector.broadcast %shift_right_logical3A : i32 to vector<16xi32>
        %shift_right_logical3A_134 = arith.shrui %mul3A_129, %shift_right_logical3A_133 : vector<16xi32>
        %and3A = arith.constant 127 : i32
        %and3A_135 = vector.broadcast %and3A : i32 to vector<16xi32>
        %and3A_136 = arith.andi %mul3A_129, %and3A_135 : vector<16xi32>
        tpu.vector_store_idx %arg11[%shift_right_logical3A_134, %and3A_136], %gather3A {add = true} : memref<160x128xf32, #tpu.memory_space<vmem>>[vector<16xi32>, vector<16xi32>], vector<16xf32>,
        %shift_right_logical3A_137 = arith.constant 7 : i32
        %shift_right_logical3A_138 = vector.broadcast %shift_right_logical3A_137 : i32 to vector<16xi32>
        %shift_right_logical3A_139 = arith.shrui %add3A_132, %shift_right_logical3A_138 : vector<16xi32>
        %and3A_140 = arith.constant 127 : i32
        %and3A_141 = vector.broadcast %and3A_140 : i32 to vector<16xi32>
        %and3A_142 = arith.andi %add3A_132, %and3A_141 : vector<16xi32>
        tpu.vector_store_idx %arg11[%shift_right_logical3A_139, %and3A_142], %gather3A_126 {add = true} : memref<160x128xf32, #tpu.memory_space<vmem>>[vector<16xi32>, vector<16xi32>], vector<16xf32>,
        %get3A_143 = arith.index_cast %scan3A_114 : i32 to index
        %get3A_144 = arith.constant 16 : index
        %get3A_145 = tpu.vector_load %arg8[%get3A_143, %get3A_144] {strides = array<i32>} : memref<80x128xi32, #tpu.memory_space<vmem>>, vector<16xi32>,
        %get3A_146 = arith.index_cast %scan3A_114 : i32 to index
        %get3A_147 = arith.constant 16 : index
        %get3A_148 = tpu.vector_load %arg9[%get3A_146, %get3A_147] {strides = array<i32>} : memref<80x128xi32, #tpu.memory_space<vmem>>, vector<16xi32>,
        %mul3A_149 = arith.constant 2 : i32
        %mul3A_150 = vector.broadcast %mul3A_149 : i32 to vector<16xi32>
        %mul3A_151 = arith.muli %get3A_145, %mul3A_150 : vector<16xi32>
        %gather3A_152 = tpu.vector_load_idx %arg10[%mul3A_151] : memref<20000xf32, #tpu.memory_space<vmem>>[vector<16xi32>], vector<16xf32>,
        %add3A_153 = arith.constant 1 : i32
        %add3A_154 = vector.broadcast %add3A_153 : i32 to vector<16xi32>
        %add3A_155 = arith.addi %mul3A_151, %add3A_154 : vector<16xi32>
        %gather3A_156 = tpu.vector_load_idx %arg10[%add3A_155] : memref<20000xf32, #tpu.memory_space<vmem>>[vector<16xi32>], vector<16xf32>,
        %mul3A_157 = arith.constant 2 : i32
        %mul3A_158 = vector.broadcast %mul3A_157 : i32 to vector<16xi32>
        %mul3A_159 = arith.muli %get3A_148, %mul3A_158 : vector<16xi32>
        %add3A_160 = arith.constant 1 : i32
        %add3A_161 = vector.broadcast %add3A_160 : i32 to vector<16xi32>
        %add3A_162 = arith.addi %mul3A_159, %add3A_161 : vector<16xi32>
        %shift_right_logical3A_163 = arith.constant 7 : i32
        %shift_right_logical3A_164 = vector.broadcast %shift_right_logical3A_163 : i32 to vector<16xi32>
        %shift_right_logical3A_165 = arith.shrui %mul3A_159, %shift_right_logical3A_164 : vector<16xi32>
        %and3A_166 = arith.constant 127 : i32
        %and3A_167 = vector.broadcast %and3A_166 : i32 to vector<16xi32>
        %and3A_168 = arith.andi %mul3A_159, %and3A_167 : vector<16xi32>
        tpu.vector_store_idx %arg11[%shift_right_logical3A_165, %and3A_168], %gather3A_152 {add = true} : memref<160x128xf32, #tpu.memory_space<vmem>>[vector<16xi32>, vector<16xi32>], vector<16xf32>,
        %shift_right_logical3A_169 = arith.constant 7 : i32
        %shift_right_logical3A_170 = vector.broadcast %shift_right_logical3A_169 : i32 to vector<16xi32>
        %shift_right_logical3A_171 = arith.shrui %add3A_162, %shift_right_logical3A_170 : vector<16xi32>
        %and3A_172 = arith.constant 127 : i32
        %and3A_173 = vector.broadcast %and3A_172 : i32 to vector<16xi32>
        %and3A_174 = arith.andi %add3A_162, %and3A_173 : vector<16xi32>
        tpu.vector_store_idx %arg11[%shift_right_logical3A_171, %and3A_174], %gather3A_156 {add = true} : memref<160x128xf32, #tpu.memory_space<vmem>>[vector<16xi32>, vector<16xi32>], vector<16xf32>,
        %get3A_175 = arith.index_cast %scan3A_114 : i32 to index
        %get3A_176 = arith.constant 32 : index
        %get3A_177 = tpu.vector_load %arg8[%get3A_175, %get3A_176] {strides = array<i32>} : memref<80x128xi32, #tpu.memory_space<vmem>>, vector<16xi32>,
        %get3A_178 = arith.index_cast %scan3A_114 : i32 to index
        %get3A_179 = arith.constant 32 : index
        %get3A_180 = tpu.vector_load %arg9[%get3A_178, %get3A_179] {strides = array<i32>} : memref<80x128xi32, #tpu.memory_space<vmem>>, vector<16xi32>,
        %mul3A_181 = arith.constant 2 : i32
        %mul3A_182 = vector.broadcast %mul3A_181 : i32 to vector<16xi32>
        %mul3A_183 = arith.muli %get3A_177, %mul3A_182 : vector<16xi32>
        %gather3A_184 = tpu.vector_load_idx %arg10[%mul3A_183] : memref<20000xf32, #tpu.memory_space<vmem>>[vector<16xi32>], vector<16xf32>,
        %add3A_185 = arith.constant 1 : i32
        %add3A_186 = vector.broadcast %add3A_185 : i32 to vector<16xi32>
        %add3A_187 = arith.addi %mul3A_183, %add3A_186 : vector<16xi32>
        %gather3A_188 = tpu.vector_load_idx %arg10[%add3A_187] : memref<20000xf32, #tpu.memory_space<vmem>>[vector<16xi32>], vector<16xf32>,
        %mul3A_189 = arith.constant 2 : i32
        %mul3A_190 = vector.broadcast %mul3A_189 : i32 to vector<16xi32>
        %mul3A_191 = arith.muli %get3A_180, %mul3A_190 : vector<16xi32>
        %add3A_192 = arith.constant 1 : i32
        %add3A_193 = vector.broadcast %add3A_192 : i32 to vector<16xi32>
        %add3A_194 = arith.addi %mul3A_191, %add3A_193 : vector<16xi32>
        %shift_right_logical3A_195 = arith.constant 7 : i32
        %shift_right_logical3A_196 = vector.broadcast %shift_right_logical3A_195 : i32 to vector<16xi32>
        %shift_right_logical3A_197 = arith.shrui %mul3A_191, %shift_right_logical3A_196 : vector<16xi32>
        %and3A_198 = arith.constant 127 : i32
        %and3A_199 = vector.broadcast %and3A_198 : i32 to vector<16xi32>
        %and3A_200 = arith.andi %mul3A_191, %and3A_199 : vector<16xi32>
        tpu.vector_store_idx %arg11[%shift_right_logical3A_197, %and3A_200], %gather3A_184 {add = true} : memref<160x128xf32, #tpu.memory_space<vmem>>[vector<16xi32>, vector<16xi32>], vector<16xf32>,
        %shift_right_logical3A_201 = arith.constant 7 : i32
        %shift_right_logical3A_202 = vector.broadcast %shift_right_logical3A_201 : i32 to vector<16xi32>
        %shift_right_logical3A_203 = arith.shrui %add3A_194, %shift_right_logical3A_202 : vector<16xi32>
        %and3A_204 = arith.constant 127 : i32
        %and3A_205 = vector.broadcast %and3A_204 : i32 to vector<16xi32>
        %and3A_206 = arith.andi %add3A_194, %and3A_205 : vector<16xi32>
        tpu.vector_store_idx %arg11[%shift_right_logical3A_203, %and3A_206], %gather3A_188 {add = true} : memref<160x128xf32, #tpu.memory_space<vmem>>[vector<16xi32>, vector<16xi32>], vector<16xf32>,
        %get3A_207 = arith.index_cast %scan3A_114 : i32 to index
        %get3A_208 = arith.constant 48 : index
        %get3A_209 = tpu.vector_load %arg8[%get3A_207, %get3A_208] {strides = array<i32>} : memref<80x128xi32, #tpu.memory_space<vmem>>, vector<16xi32>,
        %get3A_210 = arith.index_cast %scan3A_114 : i32 to index
        %get3A_211 = arith.constant 48 : index
        %get3A_212 = tpu.vector_load %arg9[%get3A_210, %get3A_211] {strides = array<i32>} : memref<80x128xi32, #tpu.memory_space<vmem>>, vector<16xi32>,
        %mul3A_213 = arith.constant 2 : i32
        %mul3A_214 = vector.broadcast %mul3A_213 : i32 to vector<16xi32>
        %mul3A_215 = arith.muli %get3A_209, %mul3A_214 : vector<16xi32>
        %gather3A_216 = tpu.vector_load_idx %arg10[%mul3A_215] : memref<20000xf32, #tpu.memory_space<vmem>>[vector<16xi32>], vector<16xf32>,
        %add3A_217 = arith.constant 1 : i32
        %add3A_218 = vector.broadcast %add3A_217 : i32 to vector<16xi32>
        %add3A_219 = arith.addi %mul3A_215, %add3A_218 : vector<16xi32>
        %gather3A_220 = tpu.vector_load_idx %arg10[%add3A_219] : memref<20000xf32, #tpu.memory_space<vmem>>[vector<16xi32>], vector<16xf32>,
        %mul3A_221 = arith.constant 2 : i32
        %mul3A_222 = vector.broadcast %mul3A_221 : i32 to vector<16xi32>
        %mul3A_223 = arith.muli %get3A_212, %mul3A_222 : vector<16xi32>
        %add3A_224 = arith.constant 1 : i32
        %add3A_225 = vector.broadcast %add3A_224 : i32 to vector<16xi32>
        %add3A_226 = arith.addi %mul3A_223, %add3A_225 : vector<16xi32>
        %shift_right_logical3A_227 = arith.constant 7 : i32
        %shift_right_logical3A_228 = vector.broadcast %shift_right_logical3A_227 : i32 to vector<16xi32>
        %shift_right_logical3A_229 = arith.shrui %mul3A_223, %shift_right_logical3A_228 : vector<16xi32>
        %and3A_230 = arith.constant 127 : i32
        %and3A_231 = vector.broadcast %and3A_230 : i32 to vector<16xi32>
        %and3A_232 = arith.andi %mul3A_223, %and3A_231 : vector<16xi32>
        tpu.vector_store_idx %arg11[%shift_right_logical3A_229, %and3A_232], %gather3A_216 {add = true} : memref<160x128xf32, #tpu.memory_space<vmem>>[vector<16xi32>, vector<16xi32>], vector<16xf32>,
        %shift_right_logical3A_233 = arith.constant 7 : i32
        %shift_right_logical3A_234 = vector.broadcast %shift_right_logical3A_233 : i32 to vector<16xi32>
        %shift_right_logical3A_235 = arith.shrui %add3A_226, %shift_right_logical3A_234 : vector<16xi32>
        %and3A_236 = arith.constant 127 : i32
        %and3A_237 = vector.broadcast %and3A_236 : i32 to vector<16xi32>
        %and3A_238 = arith.andi %add3A_226, %and3A_237 : vector<16xi32>
        tpu.vector_store_idx %arg11[%shift_right_logical3A_235, %and3A_238], %gather3A_220 {add = true} : memref<160x128xf32, #tpu.memory_space<vmem>>[vector<16xi32>, vector<16xi32>], vector<16xf32>,
        %get3A_239 = arith.index_cast %scan3A_114 : i32 to index
        %get3A_240 = arith.constant 64 : index
        %get3A_241 = tpu.vector_load %arg8[%get3A_239, %get3A_240] {strides = array<i32>} : memref<80x128xi32, #tpu.memory_space<vmem>>, vector<16xi32>,
        %get3A_242 = arith.index_cast %scan3A_114 : i32 to index
        %get3A_243 = arith.constant 64 : index
        %get3A_244 = tpu.vector_load %arg9[%get3A_242, %get3A_243] {strides = array<i32>} : memref<80x128xi32, #tpu.memory_space<vmem>>, vector<16xi32>,
        %mul3A_245 = arith.constant 2 : i32
        %mul3A_246 = vector.broadcast %mul3A_245 : i32 to vector<16xi32>
        %mul3A_247 = arith.muli %get3A_241, %mul3A_246 : vector<16xi32>
        %gather3A_248 = tpu.vector_load_idx %arg10[%mul3A_247] : memref<20000xf32, #tpu.memory_space<vmem>>[vector<16xi32>], vector<16xf32>,
        %add3A_249 = arith.constant 1 : i32
        %add3A_250 = vector.broadcast %add3A_249 : i32 to vector<16xi32>
        %add3A_251 = arith.addi %mul3A_247, %add3A_250 : vector<16xi32>
        %gather3A_252 = tpu.vector_load_idx %arg10[%add3A_251] : memref<20000xf32, #tpu.memory_space<vmem>>[vector<16xi32>], vector<16xf32>,
        %mul3A_253 = arith.constant 2 : i32
        %mul3A_254 = vector.broadcast %mul3A_253 : i32 to vector<16xi32>
        %mul3A_255 = arith.muli %get3A_244, %mul3A_254 : vector<16xi32>
        %add3A_256 = arith.constant 1 : i32
        %add3A_257 = vector.broadcast %add3A_256 : i32 to vector<16xi32>
        %add3A_258 = arith.addi %mul3A_255, %add3A_257 : vector<16xi32>
        %shift_right_logical3A_259 = arith.constant 7 : i32
        %shift_right_logical3A_260 = vector.broadcast %shift_right_logical3A_259 : i32 to vector<16xi32>
        %shift_right_logical3A_261 = arith.shrui %mul3A_255, %shift_right_logical3A_260 : vector<16xi32>
        %and3A_262 = arith.constant 127 : i32
        %and3A_263 = vector.broadcast %and3A_262 : i32 to vector<16xi32>
        %and3A_264 = arith.andi %mul3A_255, %and3A_263 : vector<16xi32>
        tpu.vector_store_idx %arg11[%shift_right_logical3A_261, %and3A_264], %gather3A_248 {add = true} : memref<160x128xf32, #tpu.memory_space<vmem>>[vector<16xi32>, vector<16xi32>], vector<16xf32>,
        %shift_right_logical3A_265 = arith.constant 7 : i32
        %shift_right_logical3A_266 = vector.broadcast %shift_right_logical3A_265 : i32 to vector<16xi32>
        %shift_right_logical3A_267 = arith.shrui %add3A_258, %shift_right_logical3A_266 : vector<16xi32>
        %and3A_268 = arith.constant 127 : i32
        %and3A_269 = vector.broadcast %and3A_268 : i32 to vector<16xi32>
        %and3A_270 = arith.andi %add3A_258, %and3A_269 : vector<16xi32>
        tpu.vector_store_idx %arg11[%shift_right_logical3A_267, %and3A_270], %gather3A_252 {add = true} : memref<160x128xf32, #tpu.memory_space<vmem>>[vector<16xi32>, vector<16xi32>], vector<16xf32>,
        %get3A_271 = arith.index_cast %scan3A_114 : i32 to index
        %get3A_272 = arith.constant 80 : index
        %get3A_273 = tpu.vector_load %arg8[%get3A_271, %get3A_272] {strides = array<i32>} : memref<80x128xi32, #tpu.memory_space<vmem>>, vector<16xi32>,
        %get3A_274 = arith.index_cast %scan3A_114 : i32 to index
        %get3A_275 = arith.constant 80 : index
        %get3A_276 = tpu.vector_load %arg9[%get3A_274, %get3A_275] {strides = array<i32>} : memref<80x128xi32, #tpu.memory_space<vmem>>, vector<16xi32>,
        %mul3A_277 = arith.constant 2 : i32
        %mul3A_278 = vector.broadcast %mul3A_277 : i32 to vector<16xi32>
        %mul3A_279 = arith.muli %get3A_273, %mul3A_278 : vector<16xi32>
        %gather3A_280 = tpu.vector_load_idx %arg10[%mul3A_279] : memref<20000xf32, #tpu.memory_space<vmem>>[vector<16xi32>], vector<16xf32>,
        %add3A_281 = arith.constant 1 : i32
        %add3A_282 = vector.broadcast %add3A_281 : i32 to vector<16xi32>
        %add3A_283 = arith.addi %mul3A_279, %add3A_282 : vector<16xi32>
        %gather3A_284 = tpu.vector_load_idx %arg10[%add3A_283] : memref<20000xf32, #tpu.memory_space<vmem>>[vector<16xi32>], vector<16xf32>,
        %mul3A_285 = arith.constant 2 : i32
        %mul3A_286 = vector.broadcast %mul3A_285 : i32 to vector<16xi32>
        %mul3A_287 = arith.muli %get3A_276, %mul3A_286 : vector<16xi32>
        %add3A_288 = arith.constant 1 : i32
        %add3A_289 = vector.broadcast %add3A_288 : i32 to vector<16xi32>
        %add3A_290 = arith.addi %mul3A_287, %add3A_289 : vector<16xi32>
        %shift_right_logical3A_291 = arith.constant 7 : i32
        %shift_right_logical3A_292 = vector.broadcast %shift_right_logical3A_291 : i32 to vector<16xi32>
        %shift_right_logical3A_293 = arith.shrui %mul3A_287, %shift_right_logical3A_292 : vector<16xi32>
        %and3A_294 = arith.constant 127 : i32
        %and3A_295 = vector.broadcast %and3A_294 : i32 to vector<16xi32>
        %and3A_296 = arith.andi %mul3A_287, %and3A_295 : vector<16xi32>
        tpu.vector_store_idx %arg11[%shift_right_logical3A_293, %and3A_296], %gather3A_280 {add = true} : memref<160x128xf32, #tpu.memory_space<vmem>>[vector<16xi32>, vector<16xi32>], vector<16xf32>,
        %shift_right_logical3A_297 = arith.constant 7 : i32
        %shift_right_logical3A_298 = vector.broadcast %shift_right_logical3A_297 : i32 to vector<16xi32>
        %shift_right_logical3A_299 = arith.shrui %add3A_290, %shift_right_logical3A_298 : vector<16xi32>
        %and3A_300 = arith.constant 127 : i32
        %and3A_301 = vector.broadcast %and3A_300 : i32 to vector<16xi32>
        %and3A_302 = arith.andi %add3A_290, %and3A_301 : vector<16xi32>
        tpu.vector_store_idx %arg11[%shift_right_logical3A_299, %and3A_302], %gather3A_284 {add = true} : memref<160x128xf32, #tpu.memory_space<vmem>>[vector<16xi32>, vector<16xi32>], vector<16xf32>,
        %get3A_303 = arith.index_cast %scan3A_114 : i32 to index
        %get3A_304 = arith.constant 96 : index
        %get3A_305 = tpu.vector_load %arg8[%get3A_303, %get3A_304] {strides = array<i32>} : memref<80x128xi32, #tpu.memory_space<vmem>>, vector<16xi32>,
        %get3A_306 = arith.index_cast %scan3A_114 : i32 to index
        %get3A_307 = arith.constant 96 : index
        %get3A_308 = tpu.vector_load %arg9[%get3A_306, %get3A_307] {strides = array<i32>} : memref<80x128xi32, #tpu.memory_space<vmem>>, vector<16xi32>,
        %mul3A_309 = arith.constant 2 : i32
        %mul3A_310 = vector.broadcast %mul3A_309 : i32 to vector<16xi32>
        %mul3A_311 = arith.muli %get3A_305, %mul3A_310 : vector<16xi32>
        %gather3A_312 = tpu.vector_load_idx %arg10[%mul3A_311] : memref<20000xf32, #tpu.memory_space<vmem>>[vector<16xi32>], vector<16xf32>,
        %add3A_313 = arith.constant 1 : i32
        %add3A_314 = vector.broadcast %add3A_313 : i32 to vector<16xi32>
        %add3A_315 = arith.addi %mul3A_311, %add3A_314 : vector<16xi32>
        %gather3A_316 = tpu.vector_load_idx %arg10[%add3A_315] : memref<20000xf32, #tpu.memory_space<vmem>>[vector<16xi32>], vector<16xf32>,
        %mul3A_317 = arith.constant 2 : i32
        %mul3A_318 = vector.broadcast %mul3A_317 : i32 to vector<16xi32>
        %mul3A_319 = arith.muli %get3A_308, %mul3A_318 : vector<16xi32>
        %add3A_320 = arith.constant 1 : i32
        %add3A_321 = vector.broadcast %add3A_320 : i32 to vector<16xi32>
        %add3A_322 = arith.addi %mul3A_319, %add3A_321 : vector<16xi32>
        %shift_right_logical3A_323 = arith.constant 7 : i32
        %shift_right_logical3A_324 = vector.broadcast %shift_right_logical3A_323 : i32 to vector<16xi32>
        %shift_right_logical3A_325 = arith.shrui %mul3A_319, %shift_right_logical3A_324 : vector<16xi32>
        %and3A_326 = arith.constant 127 : i32
        %and3A_327 = vector.broadcast %and3A_326 : i32 to vector<16xi32>
        %and3A_328 = arith.andi %mul3A_319, %and3A_327 : vector<16xi32>
        tpu.vector_store_idx %arg11[%shift_right_logical3A_325, %and3A_328], %gather3A_312 {add = true} : memref<160x128xf32, #tpu.memory_space<vmem>>[vector<16xi32>, vector<16xi32>], vector<16xf32>,
        %shift_right_logical3A_329 = arith.constant 7 : i32
        %shift_right_logical3A_330 = vector.broadcast %shift_right_logical3A_329 : i32 to vector<16xi32>
        %shift_right_logical3A_331 = arith.shrui %add3A_322, %shift_right_logical3A_330 : vector<16xi32>
        %and3A_332 = arith.constant 127 : i32
        %and3A_333 = vector.broadcast %and3A_332 : i32 to vector<16xi32>
        %and3A_334 = arith.andi %add3A_322, %and3A_333 : vector<16xi32>
        tpu.vector_store_idx %arg11[%shift_right_logical3A_331, %and3A_334], %gather3A_316 {add = true} : memref<160x128xf32, #tpu.memory_space<vmem>>[vector<16xi32>, vector<16xi32>], vector<16xf32>,
        %get3A_335 = arith.index_cast %scan3A_114 : i32 to index
        %get3A_336 = arith.constant 112 : index
        %get3A_337 = tpu.vector_load %arg8[%get3A_335, %get3A_336] {strides = array<i32>} : memref<80x128xi32, #tpu.memory_space<vmem>>, vector<16xi32>,
        %get3A_338 = arith.index_cast %scan3A_114 : i32 to index
        %get3A_339 = arith.constant 112 : index
        %get3A_340 = tpu.vector_load %arg9[%get3A_338, %get3A_339] {strides = array<i32>} : memref<80x128xi32, #tpu.memory_space<vmem>>, vector<16xi32>,
        %mul3A_341 = arith.constant 2 : i32
        %mul3A_342 = vector.broadcast %mul3A_341 : i32 to vector<16xi32>
        %mul3A_343 = arith.muli %get3A_337, %mul3A_342 : vector<16xi32>
        %gather3A_344 = tpu.vector_load_idx %arg10[%mul3A_343] : memref<20000xf32, #tpu.memory_space<vmem>>[vector<16xi32>], vector<16xf32>,
        %add3A_345 = arith.constant 1 : i32
        %add3A_346 = vector.broadcast %add3A_345 : i32 to vector<16xi32>
        %add3A_347 = arith.addi %mul3A_343, %add3A_346 : vector<16xi32>
        %gather3A_348 = tpu.vector_load_idx %arg10[%add3A_347] : memref<20000xf32, #tpu.memory_space<vmem>>[vector<16xi32>], vector<16xf32>,
        %mul3A_349 = arith.constant 2 : i32
        %mul3A_350 = vector.broadcast %mul3A_349 : i32 to vector<16xi32>
        %mul3A_351 = arith.muli %get3A_340, %mul3A_350 : vector<16xi32>
        %add3A_352 = arith.constant 1 : i32
        %add3A_353 = vector.broadcast %add3A_352 : i32 to vector<16xi32>
        %add3A_354 = arith.addi %mul3A_351, %add3A_353 : vector<16xi32>
        %shift_right_logical3A_355 = arith.constant 7 : i32
        %shift_right_logical3A_356 = vector.broadcast %shift_right_logical3A_355 : i32 to vector<16xi32>
        %shift_right_logical3A_357 = arith.shrui %mul3A_351, %shift_right_logical3A_356 : vector<16xi32>
        %and3A_358 = arith.constant 127 : i32
        %and3A_359 = vector.broadcast %and3A_358 : i32 to vector<16xi32>
        %and3A_360 = arith.andi %mul3A_351, %and3A_359 : vector<16xi32>
        tpu.vector_store_idx %arg11[%shift_right_logical3A_357, %and3A_360], %gather3A_344 {add = true} : memref<160x128xf32, #tpu.memory_space<vmem>>[vector<16xi32>, vector<16xi32>], vector<16xf32>,
        %shift_right_logical3A_361 = arith.constant 7 : i32
        %shift_right_logical3A_362 = vector.broadcast %shift_right_logical3A_361 : i32 to vector<16xi32>
        %shift_right_logical3A_363 = arith.shrui %add3A_354, %shift_right_logical3A_362 : vector<16xi32>
        %and3A_364 = arith.constant 127 : i32
        %and3A_365 = vector.broadcast %and3A_364 : i32 to vector<16xi32>
        %and3A_366 = arith.andi %add3A_354, %and3A_365 : vector<16xi32>
        tpu.vector_store_idx %arg11[%shift_right_logical3A_363, %and3A_366], %gather3A_348 {add = true} : memref<160x128xf32, #tpu.memory_space<vmem>>[vector<16xi32>, vector<16xi32>], vector<16xf32>,
      }
      %scan3A_113 = arith.constant 80 : i32
    } else {
    }
    %scan3A_15 = arith.constant 0 : i32
    %scan3A_16 = arith.constant 0 : i32
    %scan3A_17 = arith.constant 160 : i32
    %scan3A_18 = arith.addi %scan3A_16, %scan3A_17 : i32
    %scan3A_19 = arith.constant 1 : i32
    scf.for %scan3A_105 = %scan3A_16 to %scan3A_18 step %scan3A_19  : i32 {
      %dma_start3A = arith.constant 0 : i32
      %dma_start3A_106 = tpu.memref_slice %arg11[%scan3A_105, %dma_start3A] : memref<160x128xf32, #tpu.memory_space<vmem>> -> memref<1x128xf32, #tpu.memory_space<vmem>>
      %dma_start3A_107 = tpu.memref_squeeze %dma_start3A_106 : memref<1x128xf32, #tpu.memory_space<vmem>> -> memref<128xf32, #tpu.memory_space<vmem>>
      %dma_start3A_108 = arith.constant 0 : i32
      %dma_start3A_109 = tpu.memref_slice %arg12[%scan3A_105, %dma_start3A_108] : memref<160x128xi32, #tpu.memory_space<vmem>> -> memref<1x128xi32, #tpu.memory_space<vmem>>
      %dma_start3A_110 = tpu.memref_squeeze %dma_start3A_109 : memref<1x128xi32, #tpu.memory_space<vmem>> -> memref<128xi32, #tpu.memory_space<vmem>>
      %dma_start3A_111 = arith.constant 0 : i32
      %dma_start3A_112 = tpu.memref_slice %arg13[%dma_start3A_111] : memref<20480xf32, #tpu.memory_space<vmem_shared>> -> memref<20480xf32, #tpu.memory_space<vmem_shared>>
      tpu.enqueue_indirect_dma source(%dma_start3A_107 : memref<128xf32, #tpu.memory_space<vmem>>) target(%dma_start3A_112 : memref<20480xf32, #tpu.memory_space<vmem_shared>>) offsets(%dma_start3A_110 : memref<128xi32, #tpu.memory_space<vmem>>) semaphore(%arg14 : memref<!tpu.dma_semaphore, #tpu.memory_space<semaphore_mem>>) {add = true}
      %ge3A = arith.constant 8 : i32
      %ge3A_113 = arith.cmpi sge, %scan3A_105, %ge3A : i32
      %convert_element_type3A_114 = arith.extui %ge3A_113 : i1 to i32
      %cond3A_115 = arith.constant 0 : i32
      %cond3A_116 = arith.cmpi ne, %convert_element_type3A_114, %cond3A_115 : i32
      scf.if %cond3A_116 {
        %dma_wait3A_117 = arith.constant 0 : i32
        %dma_wait3A_118 = arith.constant 0 : i32
        %dma_wait3A_119 = arith.constant 0 : i32
        %dma_wait3A_120 = tpu.memref_slice %arg11[%dma_wait3A_117, %dma_wait3A_119] : memref<160x128xf32, #tpu.memory_space<vmem>> -> memref<1x128xf32, #tpu.memory_space<vmem>>
        %dma_wait3A_121 = tpu.memref_squeeze %dma_wait3A_120 : memref<1x128xf32, #tpu.memory_space<vmem>> -> memref<128xf32, #tpu.memory_space<vmem>>
        %dma_wait3A_122 = arith.constant 0 : i32
        %dma_wait3A_123 = tpu.memref_slice %arg12[%dma_wait3A_118, %dma_wait3A_122] : memref<160x128xi32, #tpu.memory_space<vmem>> -> memref<1x128xi32, #tpu.memory_space<vmem>>
        %dma_wait3A_124 = tpu.memref_squeeze %dma_wait3A_123 : memref<1x128xi32, #tpu.memory_space<vmem>> -> memref<128xi32, #tpu.memory_space<vmem>>
        %dma_wait3A_125 = arith.constant 0 : i32
        %dma_wait3A_126 = tpu.memref_slice %arg13[%dma_wait3A_125] : memref<20480xf32, #tpu.memory_space<vmem_shared>> -> memref<20480xf32, #tpu.memory_space<vmem_shared>>
        tpu.wait_indirect_dma semaphore(%arg14 : memref<!tpu.dma_semaphore, #tpu.memory_space<semaphore_mem>>) src(%dma_wait3A_121 : memref<128xf32, #tpu.memory_space<vmem>>) dst(%dma_wait3A_126 : memref<20480xf32, #tpu.memory_space<vmem_shared>>)
      } else {
      }
    }
    %scan3A_20 = arith.constant 160 : i32
    %dma_wait3A = arith.constant 0 : i32
    %dma_wait3A_21 = arith.constant 0 : i32
    %dma_wait3A_22 = arith.constant 0 : i32
    %dma_wait3A_23 = tpu.memref_slice %arg11[%dma_wait3A, %dma_wait3A_22] : memref<160x128xf32, #tpu.memory_space<vmem>> -> memref<1x128xf32, #tpu.memory_space<vmem>>
    %dma_wait3A_24 = tpu.memref_squeeze %dma_wait3A_23 : memref<1x128xf32, #tpu.memory_space<vmem>> -> memref<128xf32, #tpu.memory_space<vmem>>
    %dma_wait3A_25 = arith.constant 0 : i32
    %dma_wait3A_26 = tpu.memref_slice %arg12[%dma_wait3A_21, %dma_wait3A_25] : memref<160x128xi32, #tpu.memory_space<vmem>> -> memref<1x128xi32, #tpu.memory_space<vmem>>
    %dma_wait3A_27 = tpu.memref_squeeze %dma_wait3A_26 : memref<1x128xi32, #tpu.memory_space<vmem>> -> memref<128xi32, #tpu.memory_space<vmem>>
    %dma_wait3A_28 = arith.constant 0 : i32
    %dma_wait3A_29 = tpu.memref_slice %arg13[%dma_wait3A_28] : memref<20480xf32, #tpu.memory_space<vmem_shared>> -> memref<20480xf32, #tpu.memory_space<vmem_shared>>
    tpu.wait_indirect_dma semaphore(%arg14 : memref<!tpu.dma_semaphore, #tpu.memory_space<semaphore_mem>>) src(%dma_wait3A_24 : memref<128xf32, #tpu.memory_space<vmem>>) dst(%dma_wait3A_29 : memref<20480xf32, #tpu.memory_space<vmem_shared>>)
    %dma_wait3A_30 = arith.constant 0 : i32
    %dma_wait3A_31 = arith.constant 0 : i32
    %dma_wait3A_32 = arith.constant 0 : i32
    %dma_wait3A_33 = tpu.memref_slice %arg11[%dma_wait3A_30, %dma_wait3A_32] : memref<160x128xf32, #tpu.memory_space<vmem>> -> memref<1x128xf32, #tpu.memory_space<vmem>>
    %dma_wait3A_34 = tpu.memref_squeeze %dma_wait3A_33 : memref<1x128xf32, #tpu.memory_space<vmem>> -> memref<128xf32, #tpu.memory_space<vmem>>
    %dma_wait3A_35 = arith.constant 0 : i32
    %dma_wait3A_36 = tpu.memref_slice %arg12[%dma_wait3A_31, %dma_wait3A_35] : memref<160x128xi32, #tpu.memory_space<vmem>> -> memref<1x128xi32, #tpu.memory_space<vmem>>
    %dma_wait3A_37 = tpu.memref_squeeze %dma_wait3A_36 : memref<1x128xi32, #tpu.memory_space<vmem>> -> memref<128xi32, #tpu.memory_space<vmem>>
    %dma_wait3A_38 = arith.constant 0 : i32
    %dma_wait3A_39 = tpu.memref_slice %arg13[%dma_wait3A_38] : memref<20480xf32, #tpu.memory_space<vmem_shared>> -> memref<20480xf32, #tpu.memory_space<vmem_shared>>
    tpu.wait_indirect_dma semaphore(%arg14 : memref<!tpu.dma_semaphore, #tpu.memory_space<semaphore_mem>>) src(%dma_wait3A_34 : memref<128xf32, #tpu.memory_space<vmem>>) dst(%dma_wait3A_39 : memref<20480xf32, #tpu.memory_space<vmem_shared>>)
    %dma_wait3A_40 = arith.constant 0 : i32
    %dma_wait3A_41 = arith.constant 0 : i32
    %dma_wait3A_42 = arith.constant 0 : i32
    %dma_wait3A_43 = tpu.memref_slice %arg11[%dma_wait3A_40, %dma_wait3A_42] : memref<160x128xf32, #tpu.memory_space<vmem>> -> memref<1x128xf32, #tpu.memory_space<vmem>>
    %dma_wait3A_44 = tpu.memref_squeeze %dma_wait3A_43 : memref<1x128xf32, #tpu.memory_space<vmem>> -> memref<128xf32, #tpu.memory_space<vmem>>
    %dma_wait3A_45 = arith.constant 0 : i32
    %dma_wait3A_46 = tpu.memref_slice %arg12[%dma_wait3A_41, %dma_wait3A_45] : memref<160x128xi32, #tpu.memory_space<vmem>> -> memref<1x128xi32, #tpu.memory_space<vmem>>
    %dma_wait3A_47 = tpu.memref_squeeze %dma_wait3A_46 : memref<1x128xi32, #tpu.memory_space<vmem>> -> memref<128xi32, #tpu.memory_space<vmem>>
    %dma_wait3A_48 = arith.constant 0 : i32
    %dma_wait3A_49 = tpu.memref_slice %arg13[%dma_wait3A_48] : memref<20480xf32, #tpu.memory_space<vmem_shared>> -> memref<20480xf32, #tpu.memory_space<vmem_shared>>
    tpu.wait_indirect_dma semaphore(%arg14 : memref<!tpu.dma_semaphore, #tpu.memory_space<semaphore_mem>>) src(%dma_wait3A_44 : memref<128xf32, #tpu.memory_space<vmem>>) dst(%dma_wait3A_49 : memref<20480xf32, #tpu.memory_space<vmem_shared>>)
    %dma_wait3A_50 = arith.constant 0 : i32
    %dma_wait3A_51 = arith.constant 0 : i32
    %dma_wait3A_52 = arith.constant 0 : i32
    %dma_wait3A_53 = tpu.memref_slice %arg11[%dma_wait3A_50, %dma_wait3A_52] : memref<160x128xf32, #tpu.memory_space<vmem>> -> memref<1x128xf32, #tpu.memory_space<vmem>>
    %dma_wait3A_54 = tpu.memref_squeeze %dma_wait3A_53 : memref<1x128xf32, #tpu.memory_space<vmem>> -> memref<128xf32, #tpu.memory_space<vmem>>
    %dma_wait3A_55 = arith.constant 0 : i32
    %dma_wait3A_56 = tpu.memref_slice %arg12[%dma_wait3A_51, %dma_wait3A_55] : memref<160x128xi32, #tpu.memory_space<vmem>> -> memref<1x128xi32, #tpu.memory_space<vmem>>
    %dma_wait3A_57 = tpu.memref_squeeze %dma_wait3A_56 : memref<1x128xi32, #tpu.memory_space<vmem>> -> memref<128xi32, #tpu.memory_space<vmem>>
    %dma_wait3A_58 = arith.constant 0 : i32
    %dma_wait3A_59 = tpu.memref_slice %arg13[%dma_wait3A_58] : memref<20480xf32, #tpu.memory_space<vmem_shared>> -> memref<20480xf32, #tpu.memory_space<vmem_shared>>
    tpu.wait_indirect_dma semaphore(%arg14 : memref<!tpu.dma_semaphore, #tpu.memory_space<semaphore_mem>>) src(%dma_wait3A_54 : memref<128xf32, #tpu.memory_space<vmem>>) dst(%dma_wait3A_59 : memref<20480xf32, #tpu.memory_space<vmem_shared>>)
    %dma_wait3A_60 = arith.constant 0 : i32
    %dma_wait3A_61 = arith.constant 0 : i32
    %dma_wait3A_62 = arith.constant 0 : i32
    %dma_wait3A_63 = tpu.memref_slice %arg11[%dma_wait3A_60, %dma_wait3A_62] : memref<160x128xf32, #tpu.memory_space<vmem>> -> memref<1x128xf32, #tpu.memory_space<vmem>>
    %dma_wait3A_64 = tpu.memref_squeeze %dma_wait3A_63 : memref<1x128xf32, #tpu.memory_space<vmem>> -> memref<128xf32, #tpu.memory_space<vmem>>
    %dma_wait3A_65 = arith.constant 0 : i32
    %dma_wait3A_66 = tpu.memref_slice %arg12[%dma_wait3A_61, %dma_wait3A_65] : memref<160x128xi32, #tpu.memory_space<vmem>> -> memref<1x128xi32, #tpu.memory_space<vmem>>
    %dma_wait3A_67 = tpu.memref_squeeze %dma_wait3A_66 : memref<1x128xi32, #tpu.memory_space<vmem>> -> memref<128xi32, #tpu.memory_space<vmem>>
    %dma_wait3A_68 = arith.constant 0 : i32
    %dma_wait3A_69 = tpu.memref_slice %arg13[%dma_wait3A_68] : memref<20480xf32, #tpu.memory_space<vmem_shared>> -> memref<20480xf32, #tpu.memory_space<vmem_shared>>
    tpu.wait_indirect_dma semaphore(%arg14 : memref<!tpu.dma_semaphore, #tpu.memory_space<semaphore_mem>>) src(%dma_wait3A_64 : memref<128xf32, #tpu.memory_space<vmem>>) dst(%dma_wait3A_69 : memref<20480xf32, #tpu.memory_space<vmem_shared>>)
    %dma_wait3A_70 = arith.constant 0 : i32
    %dma_wait3A_71 = arith.constant 0 : i32
    %dma_wait3A_72 = arith.constant 0 : i32
    %dma_wait3A_73 = tpu.memref_slice %arg11[%dma_wait3A_70, %dma_wait3A_72] : memref<160x128xf32, #tpu.memory_space<vmem>> -> memref<1x128xf32, #tpu.memory_space<vmem>>
    %dma_wait3A_74 = tpu.memref_squeeze %dma_wait3A_73 : memref<1x128xf32, #tpu.memory_space<vmem>> -> memref<128xf32, #tpu.memory_space<vmem>>
    %dma_wait3A_75 = arith.constant 0 : i32
    %dma_wait3A_76 = tpu.memref_slice %arg12[%dma_wait3A_71, %dma_wait3A_75] : memref<160x128xi32, #tpu.memory_space<vmem>> -> memref<1x128xi32, #tpu.memory_space<vmem>>
    %dma_wait3A_77 = tpu.memref_squeeze %dma_wait3A_76 : memref<1x128xi32, #tpu.memory_space<vmem>> -> memref<128xi32, #tpu.memory_space<vmem>>
    %dma_wait3A_78 = arith.constant 0 : i32
    %dma_wait3A_79 = tpu.memref_slice %arg13[%dma_wait3A_78] : memref<20480xf32, #tpu.memory_space<vmem_shared>> -> memref<20480xf32, #tpu.memory_space<vmem_shared>>
    tpu.wait_indirect_dma semaphore(%arg14 : memref<!tpu.dma_semaphore, #tpu.memory_space<semaphore_mem>>) src(%dma_wait3A_74 : memref<128xf32, #tpu.memory_space<vmem>>) dst(%dma_wait3A_79 : memref<20480xf32, #tpu.memory_space<vmem_shared>>)
    %dma_wait3A_80 = arith.constant 0 : i32
    %dma_wait3A_81 = arith.constant 0 : i32
    %dma_wait3A_82 = arith.constant 0 : i32
    %dma_wait3A_83 = tpu.memref_slice %arg11[%dma_wait3A_80, %dma_wait3A_82] : memref<160x128xf32, #tpu.memory_space<vmem>> -> memref<1x128xf32, #tpu.memory_space<vmem>>
    %dma_wait3A_84 = tpu.memref_squeeze %dma_wait3A_83 : memref<1x128xf32, #tpu.memory_space<vmem>> -> memref<128xf32, #tpu.memory_space<vmem>>
    %dma_wait3A_85 = arith.constant 0 : i32
    %dma_wait3A_86 = tpu.memref_slice %arg12[%dma_wait3A_81, %dma_wait3A_85] : memref<160x128xi32, #tpu.memory_space<vmem>> -> memref<1x128xi32, #tpu.memory_space<vmem>>
    %dma_wait3A_87 = tpu.memref_squeeze %dma_wait3A_86 : memref<1x128xi32, #tpu.memory_space<vmem>> -> memref<128xi32, #tpu.memory_space<vmem>>
    %dma_wait3A_88 = arith.constant 0 : i32
    %dma_wait3A_89 = tpu.memref_slice %arg13[%dma_wait3A_88] : memref<20480xf32, #tpu.memory_space<vmem_shared>> -> memref<20480xf32, #tpu.memory_space<vmem_shared>>
    tpu.wait_indirect_dma semaphore(%arg14 : memref<!tpu.dma_semaphore, #tpu.memory_space<semaphore_mem>>) src(%dma_wait3A_84 : memref<128xf32, #tpu.memory_space<vmem>>) dst(%dma_wait3A_89 : memref<20480xf32, #tpu.memory_space<vmem_shared>>)
    %dma_wait3A_90 = arith.constant 0 : i32
    %dma_wait3A_91 = arith.constant 0 : i32
    %dma_wait3A_92 = arith.constant 0 : i32
    %dma_wait3A_93 = tpu.memref_slice %arg11[%dma_wait3A_90, %dma_wait3A_92] : memref<160x128xf32, #tpu.memory_space<vmem>> -> memref<1x128xf32, #tpu.memory_space<vmem>>
    %dma_wait3A_94 = tpu.memref_squeeze %dma_wait3A_93 : memref<1x128xf32, #tpu.memory_space<vmem>> -> memref<128xf32, #tpu.memory_space<vmem>>
    %dma_wait3A_95 = arith.constant 0 : i32
    %dma_wait3A_96 = tpu.memref_slice %arg12[%dma_wait3A_91, %dma_wait3A_95] : memref<160x128xi32, #tpu.memory_space<vmem>> -> memref<1x128xi32, #tpu.memory_space<vmem>>
    %dma_wait3A_97 = tpu.memref_squeeze %dma_wait3A_96 : memref<1x128xi32, #tpu.memory_space<vmem>> -> memref<128xi32, #tpu.memory_space<vmem>>
    %dma_wait3A_98 = arith.constant 0 : i32
    %dma_wait3A_99 = tpu.memref_slice %arg13[%dma_wait3A_98] : memref<20480xf32, #tpu.memory_space<vmem_shared>> -> memref<20480xf32, #tpu.memory_space<vmem_shared>>
    tpu.wait_indirect_dma semaphore(%arg14 : memref<!tpu.dma_semaphore, #tpu.memory_space<semaphore_mem>>) src(%dma_wait3A_94 : memref<128xf32, #tpu.memory_space<vmem>>) dst(%dma_wait3A_99 : memref<20480xf32, #tpu.memory_space<vmem_shared>>)
    %barrier3A_100 = arith.constant 0 : index
    tpu.barrier barrier_id(%barrier3A_100)
    %mul3A_101 = arith.constant 2 : i32
    %mul3A_102 = arith.muli %mul3A_0, %mul3A_101 : i32
    %mul3A_103 = arith.constant 2 : i32
    %mul3A_104 = arith.muli %mul3A_0, %mul3A_103 : i32
    "tpu.region"() ({
      %run_scoped3A = tpu.sem_alloc : memref<!tpu.dma_semaphore, #tpu.memory_space<semaphore_mem>>
      %dma_start3A = tpu.memref_slice %arg7[%arg0, %mul3A_104] : memref<2x20480xf32, #tpu.memory_space<hbm>> -> memref<1x1280xf32, #tpu.memory_space<hbm>>
      %dma_start3A_105 = tpu.memref_squeeze %dma_start3A : memref<1x1280xf32, #tpu.memory_space<hbm>> -> memref<1280xf32, #tpu.memory_space<hbm>>
      %dma_start3A_106 = tpu.memref_slice %arg13[%mul3A_102] : memref<20480xf32, #tpu.memory_space<vmem_shared>> -> memref<1280xf32, #tpu.memory_space<vmem_shared>>
      tpu.enqueue_dma source(%dma_start3A_106 : memref<1280xf32, #tpu.memory_space<vmem_shared>>) target(%dma_start3A_105 : memref<1280xf32, #tpu.memory_space<hbm>>) target_semaphore(%run_scoped3A : memref<!tpu.dma_semaphore, #tpu.memory_space<semaphore_mem>>)
      %dma_wait3A_107 = tpu.memref_slice %arg7[%arg0, %mul3A_104] : memref<2x20480xf32, #tpu.memory_space<hbm>> -> memref<1x1280xf32, #tpu.memory_space<hbm>>
      %dma_wait3A_108 = tpu.memref_squeeze %dma_wait3A_107 : memref<1x1280xf32, #tpu.memory_space<hbm>> -> memref<1280xf32, #tpu.memory_space<hbm>>
      %dma_wait3A_109 = tpu.memref_slice %arg13[%mul3A_102] : memref<20480xf32, #tpu.memory_space<vmem_shared>> -> memref<1280xf32, #tpu.memory_space<vmem_shared>>
      tpu.wait_dma2 semaphore(%run_scoped3A : memref<!tpu.dma_semaphore, #tpu.memory_space<semaphore_mem>>) src(%dma_wait3A_109 : memref<1280xf32, #tpu.memory_space<vmem_shared>>) dst(%dma_wait3A_108 : memref<1280xf32, #tpu.memory_space<hbm>>)
      tpu.yield
    }) : () -> ()
    return
  }
}

#map = affine_map<(d0, d1) -> (0, 0)>
#map1 = affine_map<(d0, d1) -> (0)>
module attributes {stable_mosaic.version = 14 : i64} {
  func.func @deg(%arg0: i32, %arg1: i32, %arg2: memref<2560x128xi32, #tpu.memory_space<hbm>>, %arg3: memref<80x128xf32, #tpu.memory_space<hbm>>, %arg4: memref<640xf32, #tpu.memory_space<hbm>>, %arg5: memref<2x10240xf32, #tpu.memory_space<hbm>>, %arg6: memref<80x128xi32, #tpu.memory_space<vmem>>, %arg7: memref<80x128xf32, #tpu.memory_space<vmem>>, %arg8: memref<80x128xi32, #tpu.memory_space<vmem>>, %arg9: memref<10240xf32, #tpu.memory_space<vmem_shared>>, %arg10: memref<!tpu.dma_semaphore, #tpu.memory_space<semaphore_mem>>) attributes {dimension_semantics = [#tpu.dimension_semantics<core_parallel>, #tpu.dimension_semantics<subcore_parallel>], iteration_bounds = array<i64: 2, 16>, scalar_prefetch = 0 : i64, scratch_operands = 5 : i64, tpu.core_type = #tpu.core_type<sc_vector_subcore>, window_params = [{transform_indices = #map}, {transform_indices = #map}, {transform_indices = #map1}, {transform_indices = #map}]} {
    %mul3A = arith.constant 640 : i32
    %mul3A_0 = arith.muli %arg1, %mul3A : i32
    "tpu.region"() ({
      %run_scoped3A = tpu.sem_alloc : memref<!tpu.dma_semaphore, #tpu.memory_space<semaphore_mem>>
      %dma_start3A = tpu.memref_slice %arg9[%mul3A_0] : memref<10240xf32, #tpu.memory_space<vmem_shared>> -> memref<640xf32, #tpu.memory_space<vmem_shared>>
      tpu.enqueue_dma source(%arg4 : memref<640xf32, #tpu.memory_space<hbm>>) target(%dma_start3A : memref<640xf32, #tpu.memory_space<vmem_shared>>) target_semaphore(%run_scoped3A : memref<!tpu.dma_semaphore, #tpu.memory_space<semaphore_mem>>)
      %dma_wait3A_100 = tpu.memref_slice %arg9[%mul3A_0] : memref<10240xf32, #tpu.memory_space<vmem_shared>> -> memref<640xf32, #tpu.memory_space<vmem_shared>>
      tpu.wait_dma2 semaphore(%run_scoped3A : memref<!tpu.dma_semaphore, #tpu.memory_space<semaphore_mem>>) src(%arg4 : memref<640xf32, #tpu.memory_space<hbm>>) dst(%dma_wait3A_100 : memref<640xf32, #tpu.memory_space<vmem_shared>>)
      tpu.yield
    }) : () -> ()
    "tpu.region"() ({
      %run_scoped3A = tpu.sem_alloc : memref<!tpu.dma_semaphore, #tpu.memory_space<semaphore_mem>>
      tpu.enqueue_dma source(%arg3 : memref<80x128xf32, #tpu.memory_space<hbm>>) target(%arg7 : memref<80x128xf32, #tpu.memory_space<vmem>>) target_semaphore(%run_scoped3A : memref<!tpu.dma_semaphore, #tpu.memory_space<semaphore_mem>>)
      tpu.wait_dma2 semaphore(%run_scoped3A : memref<!tpu.dma_semaphore, #tpu.memory_space<semaphore_mem>>) src(%arg3 : memref<80x128xf32, #tpu.memory_space<hbm>>) dst(%arg7 : memref<80x128xf32, #tpu.memory_space<vmem>>)
      tpu.yield
    }) : () -> ()
    %scan3A = arith.constant 0 : i32
    %scan3A_1 = arith.constant 0 : i32
    %scan3A_2 = arith.constant 80 : i32
    %scan3A_3 = arith.addi %scan3A_1, %scan3A_2 : i32
    %scan3A_4 = arith.constant 1 : i32
    scf.for %scan3A_100 = %scan3A_1 to %scan3A_3 step %scan3A_4  : i32 {
      %iota3A = tpu.iota {dimensions = array<i32: 0>} : vector<16xi32>
      %mul3A_101 = arith.constant 128 : i32
      %mul3A_102 = arith.muli %scan3A_100, %mul3A_101 : i32
      %add3A = vector.broadcast %mul3A_102 : i32 to vector<16xi32>
      %add3A_103 = arith.addi %iota3A, %add3A : vector<16xi32>
      %add3A_104 = arith.constant 0 : i32
      %add3A_105 = vector.broadcast %add3A_104 : i32 to vector<16xi32>
      %add3A_106 = arith.addi %add3A_103, %add3A_105 : vector<16xi32>
      %swap3A = arith.index_cast %scan3A_100 : i32 to index
      %swap3A_107 = arith.constant 0 : index
      %swap3A_108 = tpu.vector_load %arg8[%swap3A, %swap3A_107] {strides = array<i32>} : memref<80x128xi32, #tpu.memory_space<vmem>>, vector<16xi32>,
      tpu.vector_store %arg8[%swap3A, %swap3A_107], %add3A_106 {strides = array<i32>} : memref<80x128xi32, #tpu.memory_space<vmem>>, vector<16xi32>,
      %iota3A_109 = tpu.iota {dimensions = array<i32: 0>} : vector<16xi32>
      %mul3A_110 = arith.constant 128 : i32
      %mul3A_111 = arith.muli %scan3A_100, %mul3A_110 : i32
      %add3A_112 = vector.broadcast %mul3A_111 : i32 to vector<16xi32>
      %add3A_113 = arith.addi %iota3A_109, %add3A_112 : vector<16xi32>
      %add3A_114 = arith.constant 16 : i32
      %add3A_115 = vector.broadcast %add3A_114 : i32 to vector<16xi32>
      %add3A_116 = arith.addi %add3A_113, %add3A_115 : vector<16xi32>
      %swap3A_117 = arith.index_cast %scan3A_100 : i32 to index
      %swap3A_118 = arith.constant 16 : index
      %swap3A_119 = tpu.vector_load %arg8[%swap3A_117, %swap3A_118] {strides = array<i32>} : memref<80x128xi32, #tpu.memory_space<vmem>>, vector<16xi32>,
      tpu.vector_store %arg8[%swap3A_117, %swap3A_118], %add3A_116 {strides = array<i32>} : memref<80x128xi32, #tpu.memory_space<vmem>>, vector<16xi32>,
      %iota3A_120 = tpu.iota {dimensions = array<i32: 0>} : vector<16xi32>
      %mul3A_121 = arith.constant 128 : i32
      %mul3A_122 = arith.muli %scan3A_100, %mul3A_121 : i32
      %add3A_123 = vector.broadcast %mul3A_122 : i32 to vector<16xi32>
      %add3A_124 = arith.addi %iota3A_120, %add3A_123 : vector<16xi32>
      %add3A_125 = arith.constant 32 : i32
      %add3A_126 = vector.broadcast %add3A_125 : i32 to vector<16xi32>
      %add3A_127 = arith.addi %add3A_124, %add3A_126 : vector<16xi32>
      %swap3A_128 = arith.index_cast %scan3A_100 : i32 to index
      %swap3A_129 = arith.constant 32 : index
      %swap3A_130 = tpu.vector_load %arg8[%swap3A_128, %swap3A_129] {strides = array<i32>} : memref<80x128xi32, #tpu.memory_space<vmem>>, vector<16xi32>,
      tpu.vector_store %arg8[%swap3A_128, %swap3A_129], %add3A_127 {strides = array<i32>} : memref<80x128xi32, #tpu.memory_space<vmem>>, vector<16xi32>,
      %iota3A_131 = tpu.iota {dimensions = array<i32: 0>} : vector<16xi32>
      %mul3A_132 = arith.constant 128 : i32
      %mul3A_133 = arith.muli %scan3A_100, %mul3A_132 : i32
      %add3A_134 = vector.broadcast %mul3A_133 : i32 to vector<16xi32>
      %add3A_135 = arith.addi %iota3A_131, %add3A_134 : vector<16xi32>
      %add3A_136 = arith.constant 48 : i32
      %add3A_137 = vector.broadcast %add3A_136 : i32 to vector<16xi32>
      %add3A_138 = arith.addi %add3A_135, %add3A_137 : vector<16xi32>
      %swap3A_139 = arith.index_cast %scan3A_100 : i32 to index
      %swap3A_140 = arith.constant 48 : index
      %swap3A_141 = tpu.vector_load %arg8[%swap3A_139, %swap3A_140] {strides = array<i32>} : memref<80x128xi32, #tpu.memory_space<vmem>>, vector<16xi32>,
      tpu.vector_store %arg8[%swap3A_139, %swap3A_140], %add3A_138 {strides = array<i32>} : memref<80x128xi32, #tpu.memory_space<vmem>>, vector<16xi32>,
      %iota3A_142 = tpu.iota {dimensions = array<i32: 0>} : vector<16xi32>
      %mul3A_143 = arith.constant 128 : i32
      %mul3A_144 = arith.muli %scan3A_100, %mul3A_143 : i32
      %add3A_145 = vector.broadcast %mul3A_144 : i32 to vector<16xi32>
      %add3A_146 = arith.addi %iota3A_142, %add3A_145 : vector<16xi32>
      %add3A_147 = arith.constant 64 : i32
      %add3A_148 = vector.broadcast %add3A_147 : i32 to vector<16xi32>
      %add3A_149 = arith.addi %add3A_146, %add3A_148 : vector<16xi32>
      %swap3A_150 = arith.index_cast %scan3A_100 : i32 to index
      %swap3A_151 = arith.constant 64 : index
      %swap3A_152 = tpu.vector_load %arg8[%swap3A_150, %swap3A_151] {strides = array<i32>} : memref<80x128xi32, #tpu.memory_space<vmem>>, vector<16xi32>,
      tpu.vector_store %arg8[%swap3A_150, %swap3A_151], %add3A_149 {strides = array<i32>} : memref<80x128xi32, #tpu.memory_space<vmem>>, vector<16xi32>,
      %iota3A_153 = tpu.iota {dimensions = array<i32: 0>} : vector<16xi32>
      %mul3A_154 = arith.constant 128 : i32
      %mul3A_155 = arith.muli %scan3A_100, %mul3A_154 : i32
      %add3A_156 = vector.broadcast %mul3A_155 : i32 to vector<16xi32>
      %add3A_157 = arith.addi %iota3A_153, %add3A_156 : vector<16xi32>
      %add3A_158 = arith.constant 80 : i32
      %add3A_159 = vector.broadcast %add3A_158 : i32 to vector<16xi32>
      %add3A_160 = arith.addi %add3A_157, %add3A_159 : vector<16xi32>
      %swap3A_161 = arith.index_cast %scan3A_100 : i32 to index
      %swap3A_162 = arith.constant 80 : index
      %swap3A_163 = tpu.vector_load %arg8[%swap3A_161, %swap3A_162] {strides = array<i32>} : memref<80x128xi32, #tpu.memory_space<vmem>>, vector<16xi32>,
      tpu.vector_store %arg8[%swap3A_161, %swap3A_162], %add3A_160 {strides = array<i32>} : memref<80x128xi32, #tpu.memory_space<vmem>>, vector<16xi32>,
      %iota3A_164 = tpu.iota {dimensions = array<i32: 0>} : vector<16xi32>
      %mul3A_165 = arith.constant 128 : i32
      %mul3A_166 = arith.muli %scan3A_100, %mul3A_165 : i32
      %add3A_167 = vector.broadcast %mul3A_166 : i32 to vector<16xi32>
      %add3A_168 = arith.addi %iota3A_164, %add3A_167 : vector<16xi32>
      %add3A_169 = arith.constant 96 : i32
      %add3A_170 = vector.broadcast %add3A_169 : i32 to vector<16xi32>
      %add3A_171 = arith.addi %add3A_168, %add3A_170 : vector<16xi32>
      %swap3A_172 = arith.index_cast %scan3A_100 : i32 to index
      %swap3A_173 = arith.constant 96 : index
      %swap3A_174 = tpu.vector_load %arg8[%swap3A_172, %swap3A_173] {strides = array<i32>} : memref<80x128xi32, #tpu.memory_space<vmem>>, vector<16xi32>,
      tpu.vector_store %arg8[%swap3A_172, %swap3A_173], %add3A_171 {strides = array<i32>} : memref<80x128xi32, #tpu.memory_space<vmem>>, vector<16xi32>,
      %iota3A_175 = tpu.iota {dimensions = array<i32: 0>} : vector<16xi32>
      %mul3A_176 = arith.constant 128 : i32
      %mul3A_177 = arith.muli %scan3A_100, %mul3A_176 : i32
      %add3A_178 = vector.broadcast %mul3A_177 : i32 to vector<16xi32>
      %add3A_179 = arith.addi %iota3A_175, %add3A_178 : vector<16xi32>
      %add3A_180 = arith.constant 112 : i32
      %add3A_181 = vector.broadcast %add3A_180 : i32 to vector<16xi32>
      %add3A_182 = arith.addi %add3A_179, %add3A_181 : vector<16xi32>
      %swap3A_183 = arith.index_cast %scan3A_100 : i32 to index
      %swap3A_184 = arith.constant 112 : index
      %swap3A_185 = tpu.vector_load %arg8[%swap3A_183, %swap3A_184] {strides = array<i32>} : memref<80x128xi32, #tpu.memory_space<vmem>>, vector<16xi32>,
      tpu.vector_store %arg8[%swap3A_183, %swap3A_184], %add3A_182 {strides = array<i32>} : memref<80x128xi32, #tpu.memory_space<vmem>>, vector<16xi32>,
    }
    %scan3A_5 = arith.constant 80 : i32
    %barrier3A = arith.constant 0 : index
    tpu.barrier barrier_id(%barrier3A)
    %broadcast_in_dim3A = arith.constant 1.000000e+00 : f32
    %broadcast_in_dim3A_6 = vector.broadcast %broadcast_in_dim3A : f32 to vector<16xf32>
    %eq3A = arith.constant 0 : i32
    %eq3A_7 = arith.cmpi eq, %arg0, %eq3A : i32
    %convert_element_type3A = arith.extui %eq3A_7 : i1 to i32
    %cond3A = arith.constant 0 : i32
    %cond3A_8 = arith.cmpi ne, %convert_element_type3A, %cond3A : i32
    scf.if %cond3A_8 {
      %mul3A_100 = arith.constant 160 : i32
      %mul3A_101 = arith.muli %arg1, %mul3A_100 : i32
      "tpu.region"() ({
        %run_scoped3A = tpu.sem_alloc : memref<!tpu.dma_semaphore, #tpu.memory_space<semaphore_mem>>
        %dma_start3A = arith.constant 0 : i32
        %dma_start3A_108 = arith.constant 0 : i32
        %dma_start3A_109 = tpu.memref_slice %arg6[%dma_start3A, %dma_start3A_108] : memref<80x128xi32, #tpu.memory_space<vmem>> -> memref<80x128xi32, #tpu.memory_space<vmem>>
        %dma_start3A_110 = arith.constant 0 : i32
        %dma_start3A_111 = tpu.memref_slice %arg2[%mul3A_101, %dma_start3A_110] : memref<2560x128xi32, #tpu.memory_space<hbm>> -> memref<80x128xi32, #tpu.memory_space<hbm>>
        %dma_start3A_112 = arith.constant 0 : i32
        %dma_start3A_113 = arith.constant 0 : i32
        %dma_start3A_114 = tpu.memref_slice %arg6[%dma_start3A_112, %dma_start3A_113] : memref<80x128xi32, #tpu.memory_space<vmem>> -> memref<80x128xi32, #tpu.memory_space<vmem>>
        %dma_start3A_115 = arith.constant 0 : i32
        %dma_start3A_116 = tpu.memref_slice %arg2[%mul3A_101, %dma_start3A_115] : memref<2560x128xi32, #tpu.memory_space<hbm>> -> memref<80x128xi32, #tpu.memory_space<hbm>>
        tpu.enqueue_dma source(%dma_start3A_116 : memref<80x128xi32, #tpu.memory_space<hbm>>) target(%dma_start3A_114 : memref<80x128xi32, #tpu.memory_space<vmem>>) target_semaphore(%run_scoped3A : memref<!tpu.dma_semaphore, #tpu.memory_space<semaphore_mem>>)
        %dma_wait3A_117 = arith.constant 0 : i32
        %dma_wait3A_118 = arith.constant 0 : i32
        %dma_wait3A_119 = tpu.memref_slice %arg6[%dma_wait3A_117, %dma_wait3A_118] : memref<80x128xi32, #tpu.memory_space<vmem>> -> memref<80x128xi32, #tpu.memory_space<vmem>>
        %dma_wait3A_120 = arith.constant 0 : i32
        %dma_wait3A_121 = tpu.memref_slice %arg2[%mul3A_101, %dma_wait3A_120] : memref<2560x128xi32, #tpu.memory_space<hbm>> -> memref<80x128xi32, #tpu.memory_space<hbm>>
        %dma_wait3A_122 = arith.constant 0 : i32
        %dma_wait3A_123 = arith.constant 0 : i32
        %dma_wait3A_124 = tpu.memref_slice %arg6[%dma_wait3A_122, %dma_wait3A_123] : memref<80x128xi32, #tpu.memory_space<vmem>> -> memref<80x128xi32, #tpu.memory_space<vmem>>
        %dma_wait3A_125 = arith.constant 0 : i32
        %dma_wait3A_126 = tpu.memref_slice %arg2[%mul3A_101, %dma_wait3A_125] : memref<2560x128xi32, #tpu.memory_space<hbm>> -> memref<80x128xi32, #tpu.memory_space<hbm>>
        tpu.wait_dma2 semaphore(%run_scoped3A : memref<!tpu.dma_semaphore, #tpu.memory_space<semaphore_mem>>) src(%dma_wait3A_126 : memref<80x128xi32, #tpu.memory_space<hbm>>) dst(%dma_wait3A_124 : memref<80x128xi32, #tpu.memory_space<vmem>>)
        tpu.yield
      }) : () -> ()
      %scan3A_102 = arith.constant 0 : i32
      %scan3A_103 = arith.constant 0 : i32
      %scan3A_104 = arith.constant 80 : i32
      %scan3A_105 = arith.addi %scan3A_103, %scan3A_104 : i32
      %scan3A_106 = arith.constant 1 : i32
      scf.for %scan3A_108 = %scan3A_103 to %scan3A_105 step %scan3A_106  : i32 {
        %get3A = arith.index_cast %scan3A_108 : i32 to index
        %get3A_109 = arith.constant 0 : index
        %get3A_110 = tpu.vector_load %arg6[%get3A, %get3A_109] {strides = array<i32>} : memref<80x128xi32, #tpu.memory_space<vmem>>, vector<16xi32>,
        %shift_right_logical3A = arith.constant 7 : i32
        %shift_right_logical3A_111 = vector.broadcast %shift_right_logical3A : i32 to vector<16xi32>
        %shift_right_logical3A_112 = arith.shrui %get3A_110, %shift_right_logical3A_111 : vector<16xi32>
        %and3A = arith.constant 127 : i32
        %and3A_113 = vector.broadcast %and3A : i32 to vector<16xi32>
        %and3A_114 = arith.andi %get3A_110, %and3A_113 : vector<16xi32>
        tpu.vector_store_idx %arg7[%shift_right_logical3A_112, %and3A_114], %broadcast_in_dim3A_6 {add = true} : memref<80x128xf32, #tpu.memory_space<vmem>>[vector<16xi32>, vector<16xi32>], vector<16xf32>,
        %get3A_115 = arith.index_cast %scan3A_108 : i32 to index
        %get3A_116 = arith.constant 16 : index
        %get3A_117 = tpu.vector_load %arg6[%get3A_115, %get3A_116] {strides = array<i32>} : memref<80x128xi32, #tpu.memory_space<vmem>>, vector<16xi32>,
        %shift_right_logical3A_118 = arith.constant 7 : i32
        %shift_right_logical3A_119 = vector.broadcast %shift_right_logical3A_118 : i32 to vector<16xi32>
        %shift_right_logical3A_120 = arith.shrui %get3A_117, %shift_right_logical3A_119 : vector<16xi32>
        %and3A_121 = arith.constant 127 : i32
        %and3A_122 = vector.broadcast %and3A_121 : i32 to vector<16xi32>
        %and3A_123 = arith.andi %get3A_117, %and3A_122 : vector<16xi32>
        tpu.vector_store_idx %arg7[%shift_right_logical3A_120, %and3A_123], %broadcast_in_dim3A_6 {add = true} : memref<80x128xf32, #tpu.memory_space<vmem>>[vector<16xi32>, vector<16xi32>], vector<16xf32>,
        %get3A_124 = arith.index_cast %scan3A_108 : i32 to index
        %get3A_125 = arith.constant 32 : index
        %get3A_126 = tpu.vector_load %arg6[%get3A_124, %get3A_125] {strides = array<i32>} : memref<80x128xi32, #tpu.memory_space<vmem>>, vector<16xi32>,
        %shift_right_logical3A_127 = arith.constant 7 : i32
        %shift_right_logical3A_128 = vector.broadcast %shift_right_logical3A_127 : i32 to vector<16xi32>
        %shift_right_logical3A_129 = arith.shrui %get3A_126, %shift_right_logical3A_128 : vector<16xi32>
        %and3A_130 = arith.constant 127 : i32
        %and3A_131 = vector.broadcast %and3A_130 : i32 to vector<16xi32>
        %and3A_132 = arith.andi %get3A_126, %and3A_131 : vector<16xi32>
        tpu.vector_store_idx %arg7[%shift_right_logical3A_129, %and3A_132], %broadcast_in_dim3A_6 {add = true} : memref<80x128xf32, #tpu.memory_space<vmem>>[vector<16xi32>, vector<16xi32>], vector<16xf32>,
        %get3A_133 = arith.index_cast %scan3A_108 : i32 to index
        %get3A_134 = arith.constant 48 : index
        %get3A_135 = tpu.vector_load %arg6[%get3A_133, %get3A_134] {strides = array<i32>} : memref<80x128xi32, #tpu.memory_space<vmem>>, vector<16xi32>,
        %shift_right_logical3A_136 = arith.constant 7 : i32
        %shift_right_logical3A_137 = vector.broadcast %shift_right_logical3A_136 : i32 to vector<16xi32>
        %shift_right_logical3A_138 = arith.shrui %get3A_135, %shift_right_logical3A_137 : vector<16xi32>
        %and3A_139 = arith.constant 127 : i32
        %and3A_140 = vector.broadcast %and3A_139 : i32 to vector<16xi32>
        %and3A_141 = arith.andi %get3A_135, %and3A_140 : vector<16xi32>
        tpu.vector_store_idx %arg7[%shift_right_logical3A_138, %and3A_141], %broadcast_in_dim3A_6 {add = true} : memref<80x128xf32, #tpu.memory_space<vmem>>[vector<16xi32>, vector<16xi32>], vector<16xf32>,
        %get3A_142 = arith.index_cast %scan3A_108 : i32 to index
        %get3A_143 = arith.constant 64 : index
        %get3A_144 = tpu.vector_load %arg6[%get3A_142, %get3A_143] {strides = array<i32>} : memref<80x128xi32, #tpu.memory_space<vmem>>, vector<16xi32>,
        %shift_right_logical3A_145 = arith.constant 7 : i32
        %shift_right_logical3A_146 = vector.broadcast %shift_right_logical3A_145 : i32 to vector<16xi32>
        %shift_right_logical3A_147 = arith.shrui %get3A_144, %shift_right_logical3A_146 : vector<16xi32>
        %and3A_148 = arith.constant 127 : i32
        %and3A_149 = vector.broadcast %and3A_148 : i32 to vector<16xi32>
        %and3A_150 = arith.andi %get3A_144, %and3A_149 : vector<16xi32>
        tpu.vector_store_idx %arg7[%shift_right_logical3A_147, %and3A_150], %broadcast_in_dim3A_6 {add = true} : memref<80x128xf32, #tpu.memory_space<vmem>>[vector<16xi32>, vector<16xi32>], vector<16xf32>,
        %get3A_151 = arith.index_cast %scan3A_108 : i32 to index
        %get3A_152 = arith.constant 80 : index
        %get3A_153 = tpu.vector_load %arg6[%get3A_151, %get3A_152] {strides = array<i32>} : memref<80x128xi32, #tpu.memory_space<vmem>>, vector<16xi32>,
        %shift_right_logical3A_154 = arith.constant 7 : i32
        %shift_right_logical3A_155 = vector.broadcast %shift_right_logical3A_154 : i32 to vector<16xi32>
        %shift_right_logical3A_156 = arith.shrui %get3A_153, %shift_right_logical3A_155 : vector<16xi32>
        %and3A_157 = arith.constant 127 : i32
        %and3A_158 = vector.broadcast %and3A_157 : i32 to vector<16xi32>
        %and3A_159 = arith.andi %get3A_153, %and3A_158 : vector<16xi32>
        tpu.vector_store_idx %arg7[%shift_right_logical3A_156, %and3A_159], %broadcast_in_dim3A_6 {add = true} : memref<80x128xf32, #tpu.memory_space<vmem>>[vector<16xi32>, vector<16xi32>], vector<16xf32>,
        %get3A_160 = arith.index_cast %scan3A_108 : i32 to index
        %get3A_161 = arith.constant 96 : index
        %get3A_162 = tpu.vector_load %arg6[%get3A_160, %get3A_161] {strides = array<i32>} : memref<80x128xi32, #tpu.memory_space<vmem>>, vector<16xi32>,
        %shift_right_logical3A_163 = arith.constant 7 : i32
        %shift_right_logical3A_164 = vector.broadcast %shift_right_logical3A_163 : i32 to vector<16xi32>
        %shift_right_logical3A_165 = arith.shrui %get3A_162, %shift_right_logical3A_164 : vector<16xi32>
        %and3A_166 = arith.constant 127 : i32
        %and3A_167 = vector.broadcast %and3A_166 : i32 to vector<16xi32>
        %and3A_168 = arith.andi %get3A_162, %and3A_167 : vector<16xi32>
        tpu.vector_store_idx %arg7[%shift_right_logical3A_165, %and3A_168], %broadcast_in_dim3A_6 {add = true} : memref<80x128xf32, #tpu.memory_space<vmem>>[vector<16xi32>, vector<16xi32>], vector<16xf32>,
        %get3A_169 = arith.index_cast %scan3A_108 : i32 to index
        %get3A_170 = arith.constant 112 : index
        %get3A_171 = tpu.vector_load %arg6[%get3A_169, %get3A_170] {strides = array<i32>} : memref<80x128xi32, #tpu.memory_space<vmem>>, vector<16xi32>,
        %shift_right_logical3A_172 = arith.constant 7 : i32
        %shift_right_logical3A_173 = vector.broadcast %shift_right_logical3A_172 : i32 to vector<16xi32>
        %shift_right_logical3A_174 = arith.shrui %get3A_171, %shift_right_logical3A_173 : vector<16xi32>
        %and3A_175 = arith.constant 127 : i32
        %and3A_176 = vector.broadcast %and3A_175 : i32 to vector<16xi32>
        %and3A_177 = arith.andi %get3A_171, %and3A_176 : vector<16xi32>
        tpu.vector_store_idx %arg7[%shift_right_logical3A_174, %and3A_177], %broadcast_in_dim3A_6 {add = true} : memref<80x128xf32, #tpu.memory_space<vmem>>[vector<16xi32>, vector<16xi32>], vector<16xf32>,
      }
      %scan3A_107 = arith.constant 80 : i32
    } else {
    }
    %eq3A_9 = arith.constant 1 : i32
    %eq3A_10 = arith.cmpi eq, %arg0, %eq3A_9 : i32
    %convert_element_type3A_11 = arith.extui %eq3A_10 : i1 to i32
    %cond3A_12 = arith.constant 0 : i32
    %cond3A_13 = arith.cmpi ne, %convert_element_type3A_11, %cond3A_12 : i32
    scf.if %cond3A_13 {
      %mul3A_100 = arith.constant 160 : i32
      %mul3A_101 = arith.muli %arg1, %mul3A_100 : i32
      %add3A = arith.constant 80 : i32
      %add3A_102 = arith.addi %mul3A_101, %add3A : i32
      "tpu.region"() ({
        %run_scoped3A = tpu.sem_alloc : memref<!tpu.dma_semaphore, #tpu.memory_space<semaphore_mem>>
        %dma_start3A = arith.constant 0 : i32
        %dma_start3A_109 = arith.constant 0 : i32
        %dma_start3A_110 = tpu.memref_slice %arg6[%dma_start3A, %dma_start3A_109] : memref<80x128xi32, #tpu.memory_space<vmem>> -> memref<80x128xi32, #tpu.memory_space<vmem>>
        %dma_start3A_111 = arith.constant 0 : i32
        %dma_start3A_112 = tpu.memref_slice %arg2[%add3A_102, %dma_start3A_111] : memref<2560x128xi32, #tpu.memory_space<hbm>> -> memref<80x128xi32, #tpu.memory_space<hbm>>
        %dma_start3A_113 = arith.constant 0 : i32
        %dma_start3A_114 = arith.constant 0 : i32
        %dma_start3A_115 = tpu.memref_slice %arg6[%dma_start3A_113, %dma_start3A_114] : memref<80x128xi32, #tpu.memory_space<vmem>> -> memref<80x128xi32, #tpu.memory_space<vmem>>
        %dma_start3A_116 = arith.constant 0 : i32
        %dma_start3A_117 = tpu.memref_slice %arg2[%add3A_102, %dma_start3A_116] : memref<2560x128xi32, #tpu.memory_space<hbm>> -> memref<80x128xi32, #tpu.memory_space<hbm>>
        tpu.enqueue_dma source(%dma_start3A_117 : memref<80x128xi32, #tpu.memory_space<hbm>>) target(%dma_start3A_115 : memref<80x128xi32, #tpu.memory_space<vmem>>) target_semaphore(%run_scoped3A : memref<!tpu.dma_semaphore, #tpu.memory_space<semaphore_mem>>)
        %dma_wait3A_118 = arith.constant 0 : i32
        %dma_wait3A_119 = arith.constant 0 : i32
        %dma_wait3A_120 = tpu.memref_slice %arg6[%dma_wait3A_118, %dma_wait3A_119] : memref<80x128xi32, #tpu.memory_space<vmem>> -> memref<80x128xi32, #tpu.memory_space<vmem>>
        %dma_wait3A_121 = arith.constant 0 : i32
        %dma_wait3A_122 = tpu.memref_slice %arg2[%add3A_102, %dma_wait3A_121] : memref<2560x128xi32, #tpu.memory_space<hbm>> -> memref<80x128xi32, #tpu.memory_space<hbm>>
        %dma_wait3A_123 = arith.constant 0 : i32
        %dma_wait3A_124 = arith.constant 0 : i32
        %dma_wait3A_125 = tpu.memref_slice %arg6[%dma_wait3A_123, %dma_wait3A_124] : memref<80x128xi32, #tpu.memory_space<vmem>> -> memref<80x128xi32, #tpu.memory_space<vmem>>
        %dma_wait3A_126 = arith.constant 0 : i32
        %dma_wait3A_127 = tpu.memref_slice %arg2[%add3A_102, %dma_wait3A_126] : memref<2560x128xi32, #tpu.memory_space<hbm>> -> memref<80x128xi32, #tpu.memory_space<hbm>>
        tpu.wait_dma2 semaphore(%run_scoped3A : memref<!tpu.dma_semaphore, #tpu.memory_space<semaphore_mem>>) src(%dma_wait3A_127 : memref<80x128xi32, #tpu.memory_space<hbm>>) dst(%dma_wait3A_125 : memref<80x128xi32, #tpu.memory_space<vmem>>)
        tpu.yield
      }) : () -> ()
      %scan3A_103 = arith.constant 0 : i32
      %scan3A_104 = arith.constant 0 : i32
      %scan3A_105 = arith.constant 80 : i32
      %scan3A_106 = arith.addi %scan3A_104, %scan3A_105 : i32
      %scan3A_107 = arith.constant 1 : i32
      scf.for %scan3A_109 = %scan3A_104 to %scan3A_106 step %scan3A_107  : i32 {
        %get3A = arith.index_cast %scan3A_109 : i32 to index
        %get3A_110 = arith.constant 0 : index
        %get3A_111 = tpu.vector_load %arg6[%get3A, %get3A_110] {strides = array<i32>} : memref<80x128xi32, #tpu.memory_space<vmem>>, vector<16xi32>,
        %shift_right_logical3A = arith.constant 7 : i32
        %shift_right_logical3A_112 = vector.broadcast %shift_right_logical3A : i32 to vector<16xi32>
        %shift_right_logical3A_113 = arith.shrui %get3A_111, %shift_right_logical3A_112 : vector<16xi32>
        %and3A = arith.constant 127 : i32
        %and3A_114 = vector.broadcast %and3A : i32 to vector<16xi32>
        %and3A_115 = arith.andi %get3A_111, %and3A_114 : vector<16xi32>
        tpu.vector_store_idx %arg7[%shift_right_logical3A_113, %and3A_115], %broadcast_in_dim3A_6 {add = true} : memref<80x128xf32, #tpu.memory_space<vmem>>[vector<16xi32>, vector<16xi32>], vector<16xf32>,
        %get3A_116 = arith.index_cast %scan3A_109 : i32 to index
        %get3A_117 = arith.constant 16 : index
        %get3A_118 = tpu.vector_load %arg6[%get3A_116, %get3A_117] {strides = array<i32>} : memref<80x128xi32, #tpu.memory_space<vmem>>, vector<16xi32>,
        %shift_right_logical3A_119 = arith.constant 7 : i32
        %shift_right_logical3A_120 = vector.broadcast %shift_right_logical3A_119 : i32 to vector<16xi32>
        %shift_right_logical3A_121 = arith.shrui %get3A_118, %shift_right_logical3A_120 : vector<16xi32>
        %and3A_122 = arith.constant 127 : i32
        %and3A_123 = vector.broadcast %and3A_122 : i32 to vector<16xi32>
        %and3A_124 = arith.andi %get3A_118, %and3A_123 : vector<16xi32>
        tpu.vector_store_idx %arg7[%shift_right_logical3A_121, %and3A_124], %broadcast_in_dim3A_6 {add = true} : memref<80x128xf32, #tpu.memory_space<vmem>>[vector<16xi32>, vector<16xi32>], vector<16xf32>,
        %get3A_125 = arith.index_cast %scan3A_109 : i32 to index
        %get3A_126 = arith.constant 32 : index
        %get3A_127 = tpu.vector_load %arg6[%get3A_125, %get3A_126] {strides = array<i32>} : memref<80x128xi32, #tpu.memory_space<vmem>>, vector<16xi32>,
        %shift_right_logical3A_128 = arith.constant 7 : i32
        %shift_right_logical3A_129 = vector.broadcast %shift_right_logical3A_128 : i32 to vector<16xi32>
        %shift_right_logical3A_130 = arith.shrui %get3A_127, %shift_right_logical3A_129 : vector<16xi32>
        %and3A_131 = arith.constant 127 : i32
        %and3A_132 = vector.broadcast %and3A_131 : i32 to vector<16xi32>
        %and3A_133 = arith.andi %get3A_127, %and3A_132 : vector<16xi32>
        tpu.vector_store_idx %arg7[%shift_right_logical3A_130, %and3A_133], %broadcast_in_dim3A_6 {add = true} : memref<80x128xf32, #tpu.memory_space<vmem>>[vector<16xi32>, vector<16xi32>], vector<16xf32>,
        %get3A_134 = arith.index_cast %scan3A_109 : i32 to index
        %get3A_135 = arith.constant 48 : index
        %get3A_136 = tpu.vector_load %arg6[%get3A_134, %get3A_135] {strides = array<i32>} : memref<80x128xi32, #tpu.memory_space<vmem>>, vector<16xi32>,
        %shift_right_logical3A_137 = arith.constant 7 : i32
        %shift_right_logical3A_138 = vector.broadcast %shift_right_logical3A_137 : i32 to vector<16xi32>
        %shift_right_logical3A_139 = arith.shrui %get3A_136, %shift_right_logical3A_138 : vector<16xi32>
        %and3A_140 = arith.constant 127 : i32
        %and3A_141 = vector.broadcast %and3A_140 : i32 to vector<16xi32>
        %and3A_142 = arith.andi %get3A_136, %and3A_141 : vector<16xi32>
        tpu.vector_store_idx %arg7[%shift_right_logical3A_139, %and3A_142], %broadcast_in_dim3A_6 {add = true} : memref<80x128xf32, #tpu.memory_space<vmem>>[vector<16xi32>, vector<16xi32>], vector<16xf32>,
        %get3A_143 = arith.index_cast %scan3A_109 : i32 to index
        %get3A_144 = arith.constant 64 : index
        %get3A_145 = tpu.vector_load %arg6[%get3A_143, %get3A_144] {strides = array<i32>} : memref<80x128xi32, #tpu.memory_space<vmem>>, vector<16xi32>,
        %shift_right_logical3A_146 = arith.constant 7 : i32
        %shift_right_logical3A_147 = vector.broadcast %shift_right_logical3A_146 : i32 to vector<16xi32>
        %shift_right_logical3A_148 = arith.shrui %get3A_145, %shift_right_logical3A_147 : vector<16xi32>
        %and3A_149 = arith.constant 127 : i32
        %and3A_150 = vector.broadcast %and3A_149 : i32 to vector<16xi32>
        %and3A_151 = arith.andi %get3A_145, %and3A_150 : vector<16xi32>
        tpu.vector_store_idx %arg7[%shift_right_logical3A_148, %and3A_151], %broadcast_in_dim3A_6 {add = true} : memref<80x128xf32, #tpu.memory_space<vmem>>[vector<16xi32>, vector<16xi32>], vector<16xf32>,
        %get3A_152 = arith.index_cast %scan3A_109 : i32 to index
        %get3A_153 = arith.constant 80 : index
        %get3A_154 = tpu.vector_load %arg6[%get3A_152, %get3A_153] {strides = array<i32>} : memref<80x128xi32, #tpu.memory_space<vmem>>, vector<16xi32>,
        %shift_right_logical3A_155 = arith.constant 7 : i32
        %shift_right_logical3A_156 = vector.broadcast %shift_right_logical3A_155 : i32 to vector<16xi32>
        %shift_right_logical3A_157 = arith.shrui %get3A_154, %shift_right_logical3A_156 : vector<16xi32>
        %and3A_158 = arith.constant 127 : i32
        %and3A_159 = vector.broadcast %and3A_158 : i32 to vector<16xi32>
        %and3A_160 = arith.andi %get3A_154, %and3A_159 : vector<16xi32>
        tpu.vector_store_idx %arg7[%shift_right_logical3A_157, %and3A_160], %broadcast_in_dim3A_6 {add = true} : memref<80x128xf32, #tpu.memory_space<vmem>>[vector<16xi32>, vector<16xi32>], vector<16xf32>,
        %get3A_161 = arith.index_cast %scan3A_109 : i32 to index
        %get3A_162 = arith.constant 96 : index
        %get3A_163 = tpu.vector_load %arg6[%get3A_161, %get3A_162] {strides = array<i32>} : memref<80x128xi32, #tpu.memory_space<vmem>>, vector<16xi32>,
        %shift_right_logical3A_164 = arith.constant 7 : i32
        %shift_right_logical3A_165 = vector.broadcast %shift_right_logical3A_164 : i32 to vector<16xi32>
        %shift_right_logical3A_166 = arith.shrui %get3A_163, %shift_right_logical3A_165 : vector<16xi32>
        %and3A_167 = arith.constant 127 : i32
        %and3A_168 = vector.broadcast %and3A_167 : i32 to vector<16xi32>
        %and3A_169 = arith.andi %get3A_163, %and3A_168 : vector<16xi32>
        tpu.vector_store_idx %arg7[%shift_right_logical3A_166, %and3A_169], %broadcast_in_dim3A_6 {add = true} : memref<80x128xf32, #tpu.memory_space<vmem>>[vector<16xi32>, vector<16xi32>], vector<16xf32>,
        %get3A_170 = arith.index_cast %scan3A_109 : i32 to index
        %get3A_171 = arith.constant 112 : index
        %get3A_172 = tpu.vector_load %arg6[%get3A_170, %get3A_171] {strides = array<i32>} : memref<80x128xi32, #tpu.memory_space<vmem>>, vector<16xi32>,
        %shift_right_logical3A_173 = arith.constant 7 : i32
        %shift_right_logical3A_174 = vector.broadcast %shift_right_logical3A_173 : i32 to vector<16xi32>
        %shift_right_logical3A_175 = arith.shrui %get3A_172, %shift_right_logical3A_174 : vector<16xi32>
        %and3A_176 = arith.constant 127 : i32
        %and3A_177 = vector.broadcast %and3A_176 : i32 to vector<16xi32>
        %and3A_178 = arith.andi %get3A_172, %and3A_177 : vector<16xi32>
        tpu.vector_store_idx %arg7[%shift_right_logical3A_175, %and3A_178], %broadcast_in_dim3A_6 {add = true} : memref<80x128xf32, #tpu.memory_space<vmem>>[vector<16xi32>, vector<16xi32>], vector<16xf32>,
      }
      %scan3A_108 = arith.constant 80 : i32
    } else {
    }
    %scan3A_14 = arith.constant 0 : i32
    %scan3A_15 = arith.constant 0 : i32
    %scan3A_16 = arith.constant 80 : i32
    %scan3A_17 = arith.addi %scan3A_15, %scan3A_16 : i32
    %scan3A_18 = arith.constant 1 : i32
    scf.for %scan3A_100 = %scan3A_15 to %scan3A_17 step %scan3A_18  : i32 {
      %dma_start3A = arith.constant 0 : i32
      %dma_start3A_101 = tpu.memref_slice %arg7[%scan3A_100, %dma_start3A] : memref<80x128xf32, #tpu.memory_space<vmem>> -> memref<1x128xf32, #tpu.memory_space<vmem>>
      %dma_start3A_102 = tpu.memref_squeeze %dma_start3A_101 : memref<1x128xf32, #tpu.memory_space<vmem>> -> memref<128xf32, #tpu.memory_space<vmem>>
      %dma_start3A_103 = arith.constant 0 : i32
      %dma_start3A_104 = tpu.memref_slice %arg8[%scan3A_100, %dma_start3A_103] : memref<80x128xi32, #tpu.memory_space<vmem>> -> memref<1x128xi32, #tpu.memory_space<vmem>>
      %dma_start3A_105 = tpu.memref_squeeze %dma_start3A_104 : memref<1x128xi32, #tpu.memory_space<vmem>> -> memref<128xi32, #tpu.memory_space<vmem>>
      %dma_start3A_106 = arith.constant 0 : i32
      %dma_start3A_107 = tpu.memref_slice %arg9[%dma_start3A_106] : memref<10240xf32, #tpu.memory_space<vmem_shared>> -> memref<10240xf32, #tpu.memory_space<vmem_shared>>
      tpu.enqueue_indirect_dma source(%dma_start3A_102 : memref<128xf32, #tpu.memory_space<vmem>>) target(%dma_start3A_107 : memref<10240xf32, #tpu.memory_space<vmem_shared>>) offsets(%dma_start3A_105 : memref<128xi32, #tpu.memory_space<vmem>>) semaphore(%arg10 : memref<!tpu.dma_semaphore, #tpu.memory_space<semaphore_mem>>) {add = true}
      %ge3A = arith.constant 8 : i32
      %ge3A_108 = arith.cmpi sge, %scan3A_100, %ge3A : i32
      %convert_element_type3A_109 = arith.extui %ge3A_108 : i1 to i32
      %cond3A_110 = arith.constant 0 : i32
      %cond3A_111 = arith.cmpi ne, %convert_element_type3A_109, %cond3A_110 : i32
      scf.if %cond3A_111 {
        %dma_wait3A_112 = arith.constant 0 : i32
        %dma_wait3A_113 = arith.constant 0 : i32
        %dma_wait3A_114 = arith.constant 0 : i32
        %dma_wait3A_115 = tpu.memref_slice %arg7[%dma_wait3A_112, %dma_wait3A_114] : memref<80x128xf32, #tpu.memory_space<vmem>> -> memref<1x128xf32, #tpu.memory_space<vmem>>
        %dma_wait3A_116 = tpu.memref_squeeze %dma_wait3A_115 : memref<1x128xf32, #tpu.memory_space<vmem>> -> memref<128xf32, #tpu.memory_space<vmem>>
        %dma_wait3A_117 = arith.constant 0 : i32
        %dma_wait3A_118 = tpu.memref_slice %arg8[%dma_wait3A_113, %dma_wait3A_117] : memref<80x128xi32, #tpu.memory_space<vmem>> -> memref<1x128xi32, #tpu.memory_space<vmem>>
        %dma_wait3A_119 = tpu.memref_squeeze %dma_wait3A_118 : memref<1x128xi32, #tpu.memory_space<vmem>> -> memref<128xi32, #tpu.memory_space<vmem>>
        %dma_wait3A_120 = arith.constant 0 : i32
        %dma_wait3A_121 = tpu.memref_slice %arg9[%dma_wait3A_120] : memref<10240xf32, #tpu.memory_space<vmem_shared>> -> memref<10240xf32, #tpu.memory_space<vmem_shared>>
        tpu.wait_indirect_dma semaphore(%arg10 : memref<!tpu.dma_semaphore, #tpu.memory_space<semaphore_mem>>) src(%dma_wait3A_116 : memref<128xf32, #tpu.memory_space<vmem>>) dst(%dma_wait3A_121 : memref<10240xf32, #tpu.memory_space<vmem_shared>>)
      } else {
      }
    }
    %scan3A_19 = arith.constant 80 : i32
    %dma_wait3A = arith.constant 0 : i32
    %dma_wait3A_20 = arith.constant 0 : i32
    %dma_wait3A_21 = arith.constant 0 : i32
    %dma_wait3A_22 = tpu.memref_slice %arg7[%dma_wait3A, %dma_wait3A_21] : memref<80x128xf32, #tpu.memory_space<vmem>> -> memref<1x128xf32, #tpu.memory_space<vmem>>
    %dma_wait3A_23 = tpu.memref_squeeze %dma_wait3A_22 : memref<1x128xf32, #tpu.memory_space<vmem>> -> memref<128xf32, #tpu.memory_space<vmem>>
    %dma_wait3A_24 = arith.constant 0 : i32
    %dma_wait3A_25 = tpu.memref_slice %arg8[%dma_wait3A_20, %dma_wait3A_24] : memref<80x128xi32, #tpu.memory_space<vmem>> -> memref<1x128xi32, #tpu.memory_space<vmem>>
    %dma_wait3A_26 = tpu.memref_squeeze %dma_wait3A_25 : memref<1x128xi32, #tpu.memory_space<vmem>> -> memref<128xi32, #tpu.memory_space<vmem>>
    %dma_wait3A_27 = arith.constant 0 : i32
    %dma_wait3A_28 = tpu.memref_slice %arg9[%dma_wait3A_27] : memref<10240xf32, #tpu.memory_space<vmem_shared>> -> memref<10240xf32, #tpu.memory_space<vmem_shared>>
    tpu.wait_indirect_dma semaphore(%arg10 : memref<!tpu.dma_semaphore, #tpu.memory_space<semaphore_mem>>) src(%dma_wait3A_23 : memref<128xf32, #tpu.memory_space<vmem>>) dst(%dma_wait3A_28 : memref<10240xf32, #tpu.memory_space<vmem_shared>>)
    %dma_wait3A_29 = arith.constant 0 : i32
    %dma_wait3A_30 = arith.constant 0 : i32
    %dma_wait3A_31 = arith.constant 0 : i32
    %dma_wait3A_32 = tpu.memref_slice %arg7[%dma_wait3A_29, %dma_wait3A_31] : memref<80x128xf32, #tpu.memory_space<vmem>> -> memref<1x128xf32, #tpu.memory_space<vmem>>
    %dma_wait3A_33 = tpu.memref_squeeze %dma_wait3A_32 : memref<1x128xf32, #tpu.memory_space<vmem>> -> memref<128xf32, #tpu.memory_space<vmem>>
    %dma_wait3A_34 = arith.constant 0 : i32
    %dma_wait3A_35 = tpu.memref_slice %arg8[%dma_wait3A_30, %dma_wait3A_34] : memref<80x128xi32, #tpu.memory_space<vmem>> -> memref<1x128xi32, #tpu.memory_space<vmem>>
    %dma_wait3A_36 = tpu.memref_squeeze %dma_wait3A_35 : memref<1x128xi32, #tpu.memory_space<vmem>> -> memref<128xi32, #tpu.memory_space<vmem>>
    %dma_wait3A_37 = arith.constant 0 : i32
    %dma_wait3A_38 = tpu.memref_slice %arg9[%dma_wait3A_37] : memref<10240xf32, #tpu.memory_space<vmem_shared>> -> memref<10240xf32, #tpu.memory_space<vmem_shared>>
    tpu.wait_indirect_dma semaphore(%arg10 : memref<!tpu.dma_semaphore, #tpu.memory_space<semaphore_mem>>) src(%dma_wait3A_33 : memref<128xf32, #tpu.memory_space<vmem>>) dst(%dma_wait3A_38 : memref<10240xf32, #tpu.memory_space<vmem_shared>>)
    %dma_wait3A_39 = arith.constant 0 : i32
    %dma_wait3A_40 = arith.constant 0 : i32
    %dma_wait3A_41 = arith.constant 0 : i32
    %dma_wait3A_42 = tpu.memref_slice %arg7[%dma_wait3A_39, %dma_wait3A_41] : memref<80x128xf32, #tpu.memory_space<vmem>> -> memref<1x128xf32, #tpu.memory_space<vmem>>
    %dma_wait3A_43 = tpu.memref_squeeze %dma_wait3A_42 : memref<1x128xf32, #tpu.memory_space<vmem>> -> memref<128xf32, #tpu.memory_space<vmem>>
    %dma_wait3A_44 = arith.constant 0 : i32
    %dma_wait3A_45 = tpu.memref_slice %arg8[%dma_wait3A_40, %dma_wait3A_44] : memref<80x128xi32, #tpu.memory_space<vmem>> -> memref<1x128xi32, #tpu.memory_space<vmem>>
    %dma_wait3A_46 = tpu.memref_squeeze %dma_wait3A_45 : memref<1x128xi32, #tpu.memory_space<vmem>> -> memref<128xi32, #tpu.memory_space<vmem>>
    %dma_wait3A_47 = arith.constant 0 : i32
    %dma_wait3A_48 = tpu.memref_slice %arg9[%dma_wait3A_47] : memref<10240xf32, #tpu.memory_space<vmem_shared>> -> memref<10240xf32, #tpu.memory_space<vmem_shared>>
    tpu.wait_indirect_dma semaphore(%arg10 : memref<!tpu.dma_semaphore, #tpu.memory_space<semaphore_mem>>) src(%dma_wait3A_43 : memref<128xf32, #tpu.memory_space<vmem>>) dst(%dma_wait3A_48 : memref<10240xf32, #tpu.memory_space<vmem_shared>>)
    %dma_wait3A_49 = arith.constant 0 : i32
    %dma_wait3A_50 = arith.constant 0 : i32
    %dma_wait3A_51 = arith.constant 0 : i32
    %dma_wait3A_52 = tpu.memref_slice %arg7[%dma_wait3A_49, %dma_wait3A_51] : memref<80x128xf32, #tpu.memory_space<vmem>> -> memref<1x128xf32, #tpu.memory_space<vmem>>
    %dma_wait3A_53 = tpu.memref_squeeze %dma_wait3A_52 : memref<1x128xf32, #tpu.memory_space<vmem>> -> memref<128xf32, #tpu.memory_space<vmem>>
    %dma_wait3A_54 = arith.constant 0 : i32
    %dma_wait3A_55 = tpu.memref_slice %arg8[%dma_wait3A_50, %dma_wait3A_54] : memref<80x128xi32, #tpu.memory_space<vmem>> -> memref<1x128xi32, #tpu.memory_space<vmem>>
    %dma_wait3A_56 = tpu.memref_squeeze %dma_wait3A_55 : memref<1x128xi32, #tpu.memory_space<vmem>> -> memref<128xi32, #tpu.memory_space<vmem>>
    %dma_wait3A_57 = arith.constant 0 : i32
    %dma_wait3A_58 = tpu.memref_slice %arg9[%dma_wait3A_57] : memref<10240xf32, #tpu.memory_space<vmem_shared>> -> memref<10240xf32, #tpu.memory_space<vmem_shared>>
    tpu.wait_indirect_dma semaphore(%arg10 : memref<!tpu.dma_semaphore, #tpu.memory_space<semaphore_mem>>) src(%dma_wait3A_53 : memref<128xf32, #tpu.memory_space<vmem>>) dst(%dma_wait3A_58 : memref<10240xf32, #tpu.memory_space<vmem_shared>>)
    %dma_wait3A_59 = arith.constant 0 : i32
    %dma_wait3A_60 = arith.constant 0 : i32
    %dma_wait3A_61 = arith.constant 0 : i32
    %dma_wait3A_62 = tpu.memref_slice %arg7[%dma_wait3A_59, %dma_wait3A_61] : memref<80x128xf32, #tpu.memory_space<vmem>> -> memref<1x128xf32, #tpu.memory_space<vmem>>
    %dma_wait3A_63 = tpu.memref_squeeze %dma_wait3A_62 : memref<1x128xf32, #tpu.memory_space<vmem>> -> memref<128xf32, #tpu.memory_space<vmem>>
    %dma_wait3A_64 = arith.constant 0 : i32
    %dma_wait3A_65 = tpu.memref_slice %arg8[%dma_wait3A_60, %dma_wait3A_64] : memref<80x128xi32, #tpu.memory_space<vmem>> -> memref<1x128xi32, #tpu.memory_space<vmem>>
    %dma_wait3A_66 = tpu.memref_squeeze %dma_wait3A_65 : memref<1x128xi32, #tpu.memory_space<vmem>> -> memref<128xi32, #tpu.memory_space<vmem>>
    %dma_wait3A_67 = arith.constant 0 : i32
    %dma_wait3A_68 = tpu.memref_slice %arg9[%dma_wait3A_67] : memref<10240xf32, #tpu.memory_space<vmem_shared>> -> memref<10240xf32, #tpu.memory_space<vmem_shared>>
    tpu.wait_indirect_dma semaphore(%arg10 : memref<!tpu.dma_semaphore, #tpu.memory_space<semaphore_mem>>) src(%dma_wait3A_63 : memref<128xf32, #tpu.memory_space<vmem>>) dst(%dma_wait3A_68 : memref<10240xf32, #tpu.memory_space<vmem_shared>>)
    %dma_wait3A_69 = arith.constant 0 : i32
    %dma_wait3A_70 = arith.constant 0 : i32
    %dma_wait3A_71 = arith.constant 0 : i32
    %dma_wait3A_72 = tpu.memref_slice %arg7[%dma_wait3A_69, %dma_wait3A_71] : memref<80x128xf32, #tpu.memory_space<vmem>> -> memref<1x128xf32, #tpu.memory_space<vmem>>
    %dma_wait3A_73 = tpu.memref_squeeze %dma_wait3A_72 : memref<1x128xf32, #tpu.memory_space<vmem>> -> memref<128xf32, #tpu.memory_space<vmem>>
    %dma_wait3A_74 = arith.constant 0 : i32
    %dma_wait3A_75 = tpu.memref_slice %arg8[%dma_wait3A_70, %dma_wait3A_74] : memref<80x128xi32, #tpu.memory_space<vmem>> -> memref<1x128xi32, #tpu.memory_space<vmem>>
    %dma_wait3A_76 = tpu.memref_squeeze %dma_wait3A_75 : memref<1x128xi32, #tpu.memory_space<vmem>> -> memref<128xi32, #tpu.memory_space<vmem>>
    %dma_wait3A_77 = arith.constant 0 : i32
    %dma_wait3A_78 = tpu.memref_slice %arg9[%dma_wait3A_77] : memref<10240xf32, #tpu.memory_space<vmem_shared>> -> memref<10240xf32, #tpu.memory_space<vmem_shared>>
    tpu.wait_indirect_dma semaphore(%arg10 : memref<!tpu.dma_semaphore, #tpu.memory_space<semaphore_mem>>) src(%dma_wait3A_73 : memref<128xf32, #tpu.memory_space<vmem>>) dst(%dma_wait3A_78 : memref<10240xf32, #tpu.memory_space<vmem_shared>>)
    %dma_wait3A_79 = arith.constant 0 : i32
    %dma_wait3A_80 = arith.constant 0 : i32
    %dma_wait3A_81 = arith.constant 0 : i32
    %dma_wait3A_82 = tpu.memref_slice %arg7[%dma_wait3A_79, %dma_wait3A_81] : memref<80x128xf32, #tpu.memory_space<vmem>> -> memref<1x128xf32, #tpu.memory_space<vmem>>
    %dma_wait3A_83 = tpu.memref_squeeze %dma_wait3A_82 : memref<1x128xf32, #tpu.memory_space<vmem>> -> memref<128xf32, #tpu.memory_space<vmem>>
    %dma_wait3A_84 = arith.constant 0 : i32
    %dma_wait3A_85 = tpu.memref_slice %arg8[%dma_wait3A_80, %dma_wait3A_84] : memref<80x128xi32, #tpu.memory_space<vmem>> -> memref<1x128xi32, #tpu.memory_space<vmem>>
    %dma_wait3A_86 = tpu.memref_squeeze %dma_wait3A_85 : memref<1x128xi32, #tpu.memory_space<vmem>> -> memref<128xi32, #tpu.memory_space<vmem>>
    %dma_wait3A_87 = arith.constant 0 : i32
    %dma_wait3A_88 = tpu.memref_slice %arg9[%dma_wait3A_87] : memref<10240xf32, #tpu.memory_space<vmem_shared>> -> memref<10240xf32, #tpu.memory_space<vmem_shared>>
    tpu.wait_indirect_dma semaphore(%arg10 : memref<!tpu.dma_semaphore, #tpu.memory_space<semaphore_mem>>) src(%dma_wait3A_83 : memref<128xf32, #tpu.memory_space<vmem>>) dst(%dma_wait3A_88 : memref<10240xf32, #tpu.memory_space<vmem_shared>>)
    %dma_wait3A_89 = arith.constant 0 : i32
    %dma_wait3A_90 = arith.constant 0 : i32
    %dma_wait3A_91 = arith.constant 0 : i32
    %dma_wait3A_92 = tpu.memref_slice %arg7[%dma_wait3A_89, %dma_wait3A_91] : memref<80x128xf32, #tpu.memory_space<vmem>> -> memref<1x128xf32, #tpu.memory_space<vmem>>
    %dma_wait3A_93 = tpu.memref_squeeze %dma_wait3A_92 : memref<1x128xf32, #tpu.memory_space<vmem>> -> memref<128xf32, #tpu.memory_space<vmem>>
    %dma_wait3A_94 = arith.constant 0 : i32
    %dma_wait3A_95 = tpu.memref_slice %arg8[%dma_wait3A_90, %dma_wait3A_94] : memref<80x128xi32, #tpu.memory_space<vmem>> -> memref<1x128xi32, #tpu.memory_space<vmem>>
    %dma_wait3A_96 = tpu.memref_squeeze %dma_wait3A_95 : memref<1x128xi32, #tpu.memory_space<vmem>> -> memref<128xi32, #tpu.memory_space<vmem>>
    %dma_wait3A_97 = arith.constant 0 : i32
    %dma_wait3A_98 = tpu.memref_slice %arg9[%dma_wait3A_97] : memref<10240xf32, #tpu.memory_space<vmem_shared>> -> memref<10240xf32, #tpu.memory_space<vmem_shared>>
    tpu.wait_indirect_dma semaphore(%arg10 : memref<!tpu.dma_semaphore, #tpu.memory_space<semaphore_mem>>) src(%dma_wait3A_93 : memref<128xf32, #tpu.memory_space<vmem>>) dst(%dma_wait3A_98 : memref<10240xf32, #tpu.memory_space<vmem_shared>>)
    %barrier3A_99 = arith.constant 0 : index
    tpu.barrier barrier_id(%barrier3A_99)
    "tpu.region"() ({
      %run_scoped3A = tpu.sem_alloc : memref<!tpu.dma_semaphore, #tpu.memory_space<semaphore_mem>>
      %dma_start3A = tpu.memref_slice %arg5[%arg0, %mul3A_0] : memref<2x10240xf32, #tpu.memory_space<hbm>> -> memref<1x640xf32, #tpu.memory_space<hbm>>
      %dma_start3A_100 = tpu.memref_squeeze %dma_start3A : memref<1x640xf32, #tpu.memory_space<hbm>> -> memref<640xf32, #tpu.memory_space<hbm>>
      %dma_start3A_101 = tpu.memref_slice %arg9[%mul3A_0] : memref<10240xf32, #tpu.memory_space<vmem_shared>> -> memref<640xf32, #tpu.memory_space<vmem_shared>>
      tpu.enqueue_dma source(%dma_start3A_101 : memref<640xf32, #tpu.memory_space<vmem_shared>>) target(%dma_start3A_100 : memref<640xf32, #tpu.memory_space<hbm>>) target_semaphore(%run_scoped3A : memref<!tpu.dma_semaphore, #tpu.memory_space<semaphore_mem>>)
      %dma_wait3A_102 = tpu.memref_slice %arg5[%arg0, %mul3A_0] : memref<2x10240xf32, #tpu.memory_space<hbm>> -> memref<1x640xf32, #tpu.memory_space<hbm>>
      %dma_wait3A_103 = tpu.memref_squeeze %dma_wait3A_102 : memref<1x640xf32, #tpu.memory_space<hbm>> -> memref<640xf32, #tpu.memory_space<hbm>>
      %dma_wait3A_104 = tpu.memref_slice %arg9[%mul3A_0] : memref<10240xf32, #tpu.memory_space<vmem_shared>> -> memref<640xf32, #tpu.memory_space<vmem_shared>>
      tpu.wait_dma2 semaphore(%run_scoped3A : memref<!tpu.dma_semaphore, #tpu.memory_space<semaphore_mem>>) src(%dma_wait3A_104 : memref<640xf32, #tpu.memory_space<vmem_shared>>) dst(%dma_wait3A_103 : memref<640xf32, #tpu.memory_space<hbm>>)
      tpu.yield
    }) : () -> ()
    return
  }
}

module attributes {stable_mosaic.version = 14 : i64} {
  func.func @_z1_body(%arg0: i32, %arg1: memref<2000x128xf32, #tpu.memory_space<vmem>>, %arg2: memref<128x64xf32, #tpu.memory_space<vmem>>, %arg3: memref<2x2000x1xf32, #tpu.memory_space<vmem>>, %arg4: memref<2000x64xbf16, #tpu.memory_space<vmem>>) attributes {dimension_semantics = [#tpu.dimension_semantics<arbitrary>], iteration_bounds = array<i64: 5>, scalar_prefetch = 0 : i64, scratch_operands = 0 : i64, tpu.core_type = #tpu.core_type<tc>, window_params = [{transform_indices = @transform_0, window_bounds = array<i64: 2000, 128>}, {pipeline_mode = #tpu.pipeline_mode<synchronous>, transform_indices = @transform_1, window_bounds = array<i64: 128, 64>}, {transform_indices = @transform_2, window_bounds = array<i64: 2, 2000, 1>}, {transform_indices = @transform_3, window_bounds = array<i64: 2000, 64>}]} {
    %get3A = arith.constant 0 : index
    %get3A_0 = arith.constant 0 : index
    %get3A_1 = arith.constant 0 : index
    %get3A_2 = vector.load %arg3[%get3A, %get3A_0, %get3A_1] : memref<2x2000x1xf32, #tpu.memory_space<vmem>>, vector<1x2000x1xf32>
    %get3A_3 = vector.shape_cast %get3A_2 : vector<1x2000x1xf32> to vector<2000x1xf32>
    %get3A_4 = arith.constant 1 : index
    %get3A_5 = arith.constant 0 : index
    %get3A_6 = arith.constant 0 : index
    %get3A_7 = vector.load %arg3[%get3A_4, %get3A_5, %get3A_6] : memref<2x2000x1xf32, #tpu.memory_space<vmem>>, vector<1x2000x1xf32>
    %get3A_8 = vector.shape_cast %get3A_7 : vector<1x2000x1xf32> to vector<2000x1xf32>
    %add3A = arith.addf %get3A_3, %get3A_8 : vector<2000x1xf32>
    %add3A_9 = arith.constant 1.000000e+00 : f32
    %add3A_10 = vector.broadcast %add3A_9 : f32 to vector<2000x1xf32>
    %add3A_11 = arith.addf %add3A, %add3A_10 : vector<2000x1xf32>
    %rsqrt3A = math.rsqrt %add3A_11 : vector<2000x1xf32>
    %get3A_12 = arith.constant 0 : index
    %get3A_13 = arith.constant 0 : index
    %get3A_14 = vector.load %arg1[%get3A_12, %get3A_13] : memref<2000x128xf32, #tpu.memory_space<vmem>>, vector<2000x128xf32>
    %get3A_15 = arith.constant 0 : index
    %get3A_16 = arith.constant 0 : index
    %get3A_17 = vector.load %arg2[%get3A_15, %get3A_16] : memref<128x64xf32, #tpu.memory_space<vmem>>, vector<128x64xf32>
    %dot_general3A = arith.constant dense<0.000000e+00> : vector<2000x64xf32>
    %dot_general3A_18 = tpu.matmul %get3A_14, %get3A_17, %dot_general3A {dimension_numbers = #tpu.dot_dimension_numbers<[1], [0], [0], [1], [0, 0, 1, 1], [], []>, transpose_lhs_hint = false} : vector<2000x128xf32>, vector<128x64xf32>, vector<2000x64xf32> -> vector<2000x64xf32>
    %mul3A = vector.broadcast %rsqrt3A : vector<2000x1xf32> to vector<2000x64xf32>
    %mul3A_19 = arith.mulf %mul3A, %dot_general3A_18 : vector<2000x64xf32>
    %convert_element_type3A = arith.truncf %mul3A_19 : vector<2000x64xf32> to vector<2000x64xbf16>
    %swap3A = arith.constant 0 : index
    %swap3A_20 = arith.constant 0 : index
    %swap3A_21 = vector.load %arg4[%swap3A, %swap3A_20] : memref<2000x64xbf16, #tpu.memory_space<vmem>>, vector<2000x64xbf16>
    tpu.vector_store %arg4[%swap3A, %swap3A_20], %convert_element_type3A {strides = array<i32>} : memref<2000x64xbf16, #tpu.memory_space<vmem>>, vector<2000x64xbf16>,
    return
  }
  func.func @transform_0(%arg0: i32) -> (i32, i32) {
    %c0_i32 = arith.constant 0 : i32
    %c0_i32_0 = arith.constant 0 : i32
    return %arg0, %c0_i32 : i32, i32
  }
  func.func @transform_1(%arg0: i32) -> (i32, i32) {
    %c0_i32 = arith.constant 0 : i32
    %c0_i32_0 = arith.constant 0 : i32
    %c0_i32_1 = arith.constant 0 : i32
    return %c0_i32, %c0_i32_0 : i32, i32
  }
  func.func @transform_2(%arg0: i32) -> (i32, i32, i32) {
    %c0_i32 = arith.constant 0 : i32
    %c0_i32_0 = arith.constant 0 : i32
    %c0_i32_1 = arith.constant 0 : i32
    return %c0_i32, %arg0, %c0_i32_0 : i32, i32, i32
  }
  func.func @transform_3(%arg0: i32) -> (i32, i32) {
    %c0_i32 = arith.constant 0 : i32
    %c0_i32_0 = arith.constant 0 : i32
    return %arg0, %c0_i32 : i32, i32
  }
}

module attributes {stable_mosaic.version = 14 : i64} {
  func.func @_mid_body(%arg0: i32, %arg1: memref<2x2000x64xbf16, #tpu.memory_space<vmem>>, %arg2: memref<2000x64xbf16, #tpu.memory_space<vmem>>, %arg3: memref<2x2000x1xf32, #tpu.memory_space<vmem>>, %arg4: memref<1x64xf32, #tpu.memory_space<vmem>>, %arg5: memref<64x8xf32, #tpu.memory_space<vmem>>, %arg6: memref<2000x2xf32, #tpu.memory_space<vmem>>) attributes {dimension_semantics = [#tpu.dimension_semantics<arbitrary>], iteration_bounds = array<i64: 5>, scalar_prefetch = 0 : i64, scratch_operands = 0 : i64, tpu.core_type = #tpu.core_type<tc>, window_params = [{transform_indices = @transform_0, window_bounds = array<i64: 2, 2000, 64>}, {transform_indices = @transform_1, window_bounds = array<i64: 2000, 64>}, {transform_indices = @transform_2, window_bounds = array<i64: 2, 2000, 1>}, {pipeline_mode = #tpu.pipeline_mode<synchronous>, transform_indices = @transform_3, window_bounds = array<i64: 1, 64>}, {pipeline_mode = #tpu.pipeline_mode<synchronous>, transform_indices = @transform_4, window_bounds = array<i64: 64, 8>}, {transform_indices = @transform_5, window_bounds = array<i64: 2000, 2>}]} {
    %get3A = arith.constant 0 : index
    %get3A_0 = arith.constant 0 : index
    %get3A_1 = arith.constant 0 : index
    %get3A_2 = vector.load %arg3[%get3A, %get3A_0, %get3A_1] : memref<2x2000x1xf32, #tpu.memory_space<vmem>>, vector<1x2000x1xf32>
    %get3A_3 = vector.shape_cast %get3A_2 : vector<1x2000x1xf32> to vector<2000x1xf32>
    %get3A_4 = arith.constant 1 : index
    %get3A_5 = arith.constant 0 : index
    %get3A_6 = arith.constant 0 : index
    %get3A_7 = vector.load %arg3[%get3A_4, %get3A_5, %get3A_6] : memref<2x2000x1xf32, #tpu.memory_space<vmem>>, vector<1x2000x1xf32>
    %get3A_8 = vector.shape_cast %get3A_7 : vector<1x2000x1xf32> to vector<2000x1xf32>
    %add3A = arith.addf %get3A_3, %get3A_8 : vector<2000x1xf32>
    %add3A_9 = arith.constant 1.000000e+00 : f32
    %add3A_10 = vector.broadcast %add3A_9 : f32 to vector<2000x1xf32>
    %add3A_11 = arith.addf %add3A, %add3A_10 : vector<2000x1xf32>
    %rsqrt3A = math.rsqrt %add3A_11 : vector<2000x1xf32>
    %get3A_12 = arith.constant 0 : index
    %get3A_13 = arith.constant 0 : index
    %get3A_14 = arith.constant 0 : index
    %get3A_15 = vector.load %arg1[%get3A_12, %get3A_13, %get3A_14] : memref<2x2000x64xbf16, #tpu.memory_space<vmem>>, vector<1x2000x64xbf16>
    %get3A_16 = vector.shape_cast %get3A_15 : vector<1x2000x64xbf16> to vector<2000x64xbf16>
    %convert_element_type3A = arith.extf %get3A_16 : vector<2000x64xbf16> to vector<2000x64xf32>
    %get3A_17 = arith.constant 1 : index
    %get3A_18 = arith.constant 0 : index
    %get3A_19 = arith.constant 0 : index
    %get3A_20 = vector.load %arg1[%get3A_17, %get3A_18, %get3A_19] : memref<2x2000x64xbf16, #tpu.memory_space<vmem>>, vector<1x2000x64xbf16>
    %get3A_21 = vector.shape_cast %get3A_20 : vector<1x2000x64xbf16> to vector<2000x64xbf16>
    %convert_element_type3A_22 = arith.extf %get3A_21 : vector<2000x64xbf16> to vector<2000x64xf32>
    %add3A_23 = arith.addf %convert_element_type3A, %convert_element_type3A_22 : vector<2000x64xf32>
    %get3A_24 = arith.constant 0 : index
    %get3A_25 = arith.constant 0 : index
    %get3A_26 = vector.load %arg2[%get3A_24, %get3A_25] : memref<2000x64xbf16, #tpu.memory_space<vmem>>, vector<2000x64xbf16>
    %convert_element_type3A_27 = arith.extf %get3A_26 : vector<2000x64xbf16> to vector<2000x64xf32>
    %add3A_28 = arith.addf %add3A_23, %convert_element_type3A_27 : vector<2000x64xf32>
    %mul3A = vector.broadcast %rsqrt3A : vector<2000x1xf32> to vector<2000x64xf32>
    %mul3A_29 = arith.mulf %mul3A, %add3A_28 : vector<2000x64xf32>
    %get3A_30 = arith.constant 0 : index
    %get3A_31 = arith.constant 0 : index
    %get3A_32 = vector.load %arg4[%get3A_30, %get3A_31] : memref<1x64xf32, #tpu.memory_space<vmem>>, vector<1x64xf32>
    %add3A_33 = vector.broadcast %get3A_32 : vector<1x64xf32> to vector<2000x64xf32>
    %add3A_34 = arith.addf %mul3A_29, %add3A_33 : vector<2000x64xf32>
    %max3A = arith.constant 0.000000e+00 : f32
    %max3A_35 = vector.broadcast %max3A : f32 to vector<2000x64xf32>
    %max3A_36 = arith.maximumf %add3A_34, %max3A_35 : vector<2000x64xf32>
    %get3A_37 = arith.constant 0 : index
    %get3A_38 = arith.constant 0 : index
    %get3A_39 = vector.load %arg5[%get3A_37, %get3A_38] : memref<64x8xf32, #tpu.memory_space<vmem>>, vector<64x8xf32>
    %dot_general3A = arith.constant dense<0.000000e+00> : vector<2000x8xf32>
    %dot_general3A_40 = tpu.matmul %max3A_36, %get3A_39, %dot_general3A {dimension_numbers = #tpu.dot_dimension_numbers<[1], [0], [0], [1], [0, 0, 1, 1], [], []>, transpose_lhs_hint = false} : vector<2000x64xf32>, vector<64x8xf32>, vector<2000x8xf32> -> vector<2000x8xf32>
    %mul3A_41 = vector.broadcast %rsqrt3A : vector<2000x1xf32> to vector<2000x8xf32>
    %mul3A_42 = arith.mulf %mul3A_41, %dot_general3A_40 : vector<2000x8xf32>
    %slice3A = vector.extract_strided_slice %mul3A_42 {offsets = [0, 0], sizes = [2000, 2], strides = [1, 1]} : vector<2000x8xf32> to vector<2000x2xf32>
    %swap3A = arith.constant 0 : index
    %swap3A_43 = arith.constant 0 : index
    %swap3A_44 = vector.load %arg6[%swap3A, %swap3A_43] : memref<2000x2xf32, #tpu.memory_space<vmem>>, vector<2000x2xf32>
    tpu.vector_store %arg6[%swap3A, %swap3A_43], %slice3A {strides = array<i32>} : memref<2000x2xf32, #tpu.memory_space<vmem>>, vector<2000x2xf32>,
    return
  }
  func.func @transform_0(%arg0: i32) -> (i32, i32, i32) {
    %c0_i32 = arith.constant 0 : i32
    %c0_i32_0 = arith.constant 0 : i32
    %c0_i32_1 = arith.constant 0 : i32
    return %c0_i32, %arg0, %c0_i32_0 : i32, i32, i32
  }
  func.func @transform_1(%arg0: i32) -> (i32, i32) {
    %c0_i32 = arith.constant 0 : i32
    %c0_i32_0 = arith.constant 0 : i32
    return %arg0, %c0_i32 : i32, i32
  }
  func.func @transform_2(%arg0: i32) -> (i32, i32, i32) {
    %c0_i32 = arith.constant 0 : i32
    %c0_i32_0 = arith.constant 0 : i32
    %c0_i32_1 = arith.constant 0 : i32
    return %c0_i32, %arg0, %c0_i32_0 : i32, i32, i32
  }
  func.func @transform_3(%arg0: i32) -> (i32, i32) {
    %c0_i32 = arith.constant 0 : i32
    %c0_i32_0 = arith.constant 0 : i32
    %c0_i32_1 = arith.constant 0 : i32
    return %c0_i32, %c0_i32_0 : i32, i32
  }
  func.func @transform_4(%arg0: i32) -> (i32, i32) {
    %c0_i32 = arith.constant 0 : i32
    %c0_i32_0 = arith.constant 0 : i32
    %c0_i32_1 = arith.constant 0 : i32
    return %c0_i32, %c0_i32_0 : i32, i32
  }
  func.func @transform_5(%arg0: i32) -> (i32, i32) {
    %c0_i32 = arith.constant 0 : i32
    %c0_i32_0 = arith.constant 0 : i32
    return %arg0, %c0_i32 : i32, i32
  }
}

module attributes {stable_mosaic.version = 14 : i64} {
  func.func @_out_body(%arg0: i32, %arg1: memref<2x2000x2xf32, #tpu.memory_space<vmem>>, %arg2: memref<2000x2xf32, #tpu.memory_space<vmem>>, %arg3: memref<2x2000x1xf32, #tpu.memory_space<vmem>>, %arg4: memref<1x2xf32, #tpu.memory_space<vmem>>, %arg5: memref<2000x2xf32, #tpu.memory_space<vmem>>) attributes {dimension_semantics = [#tpu.dimension_semantics<arbitrary>], iteration_bounds = array<i64: 5>, scalar_prefetch = 0 : i64, scratch_operands = 0 : i64, tpu.core_type = #tpu.core_type<tc>, window_params = [{transform_indices = @transform_0, window_bounds = array<i64: 2, 2000, 2>}, {transform_indices = @transform_1, window_bounds = array<i64: 2000, 2>}, {transform_indices = @transform_2, window_bounds = array<i64: 2, 2000, 1>}, {pipeline_mode = #tpu.pipeline_mode<synchronous>, transform_indices = @transform_3, window_bounds = array<i64: 1, 2>}, {transform_indices = @transform_4, window_bounds = array<i64: 2000, 2>}]} {
    %get3A = arith.constant 0 : index
    %get3A_0 = arith.constant 0 : index
    %get3A_1 = arith.constant 0 : index
    %get3A_2 = vector.load %arg3[%get3A, %get3A_0, %get3A_1] : memref<2x2000x1xf32, #tpu.memory_space<vmem>>, vector<1x2000x1xf32>
    %get3A_3 = vector.shape_cast %get3A_2 : vector<1x2000x1xf32> to vector<2000x1xf32>
    %get3A_4 = arith.constant 1 : index
    %get3A_5 = arith.constant 0 : index
    %get3A_6 = arith.constant 0 : index
    %get3A_7 = vector.load %arg3[%get3A_4, %get3A_5, %get3A_6] : memref<2x2000x1xf32, #tpu.memory_space<vmem>>, vector<1x2000x1xf32>
    %get3A_8 = vector.shape_cast %get3A_7 : vector<1x2000x1xf32> to vector<2000x1xf32>
    %add3A = arith.addf %get3A_3, %get3A_8 : vector<2000x1xf32>
    %add3A_9 = arith.constant 1.000000e+00 : f32
    %add3A_10 = vector.broadcast %add3A_9 : f32 to vector<2000x1xf32>
    %add3A_11 = arith.addf %add3A, %add3A_10 : vector<2000x1xf32>
    %rsqrt3A = math.rsqrt %add3A_11 : vector<2000x1xf32>
    %get3A_12 = arith.constant 0 : index
    %get3A_13 = arith.constant 0 : index
    %get3A_14 = arith.constant 0 : index
    %get3A_15 = vector.load %arg1[%get3A_12, %get3A_13, %get3A_14] : memref<2x2000x2xf32, #tpu.memory_space<vmem>>, vector<1x2000x2xf32>
    %get3A_16 = vector.shape_cast %get3A_15 : vector<1x2000x2xf32> to vector<2000x2xf32>
    %get3A_17 = arith.constant 1 : index
    %get3A_18 = arith.constant 0 : index
    %get3A_19 = arith.constant 0 : index
    %get3A_20 = vector.load %arg1[%get3A_17, %get3A_18, %get3A_19] : memref<2x2000x2xf32, #tpu.memory_space<vmem>>, vector<1x2000x2xf32>
    %get3A_21 = vector.shape_cast %get3A_20 : vector<1x2000x2xf32> to vector<2000x2xf32>
    %add3A_22 = arith.addf %get3A_16, %get3A_21 : vector<2000x2xf32>
    %get3A_23 = arith.constant 0 : index
    %get3A_24 = arith.constant 0 : index
    %get3A_25 = vector.load %arg2[%get3A_23, %get3A_24] : memref<2000x2xf32, #tpu.memory_space<vmem>>, vector<2000x2xf32>
    %add3A_26 = arith.addf %add3A_22, %get3A_25 : vector<2000x2xf32>
    %mul3A = vector.broadcast %rsqrt3A : vector<2000x1xf32> to vector<2000x2xf32>
    %mul3A_27 = arith.mulf %mul3A, %add3A_26 : vector<2000x2xf32>
    %get3A_28 = arith.constant 0 : index
    %get3A_29 = arith.constant 0 : index
    %get3A_30 = vector.load %arg4[%get3A_28, %get3A_29] : memref<1x2xf32, #tpu.memory_space<vmem>>, vector<1x2xf32>
    %add3A_31 = vector.broadcast %get3A_30 : vector<1x2xf32> to vector<2000x2xf32>
    %add3A_32 = arith.addf %mul3A_27, %add3A_31 : vector<2000x2xf32>
    %slice3A = vector.extract_strided_slice %add3A_32 {offsets = [0, 0], sizes = [2000, 1], strides = [1, 1]} : vector<2000x2xf32> to vector<2000x1xf32>
    %slice3A_33 = vector.extract_strided_slice %add3A_32 {offsets = [0, 1], sizes = [2000, 1], strides = [1, 1]} : vector<2000x2xf32> to vector<2000x1xf32>
    %max3A = arith.maximumf %slice3A, %slice3A_33 : vector<2000x1xf32>
    %sub3A = arith.subf %slice3A, %max3A : vector<2000x1xf32>
    %exp3A = math.exp %sub3A : vector<2000x1xf32>
    %sub3A_34 = arith.subf %slice3A_33, %max3A : vector<2000x1xf32>
    %exp3A_35 = math.exp %sub3A_34 : vector<2000x1xf32>
    %add3A_36 = arith.addf %exp3A, %exp3A_35 : vector<2000x1xf32>
    %log3A = math.log %add3A_36 : vector<2000x1xf32>
    %add3A_37 = arith.addf %max3A, %log3A : vector<2000x1xf32>
    %sub3A_38 = arith.subf %slice3A, %add3A_37 : vector<2000x1xf32>
    %sub3A_39 = arith.subf %slice3A_33, %add3A_37 : vector<2000x1xf32>
    %concatenate3A = tpu.concatenate %sub3A_38, %sub3A_39 in 1 : vector<2000x1xf32>, vector<2000x1xf32> -> vector<2000x2xf32>
    %swap3A = arith.constant 0 : index
    %swap3A_40 = arith.constant 0 : index
    %swap3A_41 = vector.load %arg5[%swap3A, %swap3A_40] : memref<2000x2xf32, #tpu.memory_space<vmem>>, vector<2000x2xf32>
    tpu.vector_store %arg5[%swap3A, %swap3A_40], %concatenate3A {strides = array<i32>} : memref<2000x2xf32, #tpu.memory_space<vmem>>, vector<2000x2xf32>,
    return
  }
  func.func @transform_0(%arg0: i32) -> (i32, i32, i32) {
    %c0_i32 = arith.constant 0 : i32
    %c0_i32_0 = arith.constant 0 : i32
    %c0_i32_1 = arith.constant 0 : i32
    return %c0_i32, %arg0, %c0_i32_0 : i32, i32, i32
  }
  func.func @transform_1(%arg0: i32) -> (i32, i32) {
    %c0_i32 = arith.constant 0 : i32
    %c0_i32_0 = arith.constant 0 : i32
    return %arg0, %c0_i32 : i32, i32
  }
  func.func @transform_2(%arg0: i32) -> (i32, i32, i32) {
    %c0_i32 = arith.constant 0 : i32
    %c0_i32_0 = arith.constant 0 : i32
    %c0_i32_1 = arith.constant 0 : i32
    return %c0_i32, %arg0, %c0_i32_0 : i32, i32, i32
  }
  func.func @transform_3(%arg0: i32) -> (i32, i32) {
    %c0_i32 = arith.constant 0 : i32
    %c0_i32_0 = arith.constant 0 : i32
    %c0_i32_1 = arith.constant 0 : i32
    return %c0_i32, %c0_i32_0 : i32, i32
  }
  func.func @transform_4(%arg0: i32) -> (i32, i32) {
    %c0_i32 = arith.constant 0 : i32
    %c0_i32_0 = arith.constant 0 : i32
    return %arg0, %c0_i32 : i32, i32
  }
}

</mosaic_0001>

<sc_bundles>
// kernel: kernel.11.cloned.1.call-start
scs
__scs_entry_jumppad:
0x0: {  	(pc) =	sbr.rel $0x88, $3  }
0x1: {  	(tag) =	ssettag $0x0;
	lr =	simm.s32 $0x1  }
0x2: {  	[smem:$0x3F9B] =	sst lr;
	_ =	strace $0xD0000000  }
0x3: {  	_ = 	snop  }
0x4: {  	_ = 	snop  }
0x5: {  	_ = 	snop  }
0x6: {  	_ = 	snop  }
0x7: {  	_ = 	snop  }
__scs_overlays_trampoline_lowered:
0x8: {  	[smem:$0x3FAA] =	sst s0  }
0x9: {  	[smem:$0x3FAB] =	sst s1  }
0xa: {  	[smem:$0x3FAC] =	sst s2  }
0xb: {  	[smem:$0x3FAD] =	sst s3  }
0xc: {  	[smem:$0x3FAE] =	sst s4  }
0xd: {  	[smem:$0x3FAF] =	sst s5  }
0xe: {  	[smem:$0x3FB0] =	sst s6  }
0xf: {  	[smem:$0x3FB1] =	sst s7  }
0x10: {  	[smem:$0x3FB2] =	sst s8  }
0x11: {  	[smem:$0x3FB3] =	sst s9;
	s0 =	simm.s32 @!p0 $0x0  }
0x12: {  	s1 =	sld [smem:$0x3F99];
	s0 =	simm.s32 @p0 $0x1  }
0x13: {  	[smem:$0x3FB4] =	sst s0;
	s0 =	simm.s32 @!p1 $0x0  }
0x14: {  	s2 =	sld [smem:$0x3F98];
	s0 =	simm.s32 @p1 $0x1  }
0x15: {  	[smem:$0x3FB5] =	sst s0;
	s0 =	simm.s32 @!p2 $0x0  }
0x16: {  	s3 =	sld [smem:$0x3FDB];
	s0 =	simm.s32 @p2 $0x1  }
0x17: {  	s4 =	simm.s32 $0x1BF5;
	[smem:$0x3FB7] =	sst s0  }
0x18: {  	s0 =	sld [smem:$0x3F9A];
	_ =	swait.ge [sflag:s4], $0x0  }
0x19: {  	s7 =	sld [smem:$0x3F9B]  }
0x1a: {  	s8 =	sadd.s32 $0xFFFFE003, lr  }
0x1b: {  	s9 =	sadd.s32 $0xFFFFFEF7, lr;
	s5 =	simm.s32 $0xFFFFFFFF;
	p2 =	slt.u32 s8, $0xFFFFF086  }
0x1c: {  	p1 =	slt.u32 s9, $0xF7A;
	s5 =	simm.s32 @!p2 $0x0  }
0x1d: {  	s5 =	simm.s32 @p1 $0x1;
	p0 =	seq.s32 s7, s2  }
0x1e: {  	s7 =	smul.u32 @!p0 $0xF7A, s2;
	p2 =	seq.s32 @!p0 s5, $0x0  }
0x1f: {  	s9 =	smul.u32 $0xF7A, s1;
	s8 =	simm.s32 @!p0 $0x1BF5;
	p2 =	por !p2, p0  }
0x20: {  	[sflag:s8] =	ssyncset.s32 @!p0 $0xFFFFF086;
	s6 =	sadd.s32 @!p0 s3, s7;
	s7 =	simm.s32 @!p0 $0x108  }
0x21: {  	s3 =	sadd.s32 s3, s9;
	s6 =	sadd.s32 @!p0 $0x88, s6;
	s7 =	simm.s32 @p2 $0x1082  }
0x22: {  	[simem:s7], [sflag:s8] =	dma.local @!p0 [hbm:s6], $0xF7A  }
0x23: {  	s9 =	sor.u32 $0xD0000000, s2;
	s6 =	simm.s32 $0x108;
	_ =	swait.ge @!p0 [sflag:s8], $0x0  }
0x24: {  	s3 =	sadd.s32 $0x88, s3;
	s6 =	simm.s32 @!p1 $0x1082;
	[sflag:s4] =	ssyncset.s32 $0xFFFFF086  }
0x25: {  	[simem:s6], [sflag:s4] =	dma.local [hbm:s3], $0xF7A  }
0x26: {  	[smem:$0x3F9B] =	sst s1;
	(tag) =	ssettag s2;
	_ =	strace s9  }
0x27: {  	s1 =	sld [smem:$0x3FAB]  }
0x28: {  	s2 =	sld [smem:$0x3FAC]  }
0x29: {  	s4 =	sld [smem:$0x3FAE]  }
0x2a: {  	p0 =	seq.s32 s5, $0x0;
	s5 =	sld [smem:$0x3FAF]  }
0x2b: {  	s6 =	sld [smem:$0x3FB0]  }
0x2c: {  	s7 =	sld [smem:$0x3FB1]  }
0x2d: {  	s3 =	simm.s32 $0x108;
	s8 =	sld [smem:$0x3FB2]  }
0x2e: {  	s3 =	simm.s32 @!p0 $0x1082;
	s9 =	sld [smem:$0x3FB3]  }
0x2f: {  	lr =	sadd.s32 s0, s3;
	s0 =	sld [smem:$0x3FAA]  }
0x30: {  	s3 =	sld [smem:$0x3FAD]  }
0x31: {  	[smem:$0x3FB6] =	sst s10  }
0x32: {  	s10 =	sld [smem:$0x3FB4];
	_ =	sdelay $0x3  }
0x33: {  	p0 =	seq.s32 s10, $0x1;
	s10 =	sld [smem:$0x3FB6];
	_ =	sdelay $0x3  }
0x34: {  	[smem:$0x3FB6] =	sst s10  }
0x35: {  	s10 =	sld [smem:$0x3FB5];
	_ =	sdelay $0x3  }
0x36: {  	p1 =	seq.s32 s10, $0x1;
	s10 =	sld [smem:$0x3FB6];
	_ =	sdelay $0x3  }
0x37: {  	[smem:$0x3FB6] =	sst s10  }
0x38: {  	s10 =	sld [smem:$0x3FB7]  }
0x39: {  	_ = 	snop;
	(pc) =	sbr.ind lr, $3  }
0x3a: {  	_ = 	snop  }
0x3b: {  	_ = 	snop  }
0x3c: {  	p2 =	seq.s32 s10, $0x1;
	s10 =	sld [smem:$0x3FB6]  }
0x3d: {  	_ =	shalt  }
0x3e: {  	_ =	shalt  }
0x3f: {  	_ =	shalt  }
0x40: {  	_ =	shalt  }
0x41: {  	_ =	shalt  }
0x42: {  	_ =	shalt  }
0x43: {  	_ =	shalt  }
0x44: {  	_ =	shalt  }
0x45: {  	_ =	shalt  }
0x46: {  	_ =	shalt  }
0x47: {  	_ =	shalt  }
0x48: {  	_ =	shalt  }
0x49: {  	_ =	shalt  }
0x4a: {  	_ =	shalt  }
0x4b: {  	_ =	shalt  }
0x4c: {  	_ =	shalt  }
0x4d: {  	_ =	shalt  }
0x4e: {  	_ =	shalt  }
0x4f: {  	_ =	shalt  }
0x50: {  	_ =	shalt  }
0x51: {  	_ =	shalt  }
0x52: {  	_ =	shalt  }
0x53: {  	_ =	shalt  }
0x54: {  	_ =	shalt  }
0x55: {  	_ =	shalt  }
0x56: {  	_ =	shalt  }
0x57: {  	_ =	shalt  }
0x58: {  	_ =	shalt  }
0x59: {  	_ =	shalt  }
0x5a: {  	_ =	shalt  }
0x5b: {  	_ =	shalt  }
0x5c: {  	_ =	shalt  }
0x5d: {  	_ =	shalt  }
0x5e: {  	_ =	shalt  }
0x5f: {  	_ =	shalt  }
0x60: {  	_ =	shalt  }
0x61: {  	_ =	shalt  }
0x62: {  	_ =	shalt  }
0x63: {  	_ =	shalt  }
0x64: {  	_ =	shalt  }
0x65: {  	_ =	shalt  }
0x66: {  	_ =	shalt  }
0x67: {  	_ =	shalt  }
0x68: {  	_ =	shalt  }
0x69: {  	_ =	shalt  }
0x6a: {  	_ =	shalt  }
0x6b: {  	_ =	shalt  }
0x6c: {  	_ =	shalt  }
0x6d: {  	_ =	shalt  }
0x6e: {  	_ =	shalt  }
0x6f: {  	_ =	shalt  }
0x70: {  	_ =	shalt  }
0x71: {  	_ =	shalt  }
0x72: {  	_ =	shalt  }
0x73: {  	_ =	shalt  }
0x74: {  	_ =	shalt  }
0x75: {  	_ =	shalt  }
0x76: {  	_ =	shalt  }
0x77: {  	_ =	shalt  }
0x78: {  	_ =	shalt  }
0x79: {  	_ =	shalt  }
0x7a: {  	_ =	shalt  }
0x7b: {  	_ =	shalt  }
0x7c: {  	_ =	shalt  }
0x7d: {  	_ =	shalt  }
0x7e: {  	_ =	shalt  }
0x7f: {  	_ =	shalt  }
0x80: {  	_ =	shalt  }
0x81: {  	_ =	shalt  }
0x82: {  	_ =	shalt  }
0x83: {  	_ =	shalt  }
0x84: {  	_ =	shalt  }
0x85: {  	_ =	shalt  }
0x86: {  	_ =	shalt  }
0x87: {  	_ =	shalt  }
.Lfunc_end0:
.L_simem_size_0:
called_computation.1_lowered:
.L_overlay_start_0:
0x88: {  	s2 =	sld [smem:$0x3FD9]  }
0x89: {  	s3 =	sld [smem:$0x3FFE];
	_ =	sdelay $0x1  }
0x8a: {  	s1 =	srdreg.scid  }
0x8b: {  	s0 =	sand.u32 $0x1, s1  }
0x8c: {  	s16 =	sshll.u32 s0, $0xA;
	s2 =	sadd.s32 s3, s2  }
0x8d: {  	s2 =	sadd.s32 s2, s16  }
0x8e: {  	[smem:$0x3FC2] =	sst s2  }
0x8f: {  	_ = 	snop  }
0x90: {  	(tm) =	ssettm $0x1  }
0x91: {  	s17 =	sld [smem:$0x3FFB];
	_ =	sdelay $0x3  }
0x92: {  	_ =	strace s17  }
0x93: {  	s2 =	sld [smem:$0x3FFC];
	_ =	sdelay $0x3  }
0x94: {  	_ =	strace s2  }
0x95: {  	s2 =	sld [smem:$0x3FFD];
	_ =	sdelay $0x3  }
0x96: {  	_ =	strace s2  }
0x97: {  	_ =	strace $0x8FFFFFFF  }
0x98: {  	s18 =	sld [smem:$0x3FDB];
	_ =	sdelay $0x1  }
0x99: {  	s19 =	simm.s32 $_scs_section_size  }
0x9a: {  	s4 =	simm.s32 $_size__tile_overlayer_lowered;
	s5 =	simm.s32 $_tile_overlayer_lowered  }
0x9b: {  	s22 =	simm.s32 $0x1BFF;
	s21 =	sshll.u32 s5, $0x1;
	s2 =	sadd.s32 s19, s18  }
0x9c: {  	s6 =	simm.s32 $0x0;
	s20 =	sshll.u32 s4, $0x1;
	s4 =	sadd.s32 s21, s2  }
0x9d: {  	[timem:s6], [sflag:s22] =	dma.local [hbm:s4], s20  }
0x9e: {  	_ =	swait.ge [sflag:s22], s20  }
0x9f: {  	s3 =	ssub.s32 $0x0, s20;
	[sflag:s22] =	ssyncset.done $0x0  }
0xa0: {  	[sflag:s22] =	ssyncadd.s32 s3;
	_ =	sdelay $0x1  }
0xa1: {  	s23 =	simm.s32 $0x1B8B  }
0xa2: {  	_ =	swait.ge [sflag:s23], $0x1  }
0xa3: {  	[sflag:s23] =	ssyncset.done $0x0  }
0xa4: {  	s25 =	simm.s32 $0x1B8E;
	s24 =	sld [smem:$0x3FFE];
	[sflag:s23] =	ssyncadd.s32 $0xFFFFFFFF  }
0xa5: {  	s26 =	simm.s32 $execute0_lowered;
	[smem:$0x3FD2] =	sst s25  }
0xa6: {  	s4 =	sshll.u32 s26, $0x1;
	_ =	strace $0x80000049;
	[dreg:$0x1] =	wrdreg $0xFFFFFFFF  }
0xa7: {  	s28 =	simm.s32 $_size_execute0_lowered;
	s2 =	sadd.s32 s2, s4;
	[dreg:$0x0] =	wrdreg $0x0  }
0xa8: {  	s4 =	sshll.u32 s28, $0x1;
	[dreg:$0x2] =	wrdreg s2  }
0xa9: {  	[dreg:$0x3] =	wrdreg s4  }
0xaa: {  	[dreg:$0x4] =	wrdreg $0xC0  }
0xab: {  	_ =	task [dreg:s6], $0x5FFFF  }
0xac: {  	[dreg:$0x1] =	wrdreg $0xFFFFFFFF  }
0xad: {  	[dreg:$0x0] =	wrdreg $0x60  }
0xae: {  	[dreg:$0x2] =	wrdreg s24  }
0xaf: {  	[dreg:$0x3] =	wrdreg $0x150000  }
0xb0: {  	[dreg:$0x4] =	wrdreg $0x9  }
0xb1: {  	_ =	task.clear_ibuf [dreg:s6], $0x5FFFF;
	_ =	strace $0x90000049  }
0xb2: {  	s29 =	simm.s32 $0x9;
	_ =	strace $0x8000004B  }
0xb3: {  	_ =	swait.ge [sflag:s29], $0x1  }
0xb4: {  	[sflag:s29] =	ssyncadd.s32 $0xFFFFFFFF  }
0xb5: {  	_ =	strace $0x9000004B  }
0xb6: {  	_ =	sfence  }
0xb7: {  	s30 =	sld [smem:$0x0];
	_ =	sdelay $0x2  }
0xb8: {  	s31 =	sshll.u32 s1, $0xD;
	s1 =	sshrl.u32 s1, $0x2  }
0xb9: {  	s3 =	sand.u32 $0x4000, s31;
	s1 =	sadd.s32 s1, s30  }
0xba: {  	s0 =	sor.u32 s3, s0;
	s1 =	sshll.u32 s1, $0x11  }
0xbb: {  	s0 =	sor.u32 s1, s0  }
0xbc: {  	s0 =	sadd.s32 $0x8F2B, s0  }
0xbd: {  	[sflag:s0] =	ssyncadd.remote.s32 $0x1  }
0xbe: {  	_ =	sfence.sel $0xFFFF  }
0xbf: {  	[dreg:$0x0] =	wrdreg $0xFFFFFFFF;
	(pc) =	sbr.abs _section_cstart, $3  }
0xc0: {  	[dreg:$0x1] =	wrdreg $0xFFFFFFFF  }
0xc1: {  	_ =	task.clear_ibuf [dreg:s6], $0x2FFFF;
	_ =	strace $0x9FFFFFFF  }
0xc2: {  	(tm) =	ssettm $0x7FFFFFFF  }
0xc3: {  	_ =	shalt  }
tec
execute0_lowered:
.L_overlay_start_1:
0x0: {  	(tag) =	ssettag $0x1  }
0x1: {  	s0 =	rddreg [dreg:$0x0]  }
0x2: {  	s2 =	rddreg [dreg:$0x1]  }
0x3: {  	s1 =	srdreg.scid;
	s11 =	stileid.u32  }
0x4: {  	s3 =	simm.s32 $0x0;
	s14 =	simm.s32 $0x3;
	s16 =	simm.s32 $0x80  }
0x5: {  	s28 =	simm.s32 $0x300;
	s29 =	simm.s32 $0xB000;
	s30 =	simm.s32 $0x380  }
0x6: {  	s31 =	simm.s32 $0xC000;
	s1 =	sand.u32 $0x1, s1;
	s6 =	smul.u32 $0xA000, s11  }
0x7: {  	[smem:$0x7FF] =	sst s3;
	s4 =	sadd.s32 $0x66C00, s0;
	s21 =	smul.u32 $0x5000, s11  }
0x8: {  	s7 =	sadd.s32 $0xCC00, s0;
	s10 =	sadd.s32 $0x1600, s0;
	s23 =	smul.u32 $0xA00, s11  }
0x9: {  	s22 =	sshll.u32 s11, $0x6;
	s5 =	smul.u32 $0xA0000, s1;
	s9 =	ssub.s32 $0x2, s1  }
0xa: {  	_ =	strace $0x8000004A;
	p0 =	seq.s32 s1, $0x1;
	s20 =	sshrl.u32 s9, $0x1  }
0xb: {  	s24 =	sshrl.u32 s21, $0x3;
	s25 =	sadd.s32 s7, s23;
	s26 =	sadd.s32 s10, s23  }
0xc: {  	s21 =	simm.s32 $0x180;
	s23 =	simm.s32 $0x200;
	s5 =	sadd.s32 s6, s5  }
0xd: {  	s12 =	ssub.s32 s9, s20;
	s6 =	sshrl.u32 s6, $0x1;
	[dreg:$0x3] =	wrdreg s25  }
0xe: {  	[dreg:$0x4] =	wrdreg s26;
	s1 =	sadd.s32 $0x500, s24;
	s20 =	simm.s32 $0x7000  }
0xf: {  	s24 =	simm.s32 $0x9000;
	s25 =	simm.s32 $0x280;
	s26 =	simm.s32 $0xA000  }
.Ltmp0:
0x10: {  	s8 =	sshrl.u32 s5, $0x4;
	s5 =	sadd.s32 $0xC200, s0;
	(pc) =	sbr.rel .LBB2_1-.Ltmp0, $4  }
0x11: {  	s13 =	sadd.s32 s6, s2;
	s6 =	sor.u32 $0x1C03, s22;
	s7 =	sadd.s32 s7, s1  }
0x12: {  	s10 =	sadd.s32 s10, s1;
	s12 =	smax.u32 s12, $0x1;
	s22 =	simm.s32 $0x8000  }
0x13: {  	s1 =	simm.s32 $0x2;
	s0 =	sadd.s32 s8, s0;
	[dreg:$0x5] =	wrdreg s7  }
0x14: {  	s13 =	sshrl.u32 s13, $0x3;
	s11 =	sadd.s32 $0x70A00, s0;
	s0 =	simm.s32 $0x1  }
.LBB2_6:
0x15: {  	_ =	swait.ge [sflag:s1], $0x1000  }
0x16: {  	[sflag:s1] =	ssyncset.done $0x0  }
0x17: {  	[sflag:s1] =	ssyncadd.s32 $0xFFFFF000  }
0x18: {  	_ =	swait.ge [sflag:s1], $0x1000  }
0x19: {  	[sflag:s1] =	ssyncset.done $0x0  }
0x1a: {  	[sflag:s1] =	ssyncadd.s32 $0xFFFFF000  }
0x1b: {  	_ =	swait.ge [sflag:s1], $0x1000  }
0x1c: {  	[sflag:s1] =	ssyncset.done $0x0  }
0x1d: {  	[sflag:s1] =	ssyncadd.s32 $0xFFFFF000  }
0x1e: {  	_ =	swait.ge [sflag:s1], $0x1000  }
0x1f: {  	[sflag:s1] =	ssyncset.done $0x0  }
0x20: {  	[sflag:s1] =	ssyncadd.s32 $0xFFFFF000  }
0x21: {  	_ =	swait.ge [sflag:s1], $0x1000  }
0x22: {  	[sflag:s1] =	ssyncset.done $0x0  }
0x23: {  	[sflag:s1] =	ssyncadd.s32 $0xFFFFF000  }
0x24: {  	_ =	swait.ge [sflag:s1], $0x1000  }
0x25: {  	[sflag:s1] =	ssyncset.done $0x0  }
0x26: {  	[sflag:s1] =	ssyncadd.s32 $0xFFFFF000  }
0x27: {  	_ =	swait.ge [sflag:s1], $0x1000  }
0x28: {  	[sflag:s1] =	ssyncset.done $0x0  }
0x29: {  	[sflag:s1] =	ssyncadd.s32 $0xFFFFF000  }
0x2a: {  	_ =	swait.ge [sflag:s1], $0x1000  }
0x2b: {  	s3 =	sadd.s32 $0x1, s3;
	[sflag:s1] =	ssyncset.done $0x0  }
0x2c: {  	p1 =	sne.s32 s3, s12;
	[sflag:s1] =	ssyncadd.s32 $0xFFFFF000  }
.Ltmp1:
0x2d: {  	[bflag:$0x0] =	sbarrier.arrive $0xFFFF;
	(pc) =	sbr.rel @!p1 .LBB2_7-.Ltmp1, $4  }
0x2e: {  	[hbm:s11], [sflag:s6] =	dma.local [spmem:s13], $0xA00  }
0x2f: {  	_ =	swait.ge [sflag:s14], $0xA00  }
0x30: {  	[sflag:s14] =	ssyncset.done $0x0  }
0x31: {  	[sflag:s14] =	ssyncadd.s32 $0xFFFFF600  }
.LBB2_1:
0x32: {  	[spmem:s13], [sflag:s6] =	dma.local [hbm:s5], $0xA00  }
.Ltmp2:
0x33: {  	_ =	swait.ge [sflag:s14], $0xA00;
	(pc) =	sbr.rel @!p0 .LBB2_2-.Ltmp2, $4  }
0x34: {  	[sflag:s14] =	ssyncset.done $0x0  }
0x35: {  	[sflag:s14] =	ssyncadd.s32 $0xFFFFF600  }
0x36: {  	[bflag:$0x0] =	sbarrier.arrive $0xFFFF  }
0x37: {  	s15 =	simm.s32 $0x0  }
0x38: {  	s7 =	rddreg [dreg:$0x5]  }
0x39: {  	[tilespmem:s15], [sflag:$0x3] =	stream.linear.gather [hbm4b:s7+s15], $0x2800, $0x38;
	[tilespmem:$0x1A000] =	vst v63  }
0x3a: {  	_ =	swait.ge [sflag:s14], $0x2800  }
0x3b: {  	[sflag:s14] =	ssyncset.done $0x0  }
0x3c: {  	s9 =	simm.s32 $0x2800;
	[sflag:s14] =	ssyncadd.s32 $0xFFFFD800  }
0x3d: {  	[tilespmem:s9], [sflag:$0x3] =	stream.linear.gather [hbm4b:s10+s15], $0x2800, $0x38;
	[tilespmem:$0x1A000] =	vst v63  }
0x3e: {  	_ =	swait.ge [sflag:s14], $0x2800  }
0x3f: {  	[sflag:s14] =	ssyncset.done $0x0  }
0x40: {  	s17 =	simm.s32 $0x5000;
	[sflag:s14] =	ssyncadd.s32 $0xFFFFD800  }
0x41: {  	[tilespmem:s17], [sflag:$0x1] =	stream.indirect.gather [hbm4b:s4+s16], $0x20, s15, s16, $0xb8;
	[tilespmem:$0x1A000] =	vst v63  }
0x42: {  	s18 =	simm.s32 $0x6000  }
0x43: {  	[tilespmem:s18], [sflag:$0x1] =	stream.indirect.gather [hbm4b:s4+s16], $0x20, s16, s16, $0xb8;
	[tilespmem:$0x1A000] =	vst v63  }
0x44: {  	s19 =	simm.s32 $0x100  }
0x45: {  	[tilespmem:s20], [sflag:$0x1] =	stream.indirect.gather [hbm4b:s4+s16], $0x20, s19, s16, $0xb8;
	[tilespmem:$0x1A000] =	vst v63  }
0x46: {  	_ = 	snop  }
0x47: {  	[tilespmem:s22], [sflag:$0x1] =	stream.indirect.gather [hbm4b:s4+s16], $0x20, s21, s16, $0xb8;
	[tilespmem:$0x1A000] =	vst v63  }
0x48: {  	_ = 	snop  }
0x49: {  	[tilespmem:s24], [sflag:$0x1] =	stream.indirect.gather [hbm4b:s4+s16], $0x20, s23, s16, $0xb8;
	[tilespmem:$0x1A000] =	vst v63  }
0x4a: {  	_ = 	snop  }
0x4b: {  	[tilespmem:s26], [sflag:$0x1] =	stream.indirect.gather [hbm4b:s4+s16], $0x20, s25, s16, $0xb8;
	[tilespmem:$0x1A000] =	vst v63  }
0x4c: {  	_ = 	snop  }
0x4d: {  	[tilespmem:s29], [sflag:$0x1] =	stream.indirect.gather [hbm4b:s4+s16], $0x20, s28, s16, $0xb8;
	[tilespmem:$0x1A000] =	vst v63  }
0x4e: {  	s7 =	simm.s32 $0x10000  }
0x4f: {  	[tilespmem:s31], [sflag:$0x1] =	stream.indirect.gather [hbm4b:s4+s16], $0x20, s30, s16, $0xb8;
	[tilespmem:$0x1A000] =	vst v63  }
.LBB2_5:
0x50: {  	_ =	swait.ge [sflag:s0], $0x1000  }
0x51: {  	[sflag:s0] =	ssyncset.done $0x0  }
0x52: {  	[sflag:s0] =	ssyncadd.s32 $0xFFFFF000  }
0x53: {  	_ =	swait.ge [sflag:s0], $0x1000  }
0x54: {  	[sflag:s0] =	ssyncset.done $0x0  }
0x55: {  	[sflag:s0] =	ssyncadd.s32 $0xFFFFF000  }
0x56: {  	_ =	swait.ge [sflag:s0], $0x1000  }
0x57: {  	[sflag:s0] =	ssyncset.done $0x0  }
0x58: {  	[sflag:s0] =	ssyncadd.s32 $0xFFFFF000  }
0x59: {  	_ =	swait.ge [sflag:s0], $0x1000  }
0x5a: {  	[sflag:s0] =	ssyncset.done $0x0  }
0x5b: {  	[sflag:s0] =	ssyncadd.s32 $0xFFFFF000  }
0x5c: {  	_ =	swait.ge [sflag:s0], $0x1000  }
0x5d: {  	[sflag:s0] =	ssyncset.done $0x0  }
0x5e: {  	[sflag:s0] =	ssyncadd.s32 $0xFFFFF000  }
0x5f: {  	_ =	swait.ge [sflag:s0], $0x1000  }
0x60: {  	[sflag:s0] =	ssyncset.done $0x0  }
0x61: {  	[sflag:s0] =	ssyncadd.s32 $0xFFFFF000  }
0x62: {  	_ =	swait.ge [sflag:s0], $0x1000  }
0x63: {  	[sflag:s0] =	ssyncset.done $0x0  }
0x64: {  	s8 =	sadd.s32 $0xFFFF0000, s7;
	[sflag:s0] =	ssyncadd.s32 $0xFFFFF000  }
0x65: {  	s8 =	sand.u32 $0x10000, s8;
	_ =	swait.ge [sflag:s0], $0x1000  }
0x66: {  	s9 =	sshra.s32 s15, $0x2;
	s8 =	sshrl.u32 s8, $0x1;
	[sflag:s0] =	ssyncset.done $0x0  }
0x67: {  	s18 =	sadd.s32 $0x2800, s9;
	s17 =	sor.u32 $0x5000, s8;
	[sflag:s0] =	ssyncadd.s32 $0xFFFFF000  }
0x68: {  	[spmem:s2] =	stream.indirect.scatter.add.bf16 [tilespmem:s17], [sflag:$0x2], $0x20, s18, s16, $0xb8;
	[tilespmem:$0x1A000] =	vst v63  }
0x69: {  	s19 =	sadd.s32 $0x2880, s9;
	s18 =	sor.u32 $0x6000, s8  }
0x6a: {  	[spmem:s2] =	stream.indirect.scatter.add.bf16 [tilespmem:s18], [sflag:$0x2], $0x20, s19, s16, $0xb8;
	[tilespmem:$0x1A000] =	vst v63  }
0x6b: {  	s18 =	sor.u32 $0x7000, s8;
	s19 =	sadd.s32 $0x2900, s9  }
0x6c: {  	[spmem:s2] =	stream.indirect.scatter.add.bf16 [tilespmem:s18], [sflag:$0x2], $0x20, s19, s16, $0xb8;
	[tilespmem:$0x1A000] =	vst v63  }
0x6d: {  	s18 =	sadd.s32 $0x8000, s8;
	s19 =	sadd.s32 $0x2980, s9  }
0x6e: {  	[spmem:s2] =	stream.indirect.scatter.add.bf16 [tilespmem:s18], [sflag:$0x2], $0x20, s19, s16, $0xb8;
	[tilespmem:$0x1A000] =	vst v63  }
0x6f: {  	s18 =	sadd.s32 $0x9000, s8;
	s19 =	sadd.s32 $0x2A00, s9  }
0x70: {  	[spmem:s2] =	stream.indirect.scatter.add.bf16 [tilespmem:s18], [sflag:$0x2], $0x20, s19, s16, $0xb8;
	[tilespmem:$0x1A000] =	vst v63  }
0x71: {  	s18 =	sadd.s32 $0xA000, s8;
	s19 =	sadd.s32 $0x2A80, s9  }
0x72: {  	[spmem:s2] =	stream.indirect.scatter.add.bf16 [tilespmem:s18], [sflag:$0x2], $0x20, s19, s16, $0xb8;
	[tilespmem:$0x1A000] =	vst v63  }
0x73: {  	s18 =	sadd.s32 $0xB000, s8;
	s19 =	sadd.s32 $0x2B00, s9  }
0x74: {  	[spmem:s2] =	stream.indirect.scatter.add.bf16 [tilespmem:s18], [sflag:$0x2], $0x20, s19, s16, $0xb8;
	[tilespmem:$0x1A000] =	vst v63  }
0x75: {  	p2 =	seq.s32 s15, $0x0;
	s8 =	sadd.s32 $0xC000, s8;
	s9 =	sadd.s32 $0x2B80, s9  }
0x76: {  	[spmem:s2] =	stream.indirect.scatter.add.bf16 [tilespmem:s8], [sflag:$0x2], $0x20, s9, s16, $0xb8;
	[tilespmem:$0x1A000] =	vst v63  }
0x77: {  	s8 =	simm.s32 @!p2 $0x2  }
0x78: {  	_ =	swait.ge @!p2 [sflag:s8], $0x1000  }
0x79: {  	[sflag:s8] =	ssyncset.done @!p2 $0x0  }
0x7a: {  	[sflag:s8] =	ssyncadd.s32 @!p2 $0xFFFFF000  }
0x7b: {  	_ =	swait.ge @!p2 [sflag:s8], $0x1000  }
0x7c: {  	[sflag:s8] =	ssyncset.done @!p2 $0x0  }
0x7d: {  	[sflag:s8] =	ssyncadd.s32 @!p2 $0xFFFFF000  }
0x7e: {  	_ =	swait.ge @!p2 [sflag:s8], $0x1000  }
0x7f: {  	[sflag:s8] =	ssyncset.done @!p2 $0x0  }
0x80: {  	[sflag:s8] =	ssyncadd.s32 @!p2 $0xFFFFF000  }
0x81: {  	_ =	swait.ge @!p2 [sflag:s8], $0x1000  }
0x82: {  	[sflag:s8] =	ssyncset.done @!p2 $0x0  }
0x83: {  	[sflag:s8] =	ssyncadd.s32 @!p2 $0xFFFFF000  }
0x84: {  	_ =	swait.ge @!p2 [sflag:s8], $0x1000  }
0x85: {  	[sflag:s8] =	ssyncset.done @!p2 $0x0  }
0x86: {  	[sflag:s8] =	ssyncadd.s32 @!p2 $0xFFFFF000  }
0x87: {  	_ =	swait.ge @!p2 [sflag:s8], $0x1000  }
0x88: {  	[sflag:s8] =	ssyncset.done @!p2 $0x0  }
0x89: {  	[sflag:s8] =	ssyncadd.s32 @!p2 $0xFFFFF000  }
0x8a: {  	_ =	swait.ge @!p2 [sflag:s8], $0x1000  }
0x8b: {  	[sflag:s8] =	ssyncset.done @!p2 $0x0  }
0x8c: {  	p1 =	seq.s32 @!p2 s15, $0x9000;
	[sflag:s8] =	ssyncadd.s32 @!p2 $0xFFFFF000  }
0x8d: {  	p1 =	por p2, !p1;
	_ =	swait.ge @!p2 [sflag:s8], $0x1000  }
0x8e: {  	s9 =	sshrl.u32 @p1 s7, $0x1;
	[sflag:s8] =	ssyncset.done @!p2 $0x0  }
0x8f: {  	[sflag:s8] =	ssyncadd.s32 @!p2 $0xFFFFF000;
	s8 =	sand.u32 @p1 $0x8000, s9;
	s9 =	sshra.s32 @p1 s15, $0x2  }
0x90: {  	s19 =	simm.s32 @p1 $0x80;
	s17 =	sor.u32 @p1 $0x5000, s8;
	s18 =	sadd.s32 @p1 $0x400, s9  }
0x91: {  	[tilespmem:s17], [sflag:$0x1] =	stream.indirect.gather @p1 [hbm4b:s4+s19], $0x20, s18, s19, $0xb8;
	[tilespmem:$0x1A000] =	vst v63  }
0x92: {  	s17 =	sor.u32 @p1 $0x6000, s8;
	s18 =	sadd.s32 @p1 $0x480, s9  }
0x93: {  	[tilespmem:s17], [sflag:$0x1] =	stream.indirect.gather @p1 [hbm4b:s4+s19], $0x20, s18, s19, $0xb8;
	[tilespmem:$0x1A000] =	vst v63  }
0x94: {  	s17 =	sor.u32 @p1 $0x7000, s8;
	s18 =	sadd.s32 @p1 $0x500, s9  }
0x95: {  	[tilespmem:s17], [sflag:$0x1] =	stream.indirect.gather @p1 [hbm4b:s4+s19], $0x20, s18, s19, $0xb8;
	[tilespmem:$0x1A000] =	vst v63  }
0x96: {  	s15 =	sadd.s32 @p1 $0x1000, s15;
	s17 =	sadd.s32 @p1 $0x8000, s8;
	s18 =	sadd.s32 @p1 $0x580, s9  }
0x97: {  	[tilespmem:s17], [sflag:$0x1] =	stream.indirect.gather @p1 [hbm4b:s4+s19], $0x20, s18, s19, $0xb8;
	[tilespmem:$0x1A000] =	vst v63  }
0x98: {  	p2 =	sne.s32 @p1 s15, $0xA000;
	s17 =	sadd.s32 @p1 $0x9000, s8;
	s18 =	sadd.s32 @p1 $0x600, s9  }
0x99: {  	[tilespmem:s17], [sflag:$0x1] =	stream.indirect.gather @p1 [hbm4b:s4+s19], $0x20, s18, s19, $0xb8;
	[tilespmem:$0x1A000] =	vst v63  }
0x9a: {  	p2 =	por !p1, !p2;
	s17 =	sadd.s32 @p1 $0xA000, s8;
	s18 =	sadd.s32 @p1 $0x680, s9  }
0x9b: {  	[tilespmem:s17], [sflag:$0x1] =	stream.indirect.gather @p1 [hbm4b:s4+s19], $0x20, s18, s19, $0xb8;
	[tilespmem:$0x1A000] =	vst v63  }
.Ltmp3:
0x9c: {  	_ = 	snop;
	(pc) =	sbr.rel @!p2 .LBB2_5-.Ltmp3, $4  }
0x9d: {  	s17 =	sadd.s32 @p1 $0xB000, s8;
	s18 =	sadd.s32 @p1 $0x700, s9  }
0x9e: {  	[tilespmem:s17], [sflag:$0x1] =	stream.indirect.gather @p1 [hbm4b:s4+s19], $0x20, s18, s19, $0xb8;
	[tilespmem:$0x1A000] =	vst v63  }
0x9f: {  	s7 =	sadd.s32 @p1 $0x10000, s7;
	s8 =	sadd.s32 @p1 $0xC000, s8;
	s9 =	sadd.s32 @p1 $0x780, s9  }
0xa0: {  	[tilespmem:s8], [sflag:$0x1] =	stream.indirect.gather @p1 [hbm4b:s4+s19], $0x20, s9, s19, $0xb8;
	[tilespmem:$0x1A000] =	vst v63  }
.Ltmp4:
0xa1: {  	_ = 	snop;
	(pc) =	sbr.rel .LBB2_6-.Ltmp4, $1  }
0xa2: {  	_ =	sdelay $0x3  }
.LBB2_2:
0xa3: {  	s7 =	rddreg [dreg:$0x3]  }
0xa4: {  	[tilespmem:s15], [sflag:$0x3] =	stream.linear.gather [hbm4b:s7+s15], $0x2800, $0x38;
	[tilespmem:$0x1A000] =	vst v63  }
0xa5: {  	_ =	swait.ge [sflag:s14], $0x2800  }
0xa6: {  	[sflag:s14] =	ssyncset.done $0x0  }
0xa7: {  	s8 =	simm.s32 $0x2800;
	s9 =	rddreg [dreg:$0x4];
	[sflag:s14] =	ssyncadd.s32 $0xFFFFD800  }
0xa8: {  	[tilespmem:s8], [sflag:$0x3] =	stream.linear.gather [hbm4b:s9+s15], $0x2800, $0x38;
	[tilespmem:$0x1A000] =	vst v63  }
0xa9: {  	_ =	swait.ge [sflag:s14], $0x2800  }
0xaa: {  	[sflag:s14] =	ssyncset.done $0x0  }
0xab: {  	s17 =	simm.s32 $0x5000;
	[sflag:s14] =	ssyncadd.s32 $0xFFFFD800  }
0xac: {  	[tilespmem:s17], [sflag:$0x1] =	stream.indirect.gather [hbm4b:s4+s16], $0x20, s15, s16, $0xb8;
	[tilespmem:$0x1A000] =	vst v63  }
0xad: {  	s18 =	simm.s32 $0x6000  }
0xae: {  	[tilespmem:s18], [sflag:$0x1] =	stream.indirect.gather [hbm4b:s4+s16], $0x20, s16, s16, $0xb8;
	[tilespmem:$0x1A000] =	vst v63  }
0xaf: {  	s19 =	simm.s32 $0x100  }
0xb0: {  	[tilespmem:s20], [sflag:$0x1] =	stream.indirect.gather [hbm4b:s4+s16], $0x20, s19, s16, $0xb8;
	[tilespmem:$0x1A000] =	vst v63  }
0xb1: {  	_ = 	snop  }
0xb2: {  	[tilespmem:s22], [sflag:$0x1] =	stream.indirect.gather [hbm4b:s4+s16], $0x20, s21, s16, $0xb8;
	[tilespmem:$0x1A000] =	vst v63  }
0xb3: {  	_ = 	snop  }
0xb4: {  	[tilespmem:s24], [sflag:$0x1] =	stream.indirect.gather [hbm4b:s4+s16], $0x20, s23, s16, $0xb8;
	[tilespmem:$0x1A000] =	vst v63  }
0xb5: {  	_ = 	snop  }
0xb6: {  	[tilespmem:s26], [sflag:$0x1] =	stream.indirect.gather [hbm4b:s4+s16], $0x20, s25, s16, $0xb8;
	[tilespmem:$0x1A000] =	vst v63  }
0xb7: {  	_ = 	snop  }
0xb8: {  	[tilespmem:s29], [sflag:$0x1] =	stream.indirect.gather [hbm4b:s4+s16], $0x20, s28, s16, $0xb8;
	[tilespmem:$0x1A000] =	vst v63  }
0xb9: {  	s7 =	simm.s32 $0x10000  }
0xba: {  	[tilespmem:s31], [sflag:$0x1] =	stream.indirect.gather [hbm4b:s4+s16], $0x20, s30, s16, $0xb8;
	[tilespmem:$0x1A000] =	vst v63  }
.LBB2_3:
0xbb: {  	_ =	swait.ge [sflag:s0], $0x1000  }
0xbc: {  	[sflag:s0] =	ssyncset.done $0x0  }
0xbd: {  	[sflag:s0] =	ssyncadd.s32 $0xFFFFF000  }
0xbe: {  	_ =	swait.ge [sflag:s0], $0x1000  }
0xbf: {  	[sflag:s0] =	ssyncset.done $0x0  }
0xc0: {  	[sflag:s0] =	ssyncadd.s32 $0xFFFFF000  }
0xc1: {  	_ =	swait.ge [sflag:s0], $0x1000  }
0xc2: {  	[sflag:s0] =	ssyncset.done $0x0  }
0xc3: {  	[sflag:s0] =	ssyncadd.s32 $0xFFFFF000  }
0xc4: {  	_ =	swait.ge [sflag:s0], $0x1000  }
0xc5: {  	[sflag:s0] =	ssyncset.done $0x0  }
0xc6: {  	[sflag:s0] =	ssyncadd.s32 $0xFFFFF000  }
0xc7: {  	_ =	swait.ge [sflag:s0], $0x1000  }
0xc8: {  	[sflag:s0] =	ssyncset.done $0x0  }
0xc9: {  	[sflag:s0] =	ssyncadd.s32 $0xFFFFF000  }
0xca: {  	_ =	swait.ge [sflag:s0], $0x1000  }
0xcb: {  	[sflag:s0] =	ssyncset.done $0x0  }
0xcc: {  	[sflag:s0] =	ssyncadd.s32 $0xFFFFF000  }
0xcd: {  	_ =	swait.ge [sflag:s0], $0x1000  }
0xce: {  	[sflag:s0] =	ssyncset.done $0x0  }
0xcf: {  	s17 =	sadd.s32 $0xFFFF0000, s7;
	[sflag:s0] =	ssyncadd.s32 $0xFFFFF000  }
0xd0: {  	s17 =	sand.u32 $0x10000, s17;
	_ =	swait.ge [sflag:s0], $0x1000  }
0xd1: {  	s8 =	sshra.s32 s15, $0x2;
	s17 =	sshrl.u32 s17, $0x1;
	[sflag:s0] =	ssyncset.done $0x0  }
0xd2: {  	s19 =	sadd.s32 $0x2800, s8;
	s18 =	sor.u32 $0x5000, s17;
	[sflag:s0] =	ssyncadd.s32 $0xFFFFF000  }
0xd3: {  	[spmem:s2] =	stream.indirect.scatter.add.bf16 [tilespmem:s18], [sflag:$0x2], $0x20, s19, s16, $0xb8;
	[tilespmem:$0x1A000] =	vst v63  }
0xd4: {  	s9 =	sadd.s32 $0x2880, s8;
	s19 =	sor.u32 $0x6000, s17  }
0xd5: {  	[spmem:s2] =	stream.indirect.scatter.add.bf16 [tilespmem:s19], [sflag:$0x2], $0x20, s9, s16, $0xb8;
	[tilespmem:$0x1A000] =	vst v63  }
0xd6: {  	s19 =	sor.u32 $0x7000, s17;
	s9 =	sadd.s32 $0x2900, s8  }
0xd7: {  	[spmem:s2] =	stream.indirect.scatter.add.bf16 [tilespmem:s19], [sflag:$0x2], $0x20, s9, s16, $0xb8;
	[tilespmem:$0x1A000] =	vst v63  }
0xd8: {  	s19 =	sadd.s32 $0x8000, s17;
	s9 =	sadd.s32 $0x2980, s8  }
0xd9: {  	[spmem:s2] =	stream.indirect.scatter.add.bf16 [tilespmem:s19], [sflag:$0x2], $0x20, s9, s16, $0xb8;
	[tilespmem:$0x1A000] =	vst v63  }
0xda: {  	s19 =	sadd.s32 $0x9000, s17;
	s9 =	sadd.s32 $0x2A00, s8  }
0xdb: {  	[spmem:s2] =	stream.indirect.scatter.add.bf16 [tilespmem:s19], [sflag:$0x2], $0x20, s9, s16, $0xb8;
	[tilespmem:$0x1A000] =	vst v63  }
0xdc: {  	s19 =	sadd.s32 $0xA000, s17;
	s9 =	sadd.s32 $0x2A80, s8  }
0xdd: {  	[spmem:s2] =	stream.indirect.scatter.add.bf16 [tilespmem:s19], [sflag:$0x2], $0x20, s9, s16, $0xb8;
	[tilespmem:$0x1A000] =	vst v63  }
0xde: {  	s19 =	sadd.s32 $0xB000, s17;
	s9 =	sadd.s32 $0x2B00, s8  }
0xdf: {  	[spmem:s2] =	stream.indirect.scatter.add.bf16 [tilespmem:s19], [sflag:$0x2], $0x20, s9, s16, $0xb8;
	[tilespmem:$0x1A000] =	vst v63  }
0xe0: {  	p2 =	seq.s32 s15, $0x0;
	s17 =	sadd.s32 $0xC000, s17;
	s8 =	sadd.s32 $0x2B80, s8  }
0xe1: {  	[spmem:s2] =	stream.indirect.scatter.add.bf16 [tilespmem:s17], [sflag:$0x2], $0x20, s8, s16, $0xb8;
	[tilespmem:$0x1A000] =	vst v63  }
0xe2: {  	s8 =	simm.s32 @!p2 $0x2  }
0xe3: {  	_ =	swait.ge @!p2 [sflag:s8], $0x1000  }
0xe4: {  	[sflag:s8] =	ssyncset.done @!p2 $0x0  }
0xe5: {  	[sflag:s8] =	ssyncadd.s32 @!p2 $0xFFFFF000  }
0xe6: {  	_ =	swait.ge @!p2 [sflag:s8], $0x1000  }
0xe7: {  	[sflag:s8] =	ssyncset.done @!p2 $0x0  }
0xe8: {  	[sflag:s8] =	ssyncadd.s32 @!p2 $0xFFFFF000  }
0xe9: {  	_ =	swait.ge @!p2 [sflag:s8], $0x1000  }
0xea: {  	[sflag:s8] =	ssyncset.done @!p2 $0x0  }
0xeb: {  	[sflag:s8] =	ssyncadd.s32 @!p2 $0xFFFFF000  }
0xec: {  	_ =	swait.ge @!p2 [sflag:s8], $0x1000  }
0xed: {  	[sflag:s8] =	ssyncset.done @!p2 $0x0  }
0xee: {  	[sflag:s8] =	ssyncadd.s32 @!p2 $0xFFFFF000  }
0xef: {  	_ =	swait.ge @!p2 [sflag:s8], $0x1000  }
0xf0: {  	[sflag:s8] =	ssyncset.done @!p2 $0x0  }
0xf1: {  	[sflag:s8] =	ssyncadd.s32 @!p2 $0xFFFFF000  }
0xf2: {  	_ =	swait.ge @!p2 [sflag:s8], $0x1000  }
0xf3: {  	[sflag:s8] =	ssyncset.done @!p2 $0x0  }
0xf4: {  	[sflag:s8] =	ssyncadd.s32 @!p2 $0xFFFFF000  }
0xf5: {  	_ =	swait.ge @!p2 [sflag:s8], $0x1000  }
0xf6: {  	[sflag:s8] =	ssyncset.done @!p2 $0x0  }
0xf7: {  	p1 =	seq.s32 @!p2 s15, $0x9000;
	[sflag:s8] =	ssyncadd.s32 @!p2 $0xFFFFF000  }
0xf8: {  	p1 =	por p2, !p1;
	_ =	swait.ge @!p2 [sflag:s8], $0x1000  }
0xf9: {  	s17 =	sshrl.u32 @p1 s7, $0x1;
	[sflag:s8] =	ssyncset.done @!p2 $0x0  }
0xfa: {  	[sflag:s8] =	ssyncadd.s32 @!p2 $0xFFFFF000;
	s8 =	sand.u32 @p1 $0x8000, s17;
	s17 =	sshra.s32 @p1 s15, $0x2  }
0xfb: {  	s9 =	simm.s32 @p1 $0x80;
	s18 =	sor.u32 @p1 $0x5000, s8;
	s19 =	sadd.s32 @p1 $0x400, s17  }
0xfc: {  	[tilespmem:s18], [sflag:$0x1] =	stream.indirect.gather @p1 [hbm4b:s4+s9], $0x20, s19, s9, $0xb8;
	[tilespmem:$0x1A000] =	vst v63  }
0xfd: {  	s18 =	sor.u32 @p1 $0x6000, s8;
	s19 =	sadd.s32 @p1 $0x480, s17  }
0xfe: {  	[tilespmem:s18], [sflag:$0x1] =	stream.indirect.gather @p1 [hbm4b:s4+s9], $0x20, s19, s9, $0xb8;
	[tilespmem:$0x1A000] =	vst v63  }
0xff: {  	s18 =	sor.u32 @p1 $0x7000, s8;
	s19 =	sadd.s32 @p1 $0x500, s17  }
0x100: {  	[tilespmem:s18], [sflag:$0x1] =	stream.indirect.gather @p1 [hbm4b:s4+s9], $0x20, s19, s9, $0xb8;
	[tilespmem:$0x1A000] =	vst v63  }
0x101: {  	s15 =	sadd.s32 @p1 $0x1000, s15;
	s18 =	sadd.s32 @p1 $0x8000, s8;
	s19 =	sadd.s32 @p1 $0x580, s17  }
0x102: {  	[tilespmem:s18], [sflag:$0x1] =	stream.indirect.gather @p1 [hbm4b:s4+s9], $0x20, s19, s9, $0xb8;
	[tilespmem:$0x1A000] =	vst v63  }
0x103: {  	p2 =	seq.s32 @p1 s15, $0xA000;
	s18 =	sadd.s32 @p1 $0x9000, s8;
	s19 =	sadd.s32 @p1 $0x600, s17  }
0x104: {  	[tilespmem:s18], [sflag:$0x1] =	stream.indirect.gather @p1 [hbm4b:s4+s9], $0x20, s19, s9, $0xb8;
	[tilespmem:$0x1A000] =	vst v63  }
0x105: {  	p2 =	por !p1, p2;
	s18 =	sadd.s32 @p1 $0xA000, s8;
	s19 =	sadd.s32 @p1 $0x680, s17  }
0x106: {  	[tilespmem:s18], [sflag:$0x1] =	stream.indirect.gather @p1 [hbm4b:s4+s9], $0x20, s19, s9, $0xb8;
	[tilespmem:$0x1A000] =	vst v63  }
.Ltmp5:
0x107: {  	_ = 	snop;
	(pc) =	sbr.rel @!p2 .LBB2_3-.Ltmp5, $4  }
0x108: {  	s18 =	sadd.s32 @p1 $0xB000, s8;
	s19 =	sadd.s32 @p1 $0x700, s17  }
0x109: {  	[tilespmem:s18], [sflag:$0x1] =	stream.indirect.gather @p1 [hbm4b:s4+s9], $0x20, s19, s9, $0xb8;
	[tilespmem:$0x1A000] =	vst v63  }
0x10a: {  	s7 =	sadd.s32 @p1 $0x10000, s7;
	s8 =	sadd.s32 @p1 $0xC000, s8;
	s17 =	sadd.s32 @p1 $0x780, s17  }
0x10b: {  	[tilespmem:s8], [sflag:$0x1] =	stream.indirect.gather @p1 [hbm4b:s4+s9], $0x20, s17, s9, $0xb8;
	[tilespmem:$0x1A000] =	vst v63  }
.Ltmp6:
0x10c: {  	_ = 	snop;
	(pc) =	sbr.rel .LBB2_6-.Ltmp6, $1  }
0x10d: {  	_ =	sdelay $0x3  }
.LBB2_7:
0x10e: {  	_ =	sfence.sel $0x180000  }
0x10f: {  	[bflag:$0x0] =	sbarrier.arrive $0xFFFF  }
0x110: {  	_ =	strace $0x9000004A  }
0x111: {  	s0 =	stileid.u32;
	[bflag:$0x2] =	sbarrier.arrive $0xFFFF  }
0x112: {  	p0 =	sne.s32 s0, $0x0;
	s0 =	rddreg [dreg:$0x2]  }
0x113: {  	s0 =	sadd.s32 @!p0 $0x100000, s0  }
0x114: {  	[sflag:s0] =	ssyncadd.tile.s32 @!p0 $0x1;
	_ =	shalt  }
.Lfunc_end2:
_tile_overlayer_lowered:
.L_overlay_start_2:
0x115: {  	(tag) =	ssettag $0x2  }
0x116: {  	s0 =	rddreg [dreg:$0x0];
	s2 =	stileid.u32  }
0x117: {  	s1 =	rddreg [dreg:$0x1];
	p0 =	sne.s32 s2, $0x0  }
0x118: {  	s3 =	rddreg [dreg:$0x2];
	[bflag:$0x3] =	sbarrier.arrive $0xFFFF;
	s2 =	simm.s32 @!p0 $0x1C03  }
0x119: {  	[timem:s3], [sflag:s2] =	dma.local @!p0 [hbm:s0], s1  }
0x11a: {  	s0 =	simm.s32 @!p0 $0x3  }
0x11b: {  	_ =	swait.ge @!p0 [sflag:s0], s1  }
0x11c: {  	s1 =	ssub.s32 @!p0 $0x0, s1;
	[sflag:s0] =	ssyncset.done @!p0 $0x0  }
0x11d: {  	[sflag:s0] =	ssyncadd.s32 @!p0 s1  }
0x11e: {  	[bflag:$0x3] =	sbarrier.arrive $0xFFFF  }
0x11f: {  	_ =	shalt  }

// kernel: kernel.14.cloned.1.call-start
scs
__scs_entry_jumppad:
0x0: {  	(pc) =	sbr.rel $0x88, $3  }
0x1: {  	(tag) =	ssettag $0x0;
	lr =	simm.s32 $0x1  }
0x2: {  	[smem:$0x3F9B] =	sst lr;
	_ =	strace $0xD0000000  }
0x3: {  	_ = 	snop  }
0x4: {  	_ = 	snop  }
0x5: {  	_ = 	snop  }
0x6: {  	_ = 	snop  }
0x7: {  	_ = 	snop  }
__scs_overlays_trampoline_lowered:
0x8: {  	[smem:$0x3FAA] =	sst s0  }
0x9: {  	[smem:$0x3FAB] =	sst s1  }
0xa: {  	[smem:$0x3FAC] =	sst s2  }
0xb: {  	[smem:$0x3FAD] =	sst s3  }
0xc: {  	[smem:$0x3FAE] =	sst s4  }
0xd: {  	[smem:$0x3FAF] =	sst s5  }
0xe: {  	[smem:$0x3FB0] =	sst s6  }
0xf: {  	[smem:$0x3FB1] =	sst s7  }
0x10: {  	[smem:$0x3FB2] =	sst s8  }
0x11: {  	[smem:$0x3FB3] =	sst s9;
	s0 =	simm.s32 @!p0 $0x0  }
0x12: {  	s1 =	sld [smem:$0x3F99];
	s0 =	simm.s32 @p0 $0x1  }
0x13: {  	[smem:$0x3FB4] =	sst s0;
	s0 =	simm.s32 @!p1 $0x0  }
0x14: {  	s2 =	sld [smem:$0x3F98];
	s0 =	simm.s32 @p1 $0x1  }
0x15: {  	[smem:$0x3FB5] =	sst s0;
	s0 =	simm.s32 @!p2 $0x0  }
0x16: {  	s3 =	sld [smem:$0x3FDB];
	s0 =	simm.s32 @p2 $0x1  }
0x17: {  	s4 =	simm.s32 $0x1BF5;
	[smem:$0x3FB7] =	sst s0  }
0x18: {  	s0 =	sld [smem:$0x3F9A];
	_ =	swait.ge [sflag:s4], $0x0  }
0x19: {  	s7 =	sld [smem:$0x3F9B]  }
0x1a: {  	s8 =	sadd.s32 $0xFFFFE003, lr  }
0x1b: {  	s9 =	sadd.s32 $0xFFFFFEF7, lr;
	s5 =	simm.s32 $0xFFFFFFFF;
	p2 =	slt.u32 s8, $0xFFFFF086  }
0x1c: {  	p1 =	slt.u32 s9, $0xF7A;
	s5 =	simm.s32 @!p2 $0x0  }
0x1d: {  	s5 =	simm.s32 @p1 $0x1;
	p0 =	seq.s32 s7, s2  }
0x1e: {  	s7 =	smul.u32 @!p0 $0xF7A, s2;
	p2 =	seq.s32 @!p0 s5, $0x0  }
0x1f: {  	s9 =	smul.u32 $0xF7A, s1;
	s8 =	simm.s32 @!p0 $0x1BF5;
	p2 =	por !p2, p0  }
0x20: {  	[sflag:s8] =	ssyncset.s32 @!p0 $0xFFFFF086;
	s6 =	sadd.s32 @!p0 s3, s7;
	s7 =	simm.s32 @!p0 $0x108  }
0x21: {  	s3 =	sadd.s32 s3, s9;
	s6 =	sadd.s32 @!p0 $0x88, s6;
	s7 =	simm.s32 @p2 $0x1082  }
0x22: {  	[simem:s7], [sflag:s8] =	dma.local @!p0 [hbm:s6], $0xF7A  }
0x23: {  	s9 =	sor.u32 $0xD0000000, s2;
	s6 =	simm.s32 $0x108;
	_ =	swait.ge @!p0 [sflag:s8], $0x0  }
0x24: {  	s3 =	sadd.s32 $0x88, s3;
	s6 =	simm.s32 @!p1 $0x1082;
	[sflag:s4] =	ssyncset.s32 $0xFFFFF086  }
0x25: {  	[simem:s6], [sflag:s4] =	dma.local [hbm:s3], $0xF7A  }
0x26: {  	[smem:$0x3F9B] =	sst s1;
	(tag) =	ssettag s2;
	_ =	strace s9  }
0x27: {  	s1 =	sld [smem:$0x3FAB]  }
0x28: {  	s2 =	sld [smem:$0x3FAC]  }
0x29: {  	s4 =	sld [smem:$0x3FAE]  }
0x2a: {  	p0 =	seq.s32 s5, $0x0;
	s5 =	sld [smem:$0x3FAF]  }
0x2b: {  	s6 =	sld [smem:$0x3FB0]  }
0x2c: {  	s7 =	sld [smem:$0x3FB1]  }
0x2d: {  	s3 =	simm.s32 $0x108;
	s8 =	sld [smem:$0x3FB2]  }
0x2e: {  	s3 =	simm.s32 @!p0 $0x1082;
	s9 =	sld [smem:$0x3FB3]  }
0x2f: {  	lr =	sadd.s32 s0, s3;
	s0 =	sld [smem:$0x3FAA]  }
0x30: {  	s3 =	sld [smem:$0x3FAD]  }
0x31: {  	[smem:$0x3FB6] =	sst s10  }
0x32: {  	s10 =	sld [smem:$0x3FB4];
	_ =	sdelay $0x3  }
0x33: {  	p0 =	seq.s32 s10, $0x1;
	s10 =	sld [smem:$0x3FB6];
	_ =	sdelay $0x3  }
0x34: {  	[smem:$0x3FB6] =	sst s10  }
0x35: {  	s10 =	sld [smem:$0x3FB5];
	_ =	sdelay $0x3  }
0x36: {  	p1 =	seq.s32 s10, $0x1;
	s10 =	sld [smem:$0x3FB6];
	_ =	sdelay $0x3  }
0x37: {  	[smem:$0x3FB6] =	sst s10  }
0x38: {  	s10 =	sld [smem:$0x3FB7]  }
0x39: {  	_ = 	snop;
	(pc) =	sbr.ind lr, $3  }
0x3a: {  	_ = 	snop  }
0x3b: {  	_ = 	snop  }
0x3c: {  	p2 =	seq.s32 s10, $0x1;
	s10 =	sld [smem:$0x3FB6]  }
0x3d: {  	_ =	shalt  }
0x3e: {  	_ =	shalt  }
0x3f: {  	_ =	shalt  }
0x40: {  	_ =	shalt  }
0x41: {  	_ =	shalt  }
0x42: {  	_ =	shalt  }
0x43: {  	_ =	shalt  }
0x44: {  	_ =	shalt  }
0x45: {  	_ =	shalt  }
0x46: {  	_ =	shalt  }
0x47: {  	_ =	shalt  }
0x48: {  	_ =	shalt  }
0x49: {  	_ =	shalt  }
0x4a: {  	_ =	shalt  }
0x4b: {  	_ =	shalt  }
0x4c: {  	_ =	shalt  }
0x4d: {  	_ =	shalt  }
0x4e: {  	_ =	shalt  }
0x4f: {  	_ =	shalt  }
0x50: {  	_ =	shalt  }
0x51: {  	_ =	shalt  }
0x52: {  	_ =	shalt  }
0x53: {  	_ =	shalt  }
0x54: {  	_ =	shalt  }
0x55: {  	_ =	shalt  }
0x56: {  	_ =	shalt  }
0x57: {  	_ =	shalt  }
0x58: {  	_ =	shalt  }
0x59: {  	_ =	shalt  }
0x5a: {  	_ =	shalt  }
0x5b: {  	_ =	shalt  }
0x5c: {  	_ =	shalt  }
0x5d: {  	_ =	shalt  }
0x5e: {  	_ =	shalt  }
0x5f: {  	_ =	shalt  }
0x60: {  	_ =	shalt  }
0x61: {  	_ =	shalt  }
0x62: {  	_ =	shalt  }
0x63: {  	_ =	shalt  }
0x64: {  	_ =	shalt  }
0x65: {  	_ =	shalt  }
0x66: {  	_ =	shalt  }
0x67: {  	_ =	shalt  }
0x68: {  	_ =	shalt  }
0x69: {  	_ =	shalt  }
0x6a: {  	_ =	shalt  }
0x6b: {  	_ =	shalt  }
0x6c: {  	_ =	shalt  }
0x6d: {  	_ =	shalt  }
0x6e: {  	_ =	shalt  }
0x6f: {  	_ =	shalt  }
0x70: {  	_ =	shalt  }
0x71: {  	_ =	shalt  }
0x72: {  	_ =	shalt  }
0x73: {  	_ =	shalt  }
0x74: {  	_ =	shalt  }
0x75: {  	_ =	shalt  }
0x76: {  	_ =	shalt  }
0x77: {  	_ =	shalt  }
0x78: {  	_ =	shalt  }
0x79: {  	_ =	shalt  }
0x7a: {  	_ =	shalt  }
0x7b: {  	_ =	shalt  }
0x7c: {  	_ =	shalt  }
0x7d: {  	_ =	shalt  }
0x7e: {  	_ =	shalt  }
0x7f: {  	_ =	shalt  }
0x80: {  	_ =	shalt  }
0x81: {  	_ =	shalt  }
0x82: {  	_ =	shalt  }
0x83: {  	_ =	shalt  }
0x84: {  	_ =	shalt  }
0x85: {  	_ =	shalt  }
0x86: {  	_ =	shalt  }
0x87: {  	_ =	shalt  }
.Lfunc_end0:
.L_simem_size_0:
called_computation.2_lowered:
.L_overlay_start_0:
0x88: {  	s2 =	sld [smem:$0x3FD9]  }
0x89: {  	s3 =	sld [smem:$0x3FFE];
	_ =	sdelay $0x1  }
0x8a: {  	s1 =	srdreg.scid  }
0x8b: {  	s0 =	sand.u32 $0x1, s1  }
0x8c: {  	s17 =	sshll.u32 s0, $0xA;
	s2 =	sadd.s32 s3, s2  }
0x8d: {  	s2 =	sadd.s32 s2, s17  }
0x8e: {  	[smem:$0x3FC2] =	sst s2  }
0x8f: {  	_ = 	snop  }
0x90: {  	s2 =	sld [smem:$0x3FD0];
	(tm) =	ssettm $0x1  }
0x91: {  	s18 =	sld [smem:$0x3FFB];
	_ =	sdelay $0x3  }
0x92: {  	_ =	strace s18  }
0x93: {  	s3 =	sld [smem:$0x3FFC];
	_ =	sdelay $0x3  }
0x94: {  	_ =	strace s3  }
0x95: {  	s3 =	sld [smem:$0x3FFD];
	_ =	sdelay $0x3  }
0x96: {  	_ =	strace s3  }
0x97: {  	_ =	strace $0x8FFFFFFF  }
0x98: {  	s19 =	sld [smem:$0x3FDB];
	_ =	sdelay $0x1  }
0x99: {  	s4 =	simm.s32 $_scs_section_size  }
0x9a: {  	s5 =	simm.s32 $_size__tile_overlayer_lowered;
	s6 =	simm.s32 $_tile_overlayer_lowered  }
0x9b: {  	s22 =	simm.s32 $0x1BFF;
	s21 =	sshll.u32 s6, $0x1;
	s3 =	sadd.s32 s4, s19  }
0x9c: {  	s7 =	simm.s32 $0x0;
	s20 =	sshll.u32 s5, $0x1;
	s5 =	sadd.s32 s21, s3  }
0x9d: {  	[timem:s7], [sflag:s22] =	dma.local [hbm:s5], s20  }
0x9e: {  	_ =	swait.ge [sflag:s22], s20  }
0x9f: {  	s4 =	ssub.s32 $0x0, s20;
	[sflag:s22] =	ssyncset.done $0x0  }
0xa0: {  	[sflag:s22] =	ssyncadd.s32 s4;
	_ =	sdelay $0x1  }
0xa1: {  	s23 =	simm.s32 $0x1B8B  }
0xa2: {  	_ =	swait.ge [sflag:s23], $0x1  }
0xa3: {  	[sflag:s23] =	ssyncset.done $0x0  }
0xa4: {  	s25 =	simm.s32 $0x1B8E;
	s24 =	sld [smem:$0x3FFE];
	[sflag:s23] =	ssyncadd.s32 $0xFFFFFFFF  }
0xa5: {  	s26 =	simm.s32 $execute0_lowered;
	[smem:$0x3FD2] =	sst s25  }
0xa6: {  	s5 =	sshll.u32 s26, $0x1;
	_ =	strace $0x8000004C;
	[dreg:$0x1] =	wrdreg $0xFFFFFFFF  }
0xa7: {  	s28 =	simm.s32 $_size_execute0_lowered;
	s3 =	sadd.s32 s3, s5;
	[dreg:$0x0] =	wrdreg $0x0  }
0xa8: {  	s5 =	sshll.u32 s28, $0x1;
	[dreg:$0x2] =	wrdreg s3  }
0xa9: {  	[dreg:$0x3] =	wrdreg s5  }
0xaa: {  	[dreg:$0x4] =	wrdreg $0xC0  }
0xab: {  	_ =	task [dreg:s7], $0x5FFFF  }
0xac: {  	[dreg:$0x1] =	wrdreg $0xFFFFFFFF  }
0xad: {  	[dreg:$0x0] =	wrdreg $0x60  }
0xae: {  	[dreg:$0x2] =	wrdreg s24  }
0xaf: {  	[dreg:$0x3] =	wrdreg s2  }
0xb0: {  	[dreg:$0x4] =	wrdreg $0x13E200  }
0xb1: {  	[dreg:$0x5] =	wrdreg $0x9  }
0xb2: {  	_ =	task.clear_ibuf [dreg:s7], $0x6FFFF;
	_ =	strace $0x9000004C  }
0xb3: {  	s29 =	simm.s32 $0x9;
	_ =	strace $0x8000004E  }
0xb4: {  	_ =	swait.ge [sflag:s29], $0x1  }
0xb5: {  	[sflag:s29] =	ssyncadd.s32 $0xFFFFFFFF  }
0xb6: {  	_ =	strace $0x9000004E  }
0xb7: {  	_ =	sfence  }
0xb8: {  	s30 =	sld [smem:$0x0];
	_ =	sdelay $0x2  }
0xb9: {  	s31 =	sshll.u32 s1, $0xD;
	s1 =	sshrl.u32 s1, $0x2  }
0xba: {  	s3 =	sand.u32 $0x4000, s31;
	s1 =	sadd.s32 s1, s30  }
0xbb: {  	s0 =	sor.u32 s3, s0;
	s1 =	sshll.u32 s1, $0x11  }
0xbc: {  	s0 =	sor.u32 s1, s0  }
0xbd: {  	s0 =	sadd.s32 $0x8F2B, s0  }
0xbe: {  	[sflag:s0] =	ssyncadd.remote.s32 $0x1  }
0xbf: {  	_ =	sfence.sel $0xFFFF  }
0xc0: {  	[dreg:$0x0] =	wrdreg $0xFFFFFFFF;
	(pc) =	sbr.abs _section_cstart, $3  }
0xc1: {  	[dreg:$0x1] =	wrdreg $0xFFFFFFFF  }
0xc2: {  	_ =	task.clear_ibuf [dreg:s7], $0x2FFFF;
	_ =	strace $0x9FFFFFFF  }
0xc3: {  	(tm) =	ssettm $0x7FFFFFFF  }
tec
execute0_lowered:
.L_overlay_start_1:
0x0: {  	(tag) =	ssettag $0x1  }
0x1: {  	s7 =	rddreg [dreg:$0x0]  }
0x2: {  	s2 =	rddreg [dreg:$0x1]  }
0x3: {  	s3 =	rddreg [dreg:$0x2]  }
0x4: {  	s0 =	rddreg [dreg:$0x3];
	s5 =	srdreg.scid  }
0x5: {  	s1 =	stileid.u32;
	s4 =	simm.s32 $0x0;
	s16 =	simm.s32 $0x9E20  }
0x6: {  	s17 =	simm.s32 $0x5000;
	s18 =	simm.s32 $0x2800;
	s19 =	simm.s32 $0x80  }
0x7: {  	s20 =	simm.s32 $0x1;
	s21 =	simm.s32 $0x0;
	s9 =	smul.u32 $0x500, s1  }
0x8: {  	s8 =	sand.u32 $0x1, s5;
	[smem:$0x7FF] =	sst s4;
	s29 =	smul.u32 $0x5000, s1  }
0x9: {  	s5 =	sadd.s32 $0xB600, s7;
	s10 =	sadd.s32 $0xCC00, s7;
	s31 =	smul.u32 $0xA00, s1  }
0xa: {  	s11 =	sadd.s32 $0x1600, s7;
	s30 =	sshll.u32 s1, $0x6;
	s6 =	smul.u32 $0x5000, s8  }
0xb: {  	_ =	strace $0x8000004D;
	s13 =	ssub.s32 $0x2, s8;
	p0 =	seq.s32 s8, $0x1  }
0xc: {  	s14 =	sshrl.u32 s13, $0x1;
	s15 =	sadd.s32 s9, s3;
	s8 =	sadd.s32 s10, s31  }
0xd: {  	s12 =	sadd.s32 s9, s6;
	s6 =	sadd.s32 $0xC000, s7;
	s13 =	ssub.s32 s13, s14  }
0xe: {  	v0 =	vlaneseq.u32;
	s14 =	sshrl.u32 s29, $0x3;
	s9 =	sadd.s32 s11, s31;
	s12 =	sshrl.u32 s12, $0x3  }
0xf: {  	v1 =	vor.u32 $0x10, v0;
	s14 =	sadd.s32 $0x500, s14;
	s13 =	smax.u32 s13, $0x1;
	s12 =	sadd.s32 s12, s7  }
0x10: {  	v2 =	vor.u32 $0x20, v0;
	v3 =	vor.u32 $0x30, v0;
	v4 =	vor.u32 $0x40, v0;
	s7 =	sor.u32 $0x1C02, s30;
	s10 =	sadd.s32 s10, s14;
	s11 =	sadd.s32 s11, s14  }
0x11: {  	v5 =	vor.u32 $0x50, v0;
	v6 =	vor.u32 $0x60, v0;
	v7 =	vor.u32 $0x70, v0;
	s14 =	sshrl.u32 s15, $0x3;
	s15 =	simm.s32 $0x2;
	s12 =	sadd.s32 $0x66C00, s12  }
.LBB2_1:
0x12: {  	[spmem:s14], [sflag:s7] =	dma.local [hbm:s2], $0xA0  }
0x13: {  	_ =	swait.ge [sflag:s15], $0xA0  }
0x14: {  	[sflag:s15] =	ssyncset.done $0x0  }
0x15: {  	[sflag:s15] =	ssyncadd.s32 $0xFFFFFF60  }
0x16: {  	[tilespmem:s16], [sflag:$0x2] =	stream.linear.gather [hbm4b:s6+s4], $0x5000, $0x38;
	[tilespmem:$0x14320] =	vst v63  }
0x17: {  	_ =	swait.ge [sflag:s15], $0x5000  }
0x18: {  	[sflag:s15] =	ssyncset.done $0x0  }
0x19: {  	[sflag:s15] =	ssyncadd.s32 $0xFFFFB000  }
0x1a: {  	[tilespmem:s17], [sflag:$0x2] =	stream.linear.gather [hbm4b:s5+s4], $0x4E20, $0x38;
	[tilespmem:$0x14320] =	vst v63  }
0x1b: {  	_ =	swait.ge [sflag:s15], $0x4E20  }
0x1c: {  	s22 =	simm.s32 $0xEE60;
	[sflag:s15] =	ssyncset.done $0x0  }
0x1d: {  	v8 =	vor.u32 s4, v7;
	s24 =	simm.s32 $0x80;
	s23 =	simm.s32 $0x0;
	[sflag:s15] =	ssyncadd.s32 $0xFFFFB1E0  }
.LBB2_2:
0x1e: {  	p1 =	sne.s32 s24, $0x4F80;
	v9 =	vor.u32 s23, v0;
	[tilespmem:s22+$0x30] =	vst v8  }
0x1f: {  	v8 =	vor.u32 s23, v1;
	[tilespmem:s22+$0xFFFFFFC0] =	vst v9  }
0x20: {  	[tilespmem:s22+$0xFFFFFFD0] =	vst v8;
	v8 =	vor.u32 s23, v2  }
.Ltmp0:
0x21: {  	[tilespmem:s22+$0xFFFFFFE0] =	vst v8;
	v8 =	vor.u32 s23, v3;
	(pc) =	sbr.rel @p1 .LBB2_2-.Ltmp0, $4  }
0x22: {  	[tilespmem:s22+$0xFFFFFFF0] =	vst v8;
	v8 =	vor.u32 s23, v4  }
0x23: {  	[tilespmem:s22+$0x0] =	vst v8;
	v8 =	vor.u32 s23, v5  }
0x24: {  	v9 =	vor.u32 s23, v6;
	s23 =	smov.u32 s24;
	[tilespmem:s22+$0x10] =	vst v8  }
0x25: {  	s24 =	sadd.s32 $0x80, s24;
	v8 =	vor.u32 s23, v7;
	[tilespmem:s22+$0x20] =	vst v9;
	s22 =	sadd.s32 $0x80, s22  }
0x26: {  	v9 =	vor.u32 s23, v0;
	[tilespmem:s22+$0x30] =	vst v8  }
0x27: {  	v8 =	vor.u32 s23, v1;
	[tilespmem:s22+$0xFFFFFFC0] =	vst v9  }
0x28: {  	[tilespmem:s22+$0xFFFFFFD0] =	vst v8;
	v8 =	vor.u32 s23, v2  }
0x29: {  	[tilespmem:s22+$0xFFFFFFE0] =	vst v8;
	v8 =	vor.u32 s23, v3  }
0x2a: {  	[tilespmem:s22+$0xFFFFFFF0] =	vst v8;
	v8 =	vor.u32 s23, v4  }
.Ltmp1:
0x2b: {  	[tilespmem:s22+$0x0] =	vst v8;
	v8 =	vor.u32 s23, v5;
	(pc) =	sbr.rel @!p0 .LBB2_4-.Ltmp1, $4  }
0x2c: {  	[tilespmem:s22+$0x10] =	vst v8;
	v8 =	vor.u32 s23, v6  }
0x2d: {  	[tilespmem:s22+$0x20] =	vst v8  }
0x2e: {  	[bflag:$0x0] =	sbarrier.arrive $0xFFFF  }
0x2f: {  	s22 =	simm.s32 $0x0  }
0x30: {  	[tilespmem:s22], [sflag:$0x2] =	stream.linear.gather [hbm4b:s10+s22], $0x2800, $0x38;
	[tilespmem:$0x14320] =	vst v63  }
0x31: {  	_ =	swait.ge [sflag:s15], $0x2800  }
0x32: {  	[sflag:s15] =	ssyncset.done $0x0  }
0x33: {  	[sflag:s15] =	ssyncadd.s32 $0xFFFFD800  }
0x34: {  	[tilespmem:s18], [sflag:$0x2] =	stream.linear.gather [hbm4b:s11+s22], $0x2800, $0x38;
	[tilespmem:$0x14320] =	vst v63  }
0x35: {  	_ =	swait.ge [sflag:s15], $0x2800  }
0x36: {  	[sflag:s15] =	ssyncset.done $0x0  }
0x37: {  	[sflag:s15] =	ssyncadd.s32 $0xFFFFD800  }
.LBB2_7:
0x38: {  	s23 =	sshra.s32 s22, $0x2  }
0x39: {  	v8 =	vld [tilespmem:s23+$0x0];
	_ =	sdelay $0x4  }
0x3a: {  	v9 =	vld [tilespmem:s23+$0x2800];
	v8 =	vshll.u32 v8, $0x1  }
0x3b: {  	v10 =	vor.u32 $0x1, v8;
	_ =	sdelay $0x3  }
0x3c: {  	v9 =	vshll.u32 v9, $0x1;
	v8 =	vld.idx.msk [tilespmem:v8+s17+$0x0], $0xffff  }
0x3d: {  	v11 =	vor.u32 $0x1, v9;
	v10 =	vld.idx.msk [tilespmem:v10+s17+$0x0], $0xffff;
	_ =	sdelay $0x3  }
0x3e: {  	[tilespmem:v9+s16+$0x0] =	vst.idx.add.f32.msk $0xffff, v8  }
0x3f: {  	[tilespmem:v11+s16+$0x0] =	vst.idx.add.f32.msk $0xffff, v10  }
0x40: {  	v8 =	vld [tilespmem:s23+$0x10];
	_ =	sdelay $0x4  }
0x41: {  	v9 =	vld [tilespmem:s23+$0x2810];
	v8 =	vshll.u32 v8, $0x1  }
0x42: {  	v50 =	vor.u32 $0x1, v8;
	_ =	sdelay $0x3  }
0x43: {  	v9 =	vshll.u32 v9, $0x1;
	v8 =	vld.idx.msk [tilespmem:v8+s17+$0x0], $0xffff  }
0x44: {  	v51 =	vor.u32 $0x1, v9;
	v10 =	vld.idx.msk [tilespmem:v50+s17+$0x0], $0xffff;
	_ =	sdelay $0x3  }
0x45: {  	[tilespmem:v9+s16+$0x0] =	vst.idx.add.f32.msk $0xffff, v8  }
0x46: {  	[tilespmem:v51+s16+$0x0] =	vst.idx.add.f32.msk $0xffff, v10  }
0x47: {  	v8 =	vld [tilespmem:s23+$0x20];
	_ =	sdelay $0x4  }
0x48: {  	v9 =	vld [tilespmem:s23+$0x2820];
	v8 =	vshll.u32 v8, $0x1  }
0x49: {  	v52 =	vor.u32 $0x1, v8;
	_ =	sdelay $0x3  }
0x4a: {  	v9 =	vshll.u32 v9, $0x1;
	v8 =	vld.idx.msk [tilespmem:v8+s17+$0x0], $0xffff  }
0x4b: {  	v53 =	vor.u32 $0x1, v9;
	v10 =	vld.idx.msk [tilespmem:v52+s17+$0x0], $0xffff;
	_ =	sdelay $0x3  }
0x4c: {  	[tilespmem:v9+s16+$0x0] =	vst.idx.add.f32.msk $0xffff, v8  }
0x4d: {  	[tilespmem:v53+s16+$0x0] =	vst.idx.add.f32.msk $0xffff, v10  }
0x4e: {  	v8 =	vld [tilespmem:s23+$0x30];
	_ =	sdelay $0x4  }
0x4f: {  	v9 =	vld [tilespmem:s23+$0x2830];
	v8 =	vshll.u32 v8, $0x1  }
0x50: {  	v54 =	vor.u32 $0x1, v8;
	_ =	sdelay $0x3  }
0x51: {  	v9 =	vshll.u32 v9, $0x1;
	v8 =	vld.idx.msk [tilespmem:v8+s17+$0x0], $0xffff  }
0x52: {  	v55 =	vor.u32 $0x1, v9;
	v10 =	vld.idx.msk [tilespmem:v54+s17+$0x0], $0xffff;
	_ =	sdelay $0x3  }
0x53: {  	[tilespmem:v9+s16+$0x0] =	vst.idx.add.f32.msk $0xffff, v8  }
0x54: {  	[tilespmem:v55+s16+$0x0] =	vst.idx.add.f32.msk $0xffff, v10  }
0x55: {  	v8 =	vld [tilespmem:s23+$0x40];
	_ =	sdelay $0x4  }
0x56: {  	v9 =	vld [tilespmem:s23+$0x2840];
	v8 =	vshll.u32 v8, $0x1  }
0x57: {  	v56 =	vor.u32 $0x1, v8;
	_ =	sdelay $0x3  }
0x58: {  	v9 =	vshll.u32 v9, $0x1;
	v8 =	vld.idx.msk [tilespmem:v8+s17+$0x0], $0xffff  }
0x59: {  	v57 =	vor.u32 $0x1, v9;
	v10 =	vld.idx.msk [tilespmem:v56+s17+$0x0], $0xffff;
	_ =	sdelay $0x3  }
0x5a: {  	[tilespmem:v9+s16+$0x0] =	vst.idx.add.f32.msk $0xffff, v8  }
0x5b: {  	[tilespmem:v57+s16+$0x0] =	vst.idx.add.f32.msk $0xffff, v10  }
0x5c: {  	v8 =	vld [tilespmem:s23+$0x50];
	_ =	sdelay $0x4  }
0x5d: {  	v9 =	vld [tilespmem:s23+$0x2850];
	v8 =	vshll.u32 v8, $0x1  }
0x5e: {  	v58 =	vor.u32 $0x1, v8;
	_ =	sdelay $0x3  }
0x5f: {  	v9 =	vshll.u32 v9, $0x1;
	v8 =	vld.idx.msk [tilespmem:v8+s17+$0x0], $0xffff  }
0x60: {  	v59 =	vor.u32 $0x1, v9;
	v10 =	vld.idx.msk [tilespmem:v58+s17+$0x0], $0xffff;
	_ =	sdelay $0x3  }
0x61: {  	[tilespmem:v9+s16+$0x0] =	vst.idx.add.f32.msk $0xffff, v8  }
0x62: {  	[tilespmem:v59+s16+$0x0] =	vst.idx.add.f32.msk $0xffff, v10  }
0x63: {  	v8 =	vld [tilespmem:s23+$0x60];
	_ =	sdelay $0x4  }
0x64: {  	v9 =	vld [tilespmem:s23+$0x2860];
	v8 =	vshll.u32 v8, $0x1  }
0x65: {  	v60 =	vor.u32 $0x1, v8;
	_ =	sdelay $0x3  }
0x66: {  	v9 =	vshll.u32 v9, $0x1;
	v8 =	vld.idx.msk [tilespmem:v8+s17+$0x0], $0xffff  }
0x67: {  	v61 =	vor.u32 $0x1, v9;
	v10 =	vld.idx.msk [tilespmem:v60+s17+$0x0], $0xffff;
	_ =	sdelay $0x3  }
0x68: {  	[tilespmem:v9+s16+$0x0] =	vst.idx.add.f32.msk $0xffff, v8  }
0x69: {  	[tilespmem:v61+s16+$0x0] =	vst.idx.add.f32.msk $0xffff, v10  }
0x6a: {  	v8 =	vld [tilespmem:s23+$0x70];
	_ =	sdelay $0x4  }
0x6b: {  	v9 =	vld [tilespmem:s23+$0x2870];
	v8 =	vshll.u32 v8, $0x1  }
0x6c: {  	v62 =	vor.u32 $0x1, v8;
	_ =	sdelay $0x3  }
0x6d: {  	v9 =	vshll.u32 v9, $0x1;
	v8 =	vld.idx.msk [tilespmem:v8+s17+$0x0], $0xffff  }
0x6e: {  	p1 =	sne.s32 s22, $0x9E00;
	v63 =	vor.u32 $0x1, v9;
	v10 =	vld.idx.msk [tilespmem:v62+s17+$0x0], $0xffff  }
.Ltmp2:
0x6f: {  	_ = 	snop;
	(pc) =	sbr.rel @p1 .LBB2_7-.Ltmp2, $3  }
0x70: {  	_ =	sdelay $0x1  }
0x71: {  	[tilespmem:v9+s16+$0x0] =	vst.idx.add.f32.msk $0xffff, v8  }
0x72: {  	s22 =	sadd.s32 $0x200, s22;
	[tilespmem:v63+s16+$0x0] =	vst.idx.add.f32.msk $0xffff, v10  }
.Ltmp3:
0x73: {  	_ = 	snop;
	(pc) =	sbr.rel .LBB2_8-.Ltmp3, $1  }
0x74: {  	_ =	sdelay $0x3  }
.LBB2_4:
0x75: {  	[tilespmem:s22], [sflag:$0x2] =	stream.linear.gather [hbm4b:s8+s22], $0x2800, $0x38;
	[tilespmem:$0x14320] =	vst v63  }
0x76: {  	_ =	swait.ge [sflag:s15], $0x2800  }
0x77: {  	[sflag:s15] =	ssyncset.done $0x0  }
0x78: {  	[sflag:s15] =	ssyncadd.s32 $0xFFFFD800  }
0x79: {  	[tilespmem:s18], [sflag:$0x2] =	stream.linear.gather [hbm4b:s9+s22], $0x2800, $0x38;
	[tilespmem:$0x14320] =	vst v63  }
0x7a: {  	_ =	swait.ge [sflag:s15], $0x2800  }
0x7b: {  	[sflag:s15] =	ssyncset.done $0x0  }
0x7c: {  	[sflag:s15] =	ssyncadd.s32 $0xFFFFD800  }
.LBB2_5:
0x7d: {  	s23 =	sshra.s32 s22, $0x2  }
0x7e: {  	v8 =	vld [tilespmem:s23+$0x0];
	_ =	sdelay $0x4  }
0x7f: {  	v9 =	vld [tilespmem:s23+$0x2800];
	v8 =	vshll.u32 v8, $0x1  }
0x80: {  	v10 =	vor.u32 $0x1, v8;
	_ =	sdelay $0x3  }
0x81: {  	v9 =	vshll.u32 v9, $0x1;
	v8 =	vld.idx.msk [tilespmem:v8+s17+$0x0], $0xffff  }
0x82: {  	v11 =	vor.u32 $0x1, v9;
	v10 =	vld.idx.msk [tilespmem:v10+s17+$0x0], $0xffff;
	_ =	sdelay $0x3  }
0x83: {  	[tilespmem:v9+s16+$0x0] =	vst.idx.add.f32.msk $0xffff, v8  }
0x84: {  	[tilespmem:v11+s16+$0x0] =	vst.idx.add.f32.msk $0xffff, v10  }
0x85: {  	v8 =	vld [tilespmem:s23+$0x10];
	_ =	sdelay $0x4  }
0x86: {  	v9 =	vld [tilespmem:s23+$0x2810];
	v8 =	vshll.u32 v8, $0x1  }
0x87: {  	v50 =	vor.u32 $0x1, v8;
	_ =	sdelay $0x3  }
0x88: {  	v9 =	vshll.u32 v9, $0x1;
	v8 =	vld.idx.msk [tilespmem:v8+s17+$0x0], $0xffff  }
0x89: {  	v51 =	vor.u32 $0x1, v9;
	v10 =	vld.idx.msk [tilespmem:v50+s17+$0x0], $0xffff;
	_ =	sdelay $0x3  }
0x8a: {  	[tilespmem:v9+s16+$0x0] =	vst.idx.add.f32.msk $0xffff, v8  }
0x8b: {  	[tilespmem:v51+s16+$0x0] =	vst.idx.add.f32.msk $0xffff, v10  }
0x8c: {  	v8 =	vld [tilespmem:s23+$0x20];
	_ =	sdelay $0x4  }
0x8d: {  	v9 =	vld [tilespmem:s23+$0x2820];
	v8 =	vshll.u32 v8, $0x1  }
0x8e: {  	v52 =	vor.u32 $0x1, v8;
	_ =	sdelay $0x3  }
0x8f: {  	v9 =	vshll.u32 v9, $0x1;
	v8 =	vld.idx.msk [tilespmem:v8+s17+$0x0], $0xffff  }
0x90: {  	v53 =	vor.u32 $0x1, v9;
	v10 =	vld.idx.msk [tilespmem:v52+s17+$0x0], $0xffff;
	_ =	sdelay $0x3  }
0x91: {  	[tilespmem:v9+s16+$0x0] =	vst.idx.add.f32.msk $0xffff, v8  }
0x92: {  	[tilespmem:v53+s16+$0x0] =	vst.idx.add.f32.msk $0xffff, v10  }
0x93: {  	v8 =	vld [tilespmem:s23+$0x30];
	_ =	sdelay $0x4  }
0x94: {  	v9 =	vld [tilespmem:s23+$0x2830];
	v8 =	vshll.u32 v8, $0x1  }
0x95: {  	v54 =	vor.u32 $0x1, v8;
	_ =	sdelay $0x3  }
0x96: {  	v9 =	vshll.u32 v9, $0x1;
	v8 =	vld.idx.msk [tilespmem:v8+s17+$0x0], $0xffff  }
0x97: {  	v55 =	vor.u32 $0x1, v9;
	v10 =	vld.idx.msk [tilespmem:v54+s17+$0x0], $0xffff;
	_ =	sdelay $0x3  }
0x98: {  	[tilespmem:v9+s16+$0x0] =	vst.idx.add.f32.msk $0xffff, v8  }
0x99: {  	[tilespmem:v55+s16+$0x0] =	vst.idx.add.f32.msk $0xffff, v10  }
0x9a: {  	v8 =	vld [tilespmem:s23+$0x40];
	_ =	sdelay $0x4  }
0x9b: {  	v9 =	vld [tilespmem:s23+$0x2840];
	v8 =	vshll.u32 v8, $0x1  }
0x9c: {  	v56 =	vor.u32 $0x1, v8;
	_ =	sdelay $0x3  }
0x9d: {  	v9 =	vshll.u32 v9, $0x1;
	v8 =	vld.idx.msk [tilespmem:v8+s17+$0x0], $0xffff  }
0x9e: {  	v57 =	vor.u32 $0x1, v9;
	v10 =	vld.idx.msk [tilespmem:v56+s17+$0x0], $0xffff;
	_ =	sdelay $0x3  }
0x9f: {  	[tilespmem:v9+s16+$0x0] =	vst.idx.add.f32.msk $0xffff, v8  }
0xa0: {  	[tilespmem:v57+s16+$0x0] =	vst.idx.add.f32.msk $0xffff, v10  }
0xa1: {  	v8 =	vld [tilespmem:s23+$0x50];
	_ =	sdelay $0x4  }
0xa2: {  	v9 =	vld [tilespmem:s23+$0x2850];
	v8 =	vshll.u32 v8, $0x1  }
0xa3: {  	v58 =	vor.u32 $0x1, v8;
	_ =	sdelay $0x3  }
0xa4: {  	v9 =	vshll.u32 v9, $0x1;
	v8 =	vld.idx.msk [tilespmem:v8+s17+$0x0], $0xffff  }
0xa5: {  	v59 =	vor.u32 $0x1, v9;
	v10 =	vld.idx.msk [tilespmem:v58+s17+$0x0], $0xffff;
	_ =	sdelay $0x3  }
0xa6: {  	[tilespmem:v9+s16+$0x0] =	vst.idx.add.f32.msk $0xffff, v8  }
0xa7: {  	[tilespmem:v59+s16+$0x0] =	vst.idx.add.f32.msk $0xffff, v10  }
0xa8: {  	v8 =	vld [tilespmem:s23+$0x60];
	_ =	sdelay $0x4  }
0xa9: {  	v9 =	vld [tilespmem:s23+$0x2860];
	v8 =	vshll.u32 v8, $0x1  }
0xaa: {  	v60 =	vor.u32 $0x1, v8;
	_ =	sdelay $0x3  }
0xab: {  	v9 =	vshll.u32 v9, $0x1;
	v8 =	vld.idx.msk [tilespmem:v8+s17+$0x0], $0xffff  }
0xac: {  	v61 =	vor.u32 $0x1, v9;
	v10 =	vld.idx.msk [tilespmem:v60+s17+$0x0], $0xffff;
	_ =	sdelay $0x3  }
0xad: {  	[tilespmem:v9+s16+$0x0] =	vst.idx.add.f32.msk $0xffff, v8  }
0xae: {  	[tilespmem:v61+s16+$0x0] =	vst.idx.add.f32.msk $0xffff, v10  }
0xaf: {  	v8 =	vld [tilespmem:s23+$0x70];
	_ =	sdelay $0x4  }
0xb0: {  	v9 =	vld [tilespmem:s23+$0x2870];
	v8 =	vshll.u32 v8, $0x1  }
0xb1: {  	v62 =	vor.u32 $0x1, v8;
	_ =	sdelay $0x3  }
0xb2: {  	v9 =	vshll.u32 v9, $0x1;
	v8 =	vld.idx.msk [tilespmem:v8+s17+$0x0], $0xffff  }
0xb3: {  	p1 =	seq.s32 s22, $0x9E00;
	v63 =	vor.u32 $0x1, v9;
	v10 =	vld.idx.msk [tilespmem:v62+s17+$0x0], $0xffff  }
.Ltmp4:
0xb4: {  	_ = 	snop;
	(pc) =	sbr.rel @!p1 .LBB2_5-.Ltmp4, $3  }
0xb5: {  	_ =	sdelay $0x1  }
0xb6: {  	[tilespmem:v9+s16+$0x0] =	vst.idx.add.f32.msk $0xffff, v8  }
0xb7: {  	s22 =	sadd.s32 $0x200, s22;
	[tilespmem:v63+s16+$0x0] =	vst.idx.add.f32.msk $0xffff, v10  }
.LBB2_8:
0xb8: {  	s22 =	simm.s32 $0x9E20;
	s23 =	simm.s32 $0xEE20;
	p1 =	por $0x1, $0x1  }
0xb9: {  	[spmem:s3] =	stream.indirect.scatter.add.f32 [tilespmem:s22], [sflag:$0x1], $0x1, s23, s19, $0xb8;
	[tilespmem:$0x14320] =	vst v63  }
0xba: {  	s25 =	simm.s32 @!p1 $0x1  }
0xbb: {  	_ =	swait.ge @!p1 [sflag:s25], $0x80  }
0xbc: {  	s24 =	simm.s32 $0xEEA0;
	s23 =	simm.s32 $0x1;
	[sflag:s25] =	ssyncset.done @!p1 $0x0  }
.LBB2_9:
0xbd: {  	[sflag:s25] =	ssyncadd.s32 @!p1 $0xFFFFFF80  }
0xbe: {  	s22 =	sadd.s32 $0x80, s22;
	s25 =	smov.u32 s23;
	s23 =	sadd.s32 $0x1, s23  }
0xbf: {  	p2 =	sne.s32 s23, $0xA0  }
0xc0: {  	[spmem:s3] =	stream.indirect.scatter.add.f32 [tilespmem:s22], [sflag:$0x1], $0x1, s24, s19, $0xb8;
	[tilespmem:$0x14320] =	vst v63  }
.Ltmp5:
0xc1: {  	_ = 	snop;
	(pc) =	sbr.rel @p2 .LBB2_9-.Ltmp5, $4  }
0xc2: {  	p1 =	slt.u32 s25, $0x8  }
0xc3: {  	s25 =	simm.s32 @!p1 $0x1  }
0xc4: {  	_ =	swait.ge @!p1 [sflag:s25], $0x80  }
0xc5: {  	s24 =	sadd.s32 $0x80, s24;
	[sflag:s25] =	ssyncset.done @!p1 $0x0  }
0xc6: {  	[sflag:s25] =	ssyncadd.s32 @!p1 $0xFFFFFF80  }
0xc7: {  	_ =	swait.ge [sflag:s20], $0x80  }
0xc8: {  	[sflag:s20] =	ssyncset.done $0x0  }
0xc9: {  	[sflag:s20] =	ssyncadd.s32 $0xFFFFFF80  }
0xca: {  	_ =	swait.ge [sflag:s20], $0x80  }
0xcb: {  	[sflag:s20] =	ssyncset.done $0x0  }
0xcc: {  	[sflag:s20] =	ssyncadd.s32 $0xFFFFFF80  }
0xcd: {  	_ =	swait.ge [sflag:s20], $0x80  }
0xce: {  	[sflag:s20] =	ssyncset.done $0x0  }
0xcf: {  	[sflag:s20] =	ssyncadd.s32 $0xFFFFFF80  }
0xd0: {  	_ =	swait.ge [sflag:s20], $0x80  }
0xd1: {  	[sflag:s20] =	ssyncset.done $0x0  }
0xd2: {  	[sflag:s20] =	ssyncadd.s32 $0xFFFFFF80  }
0xd3: {  	_ =	swait.ge [sflag:s20], $0x80  }
0xd4: {  	[sflag:s20] =	ssyncset.done $0x0  }
0xd5: {  	[sflag:s20] =	ssyncadd.s32 $0xFFFFFF80  }
0xd6: {  	_ =	swait.ge [sflag:s20], $0x80  }
0xd7: {  	[sflag:s20] =	ssyncset.done $0x0  }
0xd8: {  	[sflag:s20] =	ssyncadd.s32 $0xFFFFFF80  }
0xd9: {  	_ =	swait.ge [sflag:s20], $0x80  }
0xda: {  	[sflag:s20] =	ssyncset.done $0x0  }
0xdb: {  	[sflag:s20] =	ssyncadd.s32 $0xFFFFFF80  }
0xdc: {  	_ =	swait.ge [sflag:s20], $0x80  }
0xdd: {  	s21 =	sadd.s32 $0x1, s21;
	[sflag:s20] =	ssyncset.done $0x0  }
0xde: {  	p1 =	sne.s32 s21, s13;
	[sflag:s20] =	ssyncadd.s32 $0xFFFFFF80  }
.Ltmp6:
0xdf: {  	[bflag:$0x0] =	sbarrier.arrive $0xFFFF;
	(pc) =	sbr.rel @p1 .LBB2_1-.Ltmp6, $4  }
0xe0: {  	[hbm:s12], [sflag:s7] =	dma.local [spmem:s14], $0xA0  }
0xe1: {  	_ =	swait.ge [sflag:s15], $0xA0  }
0xe2: {  	[sflag:s15] =	ssyncset.done $0x0  }
0xe3: {  	[sflag:s15] =	ssyncadd.s32 $0xFFFFFF60  }
0xe4: {  	_ =	sfence.sel $0x180000  }
0xe5: {  	[bflag:$0x0] =	sbarrier.arrive $0xFFFF  }
0xe6: {  	p0 =	sne.s32 s1, $0x0;
	_ =	strace $0x9000004D  }
0xe7: {  	s0 =	sadd.s32 @!p0 $0x100000, s0;
	[bflag:$0x2] =	sbarrier.arrive $0xFFFF  }
0xe8: {  	[sflag:s0] =	ssyncadd.tile.s32 @!p0 $0x1;
	_ =	shalt  }
.Lfunc_end2:
_tile_overlayer_lowered:
.L_overlay_start_2:
0xe9: {  	(tag) =	ssettag $0x2  }
0xea: {  	s0 =	rddreg [dreg:$0x0];
	s2 =	stileid.u32  }
0xeb: {  	s1 =	rddreg [dreg:$0x1];
	p0 =	sne.s32 s2, $0x0  }
0xec: {  	s3 =	rddreg [dreg:$0x2];
	[bflag:$0x3] =	sbarrier.arrive $0xFFFF;
	s2 =	simm.s32 @!p0 $0x1C02  }
0xed: {  	[timem:s3], [sflag:s2] =	dma.local @!p0 [hbm:s0], s1  }
0xee: {  	s0 =	simm.s32 @!p0 $0x2  }
0xef: {  	_ =	swait.ge @!p0 [sflag:s0], s1  }
0xf0: {  	s1 =	ssub.s32 @!p0 $0x0, s1;
	[sflag:s0] =	ssyncset.done @!p0 $0x0  }
0xf1: {  	[sflag:s0] =	ssyncadd.s32 @!p0 s1  }
0xf2: {  	[bflag:$0x3] =	sbarrier.arrive $0xFFFF  }
0xf3: {  	_ =	shalt  }

// kernel: kernel.8.cloned.1.call-start
scs
__scs_entry_jumppad:
0x0: {  	(pc) =	sbr.rel $0x88, $3  }
0x1: {  	(tag) =	ssettag $0x0;
	lr =	simm.s32 $0x1  }
0x2: {  	[smem:$0x3F9B] =	sst lr;
	_ =	strace $0xD0000000  }
0x3: {  	_ = 	snop  }
0x4: {  	_ = 	snop  }
0x5: {  	_ = 	snop  }
0x6: {  	_ = 	snop  }
0x7: {  	_ = 	snop  }
__scs_overlays_trampoline_lowered:
0x8: {  	[smem:$0x3FAA] =	sst s0  }
0x9: {  	[smem:$0x3FAB] =	sst s1  }
0xa: {  	[smem:$0x3FAC] =	sst s2  }
0xb: {  	[smem:$0x3FAD] =	sst s3  }
0xc: {  	[smem:$0x3FAE] =	sst s4  }
0xd: {  	[smem:$0x3FAF] =	sst s5  }
0xe: {  	[smem:$0x3FB0] =	sst s6  }
0xf: {  	[smem:$0x3FB1] =	sst s7  }
0x10: {  	[smem:$0x3FB2] =	sst s8  }
0x11: {  	[smem:$0x3FB3] =	sst s9;
	s0 =	simm.s32 @!p0 $0x0  }
0x12: {  	s1 =	sld [smem:$0x3F99];
	s0 =	simm.s32 @p0 $0x1  }
0x13: {  	[smem:$0x3FB4] =	sst s0;
	s0 =	simm.s32 @!p1 $0x0  }
0x14: {  	s2 =	sld [smem:$0x3F98];
	s0 =	simm.s32 @p1 $0x1  }
0x15: {  	[smem:$0x3FB5] =	sst s0;
	s0 =	simm.s32 @!p2 $0x0  }
0x16: {  	s3 =	sld [smem:$0x3FDB];
	s0 =	simm.s32 @p2 $0x1  }
0x17: {  	s4 =	simm.s32 $0x1BF5;
	[smem:$0x3FB7] =	sst s0  }
0x18: {  	s0 =	sld [smem:$0x3F9A];
	_ =	swait.ge [sflag:s4], $0x0  }
0x19: {  	s7 =	sld [smem:$0x3F9B]  }
0x1a: {  	s8 =	sadd.s32 $0xFFFFE003, lr  }
0x1b: {  	s9 =	sadd.s32 $0xFFFFFEF7, lr;
	s5 =	simm.s32 $0xFFFFFFFF;
	p2 =	slt.u32 s8, $0xFFFFF086  }
0x1c: {  	p1 =	slt.u32 s9, $0xF7A;
	s5 =	simm.s32 @!p2 $0x0  }
0x1d: {  	s5 =	simm.s32 @p1 $0x1;
	p0 =	seq.s32 s7, s2  }
0x1e: {  	s7 =	smul.u32 @!p0 $0xF7A, s2;
	p2 =	seq.s32 @!p0 s5, $0x0  }
0x1f: {  	s9 =	smul.u32 $0xF7A, s1;
	s8 =	simm.s32 @!p0 $0x1BF5;
	p2 =	por !p2, p0  }
0x20: {  	[sflag:s8] =	ssyncset.s32 @!p0 $0xFFFFF086;
	s6 =	sadd.s32 @!p0 s3, s7;
	s7 =	simm.s32 @!p0 $0x108  }
0x21: {  	s3 =	sadd.s32 s3, s9;
	s6 =	sadd.s32 @!p0 $0x88, s6;
	s7 =	simm.s32 @p2 $0x1082  }
0x22: {  	[simem:s7], [sflag:s8] =	dma.local @!p0 [hbm:s6], $0xF7A  }
0x23: {  	s9 =	sor.u32 $0xD0000000, s2;
	s6 =	simm.s32 $0x108;
	_ =	swait.ge @!p0 [sflag:s8], $0x0  }
0x24: {  	s3 =	sadd.s32 $0x88, s3;
	s6 =	simm.s32 @!p1 $0x1082;
	[sflag:s4] =	ssyncset.s32 $0xFFFFF086  }
0x25: {  	[simem:s6], [sflag:s4] =	dma.local [hbm:s3], $0xF7A  }
0x26: {  	[smem:$0x3F9B] =	sst s1;
	(tag) =	ssettag s2;
	_ =	strace s9  }
0x27: {  	s1 =	sld [smem:$0x3FAB]  }
0x28: {  	s2 =	sld [smem:$0x3FAC]  }
0x29: {  	s4 =	sld [smem:$0x3FAE]  }
0x2a: {  	p0 =	seq.s32 s5, $0x0;
	s5 =	sld [smem:$0x3FAF]  }
0x2b: {  	s6 =	sld [smem:$0x3FB0]  }
0x2c: {  	s7 =	sld [smem:$0x3FB1]  }
0x2d: {  	s3 =	simm.s32 $0x108;
	s8 =	sld [smem:$0x3FB2]  }
0x2e: {  	s3 =	simm.s32 @!p0 $0x1082;
	s9 =	sld [smem:$0x3FB3]  }
0x2f: {  	lr =	sadd.s32 s0, s3;
	s0 =	sld [smem:$0x3FAA]  }
0x30: {  	s3 =	sld [smem:$0x3FAD]  }
0x31: {  	[smem:$0x3FB6] =	sst s10  }
0x32: {  	s10 =	sld [smem:$0x3FB4];
	_ =	sdelay $0x3  }
0x33: {  	p0 =	seq.s32 s10, $0x1;
	s10 =	sld [smem:$0x3FB6];
	_ =	sdelay $0x3  }
0x34: {  	[smem:$0x3FB6] =	sst s10  }
0x35: {  	s10 =	sld [smem:$0x3FB5];
	_ =	sdelay $0x3  }
0x36: {  	p1 =	seq.s32 s10, $0x1;
	s10 =	sld [smem:$0x3FB6];
	_ =	sdelay $0x3  }
0x37: {  	[smem:$0x3FB6] =	sst s10  }
0x38: {  	s10 =	sld [smem:$0x3FB7]  }
0x39: {  	_ = 	snop;
	(pc) =	sbr.ind lr, $3  }
0x3a: {  	_ = 	snop  }
0x3b: {  	_ = 	snop  }
0x3c: {  	p2 =	seq.s32 s10, $0x1;
	s10 =	sld [smem:$0x3FB6]  }
0x3d: {  	_ =	shalt  }
0x3e: {  	_ =	shalt  }
0x3f: {  	_ =	shalt  }
0x40: {  	_ =	shalt  }
0x41: {  	_ =	shalt  }
0x42: {  	_ =	shalt  }
0x43: {  	_ =	shalt  }
0x44: {  	_ =	shalt  }
0x45: {  	_ =	shalt  }
0x46: {  	_ =	shalt  }
0x47: {  	_ =	shalt  }
0x48: {  	_ =	shalt  }
0x49: {  	_ =	shalt  }
0x4a: {  	_ =	shalt  }
0x4b: {  	_ =	shalt  }
0x4c: {  	_ =	shalt  }
0x4d: {  	_ =	shalt  }
0x4e: {  	_ =	shalt  }
0x4f: {  	_ =	shalt  }
0x50: {  	_ =	shalt  }
0x51: {  	_ =	shalt  }
0x52: {  	_ =	shalt  }
0x53: {  	_ =	shalt  }
0x54: {  	_ =	shalt  }
0x55: {  	_ =	shalt  }
0x56: {  	_ =	shalt  }
0x57: {  	_ =	shalt  }
0x58: {  	_ =	shalt  }
0x59: {  	_ =	shalt  }
0x5a: {  	_ =	shalt  }
0x5b: {  	_ =	shalt  }
0x5c: {  	_ =	shalt  }
0x5d: {  	_ =	shalt  }
0x5e: {  	_ =	shalt  }
0x5f: {  	_ =	shalt  }
0x60: {  	_ =	shalt  }
0x61: {  	_ =	shalt  }
0x62: {  	_ =	shalt  }
0x63: {  	_ =	shalt  }
0x64: {  	_ =	shalt  }
0x65: {  	_ =	shalt  }
0x66: {  	_ =	shalt  }
0x67: {  	_ =	shalt  }
0x68: {  	_ =	shalt  }
0x69: {  	_ =	shalt  }
0x6a: {  	_ =	shalt  }
0x6b: {  	_ =	shalt  }
0x6c: {  	_ =	shalt  }
0x6d: {  	_ =	shalt  }
0x6e: {  	_ =	shalt  }
0x6f: {  	_ =	shalt  }
0x70: {  	_ =	shalt  }
0x71: {  	_ =	shalt  }
0x72: {  	_ =	shalt  }
0x73: {  	_ =	shalt  }
0x74: {  	_ =	shalt  }
0x75: {  	_ =	shalt  }
0x76: {  	_ =	shalt  }
0x77: {  	_ =	shalt  }
0x78: {  	_ =	shalt  }
0x79: {  	_ =	shalt  }
0x7a: {  	_ =	shalt  }
0x7b: {  	_ =	shalt  }
0x7c: {  	_ =	shalt  }
0x7d: {  	_ =	shalt  }
0x7e: {  	_ =	shalt  }
0x7f: {  	_ =	shalt  }
0x80: {  	_ =	shalt  }
0x81: {  	_ =	shalt  }
0x82: {  	_ =	shalt  }
0x83: {  	_ =	shalt  }
0x84: {  	_ =	shalt  }
0x85: {  	_ =	shalt  }
0x86: {  	_ =	shalt  }
0x87: {  	_ =	shalt  }
.Lfunc_end0:
.L_simem_size_0:
called_computation_lowered:
.L_overlay_start_0:
0x88: {  	s2 =	sld [smem:$0x3FD9]  }
0x89: {  	s3 =	sld [smem:$0x3FFE];
	_ =	sdelay $0x1  }
0x8a: {  	s1 =	srdreg.scid  }
0x8b: {  	s0 =	sand.u32 $0x1, s1  }
0x8c: {  	s17 =	sshll.u32 s0, $0xA;
	s2 =	sadd.s32 s3, s2  }
0x8d: {  	s2 =	sadd.s32 s2, s17  }
0x8e: {  	[smem:$0x3FC2] =	sst s2  }
0x8f: {  	_ = 	snop  }
0x90: {  	s2 =	sld [smem:$0x3FD0];
	(tm) =	ssettm $0x1  }
0x91: {  	s18 =	sld [smem:$0x3FFB];
	_ =	sdelay $0x3  }
0x92: {  	_ =	strace s18  }
0x93: {  	s3 =	sld [smem:$0x3FFC];
	_ =	sdelay $0x3  }
0x94: {  	_ =	strace s3  }
0x95: {  	s3 =	sld [smem:$0x3FFD];
	_ =	sdelay $0x3  }
0x96: {  	_ =	strace s3  }
0x97: {  	_ =	strace $0x8FFFFFFF  }
0x98: {  	s19 =	sld [smem:$0x3FDB];
	_ =	sdelay $0x1  }
0x99: {  	s4 =	simm.s32 $_scs_section_size  }
0x9a: {  	s5 =	simm.s32 $_size__tile_overlayer_lowered;
	s6 =	simm.s32 $_tile_overlayer_lowered  }
0x9b: {  	s22 =	simm.s32 $0x1BFF;
	s21 =	sshll.u32 s6, $0x1;
	s3 =	sadd.s32 s4, s19  }
0x9c: {  	s7 =	simm.s32 $0x0;
	s20 =	sshll.u32 s5, $0x1;
	s5 =	sadd.s32 s21, s3  }
0x9d: {  	[timem:s7], [sflag:s22] =	dma.local [hbm:s5], s20  }
0x9e: {  	_ =	swait.ge [sflag:s22], s20  }
0x9f: {  	s4 =	ssub.s32 $0x0, s20;
	[sflag:s22] =	ssyncset.done $0x0  }
0xa0: {  	[sflag:s22] =	ssyncadd.s32 s4;
	_ =	sdelay $0x1  }
0xa1: {  	s23 =	simm.s32 $0x1B8B  }
0xa2: {  	_ =	swait.ge [sflag:s23], $0x1  }
0xa3: {  	[sflag:s23] =	ssyncset.done $0x0  }
0xa4: {  	s25 =	simm.s32 $0x1B8E;
	s24 =	sld [smem:$0x3FFE];
	[sflag:s23] =	ssyncadd.s32 $0xFFFFFFFF  }
0xa5: {  	s26 =	simm.s32 $execute0_lowered;
	[smem:$0x3FD2] =	sst s25  }
0xa6: {  	s5 =	sshll.u32 s26, $0x1;
	_ =	strace $0x80000046;
	[dreg:$0x1] =	wrdreg $0xFFFFFFFF  }
0xa7: {  	s28 =	simm.s32 $_size_execute0_lowered;
	s3 =	sadd.s32 s3, s5;
	[dreg:$0x0] =	wrdreg $0x0  }
0xa8: {  	s5 =	sshll.u32 s28, $0x1;
	[dreg:$0x2] =	wrdreg s3  }
0xa9: {  	[dreg:$0x3] =	wrdreg s5  }
0xaa: {  	[dreg:$0x4] =	wrdreg $0xC0  }
0xab: {  	_ =	task [dreg:s7], $0x5FFFF  }
0xac: {  	[dreg:$0x1] =	wrdreg $0xFFFFFFFF  }
0xad: {  	[dreg:$0x0] =	wrdreg $0x60  }
0xae: {  	[dreg:$0x2] =	wrdreg s24  }
0xaf: {  	[dreg:$0x3] =	wrdreg s2  }
0xb0: {  	[dreg:$0x4] =	wrdreg $0x78000  }
0xb1: {  	[dreg:$0x5] =	wrdreg $0x9  }
0xb2: {  	_ =	task.clear_ibuf [dreg:s7], $0x6FFFF;
	_ =	strace $0x90000046  }
0xb3: {  	s29 =	simm.s32 $0x9;
	_ =	strace $0x80000048  }
0xb4: {  	_ =	swait.ge [sflag:s29], $0x1  }
0xb5: {  	[sflag:s29] =	ssyncadd.s32 $0xFFFFFFFF  }
0xb6: {  	_ =	strace $0x90000048  }
0xb7: {  	_ =	sfence  }
0xb8: {  	s30 =	sld [smem:$0x0];
	_ =	sdelay $0x2  }
0xb9: {  	s31 =	sshll.u32 s1, $0xD;
	s1 =	sshrl.u32 s1, $0x2  }
0xba: {  	s3 =	sand.u32 $0x4000, s31;
	s1 =	sadd.s32 s1, s30  }
0xbb: {  	s0 =	sor.u32 s3, s0;
	s1 =	sshll.u32 s1, $0x11  }
0xbc: {  	s0 =	sor.u32 s1, s0  }
0xbd: {  	s0 =	sadd.s32 $0x8F2B, s0  }
0xbe: {  	[sflag:s0] =	ssyncadd.remote.s32 $0x1  }
0xbf: {  	_ =	sfence.sel $0xFFFF  }
0xc0: {  	[dreg:$0x0] =	wrdreg $0xFFFFFFFF;
	(pc) =	sbr.abs _section_cstart, $3  }
0xc1: {  	[dreg:$0x1] =	wrdreg $0xFFFFFFFF  }
0xc2: {  	_ =	task.clear_ibuf [dreg:s7], $0x2FFFF;
	_ =	strace $0x9FFFFFFF  }
0xc3: {  	(tm) =	ssettm $0x7FFFFFFF  }
tec
execute0_lowered:
.L_overlay_start_1:
0x0: {  	(tag) =	ssettag $0x1  }
0x1: {  	s6 =	rddreg [dreg:$0x0]  }
0x2: {  	s2 =	rddreg [dreg:$0x1];
	s1 =	srdreg.scid  }
0x3: {  	s0 =	stileid.u32;
	s3 =	rddreg [dreg:$0x2]  }
0x4: {  	s4 =	simm.s32 $0x0;
	s15 =	simm.s32 $0x1;
	s8 =	smul.u32 $0x280, s0  }
0x5: {  	s7 =	sand.u32 $0x1, s1;
	s1 =	rddreg [dreg:$0x3];
	s12 =	smul.u32 $0x5000, s0  }
0x6: {  	s16 =	simm.s32 $0x0;
	[smem:$0x7FF] =	sst s4;
	s13 =	smul.u32 $0xA00, s0  }
0x7: {  	s9 =	sadd.s32 $0x1600, s6;
	s30 =	sshll.u32 s0, $0x6;
	s5 =	smul.u32 $0x2800, s7  }
0x8: {  	_ =	strace $0x80000047;
	s11 =	ssub.s32 $0x2, s7;
	p0 =	seq.s32 s7, $0x1  }
0x9: {  	s29 =	sshrl.u32 s11, $0x1;
	s14 =	sadd.s32 s8, s3;
	s31 =	sshrl.u32 s12, $0x3  }
0xa: {  	s7 =	sadd.s32 s9, s13;
	s12 =	simm.s32 $0x2;
	s10 =	sadd.s32 s8, s5  }
0xb: {  	v0 =	vlaneseq.u32;
	s13 =	simm.s32 $0x2800;
	s5 =	sadd.s32 $0xB600, s6;
	s10 =	sshrl.u32 s10, $0x3  }
0xc: {  	v8 =	vimm.f32 $1.000000000e+00;
	v1 =	vor.u32 $0x10, v0;
	s11 =	ssub.s32 s11, s29;
	s8 =	sadd.s32 s9, s31;
	s10 =	sadd.s32 s10, s6  }
0xd: {  	v2 =	vor.u32 $0x20, v0;
	v3 =	vor.u32 $0x30, v0;
	v4 =	vor.u32 $0x40, v0;
	s8 =	sadd.s32 $0x500, s8;
	s6 =	sor.u32 $0x1C02, s30;
	s9 =	sadd.s32 $0xB800, s10  }
0xe: {  	v5 =	vor.u32 $0x50, v0;
	v6 =	vor.u32 $0x60, v0;
	v7 =	vor.u32 $0x70, v0;
	s10 =	smax.u32 s11, $0x1;
	s11 =	sshrl.u32 s14, $0x3;
	s14 =	simm.s32 $0x80  }
.LBB2_1:
0xf: {  	[spmem:s11], [sflag:s6] =	dma.local [hbm:s5], $0x50  }
0x10: {  	_ =	swait.ge [sflag:s12], $0x50  }
0x11: {  	[sflag:s12] =	ssyncset.done $0x0  }
0x12: {  	[sflag:s12] =	ssyncadd.s32 $0xFFFFFFB0  }
0x13: {  	[tilespmem:s13], [sflag:$0x2] =	stream.linear.gather [hbm4b:s2+s4], $0x2800, $0x38;
	[tilespmem:$0x7A80] =	vst v63  }
0x14: {  	_ =	swait.ge [sflag:s12], $0x2800  }
0x15: {  	s17 =	simm.s32 $0x5040;
	[sflag:s12] =	ssyncset.done $0x0  }
0x16: {  	v9 =	vor.u32 s4, v7;
	s19 =	simm.s32 $0x80;
	s18 =	simm.s32 $0x0;
	[sflag:s12] =	ssyncadd.s32 $0xFFFFD800  }
.LBB2_2:
0x17: {  	p1 =	sne.s32 s19, $0x2780;
	v10 =	vor.u32 s18, v0;
	[tilespmem:s17+$0x30] =	vst v9  }
0x18: {  	v9 =	vor.u32 s18, v1;
	[tilespmem:s17+$0xFFFFFFC0] =	vst v10  }
0x19: {  	[tilespmem:s17+$0xFFFFFFD0] =	vst v9;
	v9 =	vor.u32 s18, v2  }
.Ltmp0:
0x1a: {  	[tilespmem:s17+$0xFFFFFFE0] =	vst v9;
	v9 =	vor.u32 s18, v3;
	(pc) =	sbr.rel @p1 .LBB2_2-.Ltmp0, $4  }
0x1b: {  	[tilespmem:s17+$0xFFFFFFF0] =	vst v9;
	v9 =	vor.u32 s18, v4  }
0x1c: {  	[tilespmem:s17+$0x0] =	vst v9;
	v9 =	vor.u32 s18, v5  }
0x1d: {  	v10 =	vor.u32 s18, v6;
	s18 =	smov.u32 s19;
	[tilespmem:s17+$0x10] =	vst v9  }
0x1e: {  	s19 =	sadd.s32 $0x80, s19;
	v9 =	vor.u32 s18, v7;
	[tilespmem:s17+$0x20] =	vst v10;
	s17 =	sadd.s32 $0x80, s17  }
0x1f: {  	v10 =	vor.u32 s18, v0;
	[tilespmem:s17+$0x30] =	vst v9  }
0x20: {  	v9 =	vor.u32 s18, v1;
	[tilespmem:s17+$0xFFFFFFC0] =	vst v10  }
0x21: {  	[tilespmem:s17+$0xFFFFFFD0] =	vst v9;
	v9 =	vor.u32 s18, v2  }
0x22: {  	[tilespmem:s17+$0xFFFFFFE0] =	vst v9;
	v9 =	vor.u32 s18, v3  }
0x23: {  	[tilespmem:s17+$0xFFFFFFF0] =	vst v9;
	v9 =	vor.u32 s18, v4  }
.Ltmp1:
0x24: {  	[tilespmem:s17+$0x0] =	vst v9;
	v9 =	vor.u32 s18, v5;
	(pc) =	sbr.rel @!p0 .LBB2_4-.Ltmp1, $4  }
0x25: {  	[tilespmem:s17+$0x10] =	vst v9;
	v9 =	vor.u32 s18, v6  }
0x26: {  	[tilespmem:s17+$0x20] =	vst v9  }
0x27: {  	[bflag:$0x0] =	sbarrier.arrive $0xFFFF  }
0x28: {  	s17 =	simm.s32 $0x0  }
0x29: {  	[tilespmem:s17], [sflag:$0x2] =	stream.linear.gather [hbm4b:s8+s17], $0x2800, $0x38;
	[tilespmem:$0x7A80] =	vst v63  }
0x2a: {  	_ =	swait.ge [sflag:s12], $0x2800  }
0x2b: {  	[sflag:s12] =	ssyncset.done $0x0  }
0x2c: {  	[sflag:s12] =	ssyncadd.s32 $0xFFFFD800  }
.LBB2_7:
0x2d: {  	s18 =	sshra.s32 s17, $0x2  }
0x2e: {  	v9 =	vld [tilespmem:s18+$0x0];
	_ =	sdelay $0x7  }
0x2f: {  	[tilespmem:v9+s13+$0x0] =	vst.idx.add.f32.msk $0xffff, v8  }
0x30: {  	v9 =	vld [tilespmem:s18+$0x10];
	_ =	sdelay $0x7  }
0x31: {  	[tilespmem:v9+s13+$0x0] =	vst.idx.add.f32.msk $0xffff, v8  }
0x32: {  	v9 =	vld [tilespmem:s18+$0x20];
	_ =	sdelay $0x7  }
0x33: {  	[tilespmem:v9+s13+$0x0] =	vst.idx.add.f32.msk $0xffff, v8  }
0x34: {  	v9 =	vld [tilespmem:s18+$0x30];
	_ =	sdelay $0x7  }
0x35: {  	[tilespmem:v9+s13+$0x0] =	vst.idx.add.f32.msk $0xffff, v8  }
0x36: {  	v9 =	vld [tilespmem:s18+$0x40];
	_ =	sdelay $0x7  }
0x37: {  	[tilespmem:v9+s13+$0x0] =	vst.idx.add.f32.msk $0xffff, v8  }
0x38: {  	v9 =	vld [tilespmem:s18+$0x50];
	_ =	sdelay $0x7  }
0x39: {  	[tilespmem:v9+s13+$0x0] =	vst.idx.add.f32.msk $0xffff, v8  }
0x3a: {  	v9 =	vld [tilespmem:s18+$0x60];
	_ =	sdelay $0x7  }
0x3b: {  	[tilespmem:v9+s13+$0x0] =	vst.idx.add.f32.msk $0xffff, v8  }
0x3c: {  	v9 =	vld [tilespmem:s18+$0x70];
	_ =	sdelay $0x2  }
0x3d: {  	p1 =	sne.s32 s17, $0x9E00  }
.Ltmp2:
0x3e: {  	_ = 	snop;
	(pc) =	sbr.rel @p1 .LBB2_7-.Ltmp2, $2  }
0x3f: {  	_ =	sdelay $0x2  }
0x40: {  	s17 =	sadd.s32 $0x200, s17;
	[tilespmem:v9+s13+$0x0] =	vst.idx.add.f32.msk $0xffff, v8  }
.Ltmp3:
0x41: {  	_ = 	snop;
	(pc) =	sbr.rel .LBB2_8-.Ltmp3, $1  }
0x42: {  	_ =	sdelay $0x3  }
.LBB2_4:
0x43: {  	[tilespmem:s17], [sflag:$0x2] =	stream.linear.gather [hbm4b:s7+s17], $0x2800, $0x38;
	[tilespmem:$0x7A80] =	vst v63  }
0x44: {  	_ =	swait.ge [sflag:s12], $0x2800  }
0x45: {  	[sflag:s12] =	ssyncset.done $0x0  }
0x46: {  	[sflag:s12] =	ssyncadd.s32 $0xFFFFD800  }
.LBB2_5:
0x47: {  	s18 =	sshra.s32 s17, $0x2  }
0x48: {  	v9 =	vld [tilespmem:s18+$0x0];
	_ =	sdelay $0x7  }
0x49: {  	[tilespmem:v9+s13+$0x0] =	vst.idx.add.f32.msk $0xffff, v8  }
0x4a: {  	v9 =	vld [tilespmem:s18+$0x10];
	_ =	sdelay $0x7  }
0x4b: {  	[tilespmem:v9+s13+$0x0] =	vst.idx.add.f32.msk $0xffff, v8  }
0x4c: {  	v9 =	vld [tilespmem:s18+$0x20];
	_ =	sdelay $0x7  }
0x4d: {  	[tilespmem:v9+s13+$0x0] =	vst.idx.add.f32.msk $0xffff, v8  }
0x4e: {  	v9 =	vld [tilespmem:s18+$0x30];
	_ =	sdelay $0x7  }
0x4f: {  	[tilespmem:v9+s13+$0x0] =	vst.idx.add.f32.msk $0xffff, v8  }
0x50: {  	v9 =	vld [tilespmem:s18+$0x40];
	_ =	sdelay $0x7  }
0x51: {  	[tilespmem:v9+s13+$0x0] =	vst.idx.add.f32.msk $0xffff, v8  }
0x52: {  	v9 =	vld [tilespmem:s18+$0x50];
	_ =	sdelay $0x7  }
0x53: {  	[tilespmem:v9+s13+$0x0] =	vst.idx.add.f32.msk $0xffff, v8  }
0x54: {  	v9 =	vld [tilespmem:s18+$0x60];
	_ =	sdelay $0x7  }
0x55: {  	[tilespmem:v9+s13+$0x0] =	vst.idx.add.f32.msk $0xffff, v8  }
0x56: {  	v9 =	vld [tilespmem:s18+$0x70];
	_ =	sdelay $0x2  }
0x57: {  	p1 =	seq.s32 s17, $0x9E00  }
.Ltmp4:
0x58: {  	_ = 	snop;
	(pc) =	sbr.rel @!p1 .LBB2_5-.Ltmp4, $2  }
0x59: {  	_ =	sdelay $0x2  }
0x5a: {  	s17 =	sadd.s32 $0x200, s17;
	[tilespmem:v9+s13+$0x0] =	vst.idx.add.f32.msk $0xffff, v8  }
.LBB2_8:
0x5b: {  	s17 =	simm.s32 $0x2800;
	s18 =	simm.s32 $0x5000;
	p1 =	por $0x1, $0x1  }
0x5c: {  	[spmem:s3] =	stream.indirect.scatter.add.f32 [tilespmem:s17], [sflag:$0x1], $0x1, s18, s14, $0xb8;
	[tilespmem:$0x7A80] =	vst v63  }
0x5d: {  	s20 =	simm.s32 @!p1 $0x1  }
0x5e: {  	_ =	swait.ge @!p1 [sflag:s20], $0x80  }
0x5f: {  	s19 =	simm.s32 $0x5080;
	s18 =	simm.s32 $0x1;
	[sflag:s20] =	ssyncset.done @!p1 $0x0  }
.LBB2_9:
0x60: {  	[sflag:s20] =	ssyncadd.s32 @!p1 $0xFFFFFF80  }
0x61: {  	s17 =	sadd.s32 $0x80, s17;
	s20 =	smov.u32 s18;
	s18 =	sadd.s32 $0x1, s18  }
0x62: {  	p2 =	sne.s32 s18, $0x50  }
0x63: {  	[spmem:s3] =	stream.indirect.scatter.add.f32 [tilespmem:s17], [sflag:$0x1], $0x1, s19, s14, $0xb8;
	[tilespmem:$0x7A80] =	vst v63  }
.Ltmp5:
0x64: {  	_ = 	snop;
	(pc) =	sbr.rel @p2 .LBB2_9-.Ltmp5, $4  }
0x65: {  	p1 =	slt.u32 s20, $0x8  }
0x66: {  	s20 =	simm.s32 @!p1 $0x1  }
0x67: {  	_ =	swait.ge @!p1 [sflag:s20], $0x80  }
0x68: {  	s19 =	sadd.s32 $0x80, s19;
	[sflag:s20] =	ssyncset.done @!p1 $0x0  }
0x69: {  	[sflag:s20] =	ssyncadd.s32 @!p1 $0xFFFFFF80  }
0x6a: {  	_ =	swait.ge [sflag:s15], $0x80  }
0x6b: {  	[sflag:s15] =	ssyncset.done $0x0  }
0x6c: {  	[sflag:s15] =	ssyncadd.s32 $0xFFFFFF80  }
0x6d: {  	_ =	swait.ge [sflag:s15], $0x80  }
0x6e: {  	[sflag:s15] =	ssyncset.done $0x0  }
0x6f: {  	[sflag:s15] =	ssyncadd.s32 $0xFFFFFF80  }
0x70: {  	_ =	swait.ge [sflag:s15], $0x80  }
0x71: {  	[sflag:s15] =	ssyncset.done $0x0  }
0x72: {  	[sflag:s15] =	ssyncadd.s32 $0xFFFFFF80  }
0x73: {  	_ =	swait.ge [sflag:s15], $0x80  }
0x74: {  	[sflag:s15] =	ssyncset.done $0x0  }
0x75: {  	[sflag:s15] =	ssyncadd.s32 $0xFFFFFF80  }
0x76: {  	_ =	swait.ge [sflag:s15], $0x80  }
0x77: {  	[sflag:s15] =	ssyncset.done $0x0  }
0x78: {  	[sflag:s15] =	ssyncadd.s32 $0xFFFFFF80  }
0x79: {  	_ =	swait.ge [sflag:s15], $0x80  }
0x7a: {  	[sflag:s15] =	ssyncset.done $0x0  }
0x7b: {  	[sflag:s15] =	ssyncadd.s32 $0xFFFFFF80  }
0x7c: {  	_ =	swait.ge [sflag:s15], $0x80  }
0x7d: {  	[sflag:s15] =	ssyncset.done $0x0  }
0x7e: {  	[sflag:s15] =	ssyncadd.s32 $0xFFFFFF80  }
0x7f: {  	_ =	swait.ge [sflag:s15], $0x80  }
0x80: {  	s16 =	sadd.s32 $0x1, s16;
	[sflag:s15] =	ssyncset.done $0x0  }
0x81: {  	p1 =	sne.s32 s16, s10;
	[sflag:s15] =	ssyncadd.s32 $0xFFFFFF80  }
.Ltmp6:
0x82: {  	[bflag:$0x0] =	sbarrier.arrive $0xFFFF;
	(pc) =	sbr.rel @p1 .LBB2_1-.Ltmp6, $4  }
0x83: {  	[hbm:s9], [sflag:s6] =	dma.local [spmem:s11], $0x50  }
0x84: {  	_ =	swait.ge [sflag:s12], $0x50  }
0x85: {  	[sflag:s12] =	ssyncset.done $0x0  }
0x86: {  	[sflag:s12] =	ssyncadd.s32 $0xFFFFFFB0  }
0x87: {  	_ =	sfence.sel $0x180000  }
0x88: {  	[bflag:$0x0] =	sbarrier.arrive $0xFFFF  }
0x89: {  	p0 =	sne.s32 s0, $0x0;
	_ =	strace $0x90000047  }
0x8a: {  	s0 =	sadd.s32 @!p0 $0x100000, s1;
	[bflag:$0x2] =	sbarrier.arrive $0xFFFF  }
0x8b: {  	[sflag:s0] =	ssyncadd.tile.s32 @!p0 $0x1;
	_ =	shalt  }
.Lfunc_end2:
_tile_overlayer_lowered:
.L_overlay_start_2:
0x8c: {  	(tag) =	ssettag $0x2  }
0x8d: {  	s0 =	rddreg [dreg:$0x0];
	s2 =	stileid.u32  }
0x8e: {  	s1 =	rddreg [dreg:$0x1];
	p0 =	sne.s32 s2, $0x0  }
0x8f: {  	s3 =	rddreg [dreg:$0x2];
	[bflag:$0x3] =	sbarrier.arrive $0xFFFF;
	s2 =	simm.s32 @!p0 $0x1C02  }
0x90: {  	[timem:s3], [sflag:s2] =	dma.local @!p0 [hbm:s0], s1  }
0x91: {  	s0 =	simm.s32 @!p0 $0x2  }
0x92: {  	_ =	swait.ge @!p0 [sflag:s0], s1  }
0x93: {  	s1 =	ssub.s32 @!p0 $0x0, s1;
	[sflag:s0] =	ssyncset.done @!p0 $0x0  }
0x94: {  	[sflag:s0] =	ssyncadd.s32 @!p0 s1  }
0x95: {  	[bflag:$0x3] =	sbarrier.arrive $0xFFFF  }
0x96: {  	_ =	shalt  }

</sc_bundles>
